<compile_context>
chip_gen: v7x
topology: tpu7x:2x2x1
jax: 0.10.2.dev20260603
libtpu: 0.0.44.dev20260713+nightly
codegen_flags: <defaults>
</compile_context>

<pallas_src>
import functools

import numpy as np
import jax
import jax.numpy as jnp
from jax import lax
from jax.experimental import pallas as pl
from jax.experimental.pallas import tpu as pltpu
from jax.experimental.pallas import tpu_sc as plsc

_N = 10000
_E = 320000
_D = 128
_C = 40
_L = 4
_ALPHA = 0.1
_THETA = 0.5

_NC = 2
_NS = 16
_NW = _NC * _NS
_EB = 128
_GPT = 80
_WIN = 16
_EPT = _EB * _GPT
_EP = _EPT * _NW
_NP = 10112
_RPT = _NP // _NS

_mesh = plsc.VectorSubcoreMesh(core_axis_name="c", subcore_axis_name="s")


@functools.partial(
    pl.kernel,
    out_type=jax.ShapeDtypeStruct((_NC * _NP,), jnp.float32),
    mesh=_mesh,
    scratch_types=[
        pltpu.VMEM((_GPT, _EB), jnp.int32),
        pltpu.VMEM((_EB,), jnp.float32),
        pltpu.VMEM((_RPT,), jnp.float32),
        pltpu.VMEM_SHARED((_NP,), jnp.float32),
    ],
)
def _deg_kernel(col_hbm, zeros_hbm, ones_hbm, out_hbm, col_v, ones_v, stage_v,
                acc_sh):
    cid = lax.axis_index("c")
    sid = lax.axis_index("s")
    tid = cid * _NS + sid
    r0 = sid * _RPT
    pltpu.sync_copy(zeros_hbm.at[pl.ds(r0, _RPT)], stage_v)
    pltpu.sync_copy(stage_v, acc_sh.at[pl.ds(r0, _RPT)])
    pltpu.sync_copy(ones_hbm, ones_v)
    pltpu.sync_copy(col_hbm.at[tid], col_v)
    plsc.subcore_barrier()

    def body(j, carry):
        pltpu.sync_copy(ones_v, acc_sh.at[col_v.at[j]], add=True)
        return carry

    lax.fori_loop(0, _GPT, body, 0)
    plsc.subcore_barrier()
    pltpu.sync_copy(acc_sh.at[pl.ds(r0, _RPT)], stage_v)
    pltpu.sync_copy(stage_v, out_hbm.at[pl.ds(cid * _NP + r0, _RPT)])


@functools.partial(
    pl.kernel,
    out_type=[
        jax.ShapeDtypeStruct((_NP, _D), jnp.float32),
        jax.ShapeDtypeStruct((_NP, _D), jnp.float32),
    ],
    mesh=_mesh,
    scratch_types=[
        pltpu.VMEM((2, _WIN, _EB), jnp.int32),
        pltpu.VMEM((_GPT, _EB), jnp.int32),
        pltpu.VMEM((2, _EB, _D), jnp.float32),
        pltpu.VMEM_SHARED((_NP, _D), jnp.float32),
        pltpu.SemaphoreType.DMA((2,)),
        pltpu.SemaphoreType.DMA,
    ],
)
def _prop_kernel(hs_hbm, zeros_hbm, row_hbm, col_hbm, out0_hbm, out1_hbm,
                 row_w, col_v, buf, acc_sh, sem_g, sem_w):
    cid = lax.axis_index("c")
    sid = lax.axis_index("s")
    tid = cid * _NS + sid
    r0 = sid * _RPT

    @pl.when(cid == 0)
    def _():
        pltpu.sync_copy(hs_hbm.at[pl.ds(r0, _RPT)], acc_sh.at[pl.ds(r0, _RPT)])

    @pl.when(cid == 1)
    def _():
        pltpu.sync_copy(zeros_hbm.at[pl.ds(r0, _RPT)],
                        acc_sh.at[pl.ds(r0, _RPT)])

    pltpu.sync_copy(col_hbm.at[tid], col_v)
    pltpu.sync_copy(row_hbm.at[tid, pl.ds(0, _WIN)], row_w.at[0])
    plsc.subcore_barrier()

    pltpu.async_copy(row_hbm.at[tid, pl.ds(_WIN, _WIN)], row_w.at[1], sem_w)
    pltpu.async_copy(hs_hbm.at[row_w.at[0, 0]], buf.at[0], sem_g.at[0])

    def body(j, carry):
        p = j % 2
        w = j // _WIN
        nsl = (w + 1) % 2

        @pl.when((j % _WIN == _WIN - 1) & (j + 1 < _GPT))
        def _():
            pltpu.make_async_copy(row_hbm.at[tid, pl.ds(0, _WIN)],
                                  row_w.at[nsl], sem_w).wait()

            @pl.when(j + 1 + _WIN < _GPT)
            def _():
                start = pl.multiple_of((w + 2) * _WIN, _WIN)
                pltpu.async_copy(row_hbm.at[tid, pl.ds(start, _WIN)],
                                 row_w.at[w % 2], sem_w)

        @pl.when(j + 1 < _GPT)
        def _():
            jn = j + 1
            pltpu.async_copy(hs_hbm.at[row_w.at[(jn // _WIN) % 2, jn % _WIN]],
                             buf.at[1 - p], sem_g.at[1 - p])

        pltpu.make_async_copy(hs_hbm.at[row_w.at[w % 2, j % _WIN]],
                              buf.at[p], sem_g.at[p]).wait()
        pltpu.sync_copy(buf.at[p], acc_sh.at[col_v.at[j]], add=True)
        return carry

    lax.fori_loop(0, _GPT, body, 0)
    plsc.subcore_barrier()

    @pl.when(cid == 0)
    def _():
        pltpu.sync_copy(acc_sh.at[pl.ds(r0, _RPT)], out0_hbm.at[pl.ds(r0, _RPT)])

    @pl.when(cid == 1)
    def _():
        pltpu.sync_copy(acc_sh.at[pl.ds(r0, _RPT)], out1_hbm.at[pl.ds(r0, _RPT)])


_NB = 4
_RB = _NP // _NB


def _t0_body(x_ref, w0_ref, b0_ref, dcol_ref, h0_ref, hs_ref):
    h = lax.dot_general(
        x_ref[...], w0_ref[...], (((1,), (1,)), ((), ())),
        preferred_element_type=jnp.float32,
    ) + b0_ref[...]
    h = jnp.maximum(h, 0.0)
    dinv = lax.rsqrt(1.0 + dcol_ref[...])
    h0_ref[...] = h
    hs_ref[...] = dinv * h


def _layer_pre(beta, acc0_ref, acc1_ref, h0_ref, dcol_ref, w_ref):
    dinv = lax.rsqrt(1.0 + dcol_ref[...])
    agg = dinv * (acc0_ref[...] + acc1_ref[...])
    hh = (1.0 - _ALPHA) * agg + _ALPHA * h0_ref[...]
    hh = (1.0 - beta) * hh + beta * jnp.dot(
        hh, w_ref[...], preferred_element_type=jnp.float32)
    return jnp.maximum(hh, 0.0), dinv


def _mid_body(beta):
    def body(acc0_ref, acc1_ref, h0_ref, dcol_ref, w_ref, hs_ref):
        h, dinv = _layer_pre(beta, acc0_ref, acc1_ref, h0_ref, dcol_ref, w_ref)
        hs_ref[...] = dinv * h
    return body


def _last_body(beta):
    def body(acc0_ref, acc1_ref, h0_ref, dcol_ref, w_ref,
             wout_ref, bout_ref, out_ref):
        h, _ = _layer_pre(beta, acc0_ref, acc1_ref, h0_ref, dcol_ref, w_ref)
        out_ref[...] = lax.dot_general(
            h, wout_ref[...], (((1,), (1,)), ((), ())),
            preferred_element_type=jnp.float32,
        ) + bout_ref[...]
    return body


_row_spec = pl.BlockSpec((_RB, _D), lambda i: (i, 0))
_col_spec = pl.BlockSpec((_RB, 1), lambda i: (i, 0))


def _full(shape):
    return pl.BlockSpec(shape, lambda i: tuple(0 for _ in shape))


def kernel(x, edge_index, W0, b0, convW, Wout, bout):
    row = edge_index[0]
    col = edge_index[1]
    npad = _EP - _E
    pad_rows = (jnp.arange(npad, dtype=jnp.int32) % _N)
    pad_cols = _N + (jnp.arange(npad, dtype=jnp.int32) % (_NP - _N))
    rowp = jnp.concatenate([row, pad_rows]).reshape(_NW, _GPT, _EB)
    colp = jnp.concatenate([col, pad_cols]).reshape(_NW, _GPT, _EB)

    zeros1 = jnp.zeros((_NP,), jnp.float32)
    ones1 = jnp.ones((_EB,), jnp.float32)
    deg_flat = _deg_kernel(colp, zeros1, ones1)
    dcol = (deg_flat[:_NP] + deg_flat[_NP:]).reshape(_NP, 1)
    zerosND = jnp.zeros((_NP, _D), jnp.float32)

    h0, hs = pl.pallas_call(
        _t0_body,
        grid=(_NB,),
        in_specs=[_row_spec, _full((_D, _D)), _full((1, _D)), _col_spec],
        out_specs=(_row_spec, _row_spec),
        out_shape=(
            jax.ShapeDtypeStruct((_NP, _D), jnp.float32),
            jax.ShapeDtypeStruct((_NP, _D), jnp.float32),
        ),
    )(x, W0, b0.reshape(1, _D), dcol)

    out = None
    for i in range(_L):
        beta = float(np.log(_THETA / (i + 1) + 1.0))
        acc0, acc1 = _prop_kernel(hs, zerosND, rowp, colp)
        if i < _L - 1:
            hs = pl.pallas_call(
                _mid_body(beta),
                grid=(_NB,),
                in_specs=[_row_spec, _row_spec, _row_spec, _col_spec,
                          _full((_D, _D))],
                out_specs=_row_spec,
                out_shape=jax.ShapeDtypeStruct((_NP, _D), jnp.float32),
            )(acc0, acc1, h0, dcol, convW[i])
        else:
            out = pl.pallas_call(
                _last_body(beta),
                grid=(_NB,),
                in_specs=[_row_spec, _row_spec, _row_spec, _col_spec,
                          _full((_D, _D)), _full((_C, _D)), _full((1, _C))],
                out_specs=pl.BlockSpec((_RB, _C), lambda i: (i, 0)),
                out_shape=jax.ShapeDtypeStruct((_N, _C), jnp.float32),
            )(acc0, acc1, h0, dcol, convW[i], Wout, bout.reshape(1, _C))
    return out

# --- scband reference (transcript-rebuilt; emitter-appended) ---
"""Pipeline reference for scband-gcn2-37056977830619 (READ-ONLY COPY).

The authoritative reference and input builder live on the scoring server;
editing this copy changes nothing except your own understanding.
"""

import jax, jax.numpy as jnp
import numpy as np

N = 10000
E = 320000
DN = 128
DH = 128
C = 40
L = 4
ALPHA = 0.1
THETA = 0.5


def _gcn_norm(edge_index, num_nodes):
    # gcn_norm with improved=False, add_self_loops=True
    row = edge_index[0]
    col = edge_index[1]
    loop = jnp.arange(num_nodes, dtype=row.dtype)
    row = jnp.concatenate([row, loop])
    col = jnp.concatenate([col, loop])
    ew = jnp.ones(row.shape[0], dtype=jnp.float32)
    deg = jnp.zeros(num_nodes, jnp.float32).at[col].add(ew)
    dinv = jnp.where(deg > 0, deg ** -0.5, 0.0)
    norm = dinv[row] * ew * dinv[col]
    return row, col, norm


def setup_inputs(seed: int = 0) -> dict:
    key = jax.random.key(seed)
    ks = jax.random.split(key, 8)
    x = jax.random.normal(ks[0], (N, DN), dtype=jnp.float32)
    edge_index = jax.random.randint(ks[1], (2, E), 0, N, dtype=jnp.int32)
    # fcs[0]: Linear(dim_node, dim_hidden)
    W0 = jax.random.normal(ks[2], (DH, DN), dtype=jnp.float32) * 0.05
    b0 = jnp.zeros((DH,), jnp.float32)
    # per-layer GCN2Conv weight1 (shared_weights=True -> weight2 is None)
    convW = jax.random.normal(ks[3], (L, DH, DH), dtype=jnp.float32) * 0.05
    # fcs[-1]: Linear(dim_hidden, num_classes)
    Wout = jax.random.normal(ks[4], (C, DH), dtype=jnp.float32) * 0.05
    bout = jnp.zeros((C,), jnp.float32)
    return {"x": x, "edge_index": edge_index, "W0": W0, "b0": b0,
            "convW": convW, "Wout": Wout, "bout": bout}


def reference(x, edge_index, W0, b0, convW, Wout, bout):
    # eval mode: dropout is identity
    row, col, norm = _gcn_norm(edge_index, N)
    h = jax.nn.relu(x @ W0.T + b0)
    h0 = h
    for i in range(L):
        beta = float(np.log(THETA / (i + 1) + 1.0))
        # propagate: message x_j * norm, sum-aggregate at target (col)
        agg = jnp.zeros_like(h).at[col].add(h[row] * norm[:, None])
        hh = agg * (1.0 - ALPHA) + ALPHA * h0
        # addmm(out, out, weight1, beta=1-beta, alpha=beta)
        hh = (1.0 - beta) * hh + beta * (hh @ convW[i])
        h = jax.nn.relu(hh)
    # IdenticalPool readout (model_level='node')
    out = h @ Wout.T + bout
    return out

if __name__ == "__main__":
    import jax
    _d = setup_inputs()
    print(jax.jit(kernel)(*tuple(_d.values())))

</pallas_src>

<mosaic_0001>
#map = affine_map<(d0, d1) -> (0, 0)>
#map1 = affine_map<(d0, d1) -> (0, 0, 0)>
module attributes {stable_mosaic.version = 14 : i64} {
  func.func @_prop_kernel(%arg0: i32, %arg1: i32, %arg2: memref<10112x128xf32, #tpu.memory_space<hbm>>, %arg3: memref<10112x128xf32, #tpu.memory_space<hbm>>, %arg4: memref<32x80x128xi32, #tpu.memory_space<hbm>>, %arg5: memref<32x80x128xi32, #tpu.memory_space<hbm>>, %arg6: memref<10112x128xf32, #tpu.memory_space<hbm>>, %arg7: memref<10112x128xf32, #tpu.memory_space<hbm>>, %arg8: memref<2x16x128xi32, #tpu.memory_space<vmem>>, %arg9: memref<80x128xi32, #tpu.memory_space<vmem>>, %arg10: memref<2x128x128xf32, #tpu.memory_space<vmem>>, %arg11: memref<10112x128xf32, #tpu.memory_space<vmem_shared>>, %arg12: memref<2x!tpu.dma_semaphore, #tpu.memory_space<semaphore_mem>>, %arg13: memref<!tpu.dma_semaphore, #tpu.memory_space<semaphore_mem>>) attributes {dimension_semantics = [#tpu.dimension_semantics<core_parallel>, #tpu.dimension_semantics<subcore_parallel>], iteration_bounds = array<i64: 2, 16>, scalar_prefetch = 0 : i64, scratch_operands = 6 : i64, tpu.core_type = #tpu.core_type<sc_vector_subcore>, window_params = [{transform_indices = #map}, {transform_indices = #map}, {transform_indices = #map1}, {transform_indices = #map1}, {transform_indices = #map}, {transform_indices = #map}]} {
    %mul3A = arith.constant 16 : i32
    %mul3A_0 = arith.muli %arg0, %mul3A : i32
    %add3A = arith.addi %mul3A_0, %arg1 : i32
    %mul3A_1 = arith.constant 632 : i32
    %mul3A_2 = arith.muli %arg1, %mul3A_1 : i32
    %eq3A = arith.constant 0 : i32
    %eq3A_3 = arith.cmpi eq, %arg0, %eq3A : i32
    %convert_element_type3A = arith.extui %eq3A_3 : i1 to i32
    %cond3A = arith.constant 0 : i32
    %cond3A_4 = arith.cmpi ne, %convert_element_type3A, %cond3A : i32
    scf.if %cond3A_4 {
      "tpu.region"() ({
        %run_scoped3A_58 = tpu.sem_alloc : memref<!tpu.dma_semaphore, #tpu.memory_space<semaphore_mem>>
        %dma_start3A_59 = arith.constant 0 : i32
        %dma_start3A_60 = tpu.memref_slice %arg11[%mul3A_2, %dma_start3A_59] : memref<10112x128xf32, #tpu.memory_space<vmem_shared>> -> memref<632x128xf32, #tpu.memory_space<vmem_shared>>
        %dma_start3A_61 = arith.constant 0 : i32
        %dma_start3A_62 = tpu.memref_slice %arg2[%mul3A_2, %dma_start3A_61] : memref<10112x128xf32, #tpu.memory_space<hbm>> -> memref<632x128xf32, #tpu.memory_space<hbm>>
        tpu.enqueue_dma source(%dma_start3A_62 : memref<632x128xf32, #tpu.memory_space<hbm>>) target(%dma_start3A_60 : memref<632x128xf32, #tpu.memory_space<vmem_shared>>) target_semaphore(%run_scoped3A_58 : memref<!tpu.dma_semaphore, #tpu.memory_space<semaphore_mem>>)
        %dma_wait3A = arith.constant 0 : i32
        %dma_wait3A_63 = tpu.memref_slice %arg11[%mul3A_2, %dma_wait3A] : memref<10112x128xf32, #tpu.memory_space<vmem_shared>> -> memref<632x128xf32, #tpu.memory_space<vmem_shared>>
        %dma_wait3A_64 = arith.constant 0 : i32
        %dma_wait3A_65 = tpu.memref_slice %arg2[%mul3A_2, %dma_wait3A_64] : memref<10112x128xf32, #tpu.memory_space<hbm>> -> memref<632x128xf32, #tpu.memory_space<hbm>>
        tpu.wait_dma2 semaphore(%run_scoped3A_58 : memref<!tpu.dma_semaphore, #tpu.memory_space<semaphore_mem>>) src(%dma_wait3A_65 : memref<632x128xf32, #tpu.memory_space<hbm>>) dst(%dma_wait3A_63 : memref<632x128xf32, #tpu.memory_space<vmem_shared>>)
        tpu.yield
      }) : () -> ()
    } else {
    }
    %eq3A_5 = arith.constant 1 : i32
    %eq3A_6 = arith.cmpi eq, %arg0, %eq3A_5 : i32
    %convert_element_type3A_7 = arith.extui %eq3A_6 : i1 to i32
    %cond3A_8 = arith.constant 0 : i32
    %cond3A_9 = arith.cmpi ne, %convert_element_type3A_7, %cond3A_8 : i32
    scf.if %cond3A_9 {
      "tpu.region"() ({
        %run_scoped3A_58 = tpu.sem_alloc : memref<!tpu.dma_semaphore, #tpu.memory_space<semaphore_mem>>
        %dma_start3A_59 = arith.constant 0 : i32
        %dma_start3A_60 = tpu.memref_slice %arg11[%mul3A_2, %dma_start3A_59] : memref<10112x128xf32, #tpu.memory_space<vmem_shared>> -> memref<632x128xf32, #tpu.memory_space<vmem_shared>>
        %dma_start3A_61 = arith.constant 0 : i32
        %dma_start3A_62 = tpu.memref_slice %arg3[%mul3A_2, %dma_start3A_61] : memref<10112x128xf32, #tpu.memory_space<hbm>> -> memref<632x128xf32, #tpu.memory_space<hbm>>
        tpu.enqueue_dma source(%dma_start3A_62 : memref<632x128xf32, #tpu.memory_space<hbm>>) target(%dma_start3A_60 : memref<632x128xf32, #tpu.memory_space<vmem_shared>>) target_semaphore(%run_scoped3A_58 : memref<!tpu.dma_semaphore, #tpu.memory_space<semaphore_mem>>)
        %dma_wait3A = arith.constant 0 : i32
        %dma_wait3A_63 = tpu.memref_slice %arg11[%mul3A_2, %dma_wait3A] : memref<10112x128xf32, #tpu.memory_space<vmem_shared>> -> memref<632x128xf32, #tpu.memory_space<vmem_shared>>
        %dma_wait3A_64 = arith.constant 0 : i32
        %dma_wait3A_65 = tpu.memref_slice %arg3[%mul3A_2, %dma_wait3A_64] : memref<10112x128xf32, #tpu.memory_space<hbm>> -> memref<632x128xf32, #tpu.memory_space<hbm>>
        tpu.wait_dma2 semaphore(%run_scoped3A_58 : memref<!tpu.dma_semaphore, #tpu.memory_space<semaphore_mem>>) src(%dma_wait3A_65 : memref<632x128xf32, #tpu.memory_space<hbm>>) dst(%dma_wait3A_63 : memref<632x128xf32, #tpu.memory_space<vmem_shared>>)
        tpu.yield
      }) : () -> ()
    } else {
    }
    "tpu.region"() ({
      %run_scoped3A_58 = tpu.sem_alloc : memref<!tpu.dma_semaphore, #tpu.memory_space<semaphore_mem>>
      %dma_start3A_59 = arith.constant 0 : i32
      %dma_start3A_60 = arith.constant 0 : i32
      %dma_start3A_61 = tpu.memref_slice %arg5[%add3A, %dma_start3A_59, %dma_start3A_60] : memref<32x80x128xi32, #tpu.memory_space<hbm>> -> memref<1x80x128xi32, #tpu.memory_space<hbm>>
      %dma_start3A_62 = tpu.memref_squeeze %dma_start3A_61 : memref<1x80x128xi32, #tpu.memory_space<hbm>> -> memref<80x128xi32, #tpu.memory_space<hbm>>
      %dma_start3A_63 = arith.constant 0 : i32
      %dma_start3A_64 = arith.constant 0 : i32
      %dma_start3A_65 = tpu.memref_slice %arg5[%add3A, %dma_start3A_63, %dma_start3A_64] : memref<32x80x128xi32, #tpu.memory_space<hbm>> -> memref<1x80x128xi32, #tpu.memory_space<hbm>>
      %dma_start3A_66 = tpu.memref_squeeze %dma_start3A_65 : memref<1x80x128xi32, #tpu.memory_space<hbm>> -> memref<80x128xi32, #tpu.memory_space<hbm>>
      tpu.enqueue_dma source(%dma_start3A_66 : memref<80x128xi32, #tpu.memory_space<hbm>>) target(%arg9 : memref<80x128xi32, #tpu.memory_space<vmem>>) target_semaphore(%run_scoped3A_58 : memref<!tpu.dma_semaphore, #tpu.memory_space<semaphore_mem>>)
      %dma_wait3A = arith.constant 0 : i32
      %dma_wait3A_67 = arith.constant 0 : i32
      %dma_wait3A_68 = tpu.memref_slice %arg5[%add3A, %dma_wait3A, %dma_wait3A_67] : memref<32x80x128xi32, #tpu.memory_space<hbm>> -> memref<1x80x128xi32, #tpu.memory_space<hbm>>
      %dma_wait3A_69 = tpu.memref_squeeze %dma_wait3A_68 : memref<1x80x128xi32, #tpu.memory_space<hbm>> -> memref<80x128xi32, #tpu.memory_space<hbm>>
      %dma_wait3A_70 = arith.constant 0 : i32
      %dma_wait3A_71 = arith.constant 0 : i32
      %dma_wait3A_72 = tpu.memref_slice %arg5[%add3A, %dma_wait3A_70, %dma_wait3A_71] : memref<32x80x128xi32, #tpu.memory_space<hbm>> -> memref<1x80x128xi32, #tpu.memory_space<hbm>>
      %dma_wait3A_73 = tpu.memref_squeeze %dma_wait3A_72 : memref<1x80x128xi32, #tpu.memory_space<hbm>> -> memref<80x128xi32, #tpu.memory_space<hbm>>
      tpu.wait_dma2 semaphore(%run_scoped3A_58 : memref<!tpu.dma_semaphore, #tpu.memory_space<semaphore_mem>>) src(%dma_wait3A_73 : memref<80x128xi32, #tpu.memory_space<hbm>>) dst(%arg9 : memref<80x128xi32, #tpu.memory_space<vmem>>)
      tpu.yield
    }) : () -> ()
    %run_scoped3A = arith.constant 0 : i32
    "tpu.region"() ({
      %run_scoped3A_58 = tpu.sem_alloc : memref<!tpu.dma_semaphore, #tpu.memory_space<semaphore_mem>>
      %dma_start3A_59 = arith.constant 0 : i32
      %dma_start3A_60 = arith.constant 0 : i32
      %dma_start3A_61 = tpu.memref_slice %arg8[%run_scoped3A, %dma_start3A_59, %dma_start3A_60] : memref<2x16x128xi32, #tpu.memory_space<vmem>> -> memref<1x16x128xi32, #tpu.memory_space<vmem>>
      %dma_start3A_62 = tpu.memref_squeeze %dma_start3A_61 : memref<1x16x128xi32, #tpu.memory_space<vmem>> -> memref<16x128xi32, #tpu.memory_space<vmem>>
      %dma_start3A_63 = arith.constant 0 : i32
      %dma_start3A_64 = arith.constant 0 : i32
      %dma_start3A_65 = tpu.memref_slice %arg4[%add3A, %dma_start3A_63, %dma_start3A_64] : memref<32x80x128xi32, #tpu.memory_space<hbm>> -> memref<1x16x128xi32, #tpu.memory_space<hbm>>
      %dma_start3A_66 = tpu.memref_squeeze %dma_start3A_65 : memref<1x16x128xi32, #tpu.memory_space<hbm>> -> memref<16x128xi32, #tpu.memory_space<hbm>>
      %dma_start3A_67 = arith.constant 0 : i32
      %dma_start3A_68 = arith.constant 0 : i32
      %dma_start3A_69 = tpu.memref_slice %arg8[%run_scoped3A, %dma_start3A_67, %dma_start3A_68] : memref<2x16x128xi32, #tpu.memory_space<vmem>> -> memref<1x16x128xi32, #tpu.memory_space<vmem>>
      %dma_start3A_70 = tpu.memref_squeeze %dma_start3A_69 : memref<1x16x128xi32, #tpu.memory_space<vmem>> -> memref<16x128xi32, #tpu.memory_space<vmem>>
      %dma_start3A_71 = arith.constant 0 : i32
      %dma_start3A_72 = arith.constant 0 : i32
      %dma_start3A_73 = tpu.memref_slice %arg4[%add3A, %dma_start3A_71, %dma_start3A_72] : memref<32x80x128xi32, #tpu.memory_space<hbm>> -> memref<1x16x128xi32, #tpu.memory_space<hbm>>
      %dma_start3A_74 = tpu.memref_squeeze %dma_start3A_73 : memref<1x16x128xi32, #tpu.memory_space<hbm>> -> memref<16x128xi32, #tpu.memory_space<hbm>>
      tpu.enqueue_dma source(%dma_start3A_74 : memref<16x128xi32, #tpu.memory_space<hbm>>) target(%dma_start3A_70 : memref<16x128xi32, #tpu.memory_space<vmem>>) target_semaphore(%run_scoped3A_58 : memref<!tpu.dma_semaphore, #tpu.memory_space<semaphore_mem>>)
      %dma_wait3A = arith.constant 0 : i32
      %dma_wait3A_75 = arith.constant 0 : i32
      %dma_wait3A_76 = tpu.memref_slice %arg8[%run_scoped3A, %dma_wait3A, %dma_wait3A_75] : memref<2x16x128xi32, #tpu.memory_space<vmem>> -> memref<1x16x128xi32, #tpu.memory_space<vmem>>
      %dma_wait3A_77 = tpu.memref_squeeze %dma_wait3A_76 : memref<1x16x128xi32, #tpu.memory_space<vmem>> -> memref<16x128xi32, #tpu.memory_space<vmem>>
      %dma_wait3A_78 = arith.constant 0 : i32
      %dma_wait3A_79 = arith.constant 0 : i32
      %dma_wait3A_80 = tpu.memref_slice %arg4[%add3A, %dma_wait3A_78, %dma_wait3A_79] : memref<32x80x128xi32, #tpu.memory_space<hbm>> -> memref<1x16x128xi32, #tpu.memory_space<hbm>>
      %dma_wait3A_81 = tpu.memref_squeeze %dma_wait3A_80 : memref<1x16x128xi32, #tpu.memory_space<hbm>> -> memref<16x128xi32, #tpu.memory_space<hbm>>
      %dma_wait3A_82 = arith.constant 0 : i32
      %dma_wait3A_83 = arith.constant 0 : i32
      %dma_wait3A_84 = tpu.memref_slice %arg8[%run_scoped3A, %dma_wait3A_82, %dma_wait3A_83] : memref<2x16x128xi32, #tpu.memory_space<vmem>> -> memref<1x16x128xi32, #tpu.memory_space<vmem>>
      %dma_wait3A_85 = tpu.memref_squeeze %dma_wait3A_84 : memref<1x16x128xi32, #tpu.memory_space<vmem>> -> memref<16x128xi32, #tpu.memory_space<vmem>>
      %dma_wait3A_86 = arith.constant 0 : i32
      %dma_wait3A_87 = arith.constant 0 : i32
      %dma_wait3A_88 = tpu.memref_slice %arg4[%add3A, %dma_wait3A_86, %dma_wait3A_87] : memref<32x80x128xi32, #tpu.memory_space<hbm>> -> memref<1x16x128xi32, #tpu.memory_space<hbm>>
      %dma_wait3A_89 = tpu.memref_squeeze %dma_wait3A_88 : memref<1x16x128xi32, #tpu.memory_space<hbm>> -> memref<16x128xi32, #tpu.memory_space<hbm>>
      tpu.wait_dma2 semaphore(%run_scoped3A_58 : memref<!tpu.dma_semaphore, #tpu.memory_space<semaphore_mem>>) src(%dma_wait3A_89 : memref<16x128xi32, #tpu.memory_space<hbm>>) dst(%dma_wait3A_85 : memref<16x128xi32, #tpu.memory_space<vmem>>)
      tpu.yield
    }) : () -> ()
    %barrier3A = arith.constant 0 : index
    tpu.barrier barrier_id(%barrier3A)
    %dma_start3A = arith.constant 1 : i32
    %dma_start3A_10 = arith.constant 0 : i32
    %dma_start3A_11 = arith.constant 0 : i32
    %dma_start3A_12 = tpu.memref_slice %arg8[%dma_start3A, %dma_start3A_10, %dma_start3A_11] : memref<2x16x128xi32, #tpu.memory_space<vmem>> -> memref<1x16x128xi32, #tpu.memory_space<vmem>>
    %dma_start3A_13 = tpu.memref_squeeze %dma_start3A_12 : memref<1x16x128xi32, #tpu.memory_space<vmem>> -> memref<16x128xi32, #tpu.memory_space<vmem>>
    %dma_start3A_14 = arith.constant 16 : i32
    %dma_start3A_15 = arith.constant 0 : i32
    %dma_start3A_16 = tpu.memref_slice %arg4[%add3A, %dma_start3A_14, %dma_start3A_15] : memref<32x80x128xi32, #tpu.memory_space<hbm>> -> memref<1x16x128xi32, #tpu.memory_space<hbm>>
    %dma_start3A_17 = tpu.memref_squeeze %dma_start3A_16 : memref<1x16x128xi32, #tpu.memory_space<hbm>> -> memref<16x128xi32, #tpu.memory_space<hbm>>
    %dma_start3A_18 = arith.constant 0 : i32
    %dma_start3A_19 = arith.constant 0 : i32
    %dma_start3A_20 = tpu.memref_slice %arg8[%dma_start3A, %dma_start3A_18, %dma_start3A_19] : memref<2x16x128xi32, #tpu.memory_space<vmem>> -> memref<1x16x128xi32, #tpu.memory_space<vmem>>
    %dma_start3A_21 = tpu.memref_squeeze %dma_start3A_20 : memref<1x16x128xi32, #tpu.memory_space<vmem>> -> memref<16x128xi32, #tpu.memory_space<vmem>>
    %dma_start3A_22 = arith.constant 16 : i32
    %dma_start3A_23 = arith.constant 0 : i32
    %dma_start3A_24 = tpu.memref_slice %arg4[%add3A, %dma_start3A_22, %dma_start3A_23] : memref<32x80x128xi32, #tpu.memory_space<hbm>> -> memref<1x16x128xi32, #tpu.memory_space<hbm>>
    %dma_start3A_25 = tpu.memref_squeeze %dma_start3A_24 : memref<1x16x128xi32, #tpu.memory_space<hbm>> -> memref<16x128xi32, #tpu.memory_space<hbm>>
    tpu.enqueue_dma source(%dma_start3A_25 : memref<16x128xi32, #tpu.memory_space<hbm>>) target(%dma_start3A_21 : memref<16x128xi32, #tpu.memory_space<vmem>>) target_semaphore(%arg13 : memref<!tpu.dma_semaphore, #tpu.memory_space<semaphore_mem>>)
    %dma_start3A_26 = arith.constant 0 : i32
    %dma_start3A_27 = arith.constant 0 : i32
    %dma_start3A_28 = arith.constant 0 : i32
    %dma_start3A_29 = arith.constant 0 : i32
    %dma_start3A_30 = arith.constant 0 : i32
    %dma_start3A_31 = arith.constant 0 : i32
    %dma_start3A_32 = tpu.memref_slice %arg10[%dma_start3A_28, %dma_start3A_30, %dma_start3A_31] : memref<2x128x128xf32, #tpu.memory_space<vmem>> -> memref<1x128x128xf32, #tpu.memory_space<vmem>>
    %dma_start3A_33 = tpu.memref_squeeze %dma_start3A_32 : memref<1x128x128xf32, #tpu.memory_space<vmem>> -> memref<128x128xf32, #tpu.memory_space<vmem>>
    %dma_start3A_34 = arith.constant 0 : i32
    %dma_start3A_35 = tpu.memref_slice %arg8[%dma_start3A_26, %dma_start3A_27, %dma_start3A_34] : memref<2x16x128xi32, #tpu.memory_space<vmem>> -> memref<1x1x128xi32, #tpu.memory_space<vmem>>
    %dma_start3A_36 = tpu.memref_squeeze %dma_start3A_35 : memref<1x1x128xi32, #tpu.memory_space<vmem>> -> memref<128xi32, #tpu.memory_space<vmem>>
    %dma_start3A_37 = arith.constant 0 : i32
    %dma_start3A_38 = arith.constant 0 : i32
    %dma_start3A_39 = tpu.memref_slice %arg2[%dma_start3A_37, %dma_start3A_38] : memref<10112x128xf32, #tpu.memory_space<hbm>> -> memref<10112x128xf32, #tpu.memory_space<hbm>>
    %dma_start3A_40 = tpu.memref_slice %arg12[%dma_start3A_29] : memref<2x!tpu.dma_semaphore, #tpu.memory_space<semaphore_mem>> -> memref<1x!tpu.dma_semaphore, #tpu.memory_space<semaphore_mem>>
    %dma_start3A_41 = tpu.memref_squeeze %dma_start3A_40 : memref<1x!tpu.dma_semaphore, #tpu.memory_space<semaphore_mem>> -> memref<!tpu.dma_semaphore, #tpu.memory_space<semaphore_mem>>
    tpu.enqueue_indirect_dma source(%dma_start3A_39 : memref<10112x128xf32, #tpu.memory_space<hbm>>) target(%dma_start3A_33 : memref<128x128xf32, #tpu.memory_space<vmem>>) offsets(%dma_start3A_36 : memref<128xi32, #tpu.memory_space<vmem>>) semaphore(%dma_start3A_41 : memref<!tpu.dma_semaphore, #tpu.memory_space<semaphore_mem>>)
    %scan3A = arith.constant 0 : i32
    %scan3A_42 = arith.constant 0 : i32
    %scan3A_43 = arith.constant 80 : i32
    %scan3A_44 = arith.addi %scan3A_42, %scan3A_43 : i32
    %scan3A_45 = arith.constant 1 : i32
    scf.for %scan3A_58 = %scan3A_42 to %scan3A_44 step %scan3A_45  : i32 {
      %jit3A = arith.constant 2 : i32
      %eq3A_59 = arith.constant 0 : i32
      %eq3A_60 = arith.cmpi eq, %jit3A, %eq3A_59 : i32
      %jit3A_61 = arith.constant 1 : i32
      %select_n3A = arith.select %eq3A_60, %jit3A_61, %jit3A : i32
      %rem3A = arith.remsi %scan3A_58, %select_n3A : i32
      %ne3A = arith.constant 0 : i32
      %ne3A_62 = arith.cmpi ne, %rem3A, %ne3A : i32
      %lt3A = arith.constant 0 : i32
      %lt3A_63 = arith.cmpi slt, %rem3A, %lt3A : i32
      %lt3A_64 = arith.constant 0 : i32
      %lt3A_65 = arith.cmpi slt, %select_n3A, %lt3A_64 : i32
      %ne3A_66 = arith.xori %lt3A_63, %lt3A_65 : i1
      %and3A = arith.andi %ne3A_66, %ne3A_62 : i1
      %add3A_67 = arith.addi %rem3A, %select_n3A : i32
      %select_n3A_68 = arith.select %and3A, %add3A_67, %rem3A : i32
      %jit3A_69 = arith.constant 16 : i32
      %div3A = arith.divsi %scan3A_58, %jit3A_69 : i32
      %sign3A = arith.constant 0 : i32
      %sign3A_70 = arith.cmpi sgt, %scan3A_58, %sign3A : i32
      %sign3A_71 = arith.extui %sign3A_70 : i1 to i32
      %sign3A_72 = arith.constant 0 : i32
      %sign3A_73 = arith.cmpi slt, %scan3A_58, %sign3A_72 : i32
      %sign3A_74 = arith.extui %sign3A_73 : i1 to i32
      %sign3A_75 = arith.subi %sign3A_71, %sign3A_74 : i32
      %sign3A_76 = arith.constant 0 : i32
      %sign3A_77 = arith.cmpi sgt, %jit3A_69, %sign3A_76 : i32
      %sign3A_78 = arith.extui %sign3A_77 : i1 to i32
      %sign3A_79 = arith.constant 0 : i32
      %sign3A_80 = arith.cmpi slt, %jit3A_69, %sign3A_79 : i32
      %sign3A_81 = arith.extui %sign3A_80 : i1 to i32
      %sign3A_82 = arith.subi %sign3A_78, %sign3A_81 : i32
      %ne3A_83 = arith.cmpi ne, %sign3A_75, %sign3A_82 : i32
      %rem3A_84 = arith.remsi %scan3A_58, %jit3A_69 : i32
      %ne3A_85 = arith.constant 0 : i32
      %ne3A_86 = arith.cmpi ne, %rem3A_84, %ne3A_85 : i32
      %and3A_87 = arith.andi %ne3A_83, %ne3A_86 : i1
      %sub3A = arith.constant 1 : i32
      %sub3A_88 = arith.subi %div3A, %sub3A : i32
      %select_n3A_89 = arith.select %and3A_87, %sub3A_88, %div3A : i32
      %add3A_90 = arith.constant 1 : i32
      %add3A_91 = arith.addi %select_n3A_89, %add3A_90 : i32
      %jit3A_92 = arith.constant 2 : i32
      %eq3A_93 = arith.constant 0 : i32
      %eq3A_94 = arith.cmpi eq, %jit3A_92, %eq3A_93 : i32
      %jit3A_95 = arith.constant 1 : i32
      %select_n3A_96 = arith.select %eq3A_94, %jit3A_95, %jit3A_92 : i32
      %rem3A_97 = arith.remsi %add3A_91, %select_n3A_96 : i32
      %ne3A_98 = arith.constant 0 : i32
      %ne3A_99 = arith.cmpi ne, %rem3A_97, %ne3A_98 : i32
      %lt3A_100 = arith.constant 0 : i32
      %lt3A_101 = arith.cmpi slt, %rem3A_97, %lt3A_100 : i32
      %lt3A_102 = arith.constant 0 : i32
      %lt3A_103 = arith.cmpi slt, %select_n3A_96, %lt3A_102 : i32
      %ne3A_104 = arith.xori %lt3A_101, %lt3A_103 : i1
      %and3A_105 = arith.andi %ne3A_104, %ne3A_99 : i1
      %add3A_106 = arith.addi %rem3A_97, %select_n3A_96 : i32
      %select_n3A_107 = arith.select %and3A_105, %add3A_106, %rem3A_97 : i32
      %jit3A_108 = arith.constant 16 : i32
      %eq3A_109 = arith.constant 0 : i32
      %eq3A_110 = arith.cmpi eq, %jit3A_108, %eq3A_109 : i32
      %jit3A_111 = arith.constant 1 : i32
      %select_n3A_112 = arith.select %eq3A_110, %jit3A_111, %jit3A_108 : i32
      %rem3A_113 = arith.remsi %scan3A_58, %select_n3A_112 : i32
      %ne3A_114 = arith.constant 0 : i32
      %ne3A_115 = arith.cmpi ne, %rem3A_113, %ne3A_114 : i32
      %lt3A_116 = arith.constant 0 : i32
      %lt3A_117 = arith.cmpi slt, %rem3A_113, %lt3A_116 : i32
      %lt3A_118 = arith.constant 0 : i32
      %lt3A_119 = arith.cmpi slt, %select_n3A_112, %lt3A_118 : i32
      %ne3A_120 = arith.xori %lt3A_117, %lt3A_119 : i1
      %and3A_121 = arith.andi %ne3A_120, %ne3A_115 : i1
      %add3A_122 = arith.addi %rem3A_113, %select_n3A_112 : i32
      %select_n3A_123 = arith.select %and3A_121, %add3A_122, %rem3A_113 : i32
      %eq3A_124 = arith.constant 15 : i32
      %eq3A_125 = arith.cmpi eq, %select_n3A_123, %eq3A_124 : i32
      %add3A_126 = arith.constant 1 : i32
      %add3A_127 = arith.addi %scan3A_58, %add3A_126 : i32
      %lt3A_128 = arith.constant 80 : i32
      %lt3A_129 = arith.cmpi slt, %add3A_127, %lt3A_128 : i32
      %and3A_130 = arith.andi %eq3A_125, %lt3A_129 : i1
      %convert_element_type3A_131 = arith.extui %and3A_130 : i1 to i32
      %cond3A_132 = arith.constant 0 : i32
      %cond3A_133 = arith.cmpi ne, %convert_element_type3A_131, %cond3A_132 : i32
      scf.if %cond3A_133 {
        %dma_wait3A_184 = arith.constant 0 : i32
        %dma_wait3A_185 = arith.constant 0 : i32
        %dma_wait3A_186 = tpu.memref_slice %arg8[%select_n3A_107, %dma_wait3A_184, %dma_wait3A_185] : memref<2x16x128xi32, #tpu.memory_space<vmem>> -> memref<1x16x128xi32, #tpu.memory_space<vmem>>
        %dma_wait3A_187 = tpu.memref_squeeze %dma_wait3A_186 : memref<1x16x128xi32, #tpu.memory_space<vmem>> -> memref<16x128xi32, #tpu.memory_space<vmem>>
        %dma_wait3A_188 = arith.constant 0 : i32
        %dma_wait3A_189 = arith.constant 0 : i32
        %dma_wait3A_190 = tpu.memref_slice %arg4[%add3A, %dma_wait3A_188, %dma_wait3A_189] : memref<32x80x128xi32, #tpu.memory_space<hbm>> -> memref<1x16x128xi32, #tpu.memory_space<hbm>>
        %dma_wait3A_191 = tpu.memref_squeeze %dma_wait3A_190 : memref<1x16x128xi32, #tpu.memory_space<hbm>> -> memref<16x128xi32, #tpu.memory_space<hbm>>
        %dma_wait3A_192 = arith.constant 0 : i32
        %dma_wait3A_193 = arith.constant 0 : i32
        %dma_wait3A_194 = tpu.memref_slice %arg8[%select_n3A_107, %dma_wait3A_192, %dma_wait3A_193] : memref<2x16x128xi32, #tpu.memory_space<vmem>> -> memref<1x16x128xi32, #tpu.memory_space<vmem>>
        %dma_wait3A_195 = tpu.memref_squeeze %dma_wait3A_194 : memref<1x16x128xi32, #tpu.memory_space<vmem>> -> memref<16x128xi32, #tpu.memory_space<vmem>>
        %dma_wait3A_196 = arith.constant 0 : i32
        %dma_wait3A_197 = arith.constant 0 : i32
        %dma_wait3A_198 = tpu.memref_slice %arg4[%add3A, %dma_wait3A_196, %dma_wait3A_197] : memref<32x80x128xi32, #tpu.memory_space<hbm>> -> memref<1x16x128xi32, #tpu.memory_space<hbm>>
        %dma_wait3A_199 = tpu.memref_squeeze %dma_wait3A_198 : memref<1x16x128xi32, #tpu.memory_space<hbm>> -> memref<16x128xi32, #tpu.memory_space<hbm>>
        tpu.wait_dma2 semaphore(%arg13 : memref<!tpu.dma_semaphore, #tpu.memory_space<semaphore_mem>>) src(%dma_wait3A_199 : memref<16x128xi32, #tpu.memory_space<hbm>>) dst(%dma_wait3A_195 : memref<16x128xi32, #tpu.memory_space<vmem>>)
        %add3A_200 = arith.constant 1 : i32
        %add3A_201 = arith.addi %scan3A_58, %add3A_200 : i32
        %add3A_202 = arith.constant 16 : i32
        %add3A_203 = arith.addi %add3A_201, %add3A_202 : i32
        %lt3A_204 = arith.constant 80 : i32
        %lt3A_205 = arith.cmpi slt, %add3A_203, %lt3A_204 : i32
        %convert_element_type3A_206 = arith.extui %lt3A_205 : i1 to i32
        %cond3A_207 = arith.constant 0 : i32
        %cond3A_208 = arith.cmpi ne, %convert_element_type3A_206, %cond3A_207 : i32
        scf.if %cond3A_208 {
          %add3A_209 = arith.constant 2 : i32
          %add3A_210 = arith.addi %select_n3A_89, %add3A_209 : i32
          %mul3A_211 = arith.constant 16 : i32
          %mul3A_212 = arith.muli %add3A_210, %mul3A_211 : i32
          %multiple_of3A = tpu.assume_multiple %mul3A_212, 16 : i32
          %jit3A_213 = arith.constant 2 : i32
          %eq3A_214 = arith.constant 0 : i32
          %eq3A_215 = arith.cmpi eq, %jit3A_213, %eq3A_214 : i32
          %jit3A_216 = arith.constant 1 : i32
          %select_n3A_217 = arith.select %eq3A_215, %jit3A_216, %jit3A_213 : i32
          %rem3A_218 = arith.remsi %select_n3A_89, %select_n3A_217 : i32
          %ne3A_219 = arith.constant 0 : i32
          %ne3A_220 = arith.cmpi ne, %rem3A_218, %ne3A_219 : i32
          %lt3A_221 = arith.constant 0 : i32
          %lt3A_222 = arith.cmpi slt, %rem3A_218, %lt3A_221 : i32
          %lt3A_223 = arith.constant 0 : i32
          %lt3A_224 = arith.cmpi slt, %select_n3A_217, %lt3A_223 : i32
          %ne3A_225 = arith.xori %lt3A_222, %lt3A_224 : i1
          %and3A_226 = arith.andi %ne3A_225, %ne3A_220 : i1
          %add3A_227 = arith.addi %rem3A_218, %select_n3A_217 : i32
          %select_n3A_228 = arith.select %and3A_226, %add3A_227, %rem3A_218 : i32
          %dma_start3A_229 = arith.constant 0 : i32
          %dma_start3A_230 = arith.constant 0 : i32
          %dma_start3A_231 = tpu.memref_slice %arg8[%select_n3A_228, %dma_start3A_229, %dma_start3A_230] : memref<2x16x128xi32, #tpu.memory_space<vmem>> -> memref<1x16x128xi32, #tpu.memory_space<vmem>>
          %dma_start3A_232 = tpu.memref_squeeze %dma_start3A_231 : memref<1x16x128xi32, #tpu.memory_space<vmem>> -> memref<16x128xi32, #tpu.memory_space<vmem>>
          %dma_start3A_233 = arith.constant 0 : i32
          %dma_start3A_234 = tpu.memref_slice %arg4[%add3A, %multiple_of3A, %dma_start3A_233] : memref<32x80x128xi32, #tpu.memory_space<hbm>> -> memref<1x16x128xi32, #tpu.memory_space<hbm>>
          %dma_start3A_235 = tpu.memref_squeeze %dma_start3A_234 : memref<1x16x128xi32, #tpu.memory_space<hbm>> -> memref<16x128xi32, #tpu.memory_space<hbm>>
          %dma_start3A_236 = arith.constant 0 : i32
          %dma_start3A_237 = arith.constant 0 : i32
          %dma_start3A_238 = tpu.memref_slice %arg8[%select_n3A_228, %dma_start3A_236, %dma_start3A_237] : memref<2x16x128xi32, #tpu.memory_space<vmem>> -> memref<1x16x128xi32, #tpu.memory_space<vmem>>
          %dma_start3A_239 = tpu.memref_squeeze %dma_start3A_238 : memref<1x16x128xi32, #tpu.memory_space<vmem>> -> memref<16x128xi32, #tpu.memory_space<vmem>>
          %dma_start3A_240 = arith.constant 0 : i32
          %dma_start3A_241 = tpu.memref_slice %arg4[%add3A, %multiple_of3A, %dma_start3A_240] : memref<32x80x128xi32, #tpu.memory_space<hbm>> -> memref<1x16x128xi32, #tpu.memory_space<hbm>>
          %dma_start3A_242 = tpu.memref_squeeze %dma_start3A_241 : memref<1x16x128xi32, #tpu.memory_space<hbm>> -> memref<16x128xi32, #tpu.memory_space<hbm>>
          tpu.enqueue_dma source(%dma_start3A_242 : memref<16x128xi32, #tpu.memory_space<hbm>>) target(%dma_start3A_239 : memref<16x128xi32, #tpu.memory_space<vmem>>) target_semaphore(%arg13 : memref<!tpu.dma_semaphore, #tpu.memory_space<semaphore_mem>>)
        } else {
        }
      } else {
      }
      %add3A_134 = arith.constant 1 : i32
      %add3A_135 = arith.addi %scan3A_58, %add3A_134 : i32
      %lt3A_136 = arith.constant 80 : i32
      %lt3A_137 = arith.cmpi slt, %add3A_135, %lt3A_136 : i32
      %convert_element_type3A_138 = arith.extui %lt3A_137 : i1 to i32
      %cond3A_139 = arith.constant 0 : i32
      %cond3A_140 = arith.cmpi ne, %convert_element_type3A_138, %cond3A_139 : i32
      scf.if %cond3A_140 {
        %add3A_184 = arith.constant 1 : i32
        %add3A_185 = arith.addi %scan3A_58, %add3A_184 : i32
        %jit3A_186 = arith.constant 16 : i32
        %div3A_187 = arith.divsi %add3A_185, %jit3A_186 : i32
        %sign3A_188 = arith.constant 0 : i32
        %sign3A_189 = arith.cmpi sgt, %add3A_185, %sign3A_188 : i32
        %sign3A_190 = arith.extui %sign3A_189 : i1 to i32
        %sign3A_191 = arith.constant 0 : i32
        %sign3A_192 = arith.cmpi slt, %add3A_185, %sign3A_191 : i32
        %sign3A_193 = arith.extui %sign3A_192 : i1 to i32
        %sign3A_194 = arith.subi %sign3A_190, %sign3A_193 : i32
        %sign3A_195 = arith.constant 0 : i32
        %sign3A_196 = arith.cmpi sgt, %jit3A_186, %sign3A_195 : i32
        %sign3A_197 = arith.extui %sign3A_196 : i1 to i32
        %sign3A_198 = arith.constant 0 : i32
        %sign3A_199 = arith.cmpi slt, %jit3A_186, %sign3A_198 : i32
        %sign3A_200 = arith.extui %sign3A_199 : i1 to i32
        %sign3A_201 = arith.subi %sign3A_197, %sign3A_200 : i32
        %ne3A_202 = arith.cmpi ne, %sign3A_194, %sign3A_201 : i32
        %rem3A_203 = arith.remsi %add3A_185, %jit3A_186 : i32
        %ne3A_204 = arith.constant 0 : i32
        %ne3A_205 = arith.cmpi ne, %rem3A_203, %ne3A_204 : i32
        %and3A_206 = arith.andi %ne3A_202, %ne3A_205 : i1
        %sub3A_207 = arith.constant 1 : i32
        %sub3A_208 = arith.subi %div3A_187, %sub3A_207 : i32
        %select_n3A_209 = arith.select %and3A_206, %sub3A_208, %div3A_187 : i32
        %jit3A_210 = arith.constant 2 : i32
        %eq3A_211 = arith.constant 0 : i32
        %eq3A_212 = arith.cmpi eq, %jit3A_210, %eq3A_211 : i32
        %jit3A_213 = arith.constant 1 : i32
        %select_n3A_214 = arith.select %eq3A_212, %jit3A_213, %jit3A_210 : i32
        %rem3A_215 = arith.remsi %select_n3A_209, %select_n3A_214 : i32
        %ne3A_216 = arith.constant 0 : i32
        %ne3A_217 = arith.cmpi ne, %rem3A_215, %ne3A_216 : i32
        %lt3A_218 = arith.constant 0 : i32
        %lt3A_219 = arith.cmpi slt, %rem3A_215, %lt3A_218 : i32
        %lt3A_220 = arith.constant 0 : i32
        %lt3A_221 = arith.cmpi slt, %select_n3A_214, %lt3A_220 : i32
        %ne3A_222 = arith.xori %lt3A_219, %lt3A_221 : i1
        %and3A_223 = arith.andi %ne3A_222, %ne3A_217 : i1
        %add3A_224 = arith.addi %rem3A_215, %select_n3A_214 : i32
        %select_n3A_225 = arith.select %and3A_223, %add3A_224, %rem3A_215 : i32
        %jit3A_226 = arith.constant 16 : i32
        %eq3A_227 = arith.constant 0 : i32
        %eq3A_228 = arith.cmpi eq, %jit3A_226, %eq3A_227 : i32
        %jit3A_229 = arith.constant 1 : i32
        %select_n3A_230 = arith.select %eq3A_228, %jit3A_229, %jit3A_226 : i32
        %rem3A_231 = arith.remsi %add3A_185, %select_n3A_230 : i32
        %ne3A_232 = arith.constant 0 : i32
        %ne3A_233 = arith.cmpi ne, %rem3A_231, %ne3A_232 : i32
        %lt3A_234 = arith.constant 0 : i32
        %lt3A_235 = arith.cmpi slt, %rem3A_231, %lt3A_234 : i32
        %lt3A_236 = arith.constant 0 : i32
        %lt3A_237 = arith.cmpi slt, %select_n3A_230, %lt3A_236 : i32
        %ne3A_238 = arith.xori %lt3A_235, %lt3A_237 : i1
        %and3A_239 = arith.andi %ne3A_238, %ne3A_233 : i1
        %add3A_240 = arith.addi %rem3A_231, %select_n3A_230 : i32
        %select_n3A_241 = arith.select %and3A_239, %add3A_240, %rem3A_231 : i32
        %sub3A_242 = arith.constant 1 : i32
        %sub3A_243 = arith.subi %sub3A_242, %select_n3A_68 : i32
        %sub3A_244 = arith.constant 1 : i32
        %sub3A_245 = arith.subi %sub3A_244, %select_n3A_68 : i32
        %dma_start3A_246 = arith.constant 0 : i32
        %dma_start3A_247 = arith.constant 0 : i32
        %dma_start3A_248 = tpu.memref_slice %arg10[%sub3A_243, %dma_start3A_246, %dma_start3A_247] : memref<2x128x128xf32, #tpu.memory_space<vmem>> -> memref<1x128x128xf32, #tpu.memory_space<vmem>>
        %dma_start3A_249 = tpu.memref_squeeze %dma_start3A_248 : memref<1x128x128xf32, #tpu.memory_space<vmem>> -> memref<128x128xf32, #tpu.memory_space<vmem>>
        %dma_start3A_250 = arith.constant 0 : i32
        %dma_start3A_251 = tpu.memref_slice %arg8[%select_n3A_225, %select_n3A_241, %dma_start3A_250] : memref<2x16x128xi32, #tpu.memory_space<vmem>> -> memref<1x1x128xi32, #tpu.memory_space<vmem>>
        %dma_start3A_252 = tpu.memref_squeeze %dma_start3A_251 : memref<1x1x128xi32, #tpu.memory_space<vmem>> -> memref<128xi32, #tpu.memory_space<vmem>>
        %dma_start3A_253 = arith.constant 0 : i32
        %dma_start3A_254 = arith.constant 0 : i32
        %dma_start3A_255 = tpu.memref_slice %arg2[%dma_start3A_253, %dma_start3A_254] : memref<10112x128xf32, #tpu.memory_space<hbm>> -> memref<10112x128xf32, #tpu.memory_space<hbm>>
        %dma_start3A_256 = tpu.memref_slice %arg12[%sub3A_245] : memref<2x!tpu.dma_semaphore, #tpu.memory_space<semaphore_mem>> -> memref<1x!tpu.dma_semaphore, #tpu.memory_space<semaphore_mem>>
        %dma_start3A_257 = tpu.memref_squeeze %dma_start3A_256 : memref<1x!tpu.dma_semaphore, #tpu.memory_space<semaphore_mem>> -> memref<!tpu.dma_semaphore, #tpu.memory_space<semaphore_mem>>
        tpu.enqueue_indirect_dma source(%dma_start3A_255 : memref<10112x128xf32, #tpu.memory_space<hbm>>) target(%dma_start3A_249 : memref<128x128xf32, #tpu.memory_space<vmem>>) offsets(%dma_start3A_252 : memref<128xi32, #tpu.memory_space<vmem>>) semaphore(%dma_start3A_257 : memref<!tpu.dma_semaphore, #tpu.memory_space<semaphore_mem>>)
      } else {
      }
      %jit3A_141 = arith.constant 2 : i32
      %eq3A_142 = arith.constant 0 : i32
      %eq3A_143 = arith.cmpi eq, %jit3A_141, %eq3A_142 : i32
      %jit3A_144 = arith.constant 1 : i32
      %select_n3A_145 = arith.select %eq3A_143, %jit3A_144, %jit3A_141 : i32
      %rem3A_146 = arith.remsi %select_n3A_89, %select_n3A_145 : i32
      %ne3A_147 = arith.constant 0 : i32
      %ne3A_148 = arith.cmpi ne, %rem3A_146, %ne3A_147 : i32
      %lt3A_149 = arith.constant 0 : i32
      %lt3A_150 = arith.cmpi slt, %rem3A_146, %lt3A_149 : i32
      %lt3A_151 = arith.constant 0 : i32
      %lt3A_152 = arith.cmpi slt, %select_n3A_145, %lt3A_151 : i32
      %ne3A_153 = arith.xori %lt3A_150, %lt3A_152 : i1
      %and3A_154 = arith.andi %ne3A_153, %ne3A_148 : i1
      %add3A_155 = arith.addi %rem3A_146, %select_n3A_145 : i32
      %select_n3A_156 = arith.select %and3A_154, %add3A_155, %rem3A_146 : i32
      %jit3A_157 = arith.constant 16 : i32
      %eq3A_158 = arith.constant 0 : i32
      %eq3A_159 = arith.cmpi eq, %jit3A_157, %eq3A_158 : i32
      %jit3A_160 = arith.constant 1 : i32
      %select_n3A_161 = arith.select %eq3A_159, %jit3A_160, %jit3A_157 : i32
      %rem3A_162 = arith.remsi %scan3A_58, %select_n3A_161 : i32
      %ne3A_163 = arith.constant 0 : i32
      %ne3A_164 = arith.cmpi ne, %rem3A_162, %ne3A_163 : i32
      %lt3A_165 = arith.constant 0 : i32
      %lt3A_166 = arith.cmpi slt, %rem3A_162, %lt3A_165 : i32
      %lt3A_167 = arith.constant 0 : i32
      %lt3A_168 = arith.cmpi slt, %select_n3A_161, %lt3A_167 : i32
      %ne3A_169 = arith.xori %lt3A_166, %lt3A_168 : i1
      %and3A_170 = arith.andi %ne3A_169, %ne3A_164 : i1
      %add3A_171 = arith.addi %rem3A_162, %select_n3A_161 : i32
      %select_n3A_172 = arith.select %and3A_170, %add3A_171, %rem3A_162 : i32
      %dma_wait3A = arith.constant 0 : i32
      %dma_wait3A_173 = arith.constant 0 : i32
      %dma_wait3A_174 = tpu.memref_slice %arg10[%select_n3A_68, %dma_wait3A, %dma_wait3A_173] : memref<2x128x128xf32, #tpu.memory_space<vmem>> -> memref<1x128x128xf32, #tpu.memory_space<vmem>>
      %dma_wait3A_175 = tpu.memref_squeeze %dma_wait3A_174 : memref<1x128x128xf32, #tpu.memory_space<vmem>> -> memref<128x128xf32, #tpu.memory_space<vmem>>
      %dma_wait3A_176 = arith.constant 0 : i32
      %dma_wait3A_177 = tpu.memref_slice %arg8[%select_n3A_156, %select_n3A_172, %dma_wait3A_176] : memref<2x16x128xi32, #tpu.memory_space<vmem>> -> memref<1x1x128xi32, #tpu.memory_space<vmem>>
      %dma_wait3A_178 = tpu.memref_squeeze %dma_wait3A_177 : memref<1x1x128xi32, #tpu.memory_space<vmem>> -> memref<128xi32, #tpu.memory_space<vmem>>
      %dma_wait3A_179 = arith.constant 0 : i32
      %dma_wait3A_180 = arith.constant 0 : i32
      %dma_wait3A_181 = tpu.memref_slice %arg2[%dma_wait3A_179, %dma_wait3A_180] : memref<10112x128xf32, #tpu.memory_space<hbm>> -> memref<10112x128xf32, #tpu.memory_space<hbm>>
      %dma_wait3A_182 = tpu.memref_slice %arg12[%select_n3A_68] : memref<2x!tpu.dma_semaphore, #tpu.memory_space<semaphore_mem>> -> memref<1x!tpu.dma_semaphore, #tpu.memory_space<semaphore_mem>>
      %dma_wait3A_183 = tpu.memref_squeeze %dma_wait3A_182 : memref<1x!tpu.dma_semaphore, #tpu.memory_space<semaphore_mem>> -> memref<!tpu.dma_semaphore, #tpu.memory_space<semaphore_mem>>
      tpu.wait_indirect_dma semaphore(%dma_wait3A_183 : memref<!tpu.dma_semaphore, #tpu.memory_space<semaphore_mem>>) src(%dma_wait3A_181 : memref<10112x128xf32, #tpu.memory_space<hbm>>) dst(%dma_wait3A_175 : memref<128x128xf32, #tpu.memory_space<vmem>>)
      "tpu.region"() ({
        %run_scoped3A_184 = tpu.sem_alloc : memref<!tpu.dma_semaphore, #tpu.memory_space<semaphore_mem>>
        %dma_start3A_185 = arith.constant 0 : i32
        %dma_start3A_186 = arith.constant 0 : i32
        %dma_start3A_187 = tpu.memref_slice %arg10[%select_n3A_68, %dma_start3A_185, %dma_start3A_186] : memref<2x128x128xf32, #tpu.memory_space<vmem>> -> memref<1x128x128xf32, #tpu.memory_space<vmem>>
        %dma_start3A_188 = tpu.memref_squeeze %dma_start3A_187 : memref<1x128x128xf32, #tpu.memory_space<vmem>> -> memref<128x128xf32, #tpu.memory_space<vmem>>
        %dma_start3A_189 = arith.constant 0 : i32
        %dma_start3A_190 = tpu.memref_slice %arg9[%scan3A_58, %dma_start3A_189] : memref<80x128xi32, #tpu.memory_space<vmem>> -> memref<1x128xi32, #tpu.memory_space<vmem>>
        %dma_start3A_191 = tpu.memref_squeeze %dma_start3A_190 : memref<1x128xi32, #tpu.memory_space<vmem>> -> memref<128xi32, #tpu.memory_space<vmem>>
        %dma_start3A_192 = arith.constant 0 : i32
        %dma_start3A_193 = arith.constant 0 : i32
        %dma_start3A_194 = tpu.memref_slice %arg11[%dma_start3A_192, %dma_start3A_193] : memref<10112x128xf32, #tpu.memory_space<vmem_shared>> -> memref<10112x128xf32, #tpu.memory_space<vmem_shared>>
        tpu.enqueue_indirect_dma source(%dma_start3A_188 : memref<128x128xf32, #tpu.memory_space<vmem>>) target(%dma_start3A_194 : memref<10112x128xf32, #tpu.memory_space<vmem_shared>>) offsets(%dma_start3A_191 : memref<128xi32, #tpu.memory_space<vmem>>) semaphore(%run_scoped3A_184 : memref<!tpu.dma_semaphore, #tpu.memory_space<semaphore_mem>>) {add = true}
        %dma_wait3A_195 = arith.constant 0 : i32
        %dma_wait3A_196 = arith.constant 0 : i32
        %dma_wait3A_197 = tpu.memref_slice %arg10[%select_n3A_68, %dma_wait3A_195, %dma_wait3A_196] : memref<2x128x128xf32, #tpu.memory_space<vmem>> -> memref<1x128x128xf32, #tpu.memory_space<vmem>>
        %dma_wait3A_198 = tpu.memref_squeeze %dma_wait3A_197 : memref<1x128x128xf32, #tpu.memory_space<vmem>> -> memref<128x128xf32, #tpu.memory_space<vmem>>
        %dma_wait3A_199 = arith.constant 0 : i32
        %dma_wait3A_200 = tpu.memref_slice %arg9[%scan3A_58, %dma_wait3A_199] : memref<80x128xi32, #tpu.memory_space<vmem>> -> memref<1x128xi32, #tpu.memory_space<vmem>>
        %dma_wait3A_201 = tpu.memref_squeeze %dma_wait3A_200 : memref<1x128xi32, #tpu.memory_space<vmem>> -> memref<128xi32, #tpu.memory_space<vmem>>
        %dma_wait3A_202 = arith.constant 0 : i32
        %dma_wait3A_203 = arith.constant 0 : i32
        %dma_wait3A_204 = tpu.memref_slice %arg11[%dma_wait3A_202, %dma_wait3A_203] : memref<10112x128xf32, #tpu.memory_space<vmem_shared>> -> memref<10112x128xf32, #tpu.memory_space<vmem_shared>>
        tpu.wait_indirect_dma semaphore(%run_scoped3A_184 : memref<!tpu.dma_semaphore, #tpu.memory_space<semaphore_mem>>) src(%dma_wait3A_198 : memref<128x128xf32, #tpu.memory_space<vmem>>) dst(%dma_wait3A_204 : memref<10112x128xf32, #tpu.memory_space<vmem_shared>>)
        tpu.yield
      }) : () -> ()
    }
    %scan3A_46 = arith.constant 80 : i32
    %barrier3A_47 = arith.constant 0 : index
    tpu.barrier barrier_id(%barrier3A_47)
    %eq3A_48 = arith.constant 0 : i32
    %eq3A_49 = arith.cmpi eq, %arg0, %eq3A_48 : i32
    %convert_element_type3A_50 = arith.extui %eq3A_49 : i1 to i32
    %cond3A_51 = arith.constant 0 : i32
    %cond3A_52 = arith.cmpi ne, %convert_element_type3A_50, %cond3A_51 : i32
    scf.if %cond3A_52 {
      "tpu.region"() ({
        %run_scoped3A_58 = tpu.sem_alloc : memref<!tpu.dma_semaphore, #tpu.memory_space<semaphore_mem>>
        %dma_start3A_59 = arith.constant 0 : i32
        %dma_start3A_60 = tpu.memref_slice %arg6[%mul3A_2, %dma_start3A_59] : memref<10112x128xf32, #tpu.memory_space<hbm>> -> memref<632x128xf32, #tpu.memory_space<hbm>>
        %dma_start3A_61 = arith.constant 0 : i32
        %dma_start3A_62 = tpu.memref_slice %arg11[%mul3A_2, %dma_start3A_61] : memref<10112x128xf32, #tpu.memory_space<vmem_shared>> -> memref<632x128xf32, #tpu.memory_space<vmem_shared>>
        tpu.enqueue_dma source(%dma_start3A_62 : memref<632x128xf32, #tpu.memory_space<vmem_shared>>) target(%dma_start3A_60 : memref<632x128xf32, #tpu.memory_space<hbm>>) target_semaphore(%run_scoped3A_58 : memref<!tpu.dma_semaphore, #tpu.memory_space<semaphore_mem>>)
        %dma_wait3A = arith.constant 0 : i32
        %dma_wait3A_63 = tpu.memref_slice %arg6[%mul3A_2, %dma_wait3A] : memref<10112x128xf32, #tpu.memory_space<hbm>> -> memref<632x128xf32, #tpu.memory_space<hbm>>
        %dma_wait3A_64 = arith.constant 0 : i32
        %dma_wait3A_65 = tpu.memref_slice %arg11[%mul3A_2, %dma_wait3A_64] : memref<10112x128xf32, #tpu.memory_space<vmem_shared>> -> memref<632x128xf32, #tpu.memory_space<vmem_shared>>
        tpu.wait_dma2 semaphore(%run_scoped3A_58 : memref<!tpu.dma_semaphore, #tpu.memory_space<semaphore_mem>>) src(%dma_wait3A_65 : memref<632x128xf32, #tpu.memory_space<vmem_shared>>) dst(%dma_wait3A_63 : memref<632x128xf32, #tpu.memory_space<hbm>>)
        tpu.yield
      }) : () -> ()
    } else {
    }
    %eq3A_53 = arith.constant 1 : i32
    %eq3A_54 = arith.cmpi eq, %arg0, %eq3A_53 : i32
    %convert_element_type3A_55 = arith.extui %eq3A_54 : i1 to i32
    %cond3A_56 = arith.constant 0 : i32
    %cond3A_57 = arith.cmpi ne, %convert_element_type3A_55, %cond3A_56 : i32
    scf.if %cond3A_57 {
      "tpu.region"() ({
        %run_scoped3A_58 = tpu.sem_alloc : memref<!tpu.dma_semaphore, #tpu.memory_space<semaphore_mem>>
        %dma_start3A_59 = arith.constant 0 : i32
        %dma_start3A_60 = tpu.memref_slice %arg7[%mul3A_2, %dma_start3A_59] : memref<10112x128xf32, #tpu.memory_space<hbm>> -> memref<632x128xf32, #tpu.memory_space<hbm>>
        %dma_start3A_61 = arith.constant 0 : i32
        %dma_start3A_62 = tpu.memref_slice %arg11[%mul3A_2, %dma_start3A_61] : memref<10112x128xf32, #tpu.memory_space<vmem_shared>> -> memref<632x128xf32, #tpu.memory_space<vmem_shared>>
        tpu.enqueue_dma source(%dma_start3A_62 : memref<632x128xf32, #tpu.memory_space<vmem_shared>>) target(%dma_start3A_60 : memref<632x128xf32, #tpu.memory_space<hbm>>) target_semaphore(%run_scoped3A_58 : memref<!tpu.dma_semaphore, #tpu.memory_space<semaphore_mem>>)
        %dma_wait3A = arith.constant 0 : i32
        %dma_wait3A_63 = tpu.memref_slice %arg7[%mul3A_2, %dma_wait3A] : memref<10112x128xf32, #tpu.memory_space<hbm>> -> memref<632x128xf32, #tpu.memory_space<hbm>>
        %dma_wait3A_64 = arith.constant 0 : i32
        %dma_wait3A_65 = tpu.memref_slice %arg11[%mul3A_2, %dma_wait3A_64] : memref<10112x128xf32, #tpu.memory_space<vmem_shared>> -> memref<632x128xf32, #tpu.memory_space<vmem_shared>>
        tpu.wait_dma2 semaphore(%run_scoped3A_58 : memref<!tpu.dma_semaphore, #tpu.memory_space<semaphore_mem>>) src(%dma_wait3A_65 : memref<632x128xf32, #tpu.memory_space<vmem_shared>>) dst(%dma_wait3A_63 : memref<632x128xf32, #tpu.memory_space<hbm>>)
        tpu.yield
      }) : () -> ()
    } else {
    }
    return
  }
}

#map = affine_map<(d0, d1) -> (0, 0, 0)>
#map1 = affine_map<(d0, d1) -> (0)>
module attributes {stable_mosaic.version = 14 : i64} {
  func.func @_deg_kernel(%arg0: i32, %arg1: i32, %arg2: memref<32x80x128xi32, #tpu.memory_space<hbm>>, %arg3: memref<10112xf32, #tpu.memory_space<hbm>>, %arg4: memref<128xf32, #tpu.memory_space<hbm>>, %arg5: memref<20224xf32, #tpu.memory_space<hbm>>, %arg6: memref<80x128xi32, #tpu.memory_space<vmem>>, %arg7: memref<128xf32, #tpu.memory_space<vmem>>, %arg8: memref<632xf32, #tpu.memory_space<vmem>>, %arg9: memref<10112xf32, #tpu.memory_space<vmem_shared>>) attributes {dimension_semantics = [#tpu.dimension_semantics<core_parallel>, #tpu.dimension_semantics<subcore_parallel>], iteration_bounds = array<i64: 2, 16>, scalar_prefetch = 0 : i64, scratch_operands = 4 : i64, tpu.core_type = #tpu.core_type<sc_vector_subcore>, window_params = [{transform_indices = #map}, {transform_indices = #map1}, {transform_indices = #map1}, {transform_indices = #map1}]} {
    %mul3A = arith.constant 16 : i32
    %mul3A_0 = arith.muli %arg0, %mul3A : i32
    %add3A = arith.addi %mul3A_0, %arg1 : i32
    %mul3A_1 = arith.constant 632 : i32
    %mul3A_2 = arith.muli %arg1, %mul3A_1 : i32
    "tpu.region"() ({
      %run_scoped3A = tpu.sem_alloc : memref<!tpu.dma_semaphore, #tpu.memory_space<semaphore_mem>>
      %dma_start3A = tpu.memref_slice %arg3[%mul3A_2] : memref<10112xf32, #tpu.memory_space<hbm>> -> memref<632xf32, #tpu.memory_space<hbm>>
      %dma_start3A_12 = tpu.memref_slice %arg3[%mul3A_2] : memref<10112xf32, #tpu.memory_space<hbm>> -> memref<632xf32, #tpu.memory_space<hbm>>
      tpu.enqueue_dma source(%dma_start3A_12 : memref<632xf32, #tpu.memory_space<hbm>>) target(%arg8 : memref<632xf32, #tpu.memory_space<vmem>>) target_semaphore(%run_scoped3A : memref<!tpu.dma_semaphore, #tpu.memory_space<semaphore_mem>>)
      %dma_wait3A = tpu.memref_slice %arg3[%mul3A_2] : memref<10112xf32, #tpu.memory_space<hbm>> -> memref<632xf32, #tpu.memory_space<hbm>>
      %dma_wait3A_13 = tpu.memref_slice %arg3[%mul3A_2] : memref<10112xf32, #tpu.memory_space<hbm>> -> memref<632xf32, #tpu.memory_space<hbm>>
      tpu.wait_dma2 semaphore(%run_scoped3A : memref<!tpu.dma_semaphore, #tpu.memory_space<semaphore_mem>>) src(%dma_wait3A_13 : memref<632xf32, #tpu.memory_space<hbm>>) dst(%arg8 : memref<632xf32, #tpu.memory_space<vmem>>)
      tpu.yield
    }) : () -> ()
    "tpu.region"() ({
      %run_scoped3A = tpu.sem_alloc : memref<!tpu.dma_semaphore, #tpu.memory_space<semaphore_mem>>
      %dma_start3A = tpu.memref_slice %arg9[%mul3A_2] : memref<10112xf32, #tpu.memory_space<vmem_shared>> -> memref<632xf32, #tpu.memory_space<vmem_shared>>
      %dma_start3A_12 = tpu.memref_slice %arg9[%mul3A_2] : memref<10112xf32, #tpu.memory_space<vmem_shared>> -> memref<632xf32, #tpu.memory_space<vmem_shared>>
      tpu.enqueue_dma source(%arg8 : memref<632xf32, #tpu.memory_space<vmem>>) target(%dma_start3A_12 : memref<632xf32, #tpu.memory_space<vmem_shared>>) target_semaphore(%run_scoped3A : memref<!tpu.dma_semaphore, #tpu.memory_space<semaphore_mem>>)
      %dma_wait3A = tpu.memref_slice %arg9[%mul3A_2] : memref<10112xf32, #tpu.memory_space<vmem_shared>> -> memref<632xf32, #tpu.memory_space<vmem_shared>>
      %dma_wait3A_13 = tpu.memref_slice %arg9[%mul3A_2] : memref<10112xf32, #tpu.memory_space<vmem_shared>> -> memref<632xf32, #tpu.memory_space<vmem_shared>>
      tpu.wait_dma2 semaphore(%run_scoped3A : memref<!tpu.dma_semaphore, #tpu.memory_space<semaphore_mem>>) src(%arg8 : memref<632xf32, #tpu.memory_space<vmem>>) dst(%dma_wait3A_13 : memref<632xf32, #tpu.memory_space<vmem_shared>>)
      tpu.yield
    }) : () -> ()
    "tpu.region"() ({
      %run_scoped3A = tpu.sem_alloc : memref<!tpu.dma_semaphore, #tpu.memory_space<semaphore_mem>>
      tpu.enqueue_dma source(%arg4 : memref<128xf32, #tpu.memory_space<hbm>>) target(%arg7 : memref<128xf32, #tpu.memory_space<vmem>>) target_semaphore(%run_scoped3A : memref<!tpu.dma_semaphore, #tpu.memory_space<semaphore_mem>>)
      tpu.wait_dma2 semaphore(%run_scoped3A : memref<!tpu.dma_semaphore, #tpu.memory_space<semaphore_mem>>) src(%arg4 : memref<128xf32, #tpu.memory_space<hbm>>) dst(%arg7 : memref<128xf32, #tpu.memory_space<vmem>>)
      tpu.yield
    }) : () -> ()
    "tpu.region"() ({
      %run_scoped3A = tpu.sem_alloc : memref<!tpu.dma_semaphore, #tpu.memory_space<semaphore_mem>>
      %dma_start3A = arith.constant 0 : i32
      %dma_start3A_12 = arith.constant 0 : i32
      %dma_start3A_13 = tpu.memref_slice %arg2[%add3A, %dma_start3A, %dma_start3A_12] : memref<32x80x128xi32, #tpu.memory_space<hbm>> -> memref<1x80x128xi32, #tpu.memory_space<hbm>>
      %dma_start3A_14 = tpu.memref_squeeze %dma_start3A_13 : memref<1x80x128xi32, #tpu.memory_space<hbm>> -> memref<80x128xi32, #tpu.memory_space<hbm>>
      %dma_start3A_15 = arith.constant 0 : i32
      %dma_start3A_16 = arith.constant 0 : i32
      %dma_start3A_17 = tpu.memref_slice %arg2[%add3A, %dma_start3A_15, %dma_start3A_16] : memref<32x80x128xi32, #tpu.memory_space<hbm>> -> memref<1x80x128xi32, #tpu.memory_space<hbm>>
      %dma_start3A_18 = tpu.memref_squeeze %dma_start3A_17 : memref<1x80x128xi32, #tpu.memory_space<hbm>> -> memref<80x128xi32, #tpu.memory_space<hbm>>
      tpu.enqueue_dma source(%dma_start3A_18 : memref<80x128xi32, #tpu.memory_space<hbm>>) target(%arg6 : memref<80x128xi32, #tpu.memory_space<vmem>>) target_semaphore(%run_scoped3A : memref<!tpu.dma_semaphore, #tpu.memory_space<semaphore_mem>>)
      %dma_wait3A = arith.constant 0 : i32
      %dma_wait3A_19 = arith.constant 0 : i32
      %dma_wait3A_20 = tpu.memref_slice %arg2[%add3A, %dma_wait3A, %dma_wait3A_19] : memref<32x80x128xi32, #tpu.memory_space<hbm>> -> memref<1x80x128xi32, #tpu.memory_space<hbm>>
      %dma_wait3A_21 = tpu.memref_squeeze %dma_wait3A_20 : memref<1x80x128xi32, #tpu.memory_space<hbm>> -> memref<80x128xi32, #tpu.memory_space<hbm>>
      %dma_wait3A_22 = arith.constant 0 : i32
      %dma_wait3A_23 = arith.constant 0 : i32
      %dma_wait3A_24 = tpu.memref_slice %arg2[%add3A, %dma_wait3A_22, %dma_wait3A_23] : memref<32x80x128xi32, #tpu.memory_space<hbm>> -> memref<1x80x128xi32, #tpu.memory_space<hbm>>
      %dma_wait3A_25 = tpu.memref_squeeze %dma_wait3A_24 : memref<1x80x128xi32, #tpu.memory_space<hbm>> -> memref<80x128xi32, #tpu.memory_space<hbm>>
      tpu.wait_dma2 semaphore(%run_scoped3A : memref<!tpu.dma_semaphore, #tpu.memory_space<semaphore_mem>>) src(%dma_wait3A_25 : memref<80x128xi32, #tpu.memory_space<hbm>>) dst(%arg6 : memref<80x128xi32, #tpu.memory_space<vmem>>)
      tpu.yield
    }) : () -> ()
    %barrier3A = arith.constant 0 : index
    tpu.barrier barrier_id(%barrier3A)
    %scan3A = arith.constant 0 : i32
    %scan3A_3 = arith.constant 0 : i32
    %scan3A_4 = arith.constant 80 : i32
    %scan3A_5 = arith.addi %scan3A_3, %scan3A_4 : i32
    %scan3A_6 = arith.constant 1 : i32
    scf.for %scan3A_12 = %scan3A_3 to %scan3A_5 step %scan3A_6  : i32 {
      "tpu.region"() ({
        %run_scoped3A = tpu.sem_alloc : memref<!tpu.dma_semaphore, #tpu.memory_space<semaphore_mem>>
        %dma_start3A = arith.constant 0 : i32
        %dma_start3A_13 = tpu.memref_slice %arg6[%scan3A_12, %dma_start3A] : memref<80x128xi32, #tpu.memory_space<vmem>> -> memref<1x128xi32, #tpu.memory_space<vmem>>
        %dma_start3A_14 = tpu.memref_squeeze %dma_start3A_13 : memref<1x128xi32, #tpu.memory_space<vmem>> -> memref<128xi32, #tpu.memory_space<vmem>>
        %dma_start3A_15 = arith.constant 0 : i32
        %dma_start3A_16 = tpu.memref_slice %arg9[%dma_start3A_15] : memref<10112xf32, #tpu.memory_space<vmem_shared>> -> memref<10112xf32, #tpu.memory_space<vmem_shared>>
        tpu.enqueue_indirect_dma source(%arg7 : memref<128xf32, #tpu.memory_space<vmem>>) target(%dma_start3A_16 : memref<10112xf32, #tpu.memory_space<vmem_shared>>) offsets(%dma_start3A_14 : memref<128xi32, #tpu.memory_space<vmem>>) semaphore(%run_scoped3A : memref<!tpu.dma_semaphore, #tpu.memory_space<semaphore_mem>>) {add = true}
        %dma_wait3A = arith.constant 0 : i32
        %dma_wait3A_17 = tpu.memref_slice %arg6[%scan3A_12, %dma_wait3A] : memref<80x128xi32, #tpu.memory_space<vmem>> -> memref<1x128xi32, #tpu.memory_space<vmem>>
        %dma_wait3A_18 = tpu.memref_squeeze %dma_wait3A_17 : memref<1x128xi32, #tpu.memory_space<vmem>> -> memref<128xi32, #tpu.memory_space<vmem>>
        %dma_wait3A_19 = arith.constant 0 : i32
        %dma_wait3A_20 = tpu.memref_slice %arg9[%dma_wait3A_19] : memref<10112xf32, #tpu.memory_space<vmem_shared>> -> memref<10112xf32, #tpu.memory_space<vmem_shared>>
        tpu.wait_indirect_dma semaphore(%run_scoped3A : memref<!tpu.dma_semaphore, #tpu.memory_space<semaphore_mem>>) src(%arg7 : memref<128xf32, #tpu.memory_space<vmem>>) dst(%dma_wait3A_20 : memref<10112xf32, #tpu.memory_space<vmem_shared>>)
        tpu.yield
      }) : () -> ()
    }
    %scan3A_7 = arith.constant 80 : i32
    %barrier3A_8 = arith.constant 0 : index
    tpu.barrier barrier_id(%barrier3A_8)
    "tpu.region"() ({
      %run_scoped3A = tpu.sem_alloc : memref<!tpu.dma_semaphore, #tpu.memory_space<semaphore_mem>>
      %dma_start3A = tpu.memref_slice %arg9[%mul3A_2] : memref<10112xf32, #tpu.memory_space<vmem_shared>> -> memref<632xf32, #tpu.memory_space<vmem_shared>>
      %dma_start3A_12 = tpu.memref_slice %arg9[%mul3A_2] : memref<10112xf32, #tpu.memory_space<vmem_shared>> -> memref<632xf32, #tpu.memory_space<vmem_shared>>
      tpu.enqueue_dma source(%dma_start3A_12 : memref<632xf32, #tpu.memory_space<vmem_shared>>) target(%arg8 : memref<632xf32, #tpu.memory_space<vmem>>) target_semaphore(%run_scoped3A : memref<!tpu.dma_semaphore, #tpu.memory_space<semaphore_mem>>)
      %dma_wait3A = tpu.memref_slice %arg9[%mul3A_2] : memref<10112xf32, #tpu.memory_space<vmem_shared>> -> memref<632xf32, #tpu.memory_space<vmem_shared>>
      %dma_wait3A_13 = tpu.memref_slice %arg9[%mul3A_2] : memref<10112xf32, #tpu.memory_space<vmem_shared>> -> memref<632xf32, #tpu.memory_space<vmem_shared>>
      tpu.wait_dma2 semaphore(%run_scoped3A : memref<!tpu.dma_semaphore, #tpu.memory_space<semaphore_mem>>) src(%dma_wait3A_13 : memref<632xf32, #tpu.memory_space<vmem_shared>>) dst(%arg8 : memref<632xf32, #tpu.memory_space<vmem>>)
      tpu.yield
    }) : () -> ()
    %mul3A_9 = arith.constant 10112 : i32
    %mul3A_10 = arith.muli %arg0, %mul3A_9 : i32
    %add3A_11 = arith.addi %mul3A_10, %mul3A_2 : i32
    "tpu.region"() ({
      %run_scoped3A = tpu.sem_alloc : memref<!tpu.dma_semaphore, #tpu.memory_space<semaphore_mem>>
      %dma_start3A = tpu.memref_slice %arg5[%add3A_11] : memref<20224xf32, #tpu.memory_space<hbm>> -> memref<632xf32, #tpu.memory_space<hbm>>
      %dma_start3A_12 = tpu.memref_slice %arg5[%add3A_11] : memref<20224xf32, #tpu.memory_space<hbm>> -> memref<632xf32, #tpu.memory_space<hbm>>
      tpu.enqueue_dma source(%arg8 : memref<632xf32, #tpu.memory_space<vmem>>) target(%dma_start3A_12 : memref<632xf32, #tpu.memory_space<hbm>>) target_semaphore(%run_scoped3A : memref<!tpu.dma_semaphore, #tpu.memory_space<semaphore_mem>>)
      %dma_wait3A = tpu.memref_slice %arg5[%add3A_11] : memref<20224xf32, #tpu.memory_space<hbm>> -> memref<632xf32, #tpu.memory_space<hbm>>
      %dma_wait3A_13 = tpu.memref_slice %arg5[%add3A_11] : memref<20224xf32, #tpu.memory_space<hbm>> -> memref<632xf32, #tpu.memory_space<hbm>>
      tpu.wait_dma2 semaphore(%run_scoped3A : memref<!tpu.dma_semaphore, #tpu.memory_space<semaphore_mem>>) src(%arg8 : memref<632xf32, #tpu.memory_space<vmem>>) dst(%dma_wait3A_13 : memref<632xf32, #tpu.memory_space<hbm>>)
      tpu.yield
    }) : () -> ()
    return
  }
}

#map = affine_map<(d0, d1) -> (0, 0)>
#map1 = affine_map<(d0, d1) -> (0, 0, 0)>
module attributes {stable_mosaic.version = 14 : i64} {
  func.func @_prop_kernel(%arg0: i32, %arg1: i32, %arg2: memref<10112x128xf32, #tpu.memory_space<hbm>>, %arg3: memref<10112x128xf32, #tpu.memory_space<hbm>>, %arg4: memref<32x80x128xi32, #tpu.memory_space<hbm>>, %arg5: memref<32x80x128xi32, #tpu.memory_space<hbm>>, %arg6: memref<10112x128xf32, #tpu.memory_space<hbm>>, %arg7: memref<10112x128xf32, #tpu.memory_space<hbm>>, %arg8: memref<2x16x128xi32, #tpu.memory_space<vmem>>, %arg9: memref<80x128xi32, #tpu.memory_space<vmem>>, %arg10: memref<2x128x128xf32, #tpu.memory_space<vmem>>, %arg11: memref<10112x128xf32, #tpu.memory_space<vmem_shared>>, %arg12: memref<2x!tpu.dma_semaphore, #tpu.memory_space<semaphore_mem>>, %arg13: memref<!tpu.dma_semaphore, #tpu.memory_space<semaphore_mem>>) attributes {dimension_semantics = [#tpu.dimension_semantics<core_parallel>, #tpu.dimension_semantics<subcore_parallel>], iteration_bounds = array<i64: 2, 16>, scalar_prefetch = 0 : i64, scratch_operands = 6 : i64, tpu.core_type = #tpu.core_type<sc_vector_subcore>, window_params = [{transform_indices = #map}, {transform_indices = #map}, {transform_indices = #map1}, {transform_indices = #map1}, {transform_indices = #map}, {transform_indices = #map}]} {
    %mul3A = arith.constant 16 : i32
    %mul3A_0 = arith.muli %arg0, %mul3A : i32
    %add3A = arith.addi %mul3A_0, %arg1 : i32
    %mul3A_1 = arith.constant 632 : i32
    %mul3A_2 = arith.muli %arg1, %mul3A_1 : i32
    %eq3A = arith.constant 0 : i32
    %eq3A_3 = arith.cmpi eq, %arg0, %eq3A : i32
    %convert_element_type3A = arith.extui %eq3A_3 : i1 to i32
    %cond3A = arith.constant 0 : i32
    %cond3A_4 = arith.cmpi ne, %convert_element_type3A, %cond3A : i32
    scf.if %cond3A_4 {
      "tpu.region"() ({
        %run_scoped3A_58 = tpu.sem_alloc : memref<!tpu.dma_semaphore, #tpu.memory_space<semaphore_mem>>
        %dma_start3A_59 = arith.constant 0 : i32
        %dma_start3A_60 = tpu.memref_slice %arg11[%mul3A_2, %dma_start3A_59] : memref<10112x128xf32, #tpu.memory_space<vmem_shared>> -> memref<632x128xf32, #tpu.memory_space<vmem_shared>>
        %dma_start3A_61 = arith.constant 0 : i32
        %dma_start3A_62 = tpu.memref_slice %arg2[%mul3A_2, %dma_start3A_61] : memref<10112x128xf32, #tpu.memory_space<hbm>> -> memref<632x128xf32, #tpu.memory_space<hbm>>
        tpu.enqueue_dma source(%dma_start3A_62 : memref<632x128xf32, #tpu.memory_space<hbm>>) target(%dma_start3A_60 : memref<632x128xf32, #tpu.memory_space<vmem_shared>>) target_semaphore(%run_scoped3A_58 : memref<!tpu.dma_semaphore, #tpu.memory_space<semaphore_mem>>)
        %dma_wait3A = arith.constant 0 : i32
        %dma_wait3A_63 = tpu.memref_slice %arg11[%mul3A_2, %dma_wait3A] : memref<10112x128xf32, #tpu.memory_space<vmem_shared>> -> memref<632x128xf32, #tpu.memory_space<vmem_shared>>
        %dma_wait3A_64 = arith.constant 0 : i32
        %dma_wait3A_65 = tpu.memref_slice %arg2[%mul3A_2, %dma_wait3A_64] : memref<10112x128xf32, #tpu.memory_space<hbm>> -> memref<632x128xf32, #tpu.memory_space<hbm>>
        tpu.wait_dma2 semaphore(%run_scoped3A_58 : memref<!tpu.dma_semaphore, #tpu.memory_space<semaphore_mem>>) src(%dma_wait3A_65 : memref<632x128xf32, #tpu.memory_space<hbm>>) dst(%dma_wait3A_63 : memref<632x128xf32, #tpu.memory_space<vmem_shared>>)
        tpu.yield
      }) : () -> ()
    } else {
    }
    %eq3A_5 = arith.constant 1 : i32
    %eq3A_6 = arith.cmpi eq, %arg0, %eq3A_5 : i32
    %convert_element_type3A_7 = arith.extui %eq3A_6 : i1 to i32
    %cond3A_8 = arith.constant 0 : i32
    %cond3A_9 = arith.cmpi ne, %convert_element_type3A_7, %cond3A_8 : i32
    scf.if %cond3A_9 {
      "tpu.region"() ({
        %run_scoped3A_58 = tpu.sem_alloc : memref<!tpu.dma_semaphore, #tpu.memory_space<semaphore_mem>>
        %dma_start3A_59 = arith.constant 0 : i32
        %dma_start3A_60 = tpu.memref_slice %arg11[%mul3A_2, %dma_start3A_59] : memref<10112x128xf32, #tpu.memory_space<vmem_shared>> -> memref<632x128xf32, #tpu.memory_space<vmem_shared>>
        %dma_start3A_61 = arith.constant 0 : i32
        %dma_start3A_62 = tpu.memref_slice %arg3[%mul3A_2, %dma_start3A_61] : memref<10112x128xf32, #tpu.memory_space<hbm>> -> memref<632x128xf32, #tpu.memory_space<hbm>>
        tpu.enqueue_dma source(%dma_start3A_62 : memref<632x128xf32, #tpu.memory_space<hbm>>) target(%dma_start3A_60 : memref<632x128xf32, #tpu.memory_space<vmem_shared>>) target_semaphore(%run_scoped3A_58 : memref<!tpu.dma_semaphore, #tpu.memory_space<semaphore_mem>>)
        %dma_wait3A = arith.constant 0 : i32
        %dma_wait3A_63 = tpu.memref_slice %arg11[%mul3A_2, %dma_wait3A] : memref<10112x128xf32, #tpu.memory_space<vmem_shared>> -> memref<632x128xf32, #tpu.memory_space<vmem_shared>>
        %dma_wait3A_64 = arith.constant 0 : i32
        %dma_wait3A_65 = tpu.memref_slice %arg3[%mul3A_2, %dma_wait3A_64] : memref<10112x128xf32, #tpu.memory_space<hbm>> -> memref<632x128xf32, #tpu.memory_space<hbm>>
        tpu.wait_dma2 semaphore(%run_scoped3A_58 : memref<!tpu.dma_semaphore, #tpu.memory_space<semaphore_mem>>) src(%dma_wait3A_65 : memref<632x128xf32, #tpu.memory_space<hbm>>) dst(%dma_wait3A_63 : memref<632x128xf32, #tpu.memory_space<vmem_shared>>)
        tpu.yield
      }) : () -> ()
    } else {
    }
    "tpu.region"() ({
      %run_scoped3A_58 = tpu.sem_alloc : memref<!tpu.dma_semaphore, #tpu.memory_space<semaphore_mem>>
      %dma_start3A_59 = arith.constant 0 : i32
      %dma_start3A_60 = arith.constant 0 : i32
      %dma_start3A_61 = tpu.memref_slice %arg5[%add3A, %dma_start3A_59, %dma_start3A_60] : memref<32x80x128xi32, #tpu.memory_space<hbm>> -> memref<1x80x128xi32, #tpu.memory_space<hbm>>
      %dma_start3A_62 = tpu.memref_squeeze %dma_start3A_61 : memref<1x80x128xi32, #tpu.memory_space<hbm>> -> memref<80x128xi32, #tpu.memory_space<hbm>>
      %dma_start3A_63 = arith.constant 0 : i32
      %dma_start3A_64 = arith.constant 0 : i32
      %dma_start3A_65 = tpu.memref_slice %arg5[%add3A, %dma_start3A_63, %dma_start3A_64] : memref<32x80x128xi32, #tpu.memory_space<hbm>> -> memref<1x80x128xi32, #tpu.memory_space<hbm>>
      %dma_start3A_66 = tpu.memref_squeeze %dma_start3A_65 : memref<1x80x128xi32, #tpu.memory_space<hbm>> -> memref<80x128xi32, #tpu.memory_space<hbm>>
      tpu.enqueue_dma source(%dma_start3A_66 : memref<80x128xi32, #tpu.memory_space<hbm>>) target(%arg9 : memref<80x128xi32, #tpu.memory_space<vmem>>) target_semaphore(%run_scoped3A_58 : memref<!tpu.dma_semaphore, #tpu.memory_space<semaphore_mem>>)
      %dma_wait3A = arith.constant 0 : i32
      %dma_wait3A_67 = arith.constant 0 : i32
      %dma_wait3A_68 = tpu.memref_slice %arg5[%add3A, %dma_wait3A, %dma_wait3A_67] : memref<32x80x128xi32, #tpu.memory_space<hbm>> -> memref<1x80x128xi32, #tpu.memory_space<hbm>>
      %dma_wait3A_69 = tpu.memref_squeeze %dma_wait3A_68 : memref<1x80x128xi32, #tpu.memory_space<hbm>> -> memref<80x128xi32, #tpu.memory_space<hbm>>
      %dma_wait3A_70 = arith.constant 0 : i32
      %dma_wait3A_71 = arith.constant 0 : i32
      %dma_wait3A_72 = tpu.memref_slice %arg5[%add3A, %dma_wait3A_70, %dma_wait3A_71] : memref<32x80x128xi32, #tpu.memory_space<hbm>> -> memref<1x80x128xi32, #tpu.memory_space<hbm>>
      %dma_wait3A_73 = tpu.memref_squeeze %dma_wait3A_72 : memref<1x80x128xi32, #tpu.memory_space<hbm>> -> memref<80x128xi32, #tpu.memory_space<hbm>>
      tpu.wait_dma2 semaphore(%run_scoped3A_58 : memref<!tpu.dma_semaphore, #tpu.memory_space<semaphore_mem>>) src(%dma_wait3A_73 : memref<80x128xi32, #tpu.memory_space<hbm>>) dst(%arg9 : memref<80x128xi32, #tpu.memory_space<vmem>>)
      tpu.yield
    }) : () -> ()
    %run_scoped3A = arith.constant 0 : i32
    "tpu.region"() ({
      %run_scoped3A_58 = tpu.sem_alloc : memref<!tpu.dma_semaphore, #tpu.memory_space<semaphore_mem>>
      %dma_start3A_59 = arith.constant 0 : i32
      %dma_start3A_60 = arith.constant 0 : i32
      %dma_start3A_61 = tpu.memref_slice %arg8[%run_scoped3A, %dma_start3A_59, %dma_start3A_60] : memref<2x16x128xi32, #tpu.memory_space<vmem>> -> memref<1x16x128xi32, #tpu.memory_space<vmem>>
      %dma_start3A_62 = tpu.memref_squeeze %dma_start3A_61 : memref<1x16x128xi32, #tpu.memory_space<vmem>> -> memref<16x128xi32, #tpu.memory_space<vmem>>
      %dma_start3A_63 = arith.constant 0 : i32
      %dma_start3A_64 = arith.constant 0 : i32
      %dma_start3A_65 = tpu.memref_slice %arg4[%add3A, %dma_start3A_63, %dma_start3A_64] : memref<32x80x128xi32, #tpu.memory_space<hbm>> -> memref<1x16x128xi32, #tpu.memory_space<hbm>>
      %dma_start3A_66 = tpu.memref_squeeze %dma_start3A_65 : memref<1x16x128xi32, #tpu.memory_space<hbm>> -> memref<16x128xi32, #tpu.memory_space<hbm>>
      %dma_start3A_67 = arith.constant 0 : i32
      %dma_start3A_68 = arith.constant 0 : i32
      %dma_start3A_69 = tpu.memref_slice %arg8[%run_scoped3A, %dma_start3A_67, %dma_start3A_68] : memref<2x16x128xi32, #tpu.memory_space<vmem>> -> memref<1x16x128xi32, #tpu.memory_space<vmem>>
      %dma_start3A_70 = tpu.memref_squeeze %dma_start3A_69 : memref<1x16x128xi32, #tpu.memory_space<vmem>> -> memref<16x128xi32, #tpu.memory_space<vmem>>
      %dma_start3A_71 = arith.constant 0 : i32
      %dma_start3A_72 = arith.constant 0 : i32
      %dma_start3A_73 = tpu.memref_slice %arg4[%add3A, %dma_start3A_71, %dma_start3A_72] : memref<32x80x128xi32, #tpu.memory_space<hbm>> -> memref<1x16x128xi32, #tpu.memory_space<hbm>>
      %dma_start3A_74 = tpu.memref_squeeze %dma_start3A_73 : memref<1x16x128xi32, #tpu.memory_space<hbm>> -> memref<16x128xi32, #tpu.memory_space<hbm>>
      tpu.enqueue_dma source(%dma_start3A_74 : memref<16x128xi32, #tpu.memory_space<hbm>>) target(%dma_start3A_70 : memref<16x128xi32, #tpu.memory_space<vmem>>) target_semaphore(%run_scoped3A_58 : memref<!tpu.dma_semaphore, #tpu.memory_space<semaphore_mem>>)
      %dma_wait3A = arith.constant 0 : i32
      %dma_wait3A_75 = arith.constant 0 : i32
      %dma_wait3A_76 = tpu.memref_slice %arg8[%run_scoped3A, %dma_wait3A, %dma_wait3A_75] : memref<2x16x128xi32, #tpu.memory_space<vmem>> -> memref<1x16x128xi32, #tpu.memory_space<vmem>>
      %dma_wait3A_77 = tpu.memref_squeeze %dma_wait3A_76 : memref<1x16x128xi32, #tpu.memory_space<vmem>> -> memref<16x128xi32, #tpu.memory_space<vmem>>
      %dma_wait3A_78 = arith.constant 0 : i32
      %dma_wait3A_79 = arith.constant 0 : i32
      %dma_wait3A_80 = tpu.memref_slice %arg4[%add3A, %dma_wait3A_78, %dma_wait3A_79] : memref<32x80x128xi32, #tpu.memory_space<hbm>> -> memref<1x16x128xi32, #tpu.memory_space<hbm>>
      %dma_wait3A_81 = tpu.memref_squeeze %dma_wait3A_80 : memref<1x16x128xi32, #tpu.memory_space<hbm>> -> memref<16x128xi32, #tpu.memory_space<hbm>>
      %dma_wait3A_82 = arith.constant 0 : i32
      %dma_wait3A_83 = arith.constant 0 : i32
      %dma_wait3A_84 = tpu.memref_slice %arg8[%run_scoped3A, %dma_wait3A_82, %dma_wait3A_83] : memref<2x16x128xi32, #tpu.memory_space<vmem>> -> memref<1x16x128xi32, #tpu.memory_space<vmem>>
      %dma_wait3A_85 = tpu.memref_squeeze %dma_wait3A_84 : memref<1x16x128xi32, #tpu.memory_space<vmem>> -> memref<16x128xi32, #tpu.memory_space<vmem>>
      %dma_wait3A_86 = arith.constant 0 : i32
      %dma_wait3A_87 = arith.constant 0 : i32
      %dma_wait3A_88 = tpu.memref_slice %arg4[%add3A, %dma_wait3A_86, %dma_wait3A_87] : memref<32x80x128xi32, #tpu.memory_space<hbm>> -> memref<1x16x128xi32, #tpu.memory_space<hbm>>
      %dma_wait3A_89 = tpu.memref_squeeze %dma_wait3A_88 : memref<1x16x128xi32, #tpu.memory_space<hbm>> -> memref<16x128xi32, #tpu.memory_space<hbm>>
      tpu.wait_dma2 semaphore(%run_scoped3A_58 : memref<!tpu.dma_semaphore, #tpu.memory_space<semaphore_mem>>) src(%dma_wait3A_89 : memref<16x128xi32, #tpu.memory_space<hbm>>) dst(%dma_wait3A_85 : memref<16x128xi32, #tpu.memory_space<vmem>>)
      tpu.yield
    }) : () -> ()
    %barrier3A = arith.constant 0 : index
    tpu.barrier barrier_id(%barrier3A)
    %dma_start3A = arith.constant 1 : i32
    %dma_start3A_10 = arith.constant 0 : i32
    %dma_start3A_11 = arith.constant 0 : i32
    %dma_start3A_12 = tpu.memref_slice %arg8[%dma_start3A, %dma_start3A_10, %dma_start3A_11] : memref<2x16x128xi32, #tpu.memory_space<vmem>> -> memref<1x16x128xi32, #tpu.memory_space<vmem>>
    %dma_start3A_13 = tpu.memref_squeeze %dma_start3A_12 : memref<1x16x128xi32, #tpu.memory_space<vmem>> -> memref<16x128xi32, #tpu.memory_space<vmem>>
    %dma_start3A_14 = arith.constant 16 : i32
    %dma_start3A_15 = arith.constant 0 : i32
    %dma_start3A_16 = tpu.memref_slice %arg4[%add3A, %dma_start3A_14, %dma_start3A_15] : memref<32x80x128xi32, #tpu.memory_space<hbm>> -> memref<1x16x128xi32, #tpu.memory_space<hbm>>
    %dma_start3A_17 = tpu.memref_squeeze %dma_start3A_16 : memref<1x16x128xi32, #tpu.memory_space<hbm>> -> memref<16x128xi32, #tpu.memory_space<hbm>>
    %dma_start3A_18 = arith.constant 0 : i32
    %dma_start3A_19 = arith.constant 0 : i32
    %dma_start3A_20 = tpu.memref_slice %arg8[%dma_start3A, %dma_start3A_18, %dma_start3A_19] : memref<2x16x128xi32, #tpu.memory_space<vmem>> -> memref<1x16x128xi32, #tpu.memory_space<vmem>>
    %dma_start3A_21 = tpu.memref_squeeze %dma_start3A_20 : memref<1x16x128xi32, #tpu.memory_space<vmem>> -> memref<16x128xi32, #tpu.memory_space<vmem>>
    %dma_start3A_22 = arith.constant 16 : i32
    %dma_start3A_23 = arith.constant 0 : i32
    %dma_start3A_24 = tpu.memref_slice %arg4[%add3A, %dma_start3A_22, %dma_start3A_23] : memref<32x80x128xi32, #tpu.memory_space<hbm>> -> memref<1x16x128xi32, #tpu.memory_space<hbm>>
    %dma_start3A_25 = tpu.memref_squeeze %dma_start3A_24 : memref<1x16x128xi32, #tpu.memory_space<hbm>> -> memref<16x128xi32, #tpu.memory_space<hbm>>
    tpu.enqueue_dma source(%dma_start3A_25 : memref<16x128xi32, #tpu.memory_space<hbm>>) target(%dma_start3A_21 : memref<16x128xi32, #tpu.memory_space<vmem>>) target_semaphore(%arg13 : memref<!tpu.dma_semaphore, #tpu.memory_space<semaphore_mem>>)
    %dma_start3A_26 = arith.constant 0 : i32
    %dma_start3A_27 = arith.constant 0 : i32
    %dma_start3A_28 = arith.constant 0 : i32
    %dma_start3A_29 = arith.constant 0 : i32
    %dma_start3A_30 = arith.constant 0 : i32
    %dma_start3A_31 = arith.constant 0 : i32
    %dma_start3A_32 = tpu.memref_slice %arg10[%dma_start3A_28, %dma_start3A_30, %dma_start3A_31] : memref<2x128x128xf32, #tpu.memory_space<vmem>> -> memref<1x128x128xf32, #tpu.memory_space<vmem>>
    %dma_start3A_33 = tpu.memref_squeeze %dma_start3A_32 : memref<1x128x128xf32, #tpu.memory_space<vmem>> -> memref<128x128xf32, #tpu.memory_space<vmem>>
    %dma_start3A_34 = arith.constant 0 : i32
    %dma_start3A_35 = tpu.memref_slice %arg8[%dma_start3A_26, %dma_start3A_27, %dma_start3A_34] : memref<2x16x128xi32, #tpu.memory_space<vmem>> -> memref<1x1x128xi32, #tpu.memory_space<vmem>>
    %dma_start3A_36 = tpu.memref_squeeze %dma_start3A_35 : memref<1x1x128xi32, #tpu.memory_space<vmem>> -> memref<128xi32, #tpu.memory_space<vmem>>
    %dma_start3A_37 = arith.constant 0 : i32
    %dma_start3A_38 = arith.constant 0 : i32
    %dma_start3A_39 = tpu.memref_slice %arg2[%dma_start3A_37, %dma_start3A_38] : memref<10112x128xf32, #tpu.memory_space<hbm>> -> memref<10112x128xf32, #tpu.memory_space<hbm>>
    %dma_start3A_40 = tpu.memref_slice %arg12[%dma_start3A_29] : memref<2x!tpu.dma_semaphore, #tpu.memory_space<semaphore_mem>> -> memref<1x!tpu.dma_semaphore, #tpu.memory_space<semaphore_mem>>
    %dma_start3A_41 = tpu.memref_squeeze %dma_start3A_40 : memref<1x!tpu.dma_semaphore, #tpu.memory_space<semaphore_mem>> -> memref<!tpu.dma_semaphore, #tpu.memory_space<semaphore_mem>>
    tpu.enqueue_indirect_dma source(%dma_start3A_39 : memref<10112x128xf32, #tpu.memory_space<hbm>>) target(%dma_start3A_33 : memref<128x128xf32, #tpu.memory_space<vmem>>) offsets(%dma_start3A_36 : memref<128xi32, #tpu.memory_space<vmem>>) semaphore(%dma_start3A_41 : memref<!tpu.dma_semaphore, #tpu.memory_space<semaphore_mem>>)
    %scan3A = arith.constant 0 : i32
    %scan3A_42 = arith.constant 0 : i32
    %scan3A_43 = arith.constant 80 : i32
    %scan3A_44 = arith.addi %scan3A_42, %scan3A_43 : i32
    %scan3A_45 = arith.constant 1 : i32
    scf.for %scan3A_58 = %scan3A_42 to %scan3A_44 step %scan3A_45  : i32 {
      %jit3A = arith.constant 2 : i32
      %eq3A_59 = arith.constant 0 : i32
      %eq3A_60 = arith.cmpi eq, %jit3A, %eq3A_59 : i32
      %jit3A_61 = arith.constant 1 : i32
      %select_n3A = arith.select %eq3A_60, %jit3A_61, %jit3A : i32
      %rem3A = arith.remsi %scan3A_58, %select_n3A : i32
      %ne3A = arith.constant 0 : i32
      %ne3A_62 = arith.cmpi ne, %rem3A, %ne3A : i32
      %lt3A = arith.constant 0 : i32
      %lt3A_63 = arith.cmpi slt, %rem3A, %lt3A : i32
      %lt3A_64 = arith.constant 0 : i32
      %lt3A_65 = arith.cmpi slt, %select_n3A, %lt3A_64 : i32
      %ne3A_66 = arith.xori %lt3A_63, %lt3A_65 : i1
      %and3A = arith.andi %ne3A_66, %ne3A_62 : i1
      %add3A_67 = arith.addi %rem3A, %select_n3A : i32
      %select_n3A_68 = arith.select %and3A, %add3A_67, %rem3A : i32
      %jit3A_69 = arith.constant 16 : i32
      %div3A = arith.divsi %scan3A_58, %jit3A_69 : i32
      %sign3A = arith.constant 0 : i32
      %sign3A_70 = arith.cmpi sgt, %scan3A_58, %sign3A : i32
      %sign3A_71 = arith.extui %sign3A_70 : i1 to i32
      %sign3A_72 = arith.constant 0 : i32
      %sign3A_73 = arith.cmpi slt, %scan3A_58, %sign3A_72 : i32
      %sign3A_74 = arith.extui %sign3A_73 : i1 to i32
      %sign3A_75 = arith.subi %sign3A_71, %sign3A_74 : i32
      %sign3A_76 = arith.constant 0 : i32
      %sign3A_77 = arith.cmpi sgt, %jit3A_69, %sign3A_76 : i32
      %sign3A_78 = arith.extui %sign3A_77 : i1 to i32
      %sign3A_79 = arith.constant 0 : i32
      %sign3A_80 = arith.cmpi slt, %jit3A_69, %sign3A_79 : i32
      %sign3A_81 = arith.extui %sign3A_80 : i1 to i32
      %sign3A_82 = arith.subi %sign3A_78, %sign3A_81 : i32
      %ne3A_83 = arith.cmpi ne, %sign3A_75, %sign3A_82 : i32
      %rem3A_84 = arith.remsi %scan3A_58, %jit3A_69 : i32
      %ne3A_85 = arith.constant 0 : i32
      %ne3A_86 = arith.cmpi ne, %rem3A_84, %ne3A_85 : i32
      %and3A_87 = arith.andi %ne3A_83, %ne3A_86 : i1
      %sub3A = arith.constant 1 : i32
      %sub3A_88 = arith.subi %div3A, %sub3A : i32
      %select_n3A_89 = arith.select %and3A_87, %sub3A_88, %div3A : i32
      %add3A_90 = arith.constant 1 : i32
      %add3A_91 = arith.addi %select_n3A_89, %add3A_90 : i32
      %jit3A_92 = arith.constant 2 : i32
      %eq3A_93 = arith.constant 0 : i32
      %eq3A_94 = arith.cmpi eq, %jit3A_92, %eq3A_93 : i32
      %jit3A_95 = arith.constant 1 : i32
      %select_n3A_96 = arith.select %eq3A_94, %jit3A_95, %jit3A_92 : i32
      %rem3A_97 = arith.remsi %add3A_91, %select_n3A_96 : i32
      %ne3A_98 = arith.constant 0 : i32
      %ne3A_99 = arith.cmpi ne, %rem3A_97, %ne3A_98 : i32
      %lt3A_100 = arith.constant 0 : i32
      %lt3A_101 = arith.cmpi slt, %rem3A_97, %lt3A_100 : i32
      %lt3A_102 = arith.constant 0 : i32
      %lt3A_103 = arith.cmpi slt, %select_n3A_96, %lt3A_102 : i32
      %ne3A_104 = arith.xori %lt3A_101, %lt3A_103 : i1
      %and3A_105 = arith.andi %ne3A_104, %ne3A_99 : i1
      %add3A_106 = arith.addi %rem3A_97, %select_n3A_96 : i32
      %select_n3A_107 = arith.select %and3A_105, %add3A_106, %rem3A_97 : i32
      %jit3A_108 = arith.constant 16 : i32
      %eq3A_109 = arith.constant 0 : i32
      %eq3A_110 = arith.cmpi eq, %jit3A_108, %eq3A_109 : i32
      %jit3A_111 = arith.constant 1 : i32
      %select_n3A_112 = arith.select %eq3A_110, %jit3A_111, %jit3A_108 : i32
      %rem3A_113 = arith.remsi %scan3A_58, %select_n3A_112 : i32
      %ne3A_114 = arith.constant 0 : i32
      %ne3A_115 = arith.cmpi ne, %rem3A_113, %ne3A_114 : i32
      %lt3A_116 = arith.constant 0 : i32
      %lt3A_117 = arith.cmpi slt, %rem3A_113, %lt3A_116 : i32
      %lt3A_118 = arith.constant 0 : i32
      %lt3A_119 = arith.cmpi slt, %select_n3A_112, %lt3A_118 : i32
      %ne3A_120 = arith.xori %lt3A_117, %lt3A_119 : i1
      %and3A_121 = arith.andi %ne3A_120, %ne3A_115 : i1
      %add3A_122 = arith.addi %rem3A_113, %select_n3A_112 : i32
      %select_n3A_123 = arith.select %and3A_121, %add3A_122, %rem3A_113 : i32
      %eq3A_124 = arith.constant 15 : i32
      %eq3A_125 = arith.cmpi eq, %select_n3A_123, %eq3A_124 : i32
      %add3A_126 = arith.constant 1 : i32
      %add3A_127 = arith.addi %scan3A_58, %add3A_126 : i32
      %lt3A_128 = arith.constant 80 : i32
      %lt3A_129 = arith.cmpi slt, %add3A_127, %lt3A_128 : i32
      %and3A_130 = arith.andi %eq3A_125, %lt3A_129 : i1
      %convert_element_type3A_131 = arith.extui %and3A_130 : i1 to i32
      %cond3A_132 = arith.constant 0 : i32
      %cond3A_133 = arith.cmpi ne, %convert_element_type3A_131, %cond3A_132 : i32
      scf.if %cond3A_133 {
        %dma_wait3A_184 = arith.constant 0 : i32
        %dma_wait3A_185 = arith.constant 0 : i32
        %dma_wait3A_186 = tpu.memref_slice %arg8[%select_n3A_107, %dma_wait3A_184, %dma_wait3A_185] : memref<2x16x128xi32, #tpu.memory_space<vmem>> -> memref<1x16x128xi32, #tpu.memory_space<vmem>>
        %dma_wait3A_187 = tpu.memref_squeeze %dma_wait3A_186 : memref<1x16x128xi32, #tpu.memory_space<vmem>> -> memref<16x128xi32, #tpu.memory_space<vmem>>
        %dma_wait3A_188 = arith.constant 0 : i32
        %dma_wait3A_189 = arith.constant 0 : i32
        %dma_wait3A_190 = tpu.memref_slice %arg4[%add3A, %dma_wait3A_188, %dma_wait3A_189] : memref<32x80x128xi32, #tpu.memory_space<hbm>> -> memref<1x16x128xi32, #tpu.memory_space<hbm>>
        %dma_wait3A_191 = tpu.memref_squeeze %dma_wait3A_190 : memref<1x16x128xi32, #tpu.memory_space<hbm>> -> memref<16x128xi32, #tpu.memory_space<hbm>>
        %dma_wait3A_192 = arith.constant 0 : i32
        %dma_wait3A_193 = arith.constant 0 : i32
        %dma_wait3A_194 = tpu.memref_slice %arg8[%select_n3A_107, %dma_wait3A_192, %dma_wait3A_193] : memref<2x16x128xi32, #tpu.memory_space<vmem>> -> memref<1x16x128xi32, #tpu.memory_space<vmem>>
        %dma_wait3A_195 = tpu.memref_squeeze %dma_wait3A_194 : memref<1x16x128xi32, #tpu.memory_space<vmem>> -> memref<16x128xi32, #tpu.memory_space<vmem>>
        %dma_wait3A_196 = arith.constant 0 : i32
        %dma_wait3A_197 = arith.constant 0 : i32
        %dma_wait3A_198 = tpu.memref_slice %arg4[%add3A, %dma_wait3A_196, %dma_wait3A_197] : memref<32x80x128xi32, #tpu.memory_space<hbm>> -> memref<1x16x128xi32, #tpu.memory_space<hbm>>
        %dma_wait3A_199 = tpu.memref_squeeze %dma_wait3A_198 : memref<1x16x128xi32, #tpu.memory_space<hbm>> -> memref<16x128xi32, #tpu.memory_space<hbm>>
        tpu.wait_dma2 semaphore(%arg13 : memref<!tpu.dma_semaphore, #tpu.memory_space<semaphore_mem>>) src(%dma_wait3A_199 : memref<16x128xi32, #tpu.memory_space<hbm>>) dst(%dma_wait3A_195 : memref<16x128xi32, #tpu.memory_space<vmem>>)
        %add3A_200 = arith.constant 1 : i32
        %add3A_201 = arith.addi %scan3A_58, %add3A_200 : i32
        %add3A_202 = arith.constant 16 : i32
        %add3A_203 = arith.addi %add3A_201, %add3A_202 : i32
        %lt3A_204 = arith.constant 80 : i32
        %lt3A_205 = arith.cmpi slt, %add3A_203, %lt3A_204 : i32
        %convert_element_type3A_206 = arith.extui %lt3A_205 : i1 to i32
        %cond3A_207 = arith.constant 0 : i32
        %cond3A_208 = arith.cmpi ne, %convert_element_type3A_206, %cond3A_207 : i32
        scf.if %cond3A_208 {
          %add3A_209 = arith.constant 2 : i32
          %add3A_210 = arith.addi %select_n3A_89, %add3A_209 : i32
          %mul3A_211 = arith.constant 16 : i32
          %mul3A_212 = arith.muli %add3A_210, %mul3A_211 : i32
          %multiple_of3A = tpu.assume_multiple %mul3A_212, 16 : i32
          %jit3A_213 = arith.constant 2 : i32
          %eq3A_214 = arith.constant 0 : i32
          %eq3A_215 = arith.cmpi eq, %jit3A_213, %eq3A_214 : i32
          %jit3A_216 = arith.constant 1 : i32
          %select_n3A_217 = arith.select %eq3A_215, %jit3A_216, %jit3A_213 : i32
          %rem3A_218 = arith.remsi %select_n3A_89, %select_n3A_217 : i32
          %ne3A_219 = arith.constant 0 : i32
          %ne3A_220 = arith.cmpi ne, %rem3A_218, %ne3A_219 : i32
          %lt3A_221 = arith.constant 0 : i32
          %lt3A_222 = arith.cmpi slt, %rem3A_218, %lt3A_221 : i32
          %lt3A_223 = arith.constant 0 : i32
          %lt3A_224 = arith.cmpi slt, %select_n3A_217, %lt3A_223 : i32
          %ne3A_225 = arith.xori %lt3A_222, %lt3A_224 : i1
          %and3A_226 = arith.andi %ne3A_225, %ne3A_220 : i1
          %add3A_227 = arith.addi %rem3A_218, %select_n3A_217 : i32
          %select_n3A_228 = arith.select %and3A_226, %add3A_227, %rem3A_218 : i32
          %dma_start3A_229 = arith.constant 0 : i32
          %dma_start3A_230 = arith.constant 0 : i32
          %dma_start3A_231 = tpu.memref_slice %arg8[%select_n3A_228, %dma_start3A_229, %dma_start3A_230] : memref<2x16x128xi32, #tpu.memory_space<vmem>> -> memref<1x16x128xi32, #tpu.memory_space<vmem>>
          %dma_start3A_232 = tpu.memref_squeeze %dma_start3A_231 : memref<1x16x128xi32, #tpu.memory_space<vmem>> -> memref<16x128xi32, #tpu.memory_space<vmem>>
          %dma_start3A_233 = arith.constant 0 : i32
          %dma_start3A_234 = tpu.memref_slice %arg4[%add3A, %multiple_of3A, %dma_start3A_233] : memref<32x80x128xi32, #tpu.memory_space<hbm>> -> memref<1x16x128xi32, #tpu.memory_space<hbm>>
          %dma_start3A_235 = tpu.memref_squeeze %dma_start3A_234 : memref<1x16x128xi32, #tpu.memory_space<hbm>> -> memref<16x128xi32, #tpu.memory_space<hbm>>
          %dma_start3A_236 = arith.constant 0 : i32
          %dma_start3A_237 = arith.constant 0 : i32
          %dma_start3A_238 = tpu.memref_slice %arg8[%select_n3A_228, %dma_start3A_236, %dma_start3A_237] : memref<2x16x128xi32, #tpu.memory_space<vmem>> -> memref<1x16x128xi32, #tpu.memory_space<vmem>>
          %dma_start3A_239 = tpu.memref_squeeze %dma_start3A_238 : memref<1x16x128xi32, #tpu.memory_space<vmem>> -> memref<16x128xi32, #tpu.memory_space<vmem>>
          %dma_start3A_240 = arith.constant 0 : i32
          %dma_start3A_241 = tpu.memref_slice %arg4[%add3A, %multiple_of3A, %dma_start3A_240] : memref<32x80x128xi32, #tpu.memory_space<hbm>> -> memref<1x16x128xi32, #tpu.memory_space<hbm>>
          %dma_start3A_242 = tpu.memref_squeeze %dma_start3A_241 : memref<1x16x128xi32, #tpu.memory_space<hbm>> -> memref<16x128xi32, #tpu.memory_space<hbm>>
          tpu.enqueue_dma source(%dma_start3A_242 : memref<16x128xi32, #tpu.memory_space<hbm>>) target(%dma_start3A_239 : memref<16x128xi32, #tpu.memory_space<vmem>>) target_semaphore(%arg13 : memref<!tpu.dma_semaphore, #tpu.memory_space<semaphore_mem>>)
        } else {
        }
      } else {
      }
      %add3A_134 = arith.constant 1 : i32
      %add3A_135 = arith.addi %scan3A_58, %add3A_134 : i32
      %lt3A_136 = arith.constant 80 : i32
      %lt3A_137 = arith.cmpi slt, %add3A_135, %lt3A_136 : i32
      %convert_element_type3A_138 = arith.extui %lt3A_137 : i1 to i32
      %cond3A_139 = arith.constant 0 : i32
      %cond3A_140 = arith.cmpi ne, %convert_element_type3A_138, %cond3A_139 : i32
      scf.if %cond3A_140 {
        %add3A_184 = arith.constant 1 : i32
        %add3A_185 = arith.addi %scan3A_58, %add3A_184 : i32
        %jit3A_186 = arith.constant 16 : i32
        %div3A_187 = arith.divsi %add3A_185, %jit3A_186 : i32
        %sign3A_188 = arith.constant 0 : i32
        %sign3A_189 = arith.cmpi sgt, %add3A_185, %sign3A_188 : i32
        %sign3A_190 = arith.extui %sign3A_189 : i1 to i32
        %sign3A_191 = arith.constant 0 : i32
        %sign3A_192 = arith.cmpi slt, %add3A_185, %sign3A_191 : i32
        %sign3A_193 = arith.extui %sign3A_192 : i1 to i32
        %sign3A_194 = arith.subi %sign3A_190, %sign3A_193 : i32
        %sign3A_195 = arith.constant 0 : i32
        %sign3A_196 = arith.cmpi sgt, %jit3A_186, %sign3A_195 : i32
        %sign3A_197 = arith.extui %sign3A_196 : i1 to i32
        %sign3A_198 = arith.constant 0 : i32
        %sign3A_199 = arith.cmpi slt, %jit3A_186, %sign3A_198 : i32
        %sign3A_200 = arith.extui %sign3A_199 : i1 to i32
        %sign3A_201 = arith.subi %sign3A_197, %sign3A_200 : i32
        %ne3A_202 = arith.cmpi ne, %sign3A_194, %sign3A_201 : i32
        %rem3A_203 = arith.remsi %add3A_185, %jit3A_186 : i32
        %ne3A_204 = arith.constant 0 : i32
        %ne3A_205 = arith.cmpi ne, %rem3A_203, %ne3A_204 : i32
        %and3A_206 = arith.andi %ne3A_202, %ne3A_205 : i1
        %sub3A_207 = arith.constant 1 : i32
        %sub3A_208 = arith.subi %div3A_187, %sub3A_207 : i32
        %select_n3A_209 = arith.select %and3A_206, %sub3A_208, %div3A_187 : i32
        %jit3A_210 = arith.constant 2 : i32
        %eq3A_211 = arith.constant 0 : i32
        %eq3A_212 = arith.cmpi eq, %jit3A_210, %eq3A_211 : i32
        %jit3A_213 = arith.constant 1 : i32
        %select_n3A_214 = arith.select %eq3A_212, %jit3A_213, %jit3A_210 : i32
        %rem3A_215 = arith.remsi %select_n3A_209, %select_n3A_214 : i32
        %ne3A_216 = arith.constant 0 : i32
        %ne3A_217 = arith.cmpi ne, %rem3A_215, %ne3A_216 : i32
        %lt3A_218 = arith.constant 0 : i32
        %lt3A_219 = arith.cmpi slt, %rem3A_215, %lt3A_218 : i32
        %lt3A_220 = arith.constant 0 : i32
        %lt3A_221 = arith.cmpi slt, %select_n3A_214, %lt3A_220 : i32
        %ne3A_222 = arith.xori %lt3A_219, %lt3A_221 : i1
        %and3A_223 = arith.andi %ne3A_222, %ne3A_217 : i1
        %add3A_224 = arith.addi %rem3A_215, %select_n3A_214 : i32
        %select_n3A_225 = arith.select %and3A_223, %add3A_224, %rem3A_215 : i32
        %jit3A_226 = arith.constant 16 : i32
        %eq3A_227 = arith.constant 0 : i32
        %eq3A_228 = arith.cmpi eq, %jit3A_226, %eq3A_227 : i32
        %jit3A_229 = arith.constant 1 : i32
        %select_n3A_230 = arith.select %eq3A_228, %jit3A_229, %jit3A_226 : i32
        %rem3A_231 = arith.remsi %add3A_185, %select_n3A_230 : i32
        %ne3A_232 = arith.constant 0 : i32
        %ne3A_233 = arith.cmpi ne, %rem3A_231, %ne3A_232 : i32
        %lt3A_234 = arith.constant 0 : i32
        %lt3A_235 = arith.cmpi slt, %rem3A_231, %lt3A_234 : i32
        %lt3A_236 = arith.constant 0 : i32
        %lt3A_237 = arith.cmpi slt, %select_n3A_230, %lt3A_236 : i32
        %ne3A_238 = arith.xori %lt3A_235, %lt3A_237 : i1
        %and3A_239 = arith.andi %ne3A_238, %ne3A_233 : i1
        %add3A_240 = arith.addi %rem3A_231, %select_n3A_230 : i32
        %select_n3A_241 = arith.select %and3A_239, %add3A_240, %rem3A_231 : i32
        %sub3A_242 = arith.constant 1 : i32
        %sub3A_243 = arith.subi %sub3A_242, %select_n3A_68 : i32
        %sub3A_244 = arith.constant 1 : i32
        %sub3A_245 = arith.subi %sub3A_244, %select_n3A_68 : i32
        %dma_start3A_246 = arith.constant 0 : i32
        %dma_start3A_247 = arith.constant 0 : i32
        %dma_start3A_248 = tpu.memref_slice %arg10[%sub3A_243, %dma_start3A_246, %dma_start3A_247] : memref<2x128x128xf32, #tpu.memory_space<vmem>> -> memref<1x128x128xf32, #tpu.memory_space<vmem>>
        %dma_start3A_249 = tpu.memref_squeeze %dma_start3A_248 : memref<1x128x128xf32, #tpu.memory_space<vmem>> -> memref<128x128xf32, #tpu.memory_space<vmem>>
        %dma_start3A_250 = arith.constant 0 : i32
        %dma_start3A_251 = tpu.memref_slice %arg8[%select_n3A_225, %select_n3A_241, %dma_start3A_250] : memref<2x16x128xi32, #tpu.memory_space<vmem>> -> memref<1x1x128xi32, #tpu.memory_space<vmem>>
        %dma_start3A_252 = tpu.memref_squeeze %dma_start3A_251 : memref<1x1x128xi32, #tpu.memory_space<vmem>> -> memref<128xi32, #tpu.memory_space<vmem>>
        %dma_start3A_253 = arith.constant 0 : i32
        %dma_start3A_254 = arith.constant 0 : i32
        %dma_start3A_255 = tpu.memref_slice %arg2[%dma_start3A_253, %dma_start3A_254] : memref<10112x128xf32, #tpu.memory_space<hbm>> -> memref<10112x128xf32, #tpu.memory_space<hbm>>
        %dma_start3A_256 = tpu.memref_slice %arg12[%sub3A_245] : memref<2x!tpu.dma_semaphore, #tpu.memory_space<semaphore_mem>> -> memref<1x!tpu.dma_semaphore, #tpu.memory_space<semaphore_mem>>
        %dma_start3A_257 = tpu.memref_squeeze %dma_start3A_256 : memref<1x!tpu.dma_semaphore, #tpu.memory_space<semaphore_mem>> -> memref<!tpu.dma_semaphore, #tpu.memory_space<semaphore_mem>>
        tpu.enqueue_indirect_dma source(%dma_start3A_255 : memref<10112x128xf32, #tpu.memory_space<hbm>>) target(%dma_start3A_249 : memref<128x128xf32, #tpu.memory_space<vmem>>) offsets(%dma_start3A_252 : memref<128xi32, #tpu.memory_space<vmem>>) semaphore(%dma_start3A_257 : memref<!tpu.dma_semaphore, #tpu.memory_space<semaphore_mem>>)
      } else {
      }
      %jit3A_141 = arith.constant 2 : i32
      %eq3A_142 = arith.constant 0 : i32
      %eq3A_143 = arith.cmpi eq, %jit3A_141, %eq3A_142 : i32
      %jit3A_144 = arith.constant 1 : i32
      %select_n3A_145 = arith.select %eq3A_143, %jit3A_144, %jit3A_141 : i32
      %rem3A_146 = arith.remsi %select_n3A_89, %select_n3A_145 : i32
      %ne3A_147 = arith.constant 0 : i32
      %ne3A_148 = arith.cmpi ne, %rem3A_146, %ne3A_147 : i32
      %lt3A_149 = arith.constant 0 : i32
      %lt3A_150 = arith.cmpi slt, %rem3A_146, %lt3A_149 : i32
      %lt3A_151 = arith.constant 0 : i32
      %lt3A_152 = arith.cmpi slt, %select_n3A_145, %lt3A_151 : i32
      %ne3A_153 = arith.xori %lt3A_150, %lt3A_152 : i1
      %and3A_154 = arith.andi %ne3A_153, %ne3A_148 : i1
      %add3A_155 = arith.addi %rem3A_146, %select_n3A_145 : i32
      %select_n3A_156 = arith.select %and3A_154, %add3A_155, %rem3A_146 : i32
      %jit3A_157 = arith.constant 16 : i32
      %eq3A_158 = arith.constant 0 : i32
      %eq3A_159 = arith.cmpi eq, %jit3A_157, %eq3A_158 : i32
      %jit3A_160 = arith.constant 1 : i32
      %select_n3A_161 = arith.select %eq3A_159, %jit3A_160, %jit3A_157 : i32
      %rem3A_162 = arith.remsi %scan3A_58, %select_n3A_161 : i32
      %ne3A_163 = arith.constant 0 : i32
      %ne3A_164 = arith.cmpi ne, %rem3A_162, %ne3A_163 : i32
      %lt3A_165 = arith.constant 0 : i32
      %lt3A_166 = arith.cmpi slt, %rem3A_162, %lt3A_165 : i32
      %lt3A_167 = arith.constant 0 : i32
      %lt3A_168 = arith.cmpi slt, %select_n3A_161, %lt3A_167 : i32
      %ne3A_169 = arith.xori %lt3A_166, %lt3A_168 : i1
      %and3A_170 = arith.andi %ne3A_169, %ne3A_164 : i1
      %add3A_171 = arith.addi %rem3A_162, %select_n3A_161 : i32
      %select_n3A_172 = arith.select %and3A_170, %add3A_171, %rem3A_162 : i32
      %dma_wait3A = arith.constant 0 : i32
      %dma_wait3A_173 = arith.constant 0 : i32
      %dma_wait3A_174 = tpu.memref_slice %arg10[%select_n3A_68, %dma_wait3A, %dma_wait3A_173] : memref<2x128x128xf32, #tpu.memory_space<vmem>> -> memref<1x128x128xf32, #tpu.memory_space<vmem>>
      %dma_wait3A_175 = tpu.memref_squeeze %dma_wait3A_174 : memref<1x128x128xf32, #tpu.memory_space<vmem>> -> memref<128x128xf32, #tpu.memory_space<vmem>>
      %dma_wait3A_176 = arith.constant 0 : i32
      %dma_wait3A_177 = tpu.memref_slice %arg8[%select_n3A_156, %select_n3A_172, %dma_wait3A_176] : memref<2x16x128xi32, #tpu.memory_space<vmem>> -> memref<1x1x128xi32, #tpu.memory_space<vmem>>
      %dma_wait3A_178 = tpu.memref_squeeze %dma_wait3A_177 : memref<1x1x128xi32, #tpu.memory_space<vmem>> -> memref<128xi32, #tpu.memory_space<vmem>>
      %dma_wait3A_179 = arith.constant 0 : i32
      %dma_wait3A_180 = arith.constant 0 : i32
      %dma_wait3A_181 = tpu.memref_slice %arg2[%dma_wait3A_179, %dma_wait3A_180] : memref<10112x128xf32, #tpu.memory_space<hbm>> -> memref<10112x128xf32, #tpu.memory_space<hbm>>
      %dma_wait3A_182 = tpu.memref_slice %arg12[%select_n3A_68] : memref<2x!tpu.dma_semaphore, #tpu.memory_space<semaphore_mem>> -> memref<1x!tpu.dma_semaphore, #tpu.memory_space<semaphore_mem>>
      %dma_wait3A_183 = tpu.memref_squeeze %dma_wait3A_182 : memref<1x!tpu.dma_semaphore, #tpu.memory_space<semaphore_mem>> -> memref<!tpu.dma_semaphore, #tpu.memory_space<semaphore_mem>>
      tpu.wait_indirect_dma semaphore(%dma_wait3A_183 : memref<!tpu.dma_semaphore, #tpu.memory_space<semaphore_mem>>) src(%dma_wait3A_181 : memref<10112x128xf32, #tpu.memory_space<hbm>>) dst(%dma_wait3A_175 : memref<128x128xf32, #tpu.memory_space<vmem>>)
      "tpu.region"() ({
        %run_scoped3A_184 = tpu.sem_alloc : memref<!tpu.dma_semaphore, #tpu.memory_space<semaphore_mem>>
        %dma_start3A_185 = arith.constant 0 : i32
        %dma_start3A_186 = arith.constant 0 : i32
        %dma_start3A_187 = tpu.memref_slice %arg10[%select_n3A_68, %dma_start3A_185, %dma_start3A_186] : memref<2x128x128xf32, #tpu.memory_space<vmem>> -> memref<1x128x128xf32, #tpu.memory_space<vmem>>
        %dma_start3A_188 = tpu.memref_squeeze %dma_start3A_187 : memref<1x128x128xf32, #tpu.memory_space<vmem>> -> memref<128x128xf32, #tpu.memory_space<vmem>>
        %dma_start3A_189 = arith.constant 0 : i32
        %dma_start3A_190 = tpu.memref_slice %arg9[%scan3A_58, %dma_start3A_189] : memref<80x128xi32, #tpu.memory_space<vmem>> -> memref<1x128xi32, #tpu.memory_space<vmem>>
        %dma_start3A_191 = tpu.memref_squeeze %dma_start3A_190 : memref<1x128xi32, #tpu.memory_space<vmem>> -> memref<128xi32, #tpu.memory_space<vmem>>
        %dma_start3A_192 = arith.constant 0 : i32
        %dma_start3A_193 = arith.constant 0 : i32
        %dma_start3A_194 = tpu.memref_slice %arg11[%dma_start3A_192, %dma_start3A_193] : memref<10112x128xf32, #tpu.memory_space<vmem_shared>> -> memref<10112x128xf32, #tpu.memory_space<vmem_shared>>
        tpu.enqueue_indirect_dma source(%dma_start3A_188 : memref<128x128xf32, #tpu.memory_space<vmem>>) target(%dma_start3A_194 : memref<10112x128xf32, #tpu.memory_space<vmem_shared>>) offsets(%dma_start3A_191 : memref<128xi32, #tpu.memory_space<vmem>>) semaphore(%run_scoped3A_184 : memref<!tpu.dma_semaphore, #tpu.memory_space<semaphore_mem>>) {add = true}
        %dma_wait3A_195 = arith.constant 0 : i32
        %dma_wait3A_196 = arith.constant 0 : i32
        %dma_wait3A_197 = tpu.memref_slice %arg10[%select_n3A_68, %dma_wait3A_195, %dma_wait3A_196] : memref<2x128x128xf32, #tpu.memory_space<vmem>> -> memref<1x128x128xf32, #tpu.memory_space<vmem>>
        %dma_wait3A_198 = tpu.memref_squeeze %dma_wait3A_197 : memref<1x128x128xf32, #tpu.memory_space<vmem>> -> memref<128x128xf32, #tpu.memory_space<vmem>>
        %dma_wait3A_199 = arith.constant 0 : i32
        %dma_wait3A_200 = tpu.memref_slice %arg9[%scan3A_58, %dma_wait3A_199] : memref<80x128xi32, #tpu.memory_space<vmem>> -> memref<1x128xi32, #tpu.memory_space<vmem>>
        %dma_wait3A_201 = tpu.memref_squeeze %dma_wait3A_200 : memref<1x128xi32, #tpu.memory_space<vmem>> -> memref<128xi32, #tpu.memory_space<vmem>>
        %dma_wait3A_202 = arith.constant 0 : i32
        %dma_wait3A_203 = arith.constant 0 : i32
        %dma_wait3A_204 = tpu.memref_slice %arg11[%dma_wait3A_202, %dma_wait3A_203] : memref<10112x128xf32, #tpu.memory_space<vmem_shared>> -> memref<10112x128xf32, #tpu.memory_space<vmem_shared>>
        tpu.wait_indirect_dma semaphore(%run_scoped3A_184 : memref<!tpu.dma_semaphore, #tpu.memory_space<semaphore_mem>>) src(%dma_wait3A_198 : memref<128x128xf32, #tpu.memory_space<vmem>>) dst(%dma_wait3A_204 : memref<10112x128xf32, #tpu.memory_space<vmem_shared>>)
        tpu.yield
      }) : () -> ()
    }
    %scan3A_46 = arith.constant 80 : i32
    %barrier3A_47 = arith.constant 0 : index
    tpu.barrier barrier_id(%barrier3A_47)
    %eq3A_48 = arith.constant 0 : i32
    %eq3A_49 = arith.cmpi eq, %arg0, %eq3A_48 : i32
    %convert_element_type3A_50 = arith.extui %eq3A_49 : i1 to i32
    %cond3A_51 = arith.constant 0 : i32
    %cond3A_52 = arith.cmpi ne, %convert_element_type3A_50, %cond3A_51 : i32
    scf.if %cond3A_52 {
      "tpu.region"() ({
        %run_scoped3A_58 = tpu.sem_alloc : memref<!tpu.dma_semaphore, #tpu.memory_space<semaphore_mem>>
        %dma_start3A_59 = arith.constant 0 : i32
        %dma_start3A_60 = tpu.memref_slice %arg6[%mul3A_2, %dma_start3A_59] : memref<10112x128xf32, #tpu.memory_space<hbm>> -> memref<632x128xf32, #tpu.memory_space<hbm>>
        %dma_start3A_61 = arith.constant 0 : i32
        %dma_start3A_62 = tpu.memref_slice %arg11[%mul3A_2, %dma_start3A_61] : memref<10112x128xf32, #tpu.memory_space<vmem_shared>> -> memref<632x128xf32, #tpu.memory_space<vmem_shared>>
        tpu.enqueue_dma source(%dma_start3A_62 : memref<632x128xf32, #tpu.memory_space<vmem_shared>>) target(%dma_start3A_60 : memref<632x128xf32, #tpu.memory_space<hbm>>) target_semaphore(%run_scoped3A_58 : memref<!tpu.dma_semaphore, #tpu.memory_space<semaphore_mem>>)
        %dma_wait3A = arith.constant 0 : i32
        %dma_wait3A_63 = tpu.memref_slice %arg6[%mul3A_2, %dma_wait3A] : memref<10112x128xf32, #tpu.memory_space<hbm>> -> memref<632x128xf32, #tpu.memory_space<hbm>>
        %dma_wait3A_64 = arith.constant 0 : i32
        %dma_wait3A_65 = tpu.memref_slice %arg11[%mul3A_2, %dma_wait3A_64] : memref<10112x128xf32, #tpu.memory_space<vmem_shared>> -> memref<632x128xf32, #tpu.memory_space<vmem_shared>>
        tpu.wait_dma2 semaphore(%run_scoped3A_58 : memref<!tpu.dma_semaphore, #tpu.memory_space<semaphore_mem>>) src(%dma_wait3A_65 : memref<632x128xf32, #tpu.memory_space<vmem_shared>>) dst(%dma_wait3A_63 : memref<632x128xf32, #tpu.memory_space<hbm>>)
        tpu.yield
      }) : () -> ()
    } else {
    }
    %eq3A_53 = arith.constant 1 : i32
    %eq3A_54 = arith.cmpi eq, %arg0, %eq3A_53 : i32
    %convert_element_type3A_55 = arith.extui %eq3A_54 : i1 to i32
    %cond3A_56 = arith.constant 0 : i32
    %cond3A_57 = arith.cmpi ne, %convert_element_type3A_55, %cond3A_56 : i32
    scf.if %cond3A_57 {
      "tpu.region"() ({
        %run_scoped3A_58 = tpu.sem_alloc : memref<!tpu.dma_semaphore, #tpu.memory_space<semaphore_mem>>
        %dma_start3A_59 = arith.constant 0 : i32
        %dma_start3A_60 = tpu.memref_slice %arg7[%mul3A_2, %dma_start3A_59] : memref<10112x128xf32, #tpu.memory_space<hbm>> -> memref<632x128xf32, #tpu.memory_space<hbm>>
        %dma_start3A_61 = arith.constant 0 : i32
        %dma_start3A_62 = tpu.memref_slice %arg11[%mul3A_2, %dma_start3A_61] : memref<10112x128xf32, #tpu.memory_space<vmem_shared>> -> memref<632x128xf32, #tpu.memory_space<vmem_shared>>
        tpu.enqueue_dma source(%dma_start3A_62 : memref<632x128xf32, #tpu.memory_space<vmem_shared>>) target(%dma_start3A_60 : memref<632x128xf32, #tpu.memory_space<hbm>>) target_semaphore(%run_scoped3A_58 : memref<!tpu.dma_semaphore, #tpu.memory_space<semaphore_mem>>)
        %dma_wait3A = arith.constant 0 : i32
        %dma_wait3A_63 = tpu.memref_slice %arg7[%mul3A_2, %dma_wait3A] : memref<10112x128xf32, #tpu.memory_space<hbm>> -> memref<632x128xf32, #tpu.memory_space<hbm>>
        %dma_wait3A_64 = arith.constant 0 : i32
        %dma_wait3A_65 = tpu.memref_slice %arg11[%mul3A_2, %dma_wait3A_64] : memref<10112x128xf32, #tpu.memory_space<vmem_shared>> -> memref<632x128xf32, #tpu.memory_space<vmem_shared>>
        tpu.wait_dma2 semaphore(%run_scoped3A_58 : memref<!tpu.dma_semaphore, #tpu.memory_space<semaphore_mem>>) src(%dma_wait3A_65 : memref<632x128xf32, #tpu.memory_space<vmem_shared>>) dst(%dma_wait3A_63 : memref<632x128xf32, #tpu.memory_space<hbm>>)
        tpu.yield
      }) : () -> ()
    } else {
    }
    return
  }
}

#map = affine_map<(d0, d1) -> (0, 0)>
#map1 = affine_map<(d0, d1) -> (0, 0, 0)>
module attributes {stable_mosaic.version = 14 : i64} {
  func.func @_prop_kernel(%arg0: i32, %arg1: i32, %arg2: memref<10112x128xf32, #tpu.memory_space<hbm>>, %arg3: memref<10112x128xf32, #tpu.memory_space<hbm>>, %arg4: memref<32x80x128xi32, #tpu.memory_space<hbm>>, %arg5: memref<32x80x128xi32, #tpu.memory_space<hbm>>, %arg6: memref<10112x128xf32, #tpu.memory_space<hbm>>, %arg7: memref<10112x128xf32, #tpu.memory_space<hbm>>, %arg8: memref<2x16x128xi32, #tpu.memory_space<vmem>>, %arg9: memref<80x128xi32, #tpu.memory_space<vmem>>, %arg10: memref<2x128x128xf32, #tpu.memory_space<vmem>>, %arg11: memref<10112x128xf32, #tpu.memory_space<vmem_shared>>, %arg12: memref<2x!tpu.dma_semaphore, #tpu.memory_space<semaphore_mem>>, %arg13: memref<!tpu.dma_semaphore, #tpu.memory_space<semaphore_mem>>) attributes {dimension_semantics = [#tpu.dimension_semantics<core_parallel>, #tpu.dimension_semantics<subcore_parallel>], iteration_bounds = array<i64: 2, 16>, scalar_prefetch = 0 : i64, scratch_operands = 6 : i64, tpu.core_type = #tpu.core_type<sc_vector_subcore>, window_params = [{transform_indices = #map}, {transform_indices = #map}, {transform_indices = #map1}, {transform_indices = #map1}, {transform_indices = #map}, {transform_indices = #map}]} {
    %mul3A = arith.constant 16 : i32
    %mul3A_0 = arith.muli %arg0, %mul3A : i32
    %add3A = arith.addi %mul3A_0, %arg1 : i32
    %mul3A_1 = arith.constant 632 : i32
    %mul3A_2 = arith.muli %arg1, %mul3A_1 : i32
    %eq3A = arith.constant 0 : i32
    %eq3A_3 = arith.cmpi eq, %arg0, %eq3A : i32
    %convert_element_type3A = arith.extui %eq3A_3 : i1 to i32
    %cond3A = arith.constant 0 : i32
    %cond3A_4 = arith.cmpi ne, %convert_element_type3A, %cond3A : i32
    scf.if %cond3A_4 {
      "tpu.region"() ({
        %run_scoped3A_58 = tpu.sem_alloc : memref<!tpu.dma_semaphore, #tpu.memory_space<semaphore_mem>>
        %dma_start3A_59 = arith.constant 0 : i32
        %dma_start3A_60 = tpu.memref_slice %arg11[%mul3A_2, %dma_start3A_59] : memref<10112x128xf32, #tpu.memory_space<vmem_shared>> -> memref<632x128xf32, #tpu.memory_space<vmem_shared>>
        %dma_start3A_61 = arith.constant 0 : i32
        %dma_start3A_62 = tpu.memref_slice %arg2[%mul3A_2, %dma_start3A_61] : memref<10112x128xf32, #tpu.memory_space<hbm>> -> memref<632x128xf32, #tpu.memory_space<hbm>>
        tpu.enqueue_dma source(%dma_start3A_62 : memref<632x128xf32, #tpu.memory_space<hbm>>) target(%dma_start3A_60 : memref<632x128xf32, #tpu.memory_space<vmem_shared>>) target_semaphore(%run_scoped3A_58 : memref<!tpu.dma_semaphore, #tpu.memory_space<semaphore_mem>>)
        %dma_wait3A = arith.constant 0 : i32
        %dma_wait3A_63 = tpu.memref_slice %arg11[%mul3A_2, %dma_wait3A] : memref<10112x128xf32, #tpu.memory_space<vmem_shared>> -> memref<632x128xf32, #tpu.memory_space<vmem_shared>>
        %dma_wait3A_64 = arith.constant 0 : i32
        %dma_wait3A_65 = tpu.memref_slice %arg2[%mul3A_2, %dma_wait3A_64] : memref<10112x128xf32, #tpu.memory_space<hbm>> -> memref<632x128xf32, #tpu.memory_space<hbm>>
        tpu.wait_dma2 semaphore(%run_scoped3A_58 : memref<!tpu.dma_semaphore, #tpu.memory_space<semaphore_mem>>) src(%dma_wait3A_65 : memref<632x128xf32, #tpu.memory_space<hbm>>) dst(%dma_wait3A_63 : memref<632x128xf32, #tpu.memory_space<vmem_shared>>)
        tpu.yield
      }) : () -> ()
    } else {
    }
    %eq3A_5 = arith.constant 1 : i32
    %eq3A_6 = arith.cmpi eq, %arg0, %eq3A_5 : i32
    %convert_element_type3A_7 = arith.extui %eq3A_6 : i1 to i32
    %cond3A_8 = arith.constant 0 : i32
    %cond3A_9 = arith.cmpi ne, %convert_element_type3A_7, %cond3A_8 : i32
    scf.if %cond3A_9 {
      "tpu.region"() ({
        %run_scoped3A_58 = tpu.sem_alloc : memref<!tpu.dma_semaphore, #tpu.memory_space<semaphore_mem>>
        %dma_start3A_59 = arith.constant 0 : i32
        %dma_start3A_60 = tpu.memref_slice %arg11[%mul3A_2, %dma_start3A_59] : memref<10112x128xf32, #tpu.memory_space<vmem_shared>> -> memref<632x128xf32, #tpu.memory_space<vmem_shared>>
        %dma_start3A_61 = arith.constant 0 : i32
        %dma_start3A_62 = tpu.memref_slice %arg3[%mul3A_2, %dma_start3A_61] : memref<10112x128xf32, #tpu.memory_space<hbm>> -> memref<632x128xf32, #tpu.memory_space<hbm>>
        tpu.enqueue_dma source(%dma_start3A_62 : memref<632x128xf32, #tpu.memory_space<hbm>>) target(%dma_start3A_60 : memref<632x128xf32, #tpu.memory_space<vmem_shared>>) target_semaphore(%run_scoped3A_58 : memref<!tpu.dma_semaphore, #tpu.memory_space<semaphore_mem>>)
        %dma_wait3A = arith.constant 0 : i32
        %dma_wait3A_63 = tpu.memref_slice %arg11[%mul3A_2, %dma_wait3A] : memref<10112x128xf32, #tpu.memory_space<vmem_shared>> -> memref<632x128xf32, #tpu.memory_space<vmem_shared>>
        %dma_wait3A_64 = arith.constant 0 : i32
        %dma_wait3A_65 = tpu.memref_slice %arg3[%mul3A_2, %dma_wait3A_64] : memref<10112x128xf32, #tpu.memory_space<hbm>> -> memref<632x128xf32, #tpu.memory_space<hbm>>
        tpu.wait_dma2 semaphore(%run_scoped3A_58 : memref<!tpu.dma_semaphore, #tpu.memory_space<semaphore_mem>>) src(%dma_wait3A_65 : memref<632x128xf32, #tpu.memory_space<hbm>>) dst(%dma_wait3A_63 : memref<632x128xf32, #tpu.memory_space<vmem_shared>>)
        tpu.yield
      }) : () -> ()
    } else {
    }
    "tpu.region"() ({
      %run_scoped3A_58 = tpu.sem_alloc : memref<!tpu.dma_semaphore, #tpu.memory_space<semaphore_mem>>
      %dma_start3A_59 = arith.constant 0 : i32
      %dma_start3A_60 = arith.constant 0 : i32
      %dma_start3A_61 = tpu.memref_slice %arg5[%add3A, %dma_start3A_59, %dma_start3A_60] : memref<32x80x128xi32, #tpu.memory_space<hbm>> -> memref<1x80x128xi32, #tpu.memory_space<hbm>>
      %dma_start3A_62 = tpu.memref_squeeze %dma_start3A_61 : memref<1x80x128xi32, #tpu.memory_space<hbm>> -> memref<80x128xi32, #tpu.memory_space<hbm>>
      %dma_start3A_63 = arith.constant 0 : i32
      %dma_start3A_64 = arith.constant 0 : i32
      %dma_start3A_65 = tpu.memref_slice %arg5[%add3A, %dma_start3A_63, %dma_start3A_64] : memref<32x80x128xi32, #tpu.memory_space<hbm>> -> memref<1x80x128xi32, #tpu.memory_space<hbm>>
      %dma_start3A_66 = tpu.memref_squeeze %dma_start3A_65 : memref<1x80x128xi32, #tpu.memory_space<hbm>> -> memref<80x128xi32, #tpu.memory_space<hbm>>
      tpu.enqueue_dma source(%dma_start3A_66 : memref<80x128xi32, #tpu.memory_space<hbm>>) target(%arg9 : memref<80x128xi32, #tpu.memory_space<vmem>>) target_semaphore(%run_scoped3A_58 : memref<!tpu.dma_semaphore, #tpu.memory_space<semaphore_mem>>)
      %dma_wait3A = arith.constant 0 : i32
      %dma_wait3A_67 = arith.constant 0 : i32
      %dma_wait3A_68 = tpu.memref_slice %arg5[%add3A, %dma_wait3A, %dma_wait3A_67] : memref<32x80x128xi32, #tpu.memory_space<hbm>> -> memref<1x80x128xi32, #tpu.memory_space<hbm>>
      %dma_wait3A_69 = tpu.memref_squeeze %dma_wait3A_68 : memref<1x80x128xi32, #tpu.memory_space<hbm>> -> memref<80x128xi32, #tpu.memory_space<hbm>>
      %dma_wait3A_70 = arith.constant 0 : i32
      %dma_wait3A_71 = arith.constant 0 : i32
      %dma_wait3A_72 = tpu.memref_slice %arg5[%add3A, %dma_wait3A_70, %dma_wait3A_71] : memref<32x80x128xi32, #tpu.memory_space<hbm>> -> memref<1x80x128xi32, #tpu.memory_space<hbm>>
      %dma_wait3A_73 = tpu.memref_squeeze %dma_wait3A_72 : memref<1x80x128xi32, #tpu.memory_space<hbm>> -> memref<80x128xi32, #tpu.memory_space<hbm>>
      tpu.wait_dma2 semaphore(%run_scoped3A_58 : memref<!tpu.dma_semaphore, #tpu.memory_space<semaphore_mem>>) src(%dma_wait3A_73 : memref<80x128xi32, #tpu.memory_space<hbm>>) dst(%arg9 : memref<80x128xi32, #tpu.memory_space<vmem>>)
      tpu.yield
    }) : () -> ()
    %run_scoped3A = arith.constant 0 : i32
    "tpu.region"() ({
      %run_scoped3A_58 = tpu.sem_alloc : memref<!tpu.dma_semaphore, #tpu.memory_space<semaphore_mem>>
      %dma_start3A_59 = arith.constant 0 : i32
      %dma_start3A_60 = arith.constant 0 : i32
      %dma_start3A_61 = tpu.memref_slice %arg8[%run_scoped3A, %dma_start3A_59, %dma_start3A_60] : memref<2x16x128xi32, #tpu.memory_space<vmem>> -> memref<1x16x128xi32, #tpu.memory_space<vmem>>
      %dma_start3A_62 = tpu.memref_squeeze %dma_start3A_61 : memref<1x16x128xi32, #tpu.memory_space<vmem>> -> memref<16x128xi32, #tpu.memory_space<vmem>>
      %dma_start3A_63 = arith.constant 0 : i32
      %dma_start3A_64 = arith.constant 0 : i32
      %dma_start3A_65 = tpu.memref_slice %arg4[%add3A, %dma_start3A_63, %dma_start3A_64] : memref<32x80x128xi32, #tpu.memory_space<hbm>> -> memref<1x16x128xi32, #tpu.memory_space<hbm>>
      %dma_start3A_66 = tpu.memref_squeeze %dma_start3A_65 : memref<1x16x128xi32, #tpu.memory_space<hbm>> -> memref<16x128xi32, #tpu.memory_space<hbm>>
      %dma_start3A_67 = arith.constant 0 : i32
      %dma_start3A_68 = arith.constant 0 : i32
      %dma_start3A_69 = tpu.memref_slice %arg8[%run_scoped3A, %dma_start3A_67, %dma_start3A_68] : memref<2x16x128xi32, #tpu.memory_space<vmem>> -> memref<1x16x128xi32, #tpu.memory_space<vmem>>
      %dma_start3A_70 = tpu.memref_squeeze %dma_start3A_69 : memref<1x16x128xi32, #tpu.memory_space<vmem>> -> memref<16x128xi32, #tpu.memory_space<vmem>>
      %dma_start3A_71 = arith.constant 0 : i32
      %dma_start3A_72 = arith.constant 0 : i32
      %dma_start3A_73 = tpu.memref_slice %arg4[%add3A, %dma_start3A_71, %dma_start3A_72] : memref<32x80x128xi32, #tpu.memory_space<hbm>> -> memref<1x16x128xi32, #tpu.memory_space<hbm>>
      %dma_start3A_74 = tpu.memref_squeeze %dma_start3A_73 : memref<1x16x128xi32, #tpu.memory_space<hbm>> -> memref<16x128xi32, #tpu.memory_space<hbm>>
      tpu.enqueue_dma source(%dma_start3A_74 : memref<16x128xi32, #tpu.memory_space<hbm>>) target(%dma_start3A_70 : memref<16x128xi32, #tpu.memory_space<vmem>>) target_semaphore(%run_scoped3A_58 : memref<!tpu.dma_semaphore, #tpu.memory_space<semaphore_mem>>)
      %dma_wait3A = arith.constant 0 : i32
      %dma_wait3A_75 = arith.constant 0 : i32
      %dma_wait3A_76 = tpu.memref_slice %arg8[%run_scoped3A, %dma_wait3A, %dma_wait3A_75] : memref<2x16x128xi32, #tpu.memory_space<vmem>> -> memref<1x16x128xi32, #tpu.memory_space<vmem>>
      %dma_wait3A_77 = tpu.memref_squeeze %dma_wait3A_76 : memref<1x16x128xi32, #tpu.memory_space<vmem>> -> memref<16x128xi32, #tpu.memory_space<vmem>>
      %dma_wait3A_78 = arith.constant 0 : i32
      %dma_wait3A_79 = arith.constant 0 : i32
      %dma_wait3A_80 = tpu.memref_slice %arg4[%add3A, %dma_wait3A_78, %dma_wait3A_79] : memref<32x80x128xi32, #tpu.memory_space<hbm>> -> memref<1x16x128xi32, #tpu.memory_space<hbm>>
      %dma_wait3A_81 = tpu.memref_squeeze %dma_wait3A_80 : memref<1x16x128xi32, #tpu.memory_space<hbm>> -> memref<16x128xi32, #tpu.memory_space<hbm>>
      %dma_wait3A_82 = arith.constant 0 : i32
      %dma_wait3A_83 = arith.constant 0 : i32
      %dma_wait3A_84 = tpu.memref_slice %arg8[%run_scoped3A, %dma_wait3A_82, %dma_wait3A_83] : memref<2x16x128xi32, #tpu.memory_space<vmem>> -> memref<1x16x128xi32, #tpu.memory_space<vmem>>
      %dma_wait3A_85 = tpu.memref_squeeze %dma_wait3A_84 : memref<1x16x128xi32, #tpu.memory_space<vmem>> -> memref<16x128xi32, #tpu.memory_space<vmem>>
      %dma_wait3A_86 = arith.constant 0 : i32
      %dma_wait3A_87 = arith.constant 0 : i32
      %dma_wait3A_88 = tpu.memref_slice %arg4[%add3A, %dma_wait3A_86, %dma_wait3A_87] : memref<32x80x128xi32, #tpu.memory_space<hbm>> -> memref<1x16x128xi32, #tpu.memory_space<hbm>>
      %dma_wait3A_89 = tpu.memref_squeeze %dma_wait3A_88 : memref<1x16x128xi32, #tpu.memory_space<hbm>> -> memref<16x128xi32, #tpu.memory_space<hbm>>
      tpu.wait_dma2 semaphore(%run_scoped3A_58 : memref<!tpu.dma_semaphore, #tpu.memory_space<semaphore_mem>>) src(%dma_wait3A_89 : memref<16x128xi32, #tpu.memory_space<hbm>>) dst(%dma_wait3A_85 : memref<16x128xi32, #tpu.memory_space<vmem>>)
      tpu.yield
    }) : () -> ()
    %barrier3A = arith.constant 0 : index
    tpu.barrier barrier_id(%barrier3A)
    %dma_start3A = arith.constant 1 : i32
    %dma_start3A_10 = arith.constant 0 : i32
    %dma_start3A_11 = arith.constant 0 : i32
    %dma_start3A_12 = tpu.memref_slice %arg8[%dma_start3A, %dma_start3A_10, %dma_start3A_11] : memref<2x16x128xi32, #tpu.memory_space<vmem>> -> memref<1x16x128xi32, #tpu.memory_space<vmem>>
    %dma_start3A_13 = tpu.memref_squeeze %dma_start3A_12 : memref<1x16x128xi32, #tpu.memory_space<vmem>> -> memref<16x128xi32, #tpu.memory_space<vmem>>
    %dma_start3A_14 = arith.constant 16 : i32
    %dma_start3A_15 = arith.constant 0 : i32
    %dma_start3A_16 = tpu.memref_slice %arg4[%add3A, %dma_start3A_14, %dma_start3A_15] : memref<32x80x128xi32, #tpu.memory_space<hbm>> -> memref<1x16x128xi32, #tpu.memory_space<hbm>>
    %dma_start3A_17 = tpu.memref_squeeze %dma_start3A_16 : memref<1x16x128xi32, #tpu.memory_space<hbm>> -> memref<16x128xi32, #tpu.memory_space<hbm>>
    %dma_start3A_18 = arith.constant 0 : i32
    %dma_start3A_19 = arith.constant 0 : i32
    %dma_start3A_20 = tpu.memref_slice %arg8[%dma_start3A, %dma_start3A_18, %dma_start3A_19] : memref<2x16x128xi32, #tpu.memory_space<vmem>> -> memref<1x16x128xi32, #tpu.memory_space<vmem>>
    %dma_start3A_21 = tpu.memref_squeeze %dma_start3A_20 : memref<1x16x128xi32, #tpu.memory_space<vmem>> -> memref<16x128xi32, #tpu.memory_space<vmem>>
    %dma_start3A_22 = arith.constant 16 : i32
    %dma_start3A_23 = arith.constant 0 : i32
    %dma_start3A_24 = tpu.memref_slice %arg4[%add3A, %dma_start3A_22, %dma_start3A_23] : memref<32x80x128xi32, #tpu.memory_space<hbm>> -> memref<1x16x128xi32, #tpu.memory_space<hbm>>
    %dma_start3A_25 = tpu.memref_squeeze %dma_start3A_24 : memref<1x16x128xi32, #tpu.memory_space<hbm>> -> memref<16x128xi32, #tpu.memory_space<hbm>>
    tpu.enqueue_dma source(%dma_start3A_25 : memref<16x128xi32, #tpu.memory_space<hbm>>) target(%dma_start3A_21 : memref<16x128xi32, #tpu.memory_space<vmem>>) target_semaphore(%arg13 : memref<!tpu.dma_semaphore, #tpu.memory_space<semaphore_mem>>)
    %dma_start3A_26 = arith.constant 0 : i32
    %dma_start3A_27 = arith.constant 0 : i32
    %dma_start3A_28 = arith.constant 0 : i32
    %dma_start3A_29 = arith.constant 0 : i32
    %dma_start3A_30 = arith.constant 0 : i32
    %dma_start3A_31 = arith.constant 0 : i32
    %dma_start3A_32 = tpu.memref_slice %arg10[%dma_start3A_28, %dma_start3A_30, %dma_start3A_31] : memref<2x128x128xf32, #tpu.memory_space<vmem>> -> memref<1x128x128xf32, #tpu.memory_space<vmem>>
    %dma_start3A_33 = tpu.memref_squeeze %dma_start3A_32 : memref<1x128x128xf32, #tpu.memory_space<vmem>> -> memref<128x128xf32, #tpu.memory_space<vmem>>
    %dma_start3A_34 = arith.constant 0 : i32
    %dma_start3A_35 = tpu.memref_slice %arg8[%dma_start3A_26, %dma_start3A_27, %dma_start3A_34] : memref<2x16x128xi32, #tpu.memory_space<vmem>> -> memref<1x1x128xi32, #tpu.memory_space<vmem>>
    %dma_start3A_36 = tpu.memref_squeeze %dma_start3A_35 : memref<1x1x128xi32, #tpu.memory_space<vmem>> -> memref<128xi32, #tpu.memory_space<vmem>>
    %dma_start3A_37 = arith.constant 0 : i32
    %dma_start3A_38 = arith.constant 0 : i32
    %dma_start3A_39 = tpu.memref_slice %arg2[%dma_start3A_37, %dma_start3A_38] : memref<10112x128xf32, #tpu.memory_space<hbm>> -> memref<10112x128xf32, #tpu.memory_space<hbm>>
    %dma_start3A_40 = tpu.memref_slice %arg12[%dma_start3A_29] : memref<2x!tpu.dma_semaphore, #tpu.memory_space<semaphore_mem>> -> memref<1x!tpu.dma_semaphore, #tpu.memory_space<semaphore_mem>>
    %dma_start3A_41 = tpu.memref_squeeze %dma_start3A_40 : memref<1x!tpu.dma_semaphore, #tpu.memory_space<semaphore_mem>> -> memref<!tpu.dma_semaphore, #tpu.memory_space<semaphore_mem>>
    tpu.enqueue_indirect_dma source(%dma_start3A_39 : memref<10112x128xf32, #tpu.memory_space<hbm>>) target(%dma_start3A_33 : memref<128x128xf32, #tpu.memory_space<vmem>>) offsets(%dma_start3A_36 : memref<128xi32, #tpu.memory_space<vmem>>) semaphore(%dma_start3A_41 : memref<!tpu.dma_semaphore, #tpu.memory_space<semaphore_mem>>)
    %scan3A = arith.constant 0 : i32
    %scan3A_42 = arith.constant 0 : i32
    %scan3A_43 = arith.constant 80 : i32
    %scan3A_44 = arith.addi %scan3A_42, %scan3A_43 : i32
    %scan3A_45 = arith.constant 1 : i32
    scf.for %scan3A_58 = %scan3A_42 to %scan3A_44 step %scan3A_45  : i32 {
      %jit3A = arith.constant 2 : i32
      %eq3A_59 = arith.constant 0 : i32
      %eq3A_60 = arith.cmpi eq, %jit3A, %eq3A_59 : i32
      %jit3A_61 = arith.constant 1 : i32
      %select_n3A = arith.select %eq3A_60, %jit3A_61, %jit3A : i32
      %rem3A = arith.remsi %scan3A_58, %select_n3A : i32
      %ne3A = arith.constant 0 : i32
      %ne3A_62 = arith.cmpi ne, %rem3A, %ne3A : i32
      %lt3A = arith.constant 0 : i32
      %lt3A_63 = arith.cmpi slt, %rem3A, %lt3A : i32
      %lt3A_64 = arith.constant 0 : i32
      %lt3A_65 = arith.cmpi slt, %select_n3A, %lt3A_64 : i32
      %ne3A_66 = arith.xori %lt3A_63, %lt3A_65 : i1
      %and3A = arith.andi %ne3A_66, %ne3A_62 : i1
      %add3A_67 = arith.addi %rem3A, %select_n3A : i32
      %select_n3A_68 = arith.select %and3A, %add3A_67, %rem3A : i32
      %jit3A_69 = arith.constant 16 : i32
      %div3A = arith.divsi %scan3A_58, %jit3A_69 : i32
      %sign3A = arith.constant 0 : i32
      %sign3A_70 = arith.cmpi sgt, %scan3A_58, %sign3A : i32
      %sign3A_71 = arith.extui %sign3A_70 : i1 to i32
      %sign3A_72 = arith.constant 0 : i32
      %sign3A_73 = arith.cmpi slt, %scan3A_58, %sign3A_72 : i32
      %sign3A_74 = arith.extui %sign3A_73 : i1 to i32
      %sign3A_75 = arith.subi %sign3A_71, %sign3A_74 : i32
      %sign3A_76 = arith.constant 0 : i32
      %sign3A_77 = arith.cmpi sgt, %jit3A_69, %sign3A_76 : i32
      %sign3A_78 = arith.extui %sign3A_77 : i1 to i32
      %sign3A_79 = arith.constant 0 : i32
      %sign3A_80 = arith.cmpi slt, %jit3A_69, %sign3A_79 : i32
      %sign3A_81 = arith.extui %sign3A_80 : i1 to i32
      %sign3A_82 = arith.subi %sign3A_78, %sign3A_81 : i32
      %ne3A_83 = arith.cmpi ne, %sign3A_75, %sign3A_82 : i32
      %rem3A_84 = arith.remsi %scan3A_58, %jit3A_69 : i32
      %ne3A_85 = arith.constant 0 : i32
      %ne3A_86 = arith.cmpi ne, %rem3A_84, %ne3A_85 : i32
      %and3A_87 = arith.andi %ne3A_83, %ne3A_86 : i1
      %sub3A = arith.constant 1 : i32
      %sub3A_88 = arith.subi %div3A, %sub3A : i32
      %select_n3A_89 = arith.select %and3A_87, %sub3A_88, %div3A : i32
      %add3A_90 = arith.constant 1 : i32
      %add3A_91 = arith.addi %select_n3A_89, %add3A_90 : i32
      %jit3A_92 = arith.constant 2 : i32
      %eq3A_93 = arith.constant 0 : i32
      %eq3A_94 = arith.cmpi eq, %jit3A_92, %eq3A_93 : i32
      %jit3A_95 = arith.constant 1 : i32
      %select_n3A_96 = arith.select %eq3A_94, %jit3A_95, %jit3A_92 : i32
      %rem3A_97 = arith.remsi %add3A_91, %select_n3A_96 : i32
      %ne3A_98 = arith.constant 0 : i32
      %ne3A_99 = arith.cmpi ne, %rem3A_97, %ne3A_98 : i32
      %lt3A_100 = arith.constant 0 : i32
      %lt3A_101 = arith.cmpi slt, %rem3A_97, %lt3A_100 : i32
      %lt3A_102 = arith.constant 0 : i32
      %lt3A_103 = arith.cmpi slt, %select_n3A_96, %lt3A_102 : i32
      %ne3A_104 = arith.xori %lt3A_101, %lt3A_103 : i1
      %and3A_105 = arith.andi %ne3A_104, %ne3A_99 : i1
      %add3A_106 = arith.addi %rem3A_97, %select_n3A_96 : i32
      %select_n3A_107 = arith.select %and3A_105, %add3A_106, %rem3A_97 : i32
      %jit3A_108 = arith.constant 16 : i32
      %eq3A_109 = arith.constant 0 : i32
      %eq3A_110 = arith.cmpi eq, %jit3A_108, %eq3A_109 : i32
      %jit3A_111 = arith.constant 1 : i32
      %select_n3A_112 = arith.select %eq3A_110, %jit3A_111, %jit3A_108 : i32
      %rem3A_113 = arith.remsi %scan3A_58, %select_n3A_112 : i32
      %ne3A_114 = arith.constant 0 : i32
      %ne3A_115 = arith.cmpi ne, %rem3A_113, %ne3A_114 : i32
      %lt3A_116 = arith.constant 0 : i32
      %lt3A_117 = arith.cmpi slt, %rem3A_113, %lt3A_116 : i32
      %lt3A_118 = arith.constant 0 : i32
      %lt3A_119 = arith.cmpi slt, %select_n3A_112, %lt3A_118 : i32
      %ne3A_120 = arith.xori %lt3A_117, %lt3A_119 : i1
      %and3A_121 = arith.andi %ne3A_120, %ne3A_115 : i1
      %add3A_122 = arith.addi %rem3A_113, %select_n3A_112 : i32
      %select_n3A_123 = arith.select %and3A_121, %add3A_122, %rem3A_113 : i32
      %eq3A_124 = arith.constant 15 : i32
      %eq3A_125 = arith.cmpi eq, %select_n3A_123, %eq3A_124 : i32
      %add3A_126 = arith.constant 1 : i32
      %add3A_127 = arith.addi %scan3A_58, %add3A_126 : i32
      %lt3A_128 = arith.constant 80 : i32
      %lt3A_129 = arith.cmpi slt, %add3A_127, %lt3A_128 : i32
      %and3A_130 = arith.andi %eq3A_125, %lt3A_129 : i1
      %convert_element_type3A_131 = arith.extui %and3A_130 : i1 to i32
      %cond3A_132 = arith.constant 0 : i32
      %cond3A_133 = arith.cmpi ne, %convert_element_type3A_131, %cond3A_132 : i32
      scf.if %cond3A_133 {
        %dma_wait3A_184 = arith.constant 0 : i32
        %dma_wait3A_185 = arith.constant 0 : i32
        %dma_wait3A_186 = tpu.memref_slice %arg8[%select_n3A_107, %dma_wait3A_184, %dma_wait3A_185] : memref<2x16x128xi32, #tpu.memory_space<vmem>> -> memref<1x16x128xi32, #tpu.memory_space<vmem>>
        %dma_wait3A_187 = tpu.memref_squeeze %dma_wait3A_186 : memref<1x16x128xi32, #tpu.memory_space<vmem>> -> memref<16x128xi32, #tpu.memory_space<vmem>>
        %dma_wait3A_188 = arith.constant 0 : i32
        %dma_wait3A_189 = arith.constant 0 : i32
        %dma_wait3A_190 = tpu.memref_slice %arg4[%add3A, %dma_wait3A_188, %dma_wait3A_189] : memref<32x80x128xi32, #tpu.memory_space<hbm>> -> memref<1x16x128xi32, #tpu.memory_space<hbm>>
        %dma_wait3A_191 = tpu.memref_squeeze %dma_wait3A_190 : memref<1x16x128xi32, #tpu.memory_space<hbm>> -> memref<16x128xi32, #tpu.memory_space<hbm>>
        %dma_wait3A_192 = arith.constant 0 : i32
        %dma_wait3A_193 = arith.constant 0 : i32
        %dma_wait3A_194 = tpu.memref_slice %arg8[%select_n3A_107, %dma_wait3A_192, %dma_wait3A_193] : memref<2x16x128xi32, #tpu.memory_space<vmem>> -> memref<1x16x128xi32, #tpu.memory_space<vmem>>
        %dma_wait3A_195 = tpu.memref_squeeze %dma_wait3A_194 : memref<1x16x128xi32, #tpu.memory_space<vmem>> -> memref<16x128xi32, #tpu.memory_space<vmem>>
        %dma_wait3A_196 = arith.constant 0 : i32
        %dma_wait3A_197 = arith.constant 0 : i32
        %dma_wait3A_198 = tpu.memref_slice %arg4[%add3A, %dma_wait3A_196, %dma_wait3A_197] : memref<32x80x128xi32, #tpu.memory_space<hbm>> -> memref<1x16x128xi32, #tpu.memory_space<hbm>>
        %dma_wait3A_199 = tpu.memref_squeeze %dma_wait3A_198 : memref<1x16x128xi32, #tpu.memory_space<hbm>> -> memref<16x128xi32, #tpu.memory_space<hbm>>
        tpu.wait_dma2 semaphore(%arg13 : memref<!tpu.dma_semaphore, #tpu.memory_space<semaphore_mem>>) src(%dma_wait3A_199 : memref<16x128xi32, #tpu.memory_space<hbm>>) dst(%dma_wait3A_195 : memref<16x128xi32, #tpu.memory_space<vmem>>)
        %add3A_200 = arith.constant 1 : i32
        %add3A_201 = arith.addi %scan3A_58, %add3A_200 : i32
        %add3A_202 = arith.constant 16 : i32
        %add3A_203 = arith.addi %add3A_201, %add3A_202 : i32
        %lt3A_204 = arith.constant 80 : i32
        %lt3A_205 = arith.cmpi slt, %add3A_203, %lt3A_204 : i32
        %convert_element_type3A_206 = arith.extui %lt3A_205 : i1 to i32
        %cond3A_207 = arith.constant 0 : i32
        %cond3A_208 = arith.cmpi ne, %convert_element_type3A_206, %cond3A_207 : i32
        scf.if %cond3A_208 {
          %add3A_209 = arith.constant 2 : i32
          %add3A_210 = arith.addi %select_n3A_89, %add3A_209 : i32
          %mul3A_211 = arith.constant 16 : i32
          %mul3A_212 = arith.muli %add3A_210, %mul3A_211 : i32
          %multiple_of3A = tpu.assume_multiple %mul3A_212, 16 : i32
          %jit3A_213 = arith.constant 2 : i32
          %eq3A_214 = arith.constant 0 : i32
          %eq3A_215 = arith.cmpi eq, %jit3A_213, %eq3A_214 : i32
          %jit3A_216 = arith.constant 1 : i32
          %select_n3A_217 = arith.select %eq3A_215, %jit3A_216, %jit3A_213 : i32
          %rem3A_218 = arith.remsi %select_n3A_89, %select_n3A_217 : i32
          %ne3A_219 = arith.constant 0 : i32
          %ne3A_220 = arith.cmpi ne, %rem3A_218, %ne3A_219 : i32
          %lt3A_221 = arith.constant 0 : i32
          %lt3A_222 = arith.cmpi slt, %rem3A_218, %lt3A_221 : i32
          %lt3A_223 = arith.constant 0 : i32
          %lt3A_224 = arith.cmpi slt, %select_n3A_217, %lt3A_223 : i32
          %ne3A_225 = arith.xori %lt3A_222, %lt3A_224 : i1
          %and3A_226 = arith.andi %ne3A_225, %ne3A_220 : i1
          %add3A_227 = arith.addi %rem3A_218, %select_n3A_217 : i32
          %select_n3A_228 = arith.select %and3A_226, %add3A_227, %rem3A_218 : i32
          %dma_start3A_229 = arith.constant 0 : i32
          %dma_start3A_230 = arith.constant 0 : i32
          %dma_start3A_231 = tpu.memref_slice %arg8[%select_n3A_228, %dma_start3A_229, %dma_start3A_230] : memref<2x16x128xi32, #tpu.memory_space<vmem>> -> memref<1x16x128xi32, #tpu.memory_space<vmem>>
          %dma_start3A_232 = tpu.memref_squeeze %dma_start3A_231 : memref<1x16x128xi32, #tpu.memory_space<vmem>> -> memref<16x128xi32, #tpu.memory_space<vmem>>
          %dma_start3A_233 = arith.constant 0 : i32
          %dma_start3A_234 = tpu.memref_slice %arg4[%add3A, %multiple_of3A, %dma_start3A_233] : memref<32x80x128xi32, #tpu.memory_space<hbm>> -> memref<1x16x128xi32, #tpu.memory_space<hbm>>
          %dma_start3A_235 = tpu.memref_squeeze %dma_start3A_234 : memref<1x16x128xi32, #tpu.memory_space<hbm>> -> memref<16x128xi32, #tpu.memory_space<hbm>>
          %dma_start3A_236 = arith.constant 0 : i32
          %dma_start3A_237 = arith.constant 0 : i32
          %dma_start3A_238 = tpu.memref_slice %arg8[%select_n3A_228, %dma_start3A_236, %dma_start3A_237] : memref<2x16x128xi32, #tpu.memory_space<vmem>> -> memref<1x16x128xi32, #tpu.memory_space<vmem>>
          %dma_start3A_239 = tpu.memref_squeeze %dma_start3A_238 : memref<1x16x128xi32, #tpu.memory_space<vmem>> -> memref<16x128xi32, #tpu.memory_space<vmem>>
          %dma_start3A_240 = arith.constant 0 : i32
          %dma_start3A_241 = tpu.memref_slice %arg4[%add3A, %multiple_of3A, %dma_start3A_240] : memref<32x80x128xi32, #tpu.memory_space<hbm>> -> memref<1x16x128xi32, #tpu.memory_space<hbm>>
          %dma_start3A_242 = tpu.memref_squeeze %dma_start3A_241 : memref<1x16x128xi32, #tpu.memory_space<hbm>> -> memref<16x128xi32, #tpu.memory_space<hbm>>
          tpu.enqueue_dma source(%dma_start3A_242 : memref<16x128xi32, #tpu.memory_space<hbm>>) target(%dma_start3A_239 : memref<16x128xi32, #tpu.memory_space<vmem>>) target_semaphore(%arg13 : memref<!tpu.dma_semaphore, #tpu.memory_space<semaphore_mem>>)
        } else {
        }
      } else {
      }
      %add3A_134 = arith.constant 1 : i32
      %add3A_135 = arith.addi %scan3A_58, %add3A_134 : i32
      %lt3A_136 = arith.constant 80 : i32
      %lt3A_137 = arith.cmpi slt, %add3A_135, %lt3A_136 : i32
      %convert_element_type3A_138 = arith.extui %lt3A_137 : i1 to i32
      %cond3A_139 = arith.constant 0 : i32
      %cond3A_140 = arith.cmpi ne, %convert_element_type3A_138, %cond3A_139 : i32
      scf.if %cond3A_140 {
        %add3A_184 = arith.constant 1 : i32
        %add3A_185 = arith.addi %scan3A_58, %add3A_184 : i32
        %jit3A_186 = arith.constant 16 : i32
        %div3A_187 = arith.divsi %add3A_185, %jit3A_186 : i32
        %sign3A_188 = arith.constant 0 : i32
        %sign3A_189 = arith.cmpi sgt, %add3A_185, %sign3A_188 : i32
        %sign3A_190 = arith.extui %sign3A_189 : i1 to i32
        %sign3A_191 = arith.constant 0 : i32
        %sign3A_192 = arith.cmpi slt, %add3A_185, %sign3A_191 : i32
        %sign3A_193 = arith.extui %sign3A_192 : i1 to i32
        %sign3A_194 = arith.subi %sign3A_190, %sign3A_193 : i32
        %sign3A_195 = arith.constant 0 : i32
        %sign3A_196 = arith.cmpi sgt, %jit3A_186, %sign3A_195 : i32
        %sign3A_197 = arith.extui %sign3A_196 : i1 to i32
        %sign3A_198 = arith.constant 0 : i32
        %sign3A_199 = arith.cmpi slt, %jit3A_186, %sign3A_198 : i32
        %sign3A_200 = arith.extui %sign3A_199 : i1 to i32
        %sign3A_201 = arith.subi %sign3A_197, %sign3A_200 : i32
        %ne3A_202 = arith.cmpi ne, %sign3A_194, %sign3A_201 : i32
        %rem3A_203 = arith.remsi %add3A_185, %jit3A_186 : i32
        %ne3A_204 = arith.constant 0 : i32
        %ne3A_205 = arith.cmpi ne, %rem3A_203, %ne3A_204 : i32
        %and3A_206 = arith.andi %ne3A_202, %ne3A_205 : i1
        %sub3A_207 = arith.constant 1 : i32
        %sub3A_208 = arith.subi %div3A_187, %sub3A_207 : i32
        %select_n3A_209 = arith.select %and3A_206, %sub3A_208, %div3A_187 : i32
        %jit3A_210 = arith.constant 2 : i32
        %eq3A_211 = arith.constant 0 : i32
        %eq3A_212 = arith.cmpi eq, %jit3A_210, %eq3A_211 : i32
        %jit3A_213 = arith.constant 1 : i32
        %select_n3A_214 = arith.select %eq3A_212, %jit3A_213, %jit3A_210 : i32
        %rem3A_215 = arith.remsi %select_n3A_209, %select_n3A_214 : i32
        %ne3A_216 = arith.constant 0 : i32
        %ne3A_217 = arith.cmpi ne, %rem3A_215, %ne3A_216 : i32
        %lt3A_218 = arith.constant 0 : i32
        %lt3A_219 = arith.cmpi slt, %rem3A_215, %lt3A_218 : i32
        %lt3A_220 = arith.constant 0 : i32
        %lt3A_221 = arith.cmpi slt, %select_n3A_214, %lt3A_220 : i32
        %ne3A_222 = arith.xori %lt3A_219, %lt3A_221 : i1
        %and3A_223 = arith.andi %ne3A_222, %ne3A_217 : i1
        %add3A_224 = arith.addi %rem3A_215, %select_n3A_214 : i32
        %select_n3A_225 = arith.select %and3A_223, %add3A_224, %rem3A_215 : i32
        %jit3A_226 = arith.constant 16 : i32
        %eq3A_227 = arith.constant 0 : i32
        %eq3A_228 = arith.cmpi eq, %jit3A_226, %eq3A_227 : i32
        %jit3A_229 = arith.constant 1 : i32
        %select_n3A_230 = arith.select %eq3A_228, %jit3A_229, %jit3A_226 : i32
        %rem3A_231 = arith.remsi %add3A_185, %select_n3A_230 : i32
        %ne3A_232 = arith.constant 0 : i32
        %ne3A_233 = arith.cmpi ne, %rem3A_231, %ne3A_232 : i32
        %lt3A_234 = arith.constant 0 : i32
        %lt3A_235 = arith.cmpi slt, %rem3A_231, %lt3A_234 : i32
        %lt3A_236 = arith.constant 0 : i32
        %lt3A_237 = arith.cmpi slt, %select_n3A_230, %lt3A_236 : i32
        %ne3A_238 = arith.xori %lt3A_235, %lt3A_237 : i1
        %and3A_239 = arith.andi %ne3A_238, %ne3A_233 : i1
        %add3A_240 = arith.addi %rem3A_231, %select_n3A_230 : i32
        %select_n3A_241 = arith.select %and3A_239, %add3A_240, %rem3A_231 : i32
        %sub3A_242 = arith.constant 1 : i32
        %sub3A_243 = arith.subi %sub3A_242, %select_n3A_68 : i32
        %sub3A_244 = arith.constant 1 : i32
        %sub3A_245 = arith.subi %sub3A_244, %select_n3A_68 : i32
        %dma_start3A_246 = arith.constant 0 : i32
        %dma_start3A_247 = arith.constant 0 : i32
        %dma_start3A_248 = tpu.memref_slice %arg10[%sub3A_243, %dma_start3A_246, %dma_start3A_247] : memref<2x128x128xf32, #tpu.memory_space<vmem>> -> memref<1x128x128xf32, #tpu.memory_space<vmem>>
        %dma_start3A_249 = tpu.memref_squeeze %dma_start3A_248 : memref<1x128x128xf32, #tpu.memory_space<vmem>> -> memref<128x128xf32, #tpu.memory_space<vmem>>
        %dma_start3A_250 = arith.constant 0 : i32
        %dma_start3A_251 = tpu.memref_slice %arg8[%select_n3A_225, %select_n3A_241, %dma_start3A_250] : memref<2x16x128xi32, #tpu.memory_space<vmem>> -> memref<1x1x128xi32, #tpu.memory_space<vmem>>
        %dma_start3A_252 = tpu.memref_squeeze %dma_start3A_251 : memref<1x1x128xi32, #tpu.memory_space<vmem>> -> memref<128xi32, #tpu.memory_space<vmem>>
        %dma_start3A_253 = arith.constant 0 : i32
        %dma_start3A_254 = arith.constant 0 : i32
        %dma_start3A_255 = tpu.memref_slice %arg2[%dma_start3A_253, %dma_start3A_254] : memref<10112x128xf32, #tpu.memory_space<hbm>> -> memref<10112x128xf32, #tpu.memory_space<hbm>>
        %dma_start3A_256 = tpu.memref_slice %arg12[%sub3A_245] : memref<2x!tpu.dma_semaphore, #tpu.memory_space<semaphore_mem>> -> memref<1x!tpu.dma_semaphore, #tpu.memory_space<semaphore_mem>>
        %dma_start3A_257 = tpu.memref_squeeze %dma_start3A_256 : memref<1x!tpu.dma_semaphore, #tpu.memory_space<semaphore_mem>> -> memref<!tpu.dma_semaphore, #tpu.memory_space<semaphore_mem>>
        tpu.enqueue_indirect_dma source(%dma_start3A_255 : memref<10112x128xf32, #tpu.memory_space<hbm>>) target(%dma_start3A_249 : memref<128x128xf32, #tpu.memory_space<vmem>>) offsets(%dma_start3A_252 : memref<128xi32, #tpu.memory_space<vmem>>) semaphore(%dma_start3A_257 : memref<!tpu.dma_semaphore, #tpu.memory_space<semaphore_mem>>)
      } else {
      }
      %jit3A_141 = arith.constant 2 : i32
      %eq3A_142 = arith.constant 0 : i32
      %eq3A_143 = arith.cmpi eq, %jit3A_141, %eq3A_142 : i32
      %jit3A_144 = arith.constant 1 : i32
      %select_n3A_145 = arith.select %eq3A_143, %jit3A_144, %jit3A_141 : i32
      %rem3A_146 = arith.remsi %select_n3A_89, %select_n3A_145 : i32
      %ne3A_147 = arith.constant 0 : i32
      %ne3A_148 = arith.cmpi ne, %rem3A_146, %ne3A_147 : i32
      %lt3A_149 = arith.constant 0 : i32
      %lt3A_150 = arith.cmpi slt, %rem3A_146, %lt3A_149 : i32
      %lt3A_151 = arith.constant 0 : i32
      %lt3A_152 = arith.cmpi slt, %select_n3A_145, %lt3A_151 : i32
      %ne3A_153 = arith.xori %lt3A_150, %lt3A_152 : i1
      %and3A_154 = arith.andi %ne3A_153, %ne3A_148 : i1
      %add3A_155 = arith.addi %rem3A_146, %select_n3A_145 : i32
      %select_n3A_156 = arith.select %and3A_154, %add3A_155, %rem3A_146 : i32
      %jit3A_157 = arith.constant 16 : i32
      %eq3A_158 = arith.constant 0 : i32
      %eq3A_159 = arith.cmpi eq, %jit3A_157, %eq3A_158 : i32
      %jit3A_160 = arith.constant 1 : i32
      %select_n3A_161 = arith.select %eq3A_159, %jit3A_160, %jit3A_157 : i32
      %rem3A_162 = arith.remsi %scan3A_58, %select_n3A_161 : i32
      %ne3A_163 = arith.constant 0 : i32
      %ne3A_164 = arith.cmpi ne, %rem3A_162, %ne3A_163 : i32
      %lt3A_165 = arith.constant 0 : i32
      %lt3A_166 = arith.cmpi slt, %rem3A_162, %lt3A_165 : i32
      %lt3A_167 = arith.constant 0 : i32
      %lt3A_168 = arith.cmpi slt, %select_n3A_161, %lt3A_167 : i32
      %ne3A_169 = arith.xori %lt3A_166, %lt3A_168 : i1
      %and3A_170 = arith.andi %ne3A_169, %ne3A_164 : i1
      %add3A_171 = arith.addi %rem3A_162, %select_n3A_161 : i32
      %select_n3A_172 = arith.select %and3A_170, %add3A_171, %rem3A_162 : i32
      %dma_wait3A = arith.constant 0 : i32
      %dma_wait3A_173 = arith.constant 0 : i32
      %dma_wait3A_174 = tpu.memref_slice %arg10[%select_n3A_68, %dma_wait3A, %dma_wait3A_173] : memref<2x128x128xf32, #tpu.memory_space<vmem>> -> memref<1x128x128xf32, #tpu.memory_space<vmem>>
      %dma_wait3A_175 = tpu.memref_squeeze %dma_wait3A_174 : memref<1x128x128xf32, #tpu.memory_space<vmem>> -> memref<128x128xf32, #tpu.memory_space<vmem>>
      %dma_wait3A_176 = arith.constant 0 : i32
      %dma_wait3A_177 = tpu.memref_slice %arg8[%select_n3A_156, %select_n3A_172, %dma_wait3A_176] : memref<2x16x128xi32, #tpu.memory_space<vmem>> -> memref<1x1x128xi32, #tpu.memory_space<vmem>>
      %dma_wait3A_178 = tpu.memref_squeeze %dma_wait3A_177 : memref<1x1x128xi32, #tpu.memory_space<vmem>> -> memref<128xi32, #tpu.memory_space<vmem>>
      %dma_wait3A_179 = arith.constant 0 : i32
      %dma_wait3A_180 = arith.constant 0 : i32
      %dma_wait3A_181 = tpu.memref_slice %arg2[%dma_wait3A_179, %dma_wait3A_180] : memref<10112x128xf32, #tpu.memory_space<hbm>> -> memref<10112x128xf32, #tpu.memory_space<hbm>>
      %dma_wait3A_182 = tpu.memref_slice %arg12[%select_n3A_68] : memref<2x!tpu.dma_semaphore, #tpu.memory_space<semaphore_mem>> -> memref<1x!tpu.dma_semaphore, #tpu.memory_space<semaphore_mem>>
      %dma_wait3A_183 = tpu.memref_squeeze %dma_wait3A_182 : memref<1x!tpu.dma_semaphore, #tpu.memory_space<semaphore_mem>> -> memref<!tpu.dma_semaphore, #tpu.memory_space<semaphore_mem>>
      tpu.wait_indirect_dma semaphore(%dma_wait3A_183 : memref<!tpu.dma_semaphore, #tpu.memory_space<semaphore_mem>>) src(%dma_wait3A_181 : memref<10112x128xf32, #tpu.memory_space<hbm>>) dst(%dma_wait3A_175 : memref<128x128xf32, #tpu.memory_space<vmem>>)
      "tpu.region"() ({
        %run_scoped3A_184 = tpu.sem_alloc : memref<!tpu.dma_semaphore, #tpu.memory_space<semaphore_mem>>
        %dma_start3A_185 = arith.constant 0 : i32
        %dma_start3A_186 = arith.constant 0 : i32
        %dma_start3A_187 = tpu.memref_slice %arg10[%select_n3A_68, %dma_start3A_185, %dma_start3A_186] : memref<2x128x128xf32, #tpu.memory_space<vmem>> -> memref<1x128x128xf32, #tpu.memory_space<vmem>>
        %dma_start3A_188 = tpu.memref_squeeze %dma_start3A_187 : memref<1x128x128xf32, #tpu.memory_space<vmem>> -> memref<128x128xf32, #tpu.memory_space<vmem>>
        %dma_start3A_189 = arith.constant 0 : i32
        %dma_start3A_190 = tpu.memref_slice %arg9[%scan3A_58, %dma_start3A_189] : memref<80x128xi32, #tpu.memory_space<vmem>> -> memref<1x128xi32, #tpu.memory_space<vmem>>
        %dma_start3A_191 = tpu.memref_squeeze %dma_start3A_190 : memref<1x128xi32, #tpu.memory_space<vmem>> -> memref<128xi32, #tpu.memory_space<vmem>>
        %dma_start3A_192 = arith.constant 0 : i32
        %dma_start3A_193 = arith.constant 0 : i32
        %dma_start3A_194 = tpu.memref_slice %arg11[%dma_start3A_192, %dma_start3A_193] : memref<10112x128xf32, #tpu.memory_space<vmem_shared>> -> memref<10112x128xf32, #tpu.memory_space<vmem_shared>>
        tpu.enqueue_indirect_dma source(%dma_start3A_188 : memref<128x128xf32, #tpu.memory_space<vmem>>) target(%dma_start3A_194 : memref<10112x128xf32, #tpu.memory_space<vmem_shared>>) offsets(%dma_start3A_191 : memref<128xi32, #tpu.memory_space<vmem>>) semaphore(%run_scoped3A_184 : memref<!tpu.dma_semaphore, #tpu.memory_space<semaphore_mem>>) {add = true}
        %dma_wait3A_195 = arith.constant 0 : i32
        %dma_wait3A_196 = arith.constant 0 : i32
        %dma_wait3A_197 = tpu.memref_slice %arg10[%select_n3A_68, %dma_wait3A_195, %dma_wait3A_196] : memref<2x128x128xf32, #tpu.memory_space<vmem>> -> memref<1x128x128xf32, #tpu.memory_space<vmem>>
        %dma_wait3A_198 = tpu.memref_squeeze %dma_wait3A_197 : memref<1x128x128xf32, #tpu.memory_space<vmem>> -> memref<128x128xf32, #tpu.memory_space<vmem>>
        %dma_wait3A_199 = arith.constant 0 : i32
        %dma_wait3A_200 = tpu.memref_slice %arg9[%scan3A_58, %dma_wait3A_199] : memref<80x128xi32, #tpu.memory_space<vmem>> -> memref<1x128xi32, #tpu.memory_space<vmem>>
        %dma_wait3A_201 = tpu.memref_squeeze %dma_wait3A_200 : memref<1x128xi32, #tpu.memory_space<vmem>> -> memref<128xi32, #tpu.memory_space<vmem>>
        %dma_wait3A_202 = arith.constant 0 : i32
        %dma_wait3A_203 = arith.constant 0 : i32
        %dma_wait3A_204 = tpu.memref_slice %arg11[%dma_wait3A_202, %dma_wait3A_203] : memref<10112x128xf32, #tpu.memory_space<vmem_shared>> -> memref<10112x128xf32, #tpu.memory_space<vmem_shared>>
        tpu.wait_indirect_dma semaphore(%run_scoped3A_184 : memref<!tpu.dma_semaphore, #tpu.memory_space<semaphore_mem>>) src(%dma_wait3A_198 : memref<128x128xf32, #tpu.memory_space<vmem>>) dst(%dma_wait3A_204 : memref<10112x128xf32, #tpu.memory_space<vmem_shared>>)
        tpu.yield
      }) : () -> ()
    }
    %scan3A_46 = arith.constant 80 : i32
    %barrier3A_47 = arith.constant 0 : index
    tpu.barrier barrier_id(%barrier3A_47)
    %eq3A_48 = arith.constant 0 : i32
    %eq3A_49 = arith.cmpi eq, %arg0, %eq3A_48 : i32
    %convert_element_type3A_50 = arith.extui %eq3A_49 : i1 to i32
    %cond3A_51 = arith.constant 0 : i32
    %cond3A_52 = arith.cmpi ne, %convert_element_type3A_50, %cond3A_51 : i32
    scf.if %cond3A_52 {
      "tpu.region"() ({
        %run_scoped3A_58 = tpu.sem_alloc : memref<!tpu.dma_semaphore, #tpu.memory_space<semaphore_mem>>
        %dma_start3A_59 = arith.constant 0 : i32
        %dma_start3A_60 = tpu.memref_slice %arg6[%mul3A_2, %dma_start3A_59] : memref<10112x128xf32, #tpu.memory_space<hbm>> -> memref<632x128xf32, #tpu.memory_space<hbm>>
        %dma_start3A_61 = arith.constant 0 : i32
        %dma_start3A_62 = tpu.memref_slice %arg11[%mul3A_2, %dma_start3A_61] : memref<10112x128xf32, #tpu.memory_space<vmem_shared>> -> memref<632x128xf32, #tpu.memory_space<vmem_shared>>
        tpu.enqueue_dma source(%dma_start3A_62 : memref<632x128xf32, #tpu.memory_space<vmem_shared>>) target(%dma_start3A_60 : memref<632x128xf32, #tpu.memory_space<hbm>>) target_semaphore(%run_scoped3A_58 : memref<!tpu.dma_semaphore, #tpu.memory_space<semaphore_mem>>)
        %dma_wait3A = arith.constant 0 : i32
        %dma_wait3A_63 = tpu.memref_slice %arg6[%mul3A_2, %dma_wait3A] : memref<10112x128xf32, #tpu.memory_space<hbm>> -> memref<632x128xf32, #tpu.memory_space<hbm>>
        %dma_wait3A_64 = arith.constant 0 : i32
        %dma_wait3A_65 = tpu.memref_slice %arg11[%mul3A_2, %dma_wait3A_64] : memref<10112x128xf32, #tpu.memory_space<vmem_shared>> -> memref<632x128xf32, #tpu.memory_space<vmem_shared>>
        tpu.wait_dma2 semaphore(%run_scoped3A_58 : memref<!tpu.dma_semaphore, #tpu.memory_space<semaphore_mem>>) src(%dma_wait3A_65 : memref<632x128xf32, #tpu.memory_space<vmem_shared>>) dst(%dma_wait3A_63 : memref<632x128xf32, #tpu.memory_space<hbm>>)
        tpu.yield
      }) : () -> ()
    } else {
    }
    %eq3A_53 = arith.constant 1 : i32
    %eq3A_54 = arith.cmpi eq, %arg0, %eq3A_53 : i32
    %convert_element_type3A_55 = arith.extui %eq3A_54 : i1 to i32
    %cond3A_56 = arith.constant 0 : i32
    %cond3A_57 = arith.cmpi ne, %convert_element_type3A_55, %cond3A_56 : i32
    scf.if %cond3A_57 {
      "tpu.region"() ({
        %run_scoped3A_58 = tpu.sem_alloc : memref<!tpu.dma_semaphore, #tpu.memory_space<semaphore_mem>>
        %dma_start3A_59 = arith.constant 0 : i32
        %dma_start3A_60 = tpu.memref_slice %arg7[%mul3A_2, %dma_start3A_59] : memref<10112x128xf32, #tpu.memory_space<hbm>> -> memref<632x128xf32, #tpu.memory_space<hbm>>
        %dma_start3A_61 = arith.constant 0 : i32
        %dma_start3A_62 = tpu.memref_slice %arg11[%mul3A_2, %dma_start3A_61] : memref<10112x128xf32, #tpu.memory_space<vmem_shared>> -> memref<632x128xf32, #tpu.memory_space<vmem_shared>>
        tpu.enqueue_dma source(%dma_start3A_62 : memref<632x128xf32, #tpu.memory_space<vmem_shared>>) target(%dma_start3A_60 : memref<632x128xf32, #tpu.memory_space<hbm>>) target_semaphore(%run_scoped3A_58 : memref<!tpu.dma_semaphore, #tpu.memory_space<semaphore_mem>>)
        %dma_wait3A = arith.constant 0 : i32
        %dma_wait3A_63 = tpu.memref_slice %arg7[%mul3A_2, %dma_wait3A] : memref<10112x128xf32, #tpu.memory_space<hbm>> -> memref<632x128xf32, #tpu.memory_space<hbm>>
        %dma_wait3A_64 = arith.constant 0 : i32
        %dma_wait3A_65 = tpu.memref_slice %arg11[%mul3A_2, %dma_wait3A_64] : memref<10112x128xf32, #tpu.memory_space<vmem_shared>> -> memref<632x128xf32, #tpu.memory_space<vmem_shared>>
        tpu.wait_dma2 semaphore(%run_scoped3A_58 : memref<!tpu.dma_semaphore, #tpu.memory_space<semaphore_mem>>) src(%dma_wait3A_65 : memref<632x128xf32, #tpu.memory_space<vmem_shared>>) dst(%dma_wait3A_63 : memref<632x128xf32, #tpu.memory_space<hbm>>)
        tpu.yield
      }) : () -> ()
    } else {
    }
    return
  }
}

#map = affine_map<(d0, d1) -> (0, 0)>
#map1 = affine_map<(d0, d1) -> (0, 0, 0)>
module attributes {stable_mosaic.version = 14 : i64} {
  func.func @_prop_kernel(%arg0: i32, %arg1: i32, %arg2: memref<10112x128xf32, #tpu.memory_space<hbm>>, %arg3: memref<10112x128xf32, #tpu.memory_space<hbm>>, %arg4: memref<32x80x128xi32, #tpu.memory_space<hbm>>, %arg5: memref<32x80x128xi32, #tpu.memory_space<hbm>>, %arg6: memref<10112x128xf32, #tpu.memory_space<hbm>>, %arg7: memref<10112x128xf32, #tpu.memory_space<hbm>>, %arg8: memref<2x16x128xi32, #tpu.memory_space<vmem>>, %arg9: memref<80x128xi32, #tpu.memory_space<vmem>>, %arg10: memref<2x128x128xf32, #tpu.memory_space<vmem>>, %arg11: memref<10112x128xf32, #tpu.memory_space<vmem_shared>>, %arg12: memref<2x!tpu.dma_semaphore, #tpu.memory_space<semaphore_mem>>, %arg13: memref<!tpu.dma_semaphore, #tpu.memory_space<semaphore_mem>>) attributes {dimension_semantics = [#tpu.dimension_semantics<core_parallel>, #tpu.dimension_semantics<subcore_parallel>], iteration_bounds = array<i64: 2, 16>, scalar_prefetch = 0 : i64, scratch_operands = 6 : i64, tpu.core_type = #tpu.core_type<sc_vector_subcore>, window_params = [{transform_indices = #map}, {transform_indices = #map}, {transform_indices = #map1}, {transform_indices = #map1}, {transform_indices = #map}, {transform_indices = #map}]} {
    %mul3A = arith.constant 16 : i32
    %mul3A_0 = arith.muli %arg0, %mul3A : i32
    %add3A = arith.addi %mul3A_0, %arg1 : i32
    %mul3A_1 = arith.constant 632 : i32
    %mul3A_2 = arith.muli %arg1, %mul3A_1 : i32
    %eq3A = arith.constant 0 : i32
    %eq3A_3 = arith.cmpi eq, %arg0, %eq3A : i32
    %convert_element_type3A = arith.extui %eq3A_3 : i1 to i32
    %cond3A = arith.constant 0 : i32
    %cond3A_4 = arith.cmpi ne, %convert_element_type3A, %cond3A : i32
    scf.if %cond3A_4 {
      "tpu.region"() ({
        %run_scoped3A_58 = tpu.sem_alloc : memref<!tpu.dma_semaphore, #tpu.memory_space<semaphore_mem>>
        %dma_start3A_59 = arith.constant 0 : i32
        %dma_start3A_60 = tpu.memref_slice %arg11[%mul3A_2, %dma_start3A_59] : memref<10112x128xf32, #tpu.memory_space<vmem_shared>> -> memref<632x128xf32, #tpu.memory_space<vmem_shared>>
        %dma_start3A_61 = arith.constant 0 : i32
        %dma_start3A_62 = tpu.memref_slice %arg2[%mul3A_2, %dma_start3A_61] : memref<10112x128xf32, #tpu.memory_space<hbm>> -> memref<632x128xf32, #tpu.memory_space<hbm>>
        tpu.enqueue_dma source(%dma_start3A_62 : memref<632x128xf32, #tpu.memory_space<hbm>>) target(%dma_start3A_60 : memref<632x128xf32, #tpu.memory_space<vmem_shared>>) target_semaphore(%run_scoped3A_58 : memref<!tpu.dma_semaphore, #tpu.memory_space<semaphore_mem>>)
        %dma_wait3A = arith.constant 0 : i32
        %dma_wait3A_63 = tpu.memref_slice %arg11[%mul3A_2, %dma_wait3A] : memref<10112x128xf32, #tpu.memory_space<vmem_shared>> -> memref<632x128xf32, #tpu.memory_space<vmem_shared>>
        %dma_wait3A_64 = arith.constant 0 : i32
        %dma_wait3A_65 = tpu.memref_slice %arg2[%mul3A_2, %dma_wait3A_64] : memref<10112x128xf32, #tpu.memory_space<hbm>> -> memref<632x128xf32, #tpu.memory_space<hbm>>
        tpu.wait_dma2 semaphore(%run_scoped3A_58 : memref<!tpu.dma_semaphore, #tpu.memory_space<semaphore_mem>>) src(%dma_wait3A_65 : memref<632x128xf32, #tpu.memory_space<hbm>>) dst(%dma_wait3A_63 : memref<632x128xf32, #tpu.memory_space<vmem_shared>>)
        tpu.yield
      }) : () -> ()
    } else {
    }
    %eq3A_5 = arith.constant 1 : i32
    %eq3A_6 = arith.cmpi eq, %arg0, %eq3A_5 : i32
    %convert_element_type3A_7 = arith.extui %eq3A_6 : i1 to i32
    %cond3A_8 = arith.constant 0 : i32
    %cond3A_9 = arith.cmpi ne, %convert_element_type3A_7, %cond3A_8 : i32
    scf.if %cond3A_9 {
      "tpu.region"() ({
        %run_scoped3A_58 = tpu.sem_alloc : memref<!tpu.dma_semaphore, #tpu.memory_space<semaphore_mem>>
        %dma_start3A_59 = arith.constant 0 : i32
        %dma_start3A_60 = tpu.memref_slice %arg11[%mul3A_2, %dma_start3A_59] : memref<10112x128xf32, #tpu.memory_space<vmem_shared>> -> memref<632x128xf32, #tpu.memory_space<vmem_shared>>
        %dma_start3A_61 = arith.constant 0 : i32
        %dma_start3A_62 = tpu.memref_slice %arg3[%mul3A_2, %dma_start3A_61] : memref<10112x128xf32, #tpu.memory_space<hbm>> -> memref<632x128xf32, #tpu.memory_space<hbm>>
        tpu.enqueue_dma source(%dma_start3A_62 : memref<632x128xf32, #tpu.memory_space<hbm>>) target(%dma_start3A_60 : memref<632x128xf32, #tpu.memory_space<vmem_shared>>) target_semaphore(%run_scoped3A_58 : memref<!tpu.dma_semaphore, #tpu.memory_space<semaphore_mem>>)
        %dma_wait3A = arith.constant 0 : i32
        %dma_wait3A_63 = tpu.memref_slice %arg11[%mul3A_2, %dma_wait3A] : memref<10112x128xf32, #tpu.memory_space<vmem_shared>> -> memref<632x128xf32, #tpu.memory_space<vmem_shared>>
        %dma_wait3A_64 = arith.constant 0 : i32
        %dma_wait3A_65 = tpu.memref_slice %arg3[%mul3A_2, %dma_wait3A_64] : memref<10112x128xf32, #tpu.memory_space<hbm>> -> memref<632x128xf32, #tpu.memory_space<hbm>>
        tpu.wait_dma2 semaphore(%run_scoped3A_58 : memref<!tpu.dma_semaphore, #tpu.memory_space<semaphore_mem>>) src(%dma_wait3A_65 : memref<632x128xf32, #tpu.memory_space<hbm>>) dst(%dma_wait3A_63 : memref<632x128xf32, #tpu.memory_space<vmem_shared>>)
        tpu.yield
      }) : () -> ()
    } else {
    }
    "tpu.region"() ({
      %run_scoped3A_58 = tpu.sem_alloc : memref<!tpu.dma_semaphore, #tpu.memory_space<semaphore_mem>>
      %dma_start3A_59 = arith.constant 0 : i32
      %dma_start3A_60 = arith.constant 0 : i32
      %dma_start3A_61 = tpu.memref_slice %arg5[%add3A, %dma_start3A_59, %dma_start3A_60] : memref<32x80x128xi32, #tpu.memory_space<hbm>> -> memref<1x80x128xi32, #tpu.memory_space<hbm>>
      %dma_start3A_62 = tpu.memref_squeeze %dma_start3A_61 : memref<1x80x128xi32, #tpu.memory_space<hbm>> -> memref<80x128xi32, #tpu.memory_space<hbm>>
      %dma_start3A_63 = arith.constant 0 : i32
      %dma_start3A_64 = arith.constant 0 : i32
      %dma_start3A_65 = tpu.memref_slice %arg5[%add3A, %dma_start3A_63, %dma_start3A_64] : memref<32x80x128xi32, #tpu.memory_space<hbm>> -> memref<1x80x128xi32, #tpu.memory_space<hbm>>
      %dma_start3A_66 = tpu.memref_squeeze %dma_start3A_65 : memref<1x80x128xi32, #tpu.memory_space<hbm>> -> memref<80x128xi32, #tpu.memory_space<hbm>>
      tpu.enqueue_dma source(%dma_start3A_66 : memref<80x128xi32, #tpu.memory_space<hbm>>) target(%arg9 : memref<80x128xi32, #tpu.memory_space<vmem>>) target_semaphore(%run_scoped3A_58 : memref<!tpu.dma_semaphore, #tpu.memory_space<semaphore_mem>>)
      %dma_wait3A = arith.constant 0 : i32
      %dma_wait3A_67 = arith.constant 0 : i32
      %dma_wait3A_68 = tpu.memref_slice %arg5[%add3A, %dma_wait3A, %dma_wait3A_67] : memref<32x80x128xi32, #tpu.memory_space<hbm>> -> memref<1x80x128xi32, #tpu.memory_space<hbm>>
      %dma_wait3A_69 = tpu.memref_squeeze %dma_wait3A_68 : memref<1x80x128xi32, #tpu.memory_space<hbm>> -> memref<80x128xi32, #tpu.memory_space<hbm>>
      %dma_wait3A_70 = arith.constant 0 : i32
      %dma_wait3A_71 = arith.constant 0 : i32
      %dma_wait3A_72 = tpu.memref_slice %arg5[%add3A, %dma_wait3A_70, %dma_wait3A_71] : memref<32x80x128xi32, #tpu.memory_space<hbm>> -> memref<1x80x128xi32, #tpu.memory_space<hbm>>
      %dma_wait3A_73 = tpu.memref_squeeze %dma_wait3A_72 : memref<1x80x128xi32, #tpu.memory_space<hbm>> -> memref<80x128xi32, #tpu.memory_space<hbm>>
      tpu.wait_dma2 semaphore(%run_scoped3A_58 : memref<!tpu.dma_semaphore, #tpu.memory_space<semaphore_mem>>) src(%dma_wait3A_73 : memref<80x128xi32, #tpu.memory_space<hbm>>) dst(%arg9 : memref<80x128xi32, #tpu.memory_space<vmem>>)
      tpu.yield
    }) : () -> ()
    %run_scoped3A = arith.constant 0 : i32
    "tpu.region"() ({
      %run_scoped3A_58 = tpu.sem_alloc : memref<!tpu.dma_semaphore, #tpu.memory_space<semaphore_mem>>
      %dma_start3A_59 = arith.constant 0 : i32
      %dma_start3A_60 = arith.constant 0 : i32
      %dma_start3A_61 = tpu.memref_slice %arg8[%run_scoped3A, %dma_start3A_59, %dma_start3A_60] : memref<2x16x128xi32, #tpu.memory_space<vmem>> -> memref<1x16x128xi32, #tpu.memory_space<vmem>>
      %dma_start3A_62 = tpu.memref_squeeze %dma_start3A_61 : memref<1x16x128xi32, #tpu.memory_space<vmem>> -> memref<16x128xi32, #tpu.memory_space<vmem>>
      %dma_start3A_63 = arith.constant 0 : i32
      %dma_start3A_64 = arith.constant 0 : i32
      %dma_start3A_65 = tpu.memref_slice %arg4[%add3A, %dma_start3A_63, %dma_start3A_64] : memref<32x80x128xi32, #tpu.memory_space<hbm>> -> memref<1x16x128xi32, #tpu.memory_space<hbm>>
      %dma_start3A_66 = tpu.memref_squeeze %dma_start3A_65 : memref<1x16x128xi32, #tpu.memory_space<hbm>> -> memref<16x128xi32, #tpu.memory_space<hbm>>
      %dma_start3A_67 = arith.constant 0 : i32
      %dma_start3A_68 = arith.constant 0 : i32
      %dma_start3A_69 = tpu.memref_slice %arg8[%run_scoped3A, %dma_start3A_67, %dma_start3A_68] : memref<2x16x128xi32, #tpu.memory_space<vmem>> -> memref<1x16x128xi32, #tpu.memory_space<vmem>>
      %dma_start3A_70 = tpu.memref_squeeze %dma_start3A_69 : memref<1x16x128xi32, #tpu.memory_space<vmem>> -> memref<16x128xi32, #tpu.memory_space<vmem>>
      %dma_start3A_71 = arith.constant 0 : i32
      %dma_start3A_72 = arith.constant 0 : i32
      %dma_start3A_73 = tpu.memref_slice %arg4[%add3A, %dma_start3A_71, %dma_start3A_72] : memref<32x80x128xi32, #tpu.memory_space<hbm>> -> memref<1x16x128xi32, #tpu.memory_space<hbm>>
      %dma_start3A_74 = tpu.memref_squeeze %dma_start3A_73 : memref<1x16x128xi32, #tpu.memory_space<hbm>> -> memref<16x128xi32, #tpu.memory_space<hbm>>
      tpu.enqueue_dma source(%dma_start3A_74 : memref<16x128xi32, #tpu.memory_space<hbm>>) target(%dma_start3A_70 : memref<16x128xi32, #tpu.memory_space<vmem>>) target_semaphore(%run_scoped3A_58 : memref<!tpu.dma_semaphore, #tpu.memory_space<semaphore_mem>>)
      %dma_wait3A = arith.constant 0 : i32
      %dma_wait3A_75 = arith.constant 0 : i32
      %dma_wait3A_76 = tpu.memref_slice %arg8[%run_scoped3A, %dma_wait3A, %dma_wait3A_75] : memref<2x16x128xi32, #tpu.memory_space<vmem>> -> memref<1x16x128xi32, #tpu.memory_space<vmem>>
      %dma_wait3A_77 = tpu.memref_squeeze %dma_wait3A_76 : memref<1x16x128xi32, #tpu.memory_space<vmem>> -> memref<16x128xi32, #tpu.memory_space<vmem>>
      %dma_wait3A_78 = arith.constant 0 : i32
      %dma_wait3A_79 = arith.constant 0 : i32
      %dma_wait3A_80 = tpu.memref_slice %arg4[%add3A, %dma_wait3A_78, %dma_wait3A_79] : memref<32x80x128xi32, #tpu.memory_space<hbm>> -> memref<1x16x128xi32, #tpu.memory_space<hbm>>
      %dma_wait3A_81 = tpu.memref_squeeze %dma_wait3A_80 : memref<1x16x128xi32, #tpu.memory_space<hbm>> -> memref<16x128xi32, #tpu.memory_space<hbm>>
      %dma_wait3A_82 = arith.constant 0 : i32
      %dma_wait3A_83 = arith.constant 0 : i32
      %dma_wait3A_84 = tpu.memref_slice %arg8[%run_scoped3A, %dma_wait3A_82, %dma_wait3A_83] : memref<2x16x128xi32, #tpu.memory_space<vmem>> -> memref<1x16x128xi32, #tpu.memory_space<vmem>>
      %dma_wait3A_85 = tpu.memref_squeeze %dma_wait3A_84 : memref<1x16x128xi32, #tpu.memory_space<vmem>> -> memref<16x128xi32, #tpu.memory_space<vmem>>
      %dma_wait3A_86 = arith.constant 0 : i32
      %dma_wait3A_87 = arith.constant 0 : i32
      %dma_wait3A_88 = tpu.memref_slice %arg4[%add3A, %dma_wait3A_86, %dma_wait3A_87] : memref<32x80x128xi32, #tpu.memory_space<hbm>> -> memref<1x16x128xi32, #tpu.memory_space<hbm>>
      %dma_wait3A_89 = tpu.memref_squeeze %dma_wait3A_88 : memref<1x16x128xi32, #tpu.memory_space<hbm>> -> memref<16x128xi32, #tpu.memory_space<hbm>>
      tpu.wait_dma2 semaphore(%run_scoped3A_58 : memref<!tpu.dma_semaphore, #tpu.memory_space<semaphore_mem>>) src(%dma_wait3A_89 : memref<16x128xi32, #tpu.memory_space<hbm>>) dst(%dma_wait3A_85 : memref<16x128xi32, #tpu.memory_space<vmem>>)
      tpu.yield
    }) : () -> ()
    %barrier3A = arith.constant 0 : index
    tpu.barrier barrier_id(%barrier3A)
    %dma_start3A = arith.constant 1 : i32
    %dma_start3A_10 = arith.constant 0 : i32
    %dma_start3A_11 = arith.constant 0 : i32
    %dma_start3A_12 = tpu.memref_slice %arg8[%dma_start3A, %dma_start3A_10, %dma_start3A_11] : memref<2x16x128xi32, #tpu.memory_space<vmem>> -> memref<1x16x128xi32, #tpu.memory_space<vmem>>
    %dma_start3A_13 = tpu.memref_squeeze %dma_start3A_12 : memref<1x16x128xi32, #tpu.memory_space<vmem>> -> memref<16x128xi32, #tpu.memory_space<vmem>>
    %dma_start3A_14 = arith.constant 16 : i32
    %dma_start3A_15 = arith.constant 0 : i32
    %dma_start3A_16 = tpu.memref_slice %arg4[%add3A, %dma_start3A_14, %dma_start3A_15] : memref<32x80x128xi32, #tpu.memory_space<hbm>> -> memref<1x16x128xi32, #tpu.memory_space<hbm>>
    %dma_start3A_17 = tpu.memref_squeeze %dma_start3A_16 : memref<1x16x128xi32, #tpu.memory_space<hbm>> -> memref<16x128xi32, #tpu.memory_space<hbm>>
    %dma_start3A_18 = arith.constant 0 : i32
    %dma_start3A_19 = arith.constant 0 : i32
    %dma_start3A_20 = tpu.memref_slice %arg8[%dma_start3A, %dma_start3A_18, %dma_start3A_19] : memref<2x16x128xi32, #tpu.memory_space<vmem>> -> memref<1x16x128xi32, #tpu.memory_space<vmem>>
    %dma_start3A_21 = tpu.memref_squeeze %dma_start3A_20 : memref<1x16x128xi32, #tpu.memory_space<vmem>> -> memref<16x128xi32, #tpu.memory_space<vmem>>
    %dma_start3A_22 = arith.constant 16 : i32
    %dma_start3A_23 = arith.constant 0 : i32
    %dma_start3A_24 = tpu.memref_slice %arg4[%add3A, %dma_start3A_22, %dma_start3A_23] : memref<32x80x128xi32, #tpu.memory_space<hbm>> -> memref<1x16x128xi32, #tpu.memory_space<hbm>>
    %dma_start3A_25 = tpu.memref_squeeze %dma_start3A_24 : memref<1x16x128xi32, #tpu.memory_space<hbm>> -> memref<16x128xi32, #tpu.memory_space<hbm>>
    tpu.enqueue_dma source(%dma_start3A_25 : memref<16x128xi32, #tpu.memory_space<hbm>>) target(%dma_start3A_21 : memref<16x128xi32, #tpu.memory_space<vmem>>) target_semaphore(%arg13 : memref<!tpu.dma_semaphore, #tpu.memory_space<semaphore_mem>>)
    %dma_start3A_26 = arith.constant 0 : i32
    %dma_start3A_27 = arith.constant 0 : i32
    %dma_start3A_28 = arith.constant 0 : i32
    %dma_start3A_29 = arith.constant 0 : i32
    %dma_start3A_30 = arith.constant 0 : i32
    %dma_start3A_31 = arith.constant 0 : i32
    %dma_start3A_32 = tpu.memref_slice %arg10[%dma_start3A_28, %dma_start3A_30, %dma_start3A_31] : memref<2x128x128xf32, #tpu.memory_space<vmem>> -> memref<1x128x128xf32, #tpu.memory_space<vmem>>
    %dma_start3A_33 = tpu.memref_squeeze %dma_start3A_32 : memref<1x128x128xf32, #tpu.memory_space<vmem>> -> memref<128x128xf32, #tpu.memory_space<vmem>>
    %dma_start3A_34 = arith.constant 0 : i32
    %dma_start3A_35 = tpu.memref_slice %arg8[%dma_start3A_26, %dma_start3A_27, %dma_start3A_34] : memref<2x16x128xi32, #tpu.memory_space<vmem>> -> memref<1x1x128xi32, #tpu.memory_space<vmem>>
    %dma_start3A_36 = tpu.memref_squeeze %dma_start3A_35 : memref<1x1x128xi32, #tpu.memory_space<vmem>> -> memref<128xi32, #tpu.memory_space<vmem>>
    %dma_start3A_37 = arith.constant 0 : i32
    %dma_start3A_38 = arith.constant 0 : i32
    %dma_start3A_39 = tpu.memref_slice %arg2[%dma_start3A_37, %dma_start3A_38] : memref<10112x128xf32, #tpu.memory_space<hbm>> -> memref<10112x128xf32, #tpu.memory_space<hbm>>
    %dma_start3A_40 = tpu.memref_slice %arg12[%dma_start3A_29] : memref<2x!tpu.dma_semaphore, #tpu.memory_space<semaphore_mem>> -> memref<1x!tpu.dma_semaphore, #tpu.memory_space<semaphore_mem>>
    %dma_start3A_41 = tpu.memref_squeeze %dma_start3A_40 : memref<1x!tpu.dma_semaphore, #tpu.memory_space<semaphore_mem>> -> memref<!tpu.dma_semaphore, #tpu.memory_space<semaphore_mem>>
    tpu.enqueue_indirect_dma source(%dma_start3A_39 : memref<10112x128xf32, #tpu.memory_space<hbm>>) target(%dma_start3A_33 : memref<128x128xf32, #tpu.memory_space<vmem>>) offsets(%dma_start3A_36 : memref<128xi32, #tpu.memory_space<vmem>>) semaphore(%dma_start3A_41 : memref<!tpu.dma_semaphore, #tpu.memory_space<semaphore_mem>>)
    %scan3A = arith.constant 0 : i32
    %scan3A_42 = arith.constant 0 : i32
    %scan3A_43 = arith.constant 80 : i32
    %scan3A_44 = arith.addi %scan3A_42, %scan3A_43 : i32
    %scan3A_45 = arith.constant 1 : i32
    scf.for %scan3A_58 = %scan3A_42 to %scan3A_44 step %scan3A_45  : i32 {
      %jit3A = arith.constant 2 : i32
      %eq3A_59 = arith.constant 0 : i32
      %eq3A_60 = arith.cmpi eq, %jit3A, %eq3A_59 : i32
      %jit3A_61 = arith.constant 1 : i32
      %select_n3A = arith.select %eq3A_60, %jit3A_61, %jit3A : i32
      %rem3A = arith.remsi %scan3A_58, %select_n3A : i32
      %ne3A = arith.constant 0 : i32
      %ne3A_62 = arith.cmpi ne, %rem3A, %ne3A : i32
      %lt3A = arith.constant 0 : i32
      %lt3A_63 = arith.cmpi slt, %rem3A, %lt3A : i32
      %lt3A_64 = arith.constant 0 : i32
      %lt3A_65 = arith.cmpi slt, %select_n3A, %lt3A_64 : i32
      %ne3A_66 = arith.xori %lt3A_63, %lt3A_65 : i1
      %and3A = arith.andi %ne3A_66, %ne3A_62 : i1
      %add3A_67 = arith.addi %rem3A, %select_n3A : i32
      %select_n3A_68 = arith.select %and3A, %add3A_67, %rem3A : i32
      %jit3A_69 = arith.constant 16 : i32
      %div3A = arith.divsi %scan3A_58, %jit3A_69 : i32
      %sign3A = arith.constant 0 : i32
      %sign3A_70 = arith.cmpi sgt, %scan3A_58, %sign3A : i32
      %sign3A_71 = arith.extui %sign3A_70 : i1 to i32
      %sign3A_72 = arith.constant 0 : i32
      %sign3A_73 = arith.cmpi slt, %scan3A_58, %sign3A_72 : i32
      %sign3A_74 = arith.extui %sign3A_73 : i1 to i32
      %sign3A_75 = arith.subi %sign3A_71, %sign3A_74 : i32
      %sign3A_76 = arith.constant 0 : i32
      %sign3A_77 = arith.cmpi sgt, %jit3A_69, %sign3A_76 : i32
      %sign3A_78 = arith.extui %sign3A_77 : i1 to i32
      %sign3A_79 = arith.constant 0 : i32
      %sign3A_80 = arith.cmpi slt, %jit3A_69, %sign3A_79 : i32
      %sign3A_81 = arith.extui %sign3A_80 : i1 to i32
      %sign3A_82 = arith.subi %sign3A_78, %sign3A_81 : i32
      %ne3A_83 = arith.cmpi ne, %sign3A_75, %sign3A_82 : i32
      %rem3A_84 = arith.remsi %scan3A_58, %jit3A_69 : i32
      %ne3A_85 = arith.constant 0 : i32
      %ne3A_86 = arith.cmpi ne, %rem3A_84, %ne3A_85 : i32
      %and3A_87 = arith.andi %ne3A_83, %ne3A_86 : i1
      %sub3A = arith.constant 1 : i32
      %sub3A_88 = arith.subi %div3A, %sub3A : i32
      %select_n3A_89 = arith.select %and3A_87, %sub3A_88, %div3A : i32
      %add3A_90 = arith.constant 1 : i32
      %add3A_91 = arith.addi %select_n3A_89, %add3A_90 : i32
      %jit3A_92 = arith.constant 2 : i32
      %eq3A_93 = arith.constant 0 : i32
      %eq3A_94 = arith.cmpi eq, %jit3A_92, %eq3A_93 : i32
      %jit3A_95 = arith.constant 1 : i32
      %select_n3A_96 = arith.select %eq3A_94, %jit3A_95, %jit3A_92 : i32
      %rem3A_97 = arith.remsi %add3A_91, %select_n3A_96 : i32
      %ne3A_98 = arith.constant 0 : i32
      %ne3A_99 = arith.cmpi ne, %rem3A_97, %ne3A_98 : i32
      %lt3A_100 = arith.constant 0 : i32
      %lt3A_101 = arith.cmpi slt, %rem3A_97, %lt3A_100 : i32
      %lt3A_102 = arith.constant 0 : i32
      %lt3A_103 = arith.cmpi slt, %select_n3A_96, %lt3A_102 : i32
      %ne3A_104 = arith.xori %lt3A_101, %lt3A_103 : i1
      %and3A_105 = arith.andi %ne3A_104, %ne3A_99 : i1
      %add3A_106 = arith.addi %rem3A_97, %select_n3A_96 : i32
      %select_n3A_107 = arith.select %and3A_105, %add3A_106, %rem3A_97 : i32
      %jit3A_108 = arith.constant 16 : i32
      %eq3A_109 = arith.constant 0 : i32
      %eq3A_110 = arith.cmpi eq, %jit3A_108, %eq3A_109 : i32
      %jit3A_111 = arith.constant 1 : i32
      %select_n3A_112 = arith.select %eq3A_110, %jit3A_111, %jit3A_108 : i32
      %rem3A_113 = arith.remsi %scan3A_58, %select_n3A_112 : i32
      %ne3A_114 = arith.constant 0 : i32
      %ne3A_115 = arith.cmpi ne, %rem3A_113, %ne3A_114 : i32
      %lt3A_116 = arith.constant 0 : i32
      %lt3A_117 = arith.cmpi slt, %rem3A_113, %lt3A_116 : i32
      %lt3A_118 = arith.constant 0 : i32
      %lt3A_119 = arith.cmpi slt, %select_n3A_112, %lt3A_118 : i32
      %ne3A_120 = arith.xori %lt3A_117, %lt3A_119 : i1
      %and3A_121 = arith.andi %ne3A_120, %ne3A_115 : i1
      %add3A_122 = arith.addi %rem3A_113, %select_n3A_112 : i32
      %select_n3A_123 = arith.select %and3A_121, %add3A_122, %rem3A_113 : i32
      %eq3A_124 = arith.constant 15 : i32
      %eq3A_125 = arith.cmpi eq, %select_n3A_123, %eq3A_124 : i32
      %add3A_126 = arith.constant 1 : i32
      %add3A_127 = arith.addi %scan3A_58, %add3A_126 : i32
      %lt3A_128 = arith.constant 80 : i32
      %lt3A_129 = arith.cmpi slt, %add3A_127, %lt3A_128 : i32
      %and3A_130 = arith.andi %eq3A_125, %lt3A_129 : i1
      %convert_element_type3A_131 = arith.extui %and3A_130 : i1 to i32
      %cond3A_132 = arith.constant 0 : i32
      %cond3A_133 = arith.cmpi ne, %convert_element_type3A_131, %cond3A_132 : i32
      scf.if %cond3A_133 {
        %dma_wait3A_184 = arith.constant 0 : i32
        %dma_wait3A_185 = arith.constant 0 : i32
        %dma_wait3A_186 = tpu.memref_slice %arg8[%select_n3A_107, %dma_wait3A_184, %dma_wait3A_185] : memref<2x16x128xi32, #tpu.memory_space<vmem>> -> memref<1x16x128xi32, #tpu.memory_space<vmem>>
        %dma_wait3A_187 = tpu.memref_squeeze %dma_wait3A_186 : memref<1x16x128xi32, #tpu.memory_space<vmem>> -> memref<16x128xi32, #tpu.memory_space<vmem>>
        %dma_wait3A_188 = arith.constant 0 : i32
        %dma_wait3A_189 = arith.constant 0 : i32
        %dma_wait3A_190 = tpu.memref_slice %arg4[%add3A, %dma_wait3A_188, %dma_wait3A_189] : memref<32x80x128xi32, #tpu.memory_space<hbm>> -> memref<1x16x128xi32, #tpu.memory_space<hbm>>
        %dma_wait3A_191 = tpu.memref_squeeze %dma_wait3A_190 : memref<1x16x128xi32, #tpu.memory_space<hbm>> -> memref<16x128xi32, #tpu.memory_space<hbm>>
        %dma_wait3A_192 = arith.constant 0 : i32
        %dma_wait3A_193 = arith.constant 0 : i32
        %dma_wait3A_194 = tpu.memref_slice %arg8[%select_n3A_107, %dma_wait3A_192, %dma_wait3A_193] : memref<2x16x128xi32, #tpu.memory_space<vmem>> -> memref<1x16x128xi32, #tpu.memory_space<vmem>>
        %dma_wait3A_195 = tpu.memref_squeeze %dma_wait3A_194 : memref<1x16x128xi32, #tpu.memory_space<vmem>> -> memref<16x128xi32, #tpu.memory_space<vmem>>
        %dma_wait3A_196 = arith.constant 0 : i32
        %dma_wait3A_197 = arith.constant 0 : i32
        %dma_wait3A_198 = tpu.memref_slice %arg4[%add3A, %dma_wait3A_196, %dma_wait3A_197] : memref<32x80x128xi32, #tpu.memory_space<hbm>> -> memref<1x16x128xi32, #tpu.memory_space<hbm>>
        %dma_wait3A_199 = tpu.memref_squeeze %dma_wait3A_198 : memref<1x16x128xi32, #tpu.memory_space<hbm>> -> memref<16x128xi32, #tpu.memory_space<hbm>>
        tpu.wait_dma2 semaphore(%arg13 : memref<!tpu.dma_semaphore, #tpu.memory_space<semaphore_mem>>) src(%dma_wait3A_199 : memref<16x128xi32, #tpu.memory_space<hbm>>) dst(%dma_wait3A_195 : memref<16x128xi32, #tpu.memory_space<vmem>>)
        %add3A_200 = arith.constant 1 : i32
        %add3A_201 = arith.addi %scan3A_58, %add3A_200 : i32
        %add3A_202 = arith.constant 16 : i32
        %add3A_203 = arith.addi %add3A_201, %add3A_202 : i32
        %lt3A_204 = arith.constant 80 : i32
        %lt3A_205 = arith.cmpi slt, %add3A_203, %lt3A_204 : i32
        %convert_element_type3A_206 = arith.extui %lt3A_205 : i1 to i32
        %cond3A_207 = arith.constant 0 : i32
        %cond3A_208 = arith.cmpi ne, %convert_element_type3A_206, %cond3A_207 : i32
        scf.if %cond3A_208 {
          %add3A_209 = arith.constant 2 : i32
          %add3A_210 = arith.addi %select_n3A_89, %add3A_209 : i32
          %mul3A_211 = arith.constant 16 : i32
          %mul3A_212 = arith.muli %add3A_210, %mul3A_211 : i32
          %multiple_of3A = tpu.assume_multiple %mul3A_212, 16 : i32
          %jit3A_213 = arith.constant 2 : i32
          %eq3A_214 = arith.constant 0 : i32
          %eq3A_215 = arith.cmpi eq, %jit3A_213, %eq3A_214 : i32
          %jit3A_216 = arith.constant 1 : i32
          %select_n3A_217 = arith.select %eq3A_215, %jit3A_216, %jit3A_213 : i32
          %rem3A_218 = arith.remsi %select_n3A_89, %select_n3A_217 : i32
          %ne3A_219 = arith.constant 0 : i32
          %ne3A_220 = arith.cmpi ne, %rem3A_218, %ne3A_219 : i32
          %lt3A_221 = arith.constant 0 : i32
          %lt3A_222 = arith.cmpi slt, %rem3A_218, %lt3A_221 : i32
          %lt3A_223 = arith.constant 0 : i32
          %lt3A_224 = arith.cmpi slt, %select_n3A_217, %lt3A_223 : i32
          %ne3A_225 = arith.xori %lt3A_222, %lt3A_224 : i1
          %and3A_226 = arith.andi %ne3A_225, %ne3A_220 : i1
          %add3A_227 = arith.addi %rem3A_218, %select_n3A_217 : i32
          %select_n3A_228 = arith.select %and3A_226, %add3A_227, %rem3A_218 : i32
          %dma_start3A_229 = arith.constant 0 : i32
          %dma_start3A_230 = arith.constant 0 : i32
          %dma_start3A_231 = tpu.memref_slice %arg8[%select_n3A_228, %dma_start3A_229, %dma_start3A_230] : memref<2x16x128xi32, #tpu.memory_space<vmem>> -> memref<1x16x128xi32, #tpu.memory_space<vmem>>
          %dma_start3A_232 = tpu.memref_squeeze %dma_start3A_231 : memref<1x16x128xi32, #tpu.memory_space<vmem>> -> memref<16x128xi32, #tpu.memory_space<vmem>>
          %dma_start3A_233 = arith.constant 0 : i32
          %dma_start3A_234 = tpu.memref_slice %arg4[%add3A, %multiple_of3A, %dma_start3A_233] : memref<32x80x128xi32, #tpu.memory_space<hbm>> -> memref<1x16x128xi32, #tpu.memory_space<hbm>>
          %dma_start3A_235 = tpu.memref_squeeze %dma_start3A_234 : memref<1x16x128xi32, #tpu.memory_space<hbm>> -> memref<16x128xi32, #tpu.memory_space<hbm>>
          %dma_start3A_236 = arith.constant 0 : i32
          %dma_start3A_237 = arith.constant 0 : i32
          %dma_start3A_238 = tpu.memref_slice %arg8[%select_n3A_228, %dma_start3A_236, %dma_start3A_237] : memref<2x16x128xi32, #tpu.memory_space<vmem>> -> memref<1x16x128xi32, #tpu.memory_space<vmem>>
          %dma_start3A_239 = tpu.memref_squeeze %dma_start3A_238 : memref<1x16x128xi32, #tpu.memory_space<vmem>> -> memref<16x128xi32, #tpu.memory_space<vmem>>
          %dma_start3A_240 = arith.constant 0 : i32
          %dma_start3A_241 = tpu.memref_slice %arg4[%add3A, %multiple_of3A, %dma_start3A_240] : memref<32x80x128xi32, #tpu.memory_space<hbm>> -> memref<1x16x128xi32, #tpu.memory_space<hbm>>
          %dma_start3A_242 = tpu.memref_squeeze %dma_start3A_241 : memref<1x16x128xi32, #tpu.memory_space<hbm>> -> memref<16x128xi32, #tpu.memory_space<hbm>>
          tpu.enqueue_dma source(%dma_start3A_242 : memref<16x128xi32, #tpu.memory_space<hbm>>) target(%dma_start3A_239 : memref<16x128xi32, #tpu.memory_space<vmem>>) target_semaphore(%arg13 : memref<!tpu.dma_semaphore, #tpu.memory_space<semaphore_mem>>)
        } else {
        }
      } else {
      }
      %add3A_134 = arith.constant 1 : i32
      %add3A_135 = arith.addi %scan3A_58, %add3A_134 : i32
      %lt3A_136 = arith.constant 80 : i32
      %lt3A_137 = arith.cmpi slt, %add3A_135, %lt3A_136 : i32
      %convert_element_type3A_138 = arith.extui %lt3A_137 : i1 to i32
      %cond3A_139 = arith.constant 0 : i32
      %cond3A_140 = arith.cmpi ne, %convert_element_type3A_138, %cond3A_139 : i32
      scf.if %cond3A_140 {
        %add3A_184 = arith.constant 1 : i32
        %add3A_185 = arith.addi %scan3A_58, %add3A_184 : i32
        %jit3A_186 = arith.constant 16 : i32
        %div3A_187 = arith.divsi %add3A_185, %jit3A_186 : i32
        %sign3A_188 = arith.constant 0 : i32
        %sign3A_189 = arith.cmpi sgt, %add3A_185, %sign3A_188 : i32
        %sign3A_190 = arith.extui %sign3A_189 : i1 to i32
        %sign3A_191 = arith.constant 0 : i32
        %sign3A_192 = arith.cmpi slt, %add3A_185, %sign3A_191 : i32
        %sign3A_193 = arith.extui %sign3A_192 : i1 to i32
        %sign3A_194 = arith.subi %sign3A_190, %sign3A_193 : i32
        %sign3A_195 = arith.constant 0 : i32
        %sign3A_196 = arith.cmpi sgt, %jit3A_186, %sign3A_195 : i32
        %sign3A_197 = arith.extui %sign3A_196 : i1 to i32
        %sign3A_198 = arith.constant 0 : i32
        %sign3A_199 = arith.cmpi slt, %jit3A_186, %sign3A_198 : i32
        %sign3A_200 = arith.extui %sign3A_199 : i1 to i32
        %sign3A_201 = arith.subi %sign3A_197, %sign3A_200 : i32
        %ne3A_202 = arith.cmpi ne, %sign3A_194, %sign3A_201 : i32
        %rem3A_203 = arith.remsi %add3A_185, %jit3A_186 : i32
        %ne3A_204 = arith.constant 0 : i32
        %ne3A_205 = arith.cmpi ne, %rem3A_203, %ne3A_204 : i32
        %and3A_206 = arith.andi %ne3A_202, %ne3A_205 : i1
        %sub3A_207 = arith.constant 1 : i32
        %sub3A_208 = arith.subi %div3A_187, %sub3A_207 : i32
        %select_n3A_209 = arith.select %and3A_206, %sub3A_208, %div3A_187 : i32
        %jit3A_210 = arith.constant 2 : i32
        %eq3A_211 = arith.constant 0 : i32
        %eq3A_212 = arith.cmpi eq, %jit3A_210, %eq3A_211 : i32
        %jit3A_213 = arith.constant 1 : i32
        %select_n3A_214 = arith.select %eq3A_212, %jit3A_213, %jit3A_210 : i32
        %rem3A_215 = arith.remsi %select_n3A_209, %select_n3A_214 : i32
        %ne3A_216 = arith.constant 0 : i32
        %ne3A_217 = arith.cmpi ne, %rem3A_215, %ne3A_216 : i32
        %lt3A_218 = arith.constant 0 : i32
        %lt3A_219 = arith.cmpi slt, %rem3A_215, %lt3A_218 : i32
        %lt3A_220 = arith.constant 0 : i32
        %lt3A_221 = arith.cmpi slt, %select_n3A_214, %lt3A_220 : i32
        %ne3A_222 = arith.xori %lt3A_219, %lt3A_221 : i1
        %and3A_223 = arith.andi %ne3A_222, %ne3A_217 : i1
        %add3A_224 = arith.addi %rem3A_215, %select_n3A_214 : i32
        %select_n3A_225 = arith.select %and3A_223, %add3A_224, %rem3A_215 : i32
        %jit3A_226 = arith.constant 16 : i32
        %eq3A_227 = arith.constant 0 : i32
        %eq3A_228 = arith.cmpi eq, %jit3A_226, %eq3A_227 : i32
        %jit3A_229 = arith.constant 1 : i32
        %select_n3A_230 = arith.select %eq3A_228, %jit3A_229, %jit3A_226 : i32
        %rem3A_231 = arith.remsi %add3A_185, %select_n3A_230 : i32
        %ne3A_232 = arith.constant 0 : i32
        %ne3A_233 = arith.cmpi ne, %rem3A_231, %ne3A_232 : i32
        %lt3A_234 = arith.constant 0 : i32
        %lt3A_235 = arith.cmpi slt, %rem3A_231, %lt3A_234 : i32
        %lt3A_236 = arith.constant 0 : i32
        %lt3A_237 = arith.cmpi slt, %select_n3A_230, %lt3A_236 : i32
        %ne3A_238 = arith.xori %lt3A_235, %lt3A_237 : i1
        %and3A_239 = arith.andi %ne3A_238, %ne3A_233 : i1
        %add3A_240 = arith.addi %rem3A_231, %select_n3A_230 : i32
        %select_n3A_241 = arith.select %and3A_239, %add3A_240, %rem3A_231 : i32
        %sub3A_242 = arith.constant 1 : i32
        %sub3A_243 = arith.subi %sub3A_242, %select_n3A_68 : i32
        %sub3A_244 = arith.constant 1 : i32
        %sub3A_245 = arith.subi %sub3A_244, %select_n3A_68 : i32
        %dma_start3A_246 = arith.constant 0 : i32
        %dma_start3A_247 = arith.constant 0 : i32
        %dma_start3A_248 = tpu.memref_slice %arg10[%sub3A_243, %dma_start3A_246, %dma_start3A_247] : memref<2x128x128xf32, #tpu.memory_space<vmem>> -> memref<1x128x128xf32, #tpu.memory_space<vmem>>
        %dma_start3A_249 = tpu.memref_squeeze %dma_start3A_248 : memref<1x128x128xf32, #tpu.memory_space<vmem>> -> memref<128x128xf32, #tpu.memory_space<vmem>>
        %dma_start3A_250 = arith.constant 0 : i32
        %dma_start3A_251 = tpu.memref_slice %arg8[%select_n3A_225, %select_n3A_241, %dma_start3A_250] : memref<2x16x128xi32, #tpu.memory_space<vmem>> -> memref<1x1x128xi32, #tpu.memory_space<vmem>>
        %dma_start3A_252 = tpu.memref_squeeze %dma_start3A_251 : memref<1x1x128xi32, #tpu.memory_space<vmem>> -> memref<128xi32, #tpu.memory_space<vmem>>
        %dma_start3A_253 = arith.constant 0 : i32
        %dma_start3A_254 = arith.constant 0 : i32
        %dma_start3A_255 = tpu.memref_slice %arg2[%dma_start3A_253, %dma_start3A_254] : memref<10112x128xf32, #tpu.memory_space<hbm>> -> memref<10112x128xf32, #tpu.memory_space<hbm>>
        %dma_start3A_256 = tpu.memref_slice %arg12[%sub3A_245] : memref<2x!tpu.dma_semaphore, #tpu.memory_space<semaphore_mem>> -> memref<1x!tpu.dma_semaphore, #tpu.memory_space<semaphore_mem>>
        %dma_start3A_257 = tpu.memref_squeeze %dma_start3A_256 : memref<1x!tpu.dma_semaphore, #tpu.memory_space<semaphore_mem>> -> memref<!tpu.dma_semaphore, #tpu.memory_space<semaphore_mem>>
        tpu.enqueue_indirect_dma source(%dma_start3A_255 : memref<10112x128xf32, #tpu.memory_space<hbm>>) target(%dma_start3A_249 : memref<128x128xf32, #tpu.memory_space<vmem>>) offsets(%dma_start3A_252 : memref<128xi32, #tpu.memory_space<vmem>>) semaphore(%dma_start3A_257 : memref<!tpu.dma_semaphore, #tpu.memory_space<semaphore_mem>>)
      } else {
      }
      %jit3A_141 = arith.constant 2 : i32
      %eq3A_142 = arith.constant 0 : i32
      %eq3A_143 = arith.cmpi eq, %jit3A_141, %eq3A_142 : i32
      %jit3A_144 = arith.constant 1 : i32
      %select_n3A_145 = arith.select %eq3A_143, %jit3A_144, %jit3A_141 : i32
      %rem3A_146 = arith.remsi %select_n3A_89, %select_n3A_145 : i32
      %ne3A_147 = arith.constant 0 : i32
      %ne3A_148 = arith.cmpi ne, %rem3A_146, %ne3A_147 : i32
      %lt3A_149 = arith.constant 0 : i32
      %lt3A_150 = arith.cmpi slt, %rem3A_146, %lt3A_149 : i32
      %lt3A_151 = arith.constant 0 : i32
      %lt3A_152 = arith.cmpi slt, %select_n3A_145, %lt3A_151 : i32
      %ne3A_153 = arith.xori %lt3A_150, %lt3A_152 : i1
      %and3A_154 = arith.andi %ne3A_153, %ne3A_148 : i1
      %add3A_155 = arith.addi %rem3A_146, %select_n3A_145 : i32
      %select_n3A_156 = arith.select %and3A_154, %add3A_155, %rem3A_146 : i32
      %jit3A_157 = arith.constant 16 : i32
      %eq3A_158 = arith.constant 0 : i32
      %eq3A_159 = arith.cmpi eq, %jit3A_157, %eq3A_158 : i32
      %jit3A_160 = arith.constant 1 : i32
      %select_n3A_161 = arith.select %eq3A_159, %jit3A_160, %jit3A_157 : i32
      %rem3A_162 = arith.remsi %scan3A_58, %select_n3A_161 : i32
      %ne3A_163 = arith.constant 0 : i32
      %ne3A_164 = arith.cmpi ne, %rem3A_162, %ne3A_163 : i32
      %lt3A_165 = arith.constant 0 : i32
      %lt3A_166 = arith.cmpi slt, %rem3A_162, %lt3A_165 : i32
      %lt3A_167 = arith.constant 0 : i32
      %lt3A_168 = arith.cmpi slt, %select_n3A_161, %lt3A_167 : i32
      %ne3A_169 = arith.xori %lt3A_166, %lt3A_168 : i1
      %and3A_170 = arith.andi %ne3A_169, %ne3A_164 : i1
      %add3A_171 = arith.addi %rem3A_162, %select_n3A_161 : i32
      %select_n3A_172 = arith.select %and3A_170, %add3A_171, %rem3A_162 : i32
      %dma_wait3A = arith.constant 0 : i32
      %dma_wait3A_173 = arith.constant 0 : i32
      %dma_wait3A_174 = tpu.memref_slice %arg10[%select_n3A_68, %dma_wait3A, %dma_wait3A_173] : memref<2x128x128xf32, #tpu.memory_space<vmem>> -> memref<1x128x128xf32, #tpu.memory_space<vmem>>
      %dma_wait3A_175 = tpu.memref_squeeze %dma_wait3A_174 : memref<1x128x128xf32, #tpu.memory_space<vmem>> -> memref<128x128xf32, #tpu.memory_space<vmem>>
      %dma_wait3A_176 = arith.constant 0 : i32
      %dma_wait3A_177 = tpu.memref_slice %arg8[%select_n3A_156, %select_n3A_172, %dma_wait3A_176] : memref<2x16x128xi32, #tpu.memory_space<vmem>> -> memref<1x1x128xi32, #tpu.memory_space<vmem>>
      %dma_wait3A_178 = tpu.memref_squeeze %dma_wait3A_177 : memref<1x1x128xi32, #tpu.memory_space<vmem>> -> memref<128xi32, #tpu.memory_space<vmem>>
      %dma_wait3A_179 = arith.constant 0 : i32
      %dma_wait3A_180 = arith.constant 0 : i32
      %dma_wait3A_181 = tpu.memref_slice %arg2[%dma_wait3A_179, %dma_wait3A_180] : memref<10112x128xf32, #tpu.memory_space<hbm>> -> memref<10112x128xf32, #tpu.memory_space<hbm>>
      %dma_wait3A_182 = tpu.memref_slice %arg12[%select_n3A_68] : memref<2x!tpu.dma_semaphore, #tpu.memory_space<semaphore_mem>> -> memref<1x!tpu.dma_semaphore, #tpu.memory_space<semaphore_mem>>
      %dma_wait3A_183 = tpu.memref_squeeze %dma_wait3A_182 : memref<1x!tpu.dma_semaphore, #tpu.memory_space<semaphore_mem>> -> memref<!tpu.dma_semaphore, #tpu.memory_space<semaphore_mem>>
      tpu.wait_indirect_dma semaphore(%dma_wait3A_183 : memref<!tpu.dma_semaphore, #tpu.memory_space<semaphore_mem>>) src(%dma_wait3A_181 : memref<10112x128xf32, #tpu.memory_space<hbm>>) dst(%dma_wait3A_175 : memref<128x128xf32, #tpu.memory_space<vmem>>)
      "tpu.region"() ({
        %run_scoped3A_184 = tpu.sem_alloc : memref<!tpu.dma_semaphore, #tpu.memory_space<semaphore_mem>>
        %dma_start3A_185 = arith.constant 0 : i32
        %dma_start3A_186 = arith.constant 0 : i32
        %dma_start3A_187 = tpu.memref_slice %arg10[%select_n3A_68, %dma_start3A_185, %dma_start3A_186] : memref<2x128x128xf32, #tpu.memory_space<vmem>> -> memref<1x128x128xf32, #tpu.memory_space<vmem>>
        %dma_start3A_188 = tpu.memref_squeeze %dma_start3A_187 : memref<1x128x128xf32, #tpu.memory_space<vmem>> -> memref<128x128xf32, #tpu.memory_space<vmem>>
        %dma_start3A_189 = arith.constant 0 : i32
        %dma_start3A_190 = tpu.memref_slice %arg9[%scan3A_58, %dma_start3A_189] : memref<80x128xi32, #tpu.memory_space<vmem>> -> memref<1x128xi32, #tpu.memory_space<vmem>>
        %dma_start3A_191 = tpu.memref_squeeze %dma_start3A_190 : memref<1x128xi32, #tpu.memory_space<vmem>> -> memref<128xi32, #tpu.memory_space<vmem>>
        %dma_start3A_192 = arith.constant 0 : i32
        %dma_start3A_193 = arith.constant 0 : i32
        %dma_start3A_194 = tpu.memref_slice %arg11[%dma_start3A_192, %dma_start3A_193] : memref<10112x128xf32, #tpu.memory_space<vmem_shared>> -> memref<10112x128xf32, #tpu.memory_space<vmem_shared>>
        tpu.enqueue_indirect_dma source(%dma_start3A_188 : memref<128x128xf32, #tpu.memory_space<vmem>>) target(%dma_start3A_194 : memref<10112x128xf32, #tpu.memory_space<vmem_shared>>) offsets(%dma_start3A_191 : memref<128xi32, #tpu.memory_space<vmem>>) semaphore(%run_scoped3A_184 : memref<!tpu.dma_semaphore, #tpu.memory_space<semaphore_mem>>) {add = true}
        %dma_wait3A_195 = arith.constant 0 : i32
        %dma_wait3A_196 = arith.constant 0 : i32
        %dma_wait3A_197 = tpu.memref_slice %arg10[%select_n3A_68, %dma_wait3A_195, %dma_wait3A_196] : memref<2x128x128xf32, #tpu.memory_space<vmem>> -> memref<1x128x128xf32, #tpu.memory_space<vmem>>
        %dma_wait3A_198 = tpu.memref_squeeze %dma_wait3A_197 : memref<1x128x128xf32, #tpu.memory_space<vmem>> -> memref<128x128xf32, #tpu.memory_space<vmem>>
        %dma_wait3A_199 = arith.constant 0 : i32
        %dma_wait3A_200 = tpu.memref_slice %arg9[%scan3A_58, %dma_wait3A_199] : memref<80x128xi32, #tpu.memory_space<vmem>> -> memref<1x128xi32, #tpu.memory_space<vmem>>
        %dma_wait3A_201 = tpu.memref_squeeze %dma_wait3A_200 : memref<1x128xi32, #tpu.memory_space<vmem>> -> memref<128xi32, #tpu.memory_space<vmem>>
        %dma_wait3A_202 = arith.constant 0 : i32
        %dma_wait3A_203 = arith.constant 0 : i32
        %dma_wait3A_204 = tpu.memref_slice %arg11[%dma_wait3A_202, %dma_wait3A_203] : memref<10112x128xf32, #tpu.memory_space<vmem_shared>> -> memref<10112x128xf32, #tpu.memory_space<vmem_shared>>
        tpu.wait_indirect_dma semaphore(%run_scoped3A_184 : memref<!tpu.dma_semaphore, #tpu.memory_space<semaphore_mem>>) src(%dma_wait3A_198 : memref<128x128xf32, #tpu.memory_space<vmem>>) dst(%dma_wait3A_204 : memref<10112x128xf32, #tpu.memory_space<vmem_shared>>)
        tpu.yield
      }) : () -> ()
    }
    %scan3A_46 = arith.constant 80 : i32
    %barrier3A_47 = arith.constant 0 : index
    tpu.barrier barrier_id(%barrier3A_47)
    %eq3A_48 = arith.constant 0 : i32
    %eq3A_49 = arith.cmpi eq, %arg0, %eq3A_48 : i32
    %convert_element_type3A_50 = arith.extui %eq3A_49 : i1 to i32
    %cond3A_51 = arith.constant 0 : i32
    %cond3A_52 = arith.cmpi ne, %convert_element_type3A_50, %cond3A_51 : i32
    scf.if %cond3A_52 {
      "tpu.region"() ({
        %run_scoped3A_58 = tpu.sem_alloc : memref<!tpu.dma_semaphore, #tpu.memory_space<semaphore_mem>>
        %dma_start3A_59 = arith.constant 0 : i32
        %dma_start3A_60 = tpu.memref_slice %arg6[%mul3A_2, %dma_start3A_59] : memref<10112x128xf32, #tpu.memory_space<hbm>> -> memref<632x128xf32, #tpu.memory_space<hbm>>
        %dma_start3A_61 = arith.constant 0 : i32
        %dma_start3A_62 = tpu.memref_slice %arg11[%mul3A_2, %dma_start3A_61] : memref<10112x128xf32, #tpu.memory_space<vmem_shared>> -> memref<632x128xf32, #tpu.memory_space<vmem_shared>>
        tpu.enqueue_dma source(%dma_start3A_62 : memref<632x128xf32, #tpu.memory_space<vmem_shared>>) target(%dma_start3A_60 : memref<632x128xf32, #tpu.memory_space<hbm>>) target_semaphore(%run_scoped3A_58 : memref<!tpu.dma_semaphore, #tpu.memory_space<semaphore_mem>>)
        %dma_wait3A = arith.constant 0 : i32
        %dma_wait3A_63 = tpu.memref_slice %arg6[%mul3A_2, %dma_wait3A] : memref<10112x128xf32, #tpu.memory_space<hbm>> -> memref<632x128xf32, #tpu.memory_space<hbm>>
        %dma_wait3A_64 = arith.constant 0 : i32
        %dma_wait3A_65 = tpu.memref_slice %arg11[%mul3A_2, %dma_wait3A_64] : memref<10112x128xf32, #tpu.memory_space<vmem_shared>> -> memref<632x128xf32, #tpu.memory_space<vmem_shared>>
        tpu.wait_dma2 semaphore(%run_scoped3A_58 : memref<!tpu.dma_semaphore, #tpu.memory_space<semaphore_mem>>) src(%dma_wait3A_65 : memref<632x128xf32, #tpu.memory_space<vmem_shared>>) dst(%dma_wait3A_63 : memref<632x128xf32, #tpu.memory_space<hbm>>)
        tpu.yield
      }) : () -> ()
    } else {
    }
    %eq3A_53 = arith.constant 1 : i32
    %eq3A_54 = arith.cmpi eq, %arg0, %eq3A_53 : i32
    %convert_element_type3A_55 = arith.extui %eq3A_54 : i1 to i32
    %cond3A_56 = arith.constant 0 : i32
    %cond3A_57 = arith.cmpi ne, %convert_element_type3A_55, %cond3A_56 : i32
    scf.if %cond3A_57 {
      "tpu.region"() ({
        %run_scoped3A_58 = tpu.sem_alloc : memref<!tpu.dma_semaphore, #tpu.memory_space<semaphore_mem>>
        %dma_start3A_59 = arith.constant 0 : i32
        %dma_start3A_60 = tpu.memref_slice %arg7[%mul3A_2, %dma_start3A_59] : memref<10112x128xf32, #tpu.memory_space<hbm>> -> memref<632x128xf32, #tpu.memory_space<hbm>>
        %dma_start3A_61 = arith.constant 0 : i32
        %dma_start3A_62 = tpu.memref_slice %arg11[%mul3A_2, %dma_start3A_61] : memref<10112x128xf32, #tpu.memory_space<vmem_shared>> -> memref<632x128xf32, #tpu.memory_space<vmem_shared>>
        tpu.enqueue_dma source(%dma_start3A_62 : memref<632x128xf32, #tpu.memory_space<vmem_shared>>) target(%dma_start3A_60 : memref<632x128xf32, #tpu.memory_space<hbm>>) target_semaphore(%run_scoped3A_58 : memref<!tpu.dma_semaphore, #tpu.memory_space<semaphore_mem>>)
        %dma_wait3A = arith.constant 0 : i32
        %dma_wait3A_63 = tpu.memref_slice %arg7[%mul3A_2, %dma_wait3A] : memref<10112x128xf32, #tpu.memory_space<hbm>> -> memref<632x128xf32, #tpu.memory_space<hbm>>
        %dma_wait3A_64 = arith.constant 0 : i32
        %dma_wait3A_65 = tpu.memref_slice %arg11[%mul3A_2, %dma_wait3A_64] : memref<10112x128xf32, #tpu.memory_space<vmem_shared>> -> memref<632x128xf32, #tpu.memory_space<vmem_shared>>
        tpu.wait_dma2 semaphore(%run_scoped3A_58 : memref<!tpu.dma_semaphore, #tpu.memory_space<semaphore_mem>>) src(%dma_wait3A_65 : memref<632x128xf32, #tpu.memory_space<vmem_shared>>) dst(%dma_wait3A_63 : memref<632x128xf32, #tpu.memory_space<hbm>>)
        tpu.yield
      }) : () -> ()
    } else {
    }
    return
  }
}

module attributes {stable_mosaic.version = 14 : i64} {
  func.func @_t0_body(%arg0: i32, %arg1: memref<2528x128xf32, #tpu.memory_space<vmem>>, %arg2: memref<128x128xf32, #tpu.memory_space<vmem>>, %arg3: memref<1x128xf32, #tpu.memory_space<vmem>>, %arg4: memref<2528x1xf32, #tpu.memory_space<vmem>>, %arg5: memref<2528x128xf32, #tpu.memory_space<vmem>>, %arg6: memref<2528x128xf32, #tpu.memory_space<vmem>>) attributes {dimension_semantics = [#tpu.dimension_semantics<arbitrary>], iteration_bounds = array<i64: 4>, scalar_prefetch = 0 : i64, scratch_operands = 0 : i64, tpu.core_type = #tpu.core_type<tc>, window_params = [{transform_indices = @transform_0, window_bounds = array<i64: 2528, 128>}, {pipeline_mode = #tpu.pipeline_mode<synchronous>, transform_indices = @transform_1, window_bounds = array<i64: 128, 128>}, {pipeline_mode = #tpu.pipeline_mode<synchronous>, transform_indices = @transform_2, window_bounds = array<i64: 1, 128>}, {transform_indices = @transform_3, window_bounds = array<i64: 2528, 1>}, {transform_indices = @transform_4, window_bounds = array<i64: 2528, 128>}, {transform_indices = @transform_5, window_bounds = array<i64: 2528, 128>}]} {
    %get3A = arith.constant 0 : index
    %get3A_0 = arith.constant 0 : index
    %get3A_1 = vector.load %arg1[%get3A, %get3A_0] : memref<2528x128xf32, #tpu.memory_space<vmem>>, vector<2528x128xf32>
    %get3A_2 = arith.constant 0 : index
    %get3A_3 = arith.constant 0 : index
    %get3A_4 = vector.load %arg2[%get3A_2, %get3A_3] : memref<128x128xf32, #tpu.memory_space<vmem>>, vector<128x128xf32>
    %dot_general3A = arith.constant dense<0.000000e+00> : vector<2528x128xf32>
    %dot_general3A_5 = tpu.matmul %get3A_1, %get3A_4, %dot_general3A {dimension_numbers = #tpu.dot_dimension_numbers<[1], [1], [0], [0], [0, 0, 1, 0], [], []>, transpose_lhs_hint = false} : vector<2528x128xf32>, vector<128x128xf32>, vector<2528x128xf32> -> vector<2528x128xf32>
    %get3A_6 = arith.constant 0 : index
    %get3A_7 = arith.constant 0 : index
    %get3A_8 = vector.load %arg3[%get3A_6, %get3A_7] : memref<1x128xf32, #tpu.memory_space<vmem>>, vector<1x128xf32>
    %add3A = vector.broadcast %get3A_8 : vector<1x128xf32> to vector<2528x128xf32>
    %add3A_9 = arith.addf %dot_general3A_5, %add3A : vector<2528x128xf32>
    %max3A = arith.constant 0.000000e+00 : f32
    %max3A_10 = vector.broadcast %max3A : f32 to vector<2528x128xf32>
    %max3A_11 = arith.maximumf %add3A_9, %max3A_10 : vector<2528x128xf32>
    %get3A_12 = arith.constant 0 : index
    %get3A_13 = arith.constant 0 : index
    %get3A_14 = vector.load %arg4[%get3A_12, %get3A_13] : memref<2528x1xf32, #tpu.memory_space<vmem>>, vector<2528x1xf32>
    %add3A_15 = arith.constant 1.000000e+00 : f32
    %add3A_16 = vector.broadcast %add3A_15 : f32 to vector<2528x1xf32>
    %add3A_17 = arith.addf %add3A_16, %get3A_14 : vector<2528x1xf32>
    %rsqrt3A = math.rsqrt %add3A_17 : vector<2528x1xf32>
    %swap3A = arith.constant 0 : index
    %swap3A_18 = arith.constant 0 : index
    %swap3A_19 = vector.load %arg5[%swap3A, %swap3A_18] : memref<2528x128xf32, #tpu.memory_space<vmem>>, vector<2528x128xf32>
    tpu.vector_store %arg5[%swap3A, %swap3A_18], %max3A_11 {strides = array<i32>} : memref<2528x128xf32, #tpu.memory_space<vmem>>, vector<2528x128xf32>,
    %mul3A = vector.broadcast %rsqrt3A : vector<2528x1xf32> to vector<2528x128xf32>
    %mul3A_20 = arith.mulf %mul3A, %max3A_11 : vector<2528x128xf32>
    %swap3A_21 = arith.constant 0 : index
    %swap3A_22 = arith.constant 0 : index
    %swap3A_23 = vector.load %arg6[%swap3A_21, %swap3A_22] : memref<2528x128xf32, #tpu.memory_space<vmem>>, vector<2528x128xf32>
    tpu.vector_store %arg6[%swap3A_21, %swap3A_22], %mul3A_20 {strides = array<i32>} : memref<2528x128xf32, #tpu.memory_space<vmem>>, vector<2528x128xf32>,
    return
  }
  func.func @transform_0(%arg0: i32) -> (i32, i32) {
    %c0_i32 = arith.constant 0 : i32
    %c0_i32_0 = arith.constant 0 : i32
    return %arg0, %c0_i32 : i32, i32
  }
  func.func @transform_1(%arg0: i32) -> (i32, i32) {
    %c0_i32 = arith.constant 0 : i32
    %c0_i32_0 = arith.constant 0 : i32
    %c0_i32_1 = arith.constant 0 : i32
    return %c0_i32, %c0_i32_0 : i32, i32
  }
  func.func @transform_2(%arg0: i32) -> (i32, i32) {
    %c0_i32 = arith.constant 0 : i32
    %c0_i32_0 = arith.constant 0 : i32
    %c0_i32_1 = arith.constant 0 : i32
    return %c0_i32, %c0_i32_0 : i32, i32
  }
  func.func @transform_3(%arg0: i32) -> (i32, i32) {
    %c0_i32 = arith.constant 0 : i32
    %c0_i32_0 = arith.constant 0 : i32
    return %arg0, %c0_i32 : i32, i32
  }
  func.func @transform_4(%arg0: i32) -> (i32, i32) {
    %c0_i32 = arith.constant 0 : i32
    %c0_i32_0 = arith.constant 0 : i32
    return %arg0, %c0_i32 : i32, i32
  }
  func.func @transform_5(%arg0: i32) -> (i32, i32) {
    %c0_i32 = arith.constant 0 : i32
    %c0_i32_0 = arith.constant 0 : i32
    return %arg0, %c0_i32 : i32, i32
  }
}

module attributes {stable_mosaic.version = 14 : i64} {
  func.func @body(%arg0: i32, %arg1: memref<2528x128xf32, #tpu.memory_space<vmem>>, %arg2: memref<2528x128xf32, #tpu.memory_space<vmem>>, %arg3: memref<2528x128xf32, #tpu.memory_space<vmem>>, %arg4: memref<2528x1xf32, #tpu.memory_space<vmem>>, %arg5: memref<128x128xf32, #tpu.memory_space<vmem>>, %arg6: memref<2528x128xf32, #tpu.memory_space<vmem>>) attributes {dimension_semantics = [#tpu.dimension_semantics<arbitrary>], iteration_bounds = array<i64: 4>, scalar_prefetch = 0 : i64, scratch_operands = 0 : i64, tpu.core_type = #tpu.core_type<tc>, window_params = [{transform_indices = @transform_0, window_bounds = array<i64: 2528, 128>}, {transform_indices = @transform_1, window_bounds = array<i64: 2528, 128>}, {transform_indices = @transform_2, window_bounds = array<i64: 2528, 128>}, {transform_indices = @transform_3, window_bounds = array<i64: 2528, 1>}, {pipeline_mode = #tpu.pipeline_mode<synchronous>, transform_indices = @transform_4, window_bounds = array<i64: 128, 128>}, {transform_indices = @transform_5, window_bounds = array<i64: 2528, 128>}]} {
    %get3A = arith.constant 0 : index
    %get3A_0 = arith.constant 0 : index
    %get3A_1 = vector.load %arg4[%get3A, %get3A_0] : memref<2528x1xf32, #tpu.memory_space<vmem>>, vector<2528x1xf32>
    %add3A = arith.constant 1.000000e+00 : f32
    %add3A_2 = vector.broadcast %add3A : f32 to vector<2528x1xf32>
    %add3A_3 = arith.addf %add3A_2, %get3A_1 : vector<2528x1xf32>
    %rsqrt3A = math.rsqrt %add3A_3 : vector<2528x1xf32>
    %get3A_4 = arith.constant 0 : index
    %get3A_5 = arith.constant 0 : index
    %get3A_6 = vector.load %arg1[%get3A_4, %get3A_5] : memref<2528x128xf32, #tpu.memory_space<vmem>>, vector<2528x128xf32>
    %get3A_7 = arith.constant 0 : index
    %get3A_8 = arith.constant 0 : index
    %get3A_9 = vector.load %arg2[%get3A_7, %get3A_8] : memref<2528x128xf32, #tpu.memory_space<vmem>>, vector<2528x128xf32>
    %add3A_10 = arith.addf %get3A_6, %get3A_9 : vector<2528x128xf32>
    %mul3A = vector.broadcast %rsqrt3A : vector<2528x1xf32> to vector<2528x128xf32>
    %mul3A_11 = arith.mulf %mul3A, %add3A_10 : vector<2528x128xf32>
    %mul3A_12 = arith.constant 0.899999976 : f32
    %mul3A_13 = vector.broadcast %mul3A_12 : f32 to vector<2528x128xf32>
    %mul3A_14 = arith.mulf %mul3A_13, %mul3A_11 : vector<2528x128xf32>
    %get3A_15 = arith.constant 0 : index
    %get3A_16 = arith.constant 0 : index
    %get3A_17 = vector.load %arg3[%get3A_15, %get3A_16] : memref<2528x128xf32, #tpu.memory_space<vmem>>, vector<2528x128xf32>
    %mul3A_18 = arith.constant 1.000000e-01 : f32
    %mul3A_19 = vector.broadcast %mul3A_18 : f32 to vector<2528x128xf32>
    %mul3A_20 = arith.mulf %mul3A_19, %get3A_17 : vector<2528x128xf32>
    %add3A_21 = arith.addf %mul3A_14, %mul3A_20 : vector<2528x128xf32>
    %mul3A_22 = arith.constant 0.594534874 : f32
    %mul3A_23 = vector.broadcast %mul3A_22 : f32 to vector<2528x128xf32>
    %mul3A_24 = arith.mulf %mul3A_23, %add3A_21 : vector<2528x128xf32>
    %get3A_25 = arith.constant 0 : index
    %get3A_26 = arith.constant 0 : index
    %get3A_27 = vector.load %arg5[%get3A_25, %get3A_26] : memref<128x128xf32, #tpu.memory_space<vmem>>, vector<128x128xf32>
    %dot_general3A = arith.constant dense<0.000000e+00> : vector<2528x128xf32>
    %dot_general3A_28 = tpu.matmul %add3A_21, %get3A_27, %dot_general3A {dimension_numbers = #tpu.dot_dimension_numbers<[1], [0], [0], [1], [0, 0, 1, 1], [], []>, transpose_lhs_hint = false} : vector<2528x128xf32>, vector<128x128xf32>, vector<2528x128xf32> -> vector<2528x128xf32>
    %mul3A_29 = arith.constant 0.405465096 : f32
    %mul3A_30 = vector.broadcast %mul3A_29 : f32 to vector<2528x128xf32>
    %mul3A_31 = arith.mulf %mul3A_30, %dot_general3A_28 : vector<2528x128xf32>
    %add3A_32 = arith.addf %mul3A_24, %mul3A_31 : vector<2528x128xf32>
    %max3A = arith.constant 0.000000e+00 : f32
    %max3A_33 = vector.broadcast %max3A : f32 to vector<2528x128xf32>
    %max3A_34 = arith.maximumf %add3A_32, %max3A_33 : vector<2528x128xf32>
    %mul3A_35 = vector.broadcast %rsqrt3A : vector<2528x1xf32> to vector<2528x128xf32>
    %mul3A_36 = arith.mulf %mul3A_35, %max3A_34 : vector<2528x128xf32>
    %swap3A = arith.constant 0 : index
    %swap3A_37 = arith.constant 0 : index
    %swap3A_38 = vector.load %arg6[%swap3A, %swap3A_37] : memref<2528x128xf32, #tpu.memory_space<vmem>>, vector<2528x128xf32>
    tpu.vector_store %arg6[%swap3A, %swap3A_37], %mul3A_36 {strides = array<i32>} : memref<2528x128xf32, #tpu.memory_space<vmem>>, vector<2528x128xf32>,
    return
  }
  func.func @transform_0(%arg0: i32) -> (i32, i32) {
    %c0_i32 = arith.constant 0 : i32
    %c0_i32_0 = arith.constant 0 : i32
    return %arg0, %c0_i32 : i32, i32
  }
  func.func @transform_1(%arg0: i32) -> (i32, i32) {
    %c0_i32 = arith.constant 0 : i32
    %c0_i32_0 = arith.constant 0 : i32
    return %arg0, %c0_i32 : i32, i32
  }
  func.func @transform_2(%arg0: i32) -> (i32, i32) {
    %c0_i32 = arith.constant 0 : i32
    %c0_i32_0 = arith.constant 0 : i32
    return %arg0, %c0_i32 : i32, i32
  }
  func.func @transform_3(%arg0: i32) -> (i32, i32) {
    %c0_i32 = arith.constant 0 : i32
    %c0_i32_0 = arith.constant 0 : i32
    return %arg0, %c0_i32 : i32, i32
  }
  func.func @transform_4(%arg0: i32) -> (i32, i32) {
    %c0_i32 = arith.constant 0 : i32
    %c0_i32_0 = arith.constant 0 : i32
    %c0_i32_1 = arith.constant 0 : i32
    return %c0_i32, %c0_i32_0 : i32, i32
  }
  func.func @transform_5(%arg0: i32) -> (i32, i32) {
    %c0_i32 = arith.constant 0 : i32
    %c0_i32_0 = arith.constant 0 : i32
    return %arg0, %c0_i32 : i32, i32
  }
}

module attributes {stable_mosaic.version = 14 : i64} {
  func.func @body(%arg0: i32, %arg1: memref<2528x128xf32, #tpu.memory_space<vmem>>, %arg2: memref<2528x128xf32, #tpu.memory_space<vmem>>, %arg3: memref<2528x128xf32, #tpu.memory_space<vmem>>, %arg4: memref<2528x1xf32, #tpu.memory_space<vmem>>, %arg5: memref<128x128xf32, #tpu.memory_space<vmem>>, %arg6: memref<2528x128xf32, #tpu.memory_space<vmem>>) attributes {dimension_semantics = [#tpu.dimension_semantics<arbitrary>], iteration_bounds = array<i64: 4>, scalar_prefetch = 0 : i64, scratch_operands = 0 : i64, tpu.core_type = #tpu.core_type<tc>, window_params = [{transform_indices = @transform_0, window_bounds = array<i64: 2528, 128>}, {transform_indices = @transform_1, window_bounds = array<i64: 2528, 128>}, {transform_indices = @transform_2, window_bounds = array<i64: 2528, 128>}, {transform_indices = @transform_3, window_bounds = array<i64: 2528, 1>}, {pipeline_mode = #tpu.pipeline_mode<synchronous>, transform_indices = @transform_4, window_bounds = array<i64: 128, 128>}, {transform_indices = @transform_5, window_bounds = array<i64: 2528, 128>}]} {
    %get3A = arith.constant 0 : index
    %get3A_0 = arith.constant 0 : index
    %get3A_1 = vector.load %arg4[%get3A, %get3A_0] : memref<2528x1xf32, #tpu.memory_space<vmem>>, vector<2528x1xf32>
    %add3A = arith.constant 1.000000e+00 : f32
    %add3A_2 = vector.broadcast %add3A : f32 to vector<2528x1xf32>
    %add3A_3 = arith.addf %add3A_2, %get3A_1 : vector<2528x1xf32>
    %rsqrt3A = math.rsqrt %add3A_3 : vector<2528x1xf32>
    %get3A_4 = arith.constant 0 : index
    %get3A_5 = arith.constant 0 : index
    %get3A_6 = vector.load %arg1[%get3A_4, %get3A_5] : memref<2528x128xf32, #tpu.memory_space<vmem>>, vector<2528x128xf32>
    %get3A_7 = arith.constant 0 : index
    %get3A_8 = arith.constant 0 : index
    %get3A_9 = vector.load %arg2[%get3A_7, %get3A_8] : memref<2528x128xf32, #tpu.memory_space<vmem>>, vector<2528x128xf32>
    %add3A_10 = arith.addf %get3A_6, %get3A_9 : vector<2528x128xf32>
    %mul3A = vector.broadcast %rsqrt3A : vector<2528x1xf32> to vector<2528x128xf32>
    %mul3A_11 = arith.mulf %mul3A, %add3A_10 : vector<2528x128xf32>
    %mul3A_12 = arith.constant 0.899999976 : f32
    %mul3A_13 = vector.broadcast %mul3A_12 : f32 to vector<2528x128xf32>
    %mul3A_14 = arith.mulf %mul3A_13, %mul3A_11 : vector<2528x128xf32>
    %get3A_15 = arith.constant 0 : index
    %get3A_16 = arith.constant 0 : index
    %get3A_17 = vector.load %arg3[%get3A_15, %get3A_16] : memref<2528x128xf32, #tpu.memory_space<vmem>>, vector<2528x128xf32>
    %mul3A_18 = arith.constant 1.000000e-01 : f32
    %mul3A_19 = vector.broadcast %mul3A_18 : f32 to vector<2528x128xf32>
    %mul3A_20 = arith.mulf %mul3A_19, %get3A_17 : vector<2528x128xf32>
    %add3A_21 = arith.addf %mul3A_14, %mul3A_20 : vector<2528x128xf32>
    %mul3A_22 = arith.constant 0.776856422 : f32
    %mul3A_23 = vector.broadcast %mul3A_22 : f32 to vector<2528x128xf32>
    %mul3A_24 = arith.mulf %mul3A_23, %add3A_21 : vector<2528x128xf32>
    %get3A_25 = arith.constant 0 : index
    %get3A_26 = arith.constant 0 : index
    %get3A_27 = vector.load %arg5[%get3A_25, %get3A_26] : memref<128x128xf32, #tpu.memory_space<vmem>>, vector<128x128xf32>
    %dot_general3A = arith.constant dense<0.000000e+00> : vector<2528x128xf32>
    %dot_general3A_28 = tpu.matmul %add3A_21, %get3A_27, %dot_general3A {dimension_numbers = #tpu.dot_dimension_numbers<[1], [0], [0], [1], [0, 0, 1, 1], [], []>, transpose_lhs_hint = false} : vector<2528x128xf32>, vector<128x128xf32>, vector<2528x128xf32> -> vector<2528x128xf32>
    %mul3A_29 = arith.constant 0.223143548 : f32
    %mul3A_30 = vector.broadcast %mul3A_29 : f32 to vector<2528x128xf32>
    %mul3A_31 = arith.mulf %mul3A_30, %dot_general3A_28 : vector<2528x128xf32>
    %add3A_32 = arith.addf %mul3A_24, %mul3A_31 : vector<2528x128xf32>
    %max3A = arith.constant 0.000000e+00 : f32
    %max3A_33 = vector.broadcast %max3A : f32 to vector<2528x128xf32>
    %max3A_34 = arith.maximumf %add3A_32, %max3A_33 : vector<2528x128xf32>
    %mul3A_35 = vector.broadcast %rsqrt3A : vector<2528x1xf32> to vector<2528x128xf32>
    %mul3A_36 = arith.mulf %mul3A_35, %max3A_34 : vector<2528x128xf32>
    %swap3A = arith.constant 0 : index
    %swap3A_37 = arith.constant 0 : index
    %swap3A_38 = vector.load %arg6[%swap3A, %swap3A_37] : memref<2528x128xf32, #tpu.memory_space<vmem>>, vector<2528x128xf32>
    tpu.vector_store %arg6[%swap3A, %swap3A_37], %mul3A_36 {strides = array<i32>} : memref<2528x128xf32, #tpu.memory_space<vmem>>, vector<2528x128xf32>,
    return
  }
  func.func @transform_0(%arg0: i32) -> (i32, i32) {
    %c0_i32 = arith.constant 0 : i32
    %c0_i32_0 = arith.constant 0 : i32
    return %arg0, %c0_i32 : i32, i32
  }
  func.func @transform_1(%arg0: i32) -> (i32, i32) {
    %c0_i32 = arith.constant 0 : i32
    %c0_i32_0 = arith.constant 0 : i32
    return %arg0, %c0_i32 : i32, i32
  }
  func.func @transform_2(%arg0: i32) -> (i32, i32) {
    %c0_i32 = arith.constant 0 : i32
    %c0_i32_0 = arith.constant 0 : i32
    return %arg0, %c0_i32 : i32, i32
  }
  func.func @transform_3(%arg0: i32) -> (i32, i32) {
    %c0_i32 = arith.constant 0 : i32
    %c0_i32_0 = arith.constant 0 : i32
    return %arg0, %c0_i32 : i32, i32
  }
  func.func @transform_4(%arg0: i32) -> (i32, i32) {
    %c0_i32 = arith.constant 0 : i32
    %c0_i32_0 = arith.constant 0 : i32
    %c0_i32_1 = arith.constant 0 : i32
    return %c0_i32, %c0_i32_0 : i32, i32
  }
  func.func @transform_5(%arg0: i32) -> (i32, i32) {
    %c0_i32 = arith.constant 0 : i32
    %c0_i32_0 = arith.constant 0 : i32
    return %arg0, %c0_i32 : i32, i32
  }
}

module attributes {stable_mosaic.version = 14 : i64} {
  func.func @body(%arg0: i32, %arg1: memref<2528x128xf32, #tpu.memory_space<vmem>>, %arg2: memref<2528x128xf32, #tpu.memory_space<vmem>>, %arg3: memref<2528x128xf32, #tpu.memory_space<vmem>>, %arg4: memref<2528x1xf32, #tpu.memory_space<vmem>>, %arg5: memref<128x128xf32, #tpu.memory_space<vmem>>, %arg6: memref<2528x128xf32, #tpu.memory_space<vmem>>) attributes {dimension_semantics = [#tpu.dimension_semantics<arbitrary>], iteration_bounds = array<i64: 4>, scalar_prefetch = 0 : i64, scratch_operands = 0 : i64, tpu.core_type = #tpu.core_type<tc>, window_params = [{transform_indices = @transform_0, window_bounds = array<i64: 2528, 128>}, {transform_indices = @transform_1, window_bounds = array<i64: 2528, 128>}, {transform_indices = @transform_2, window_bounds = array<i64: 2528, 128>}, {transform_indices = @transform_3, window_bounds = array<i64: 2528, 1>}, {pipeline_mode = #tpu.pipeline_mode<synchronous>, transform_indices = @transform_4, window_bounds = array<i64: 128, 128>}, {transform_indices = @transform_5, window_bounds = array<i64: 2528, 128>}]} {
    %get3A = arith.constant 0 : index
    %get3A_0 = arith.constant 0 : index
    %get3A_1 = vector.load %arg4[%get3A, %get3A_0] : memref<2528x1xf32, #tpu.memory_space<vmem>>, vector<2528x1xf32>
    %add3A = arith.constant 1.000000e+00 : f32
    %add3A_2 = vector.broadcast %add3A : f32 to vector<2528x1xf32>
    %add3A_3 = arith.addf %add3A_2, %get3A_1 : vector<2528x1xf32>
    %rsqrt3A = math.rsqrt %add3A_3 : vector<2528x1xf32>
    %get3A_4 = arith.constant 0 : index
    %get3A_5 = arith.constant 0 : index
    %get3A_6 = vector.load %arg1[%get3A_4, %get3A_5] : memref<2528x128xf32, #tpu.memory_space<vmem>>, vector<2528x128xf32>
    %get3A_7 = arith.constant 0 : index
    %get3A_8 = arith.constant 0 : index
    %get3A_9 = vector.load %arg2[%get3A_7, %get3A_8] : memref<2528x128xf32, #tpu.memory_space<vmem>>, vector<2528x128xf32>
    %add3A_10 = arith.addf %get3A_6, %get3A_9 : vector<2528x128xf32>
    %mul3A = vector.broadcast %rsqrt3A : vector<2528x1xf32> to vector<2528x128xf32>
    %mul3A_11 = arith.mulf %mul3A, %add3A_10 : vector<2528x128xf32>
    %mul3A_12 = arith.constant 0.899999976 : f32
    %mul3A_13 = vector.broadcast %mul3A_12 : f32 to vector<2528x128xf32>
    %mul3A_14 = arith.mulf %mul3A_13, %mul3A_11 : vector<2528x128xf32>
    %get3A_15 = arith.constant 0 : index
    %get3A_16 = arith.constant 0 : index
    %get3A_17 = vector.load %arg3[%get3A_15, %get3A_16] : memref<2528x128xf32, #tpu.memory_space<vmem>>, vector<2528x128xf32>
    %mul3A_18 = arith.constant 1.000000e-01 : f32
    %mul3A_19 = vector.broadcast %mul3A_18 : f32 to vector<2528x128xf32>
    %mul3A_20 = arith.mulf %mul3A_19, %get3A_17 : vector<2528x128xf32>
    %add3A_21 = arith.addf %mul3A_14, %mul3A_20 : vector<2528x128xf32>
    %mul3A_22 = arith.constant 0.845849335 : f32
    %mul3A_23 = vector.broadcast %mul3A_22 : f32 to vector<2528x128xf32>
    %mul3A_24 = arith.mulf %mul3A_23, %add3A_21 : vector<2528x128xf32>
    %get3A_25 = arith.constant 0 : index
    %get3A_26 = arith.constant 0 : index
    %get3A_27 = vector.load %arg5[%get3A_25, %get3A_26] : memref<128x128xf32, #tpu.memory_space<vmem>>, vector<128x128xf32>
    %dot_general3A = arith.constant dense<0.000000e+00> : vector<2528x128xf32>
    %dot_general3A_28 = tpu.matmul %add3A_21, %get3A_27, %dot_general3A {dimension_numbers = #tpu.dot_dimension_numbers<[1], [0], [0], [1], [0, 0, 1, 1], [], []>, transpose_lhs_hint = false} : vector<2528x128xf32>, vector<128x128xf32>, vector<2528x128xf32> -> vector<2528x128xf32>
    %mul3A_29 = arith.constant 0.15415068 : f32
    %mul3A_30 = vector.broadcast %mul3A_29 : f32 to vector<2528x128xf32>
    %mul3A_31 = arith.mulf %mul3A_30, %dot_general3A_28 : vector<2528x128xf32>
    %add3A_32 = arith.addf %mul3A_24, %mul3A_31 : vector<2528x128xf32>
    %max3A = arith.constant 0.000000e+00 : f32
    %max3A_33 = vector.broadcast %max3A : f32 to vector<2528x128xf32>
    %max3A_34 = arith.maximumf %add3A_32, %max3A_33 : vector<2528x128xf32>
    %mul3A_35 = vector.broadcast %rsqrt3A : vector<2528x1xf32> to vector<2528x128xf32>
    %mul3A_36 = arith.mulf %mul3A_35, %max3A_34 : vector<2528x128xf32>
    %swap3A = arith.constant 0 : index
    %swap3A_37 = arith.constant 0 : index
    %swap3A_38 = vector.load %arg6[%swap3A, %swap3A_37] : memref<2528x128xf32, #tpu.memory_space<vmem>>, vector<2528x128xf32>
    tpu.vector_store %arg6[%swap3A, %swap3A_37], %mul3A_36 {strides = array<i32>} : memref<2528x128xf32, #tpu.memory_space<vmem>>, vector<2528x128xf32>,
    return
  }
  func.func @transform_0(%arg0: i32) -> (i32, i32) {
    %c0_i32 = arith.constant 0 : i32
    %c0_i32_0 = arith.constant 0 : i32
    return %arg0, %c0_i32 : i32, i32
  }
  func.func @transform_1(%arg0: i32) -> (i32, i32) {
    %c0_i32 = arith.constant 0 : i32
    %c0_i32_0 = arith.constant 0 : i32
    return %arg0, %c0_i32 : i32, i32
  }
  func.func @transform_2(%arg0: i32) -> (i32, i32) {
    %c0_i32 = arith.constant 0 : i32
    %c0_i32_0 = arith.constant 0 : i32
    return %arg0, %c0_i32 : i32, i32
  }
  func.func @transform_3(%arg0: i32) -> (i32, i32) {
    %c0_i32 = arith.constant 0 : i32
    %c0_i32_0 = arith.constant 0 : i32
    return %arg0, %c0_i32 : i32, i32
  }
  func.func @transform_4(%arg0: i32) -> (i32, i32) {
    %c0_i32 = arith.constant 0 : i32
    %c0_i32_0 = arith.constant 0 : i32
    %c0_i32_1 = arith.constant 0 : i32
    return %c0_i32, %c0_i32_0 : i32, i32
  }
  func.func @transform_5(%arg0: i32) -> (i32, i32) {
    %c0_i32 = arith.constant 0 : i32
    %c0_i32_0 = arith.constant 0 : i32
    return %arg0, %c0_i32 : i32, i32
  }
}

module attributes {stable_mosaic.version = 14 : i64} {
  func.func @body(%arg0: i32, %arg1: memref<2528x128xf32, #tpu.memory_space<vmem>>, %arg2: memref<2528x128xf32, #tpu.memory_space<vmem>>, %arg3: memref<2528x128xf32, #tpu.memory_space<vmem>>, %arg4: memref<2528x1xf32, #tpu.memory_space<vmem>>, %arg5: memref<128x128xf32, #tpu.memory_space<vmem>>, %arg6: memref<40x128xf32, #tpu.memory_space<vmem>>, %arg7: memref<1x40xf32, #tpu.memory_space<vmem>>, %arg8: memref<2528x40xf32, #tpu.memory_space<vmem>>) attributes {dimension_semantics = [#tpu.dimension_semantics<arbitrary>], iteration_bounds = array<i64: 4>, scalar_prefetch = 0 : i64, scratch_operands = 0 : i64, tpu.core_type = #tpu.core_type<tc>, window_params = [{transform_indices = @transform_0, window_bounds = array<i64: 2528, 128>}, {transform_indices = @transform_1, window_bounds = array<i64: 2528, 128>}, {transform_indices = @transform_2, window_bounds = array<i64: 2528, 128>}, {transform_indices = @transform_3, window_bounds = array<i64: 2528, 1>}, {pipeline_mode = #tpu.pipeline_mode<synchronous>, transform_indices = @transform_4, window_bounds = array<i64: 128, 128>}, {pipeline_mode = #tpu.pipeline_mode<synchronous>, transform_indices = @transform_5, window_bounds = array<i64: 40, 128>}, {pipeline_mode = #tpu.pipeline_mode<synchronous>, transform_indices = @transform_6, window_bounds = array<i64: 1, 40>}, {transform_indices = @transform_7, window_bounds = array<i64: 2528, 40>}]} {
    %get3A = arith.constant 0 : index
    %get3A_0 = arith.constant 0 : index
    %get3A_1 = vector.load %arg4[%get3A, %get3A_0] : memref<2528x1xf32, #tpu.memory_space<vmem>>, vector<2528x1xf32>
    %add3A = arith.constant 1.000000e+00 : f32
    %add3A_2 = vector.broadcast %add3A : f32 to vector<2528x1xf32>
    %add3A_3 = arith.addf %add3A_2, %get3A_1 : vector<2528x1xf32>
    %rsqrt3A = math.rsqrt %add3A_3 : vector<2528x1xf32>
    %get3A_4 = arith.constant 0 : index
    %get3A_5 = arith.constant 0 : index
    %get3A_6 = vector.load %arg1[%get3A_4, %get3A_5] : memref<2528x128xf32, #tpu.memory_space<vmem>>, vector<2528x128xf32>
    %get3A_7 = arith.constant 0 : index
    %get3A_8 = arith.constant 0 : index
    %get3A_9 = vector.load %arg2[%get3A_7, %get3A_8] : memref<2528x128xf32, #tpu.memory_space<vmem>>, vector<2528x128xf32>
    %add3A_10 = arith.addf %get3A_6, %get3A_9 : vector<2528x128xf32>
    %mul3A = vector.broadcast %rsqrt3A : vector<2528x1xf32> to vector<2528x128xf32>
    %mul3A_11 = arith.mulf %mul3A, %add3A_10 : vector<2528x128xf32>
    %mul3A_12 = arith.constant 0.899999976 : f32
    %mul3A_13 = vector.broadcast %mul3A_12 : f32 to vector<2528x128xf32>
    %mul3A_14 = arith.mulf %mul3A_13, %mul3A_11 : vector<2528x128xf32>
    %get3A_15 = arith.constant 0 : index
    %get3A_16 = arith.constant 0 : index
    %get3A_17 = vector.load %arg3[%get3A_15, %get3A_16] : memref<2528x128xf32, #tpu.memory_space<vmem>>, vector<2528x128xf32>
    %mul3A_18 = arith.constant 1.000000e-01 : f32
    %mul3A_19 = vector.broadcast %mul3A_18 : f32 to vector<2528x128xf32>
    %mul3A_20 = arith.mulf %mul3A_19, %get3A_17 : vector<2528x128xf32>
    %add3A_21 = arith.addf %mul3A_14, %mul3A_20 : vector<2528x128xf32>
    %mul3A_22 = arith.constant 0.882216989 : f32
    %mul3A_23 = vector.broadcast %mul3A_22 : f32 to vector<2528x128xf32>
    %mul3A_24 = arith.mulf %mul3A_23, %add3A_21 : vector<2528x128xf32>
    %get3A_25 = arith.constant 0 : index
    %get3A_26 = arith.constant 0 : index
    %get3A_27 = vector.load %arg5[%get3A_25, %get3A_26] : memref<128x128xf32, #tpu.memory_space<vmem>>, vector<128x128xf32>
    %dot_general3A = arith.constant dense<0.000000e+00> : vector<2528x128xf32>
    %dot_general3A_28 = tpu.matmul %add3A_21, %get3A_27, %dot_general3A {dimension_numbers = #tpu.dot_dimension_numbers<[1], [0], [0], [1], [0, 0, 1, 1], [], []>, transpose_lhs_hint = false} : vector<2528x128xf32>, vector<128x128xf32>, vector<2528x128xf32> -> vector<2528x128xf32>
    %mul3A_29 = arith.constant 0.117783032 : f32
    %mul3A_30 = vector.broadcast %mul3A_29 : f32 to vector<2528x128xf32>
    %mul3A_31 = arith.mulf %mul3A_30, %dot_general3A_28 : vector<2528x128xf32>
    %add3A_32 = arith.addf %mul3A_24, %mul3A_31 : vector<2528x128xf32>
    %max3A = arith.constant 0.000000e+00 : f32
    %max3A_33 = vector.broadcast %max3A : f32 to vector<2528x128xf32>
    %max3A_34 = arith.maximumf %add3A_32, %max3A_33 : vector<2528x128xf32>
    %get3A_35 = arith.constant 0 : index
    %get3A_36 = arith.constant 0 : index
    %get3A_37 = vector.load %arg6[%get3A_35, %get3A_36] : memref<40x128xf32, #tpu.memory_space<vmem>>, vector<40x128xf32>
    %dot_general3A_38 = arith.constant dense<0.000000e+00> : vector<2528x40xf32>
    %dot_general3A_39 = tpu.matmul %max3A_34, %get3A_37, %dot_general3A_38 {dimension_numbers = #tpu.dot_dimension_numbers<[1], [1], [0], [0], [0, 0, 1, 0], [], []>, transpose_lhs_hint = false} : vector<2528x128xf32>, vector<40x128xf32>, vector<2528x40xf32> -> vector<2528x40xf32>
    %get3A_40 = arith.constant 0 : index
    %get3A_41 = arith.constant 0 : index
    %get3A_42 = vector.load %arg7[%get3A_40, %get3A_41] : memref<1x40xf32, #tpu.memory_space<vmem>>, vector<1x40xf32>
    %add3A_43 = vector.broadcast %get3A_42 : vector<1x40xf32> to vector<2528x40xf32>
    %add3A_44 = arith.addf %dot_general3A_39, %add3A_43 : vector<2528x40xf32>
    %swap3A = arith.constant 0 : index
    %swap3A_45 = arith.constant 0 : index
    %swap3A_46 = vector.load %arg8[%swap3A, %swap3A_45] : memref<2528x40xf32, #tpu.memory_space<vmem>>, vector<2528x40xf32>
    tpu.vector_store %arg8[%swap3A, %swap3A_45], %add3A_44 {strides = array<i32>} : memref<2528x40xf32, #tpu.memory_space<vmem>>, vector<2528x40xf32>,
    return
  }
  func.func @transform_0(%arg0: i32) -> (i32, i32) {
    %c0_i32 = arith.constant 0 : i32
    %c0_i32_0 = arith.constant 0 : i32
    return %arg0, %c0_i32 : i32, i32
  }
  func.func @transform_1(%arg0: i32) -> (i32, i32) {
    %c0_i32 = arith.constant 0 : i32
    %c0_i32_0 = arith.constant 0 : i32
    return %arg0, %c0_i32 : i32, i32
  }
  func.func @transform_2(%arg0: i32) -> (i32, i32) {
    %c0_i32 = arith.constant 0 : i32
    %c0_i32_0 = arith.constant 0 : i32
    return %arg0, %c0_i32 : i32, i32
  }
  func.func @transform_3(%arg0: i32) -> (i32, i32) {
    %c0_i32 = arith.constant 0 : i32
    %c0_i32_0 = arith.constant 0 : i32
    return %arg0, %c0_i32 : i32, i32
  }
  func.func @transform_4(%arg0: i32) -> (i32, i32) {
    %c0_i32 = arith.constant 0 : i32
    %c0_i32_0 = arith.constant 0 : i32
    %c0_i32_1 = arith.constant 0 : i32
    return %c0_i32, %c0_i32_0 : i32, i32
  }
  func.func @transform_5(%arg0: i32) -> (i32, i32) {
    %c0_i32 = arith.constant 0 : i32
    %c0_i32_0 = arith.constant 0 : i32
    %c0_i32_1 = arith.constant 0 : i32
    return %c0_i32, %c0_i32_0 : i32, i32
  }
  func.func @transform_6(%arg0: i32) -> (i32, i32) {
    %c0_i32 = arith.constant 0 : i32
    %c0_i32_0 = arith.constant 0 : i32
    %c0_i32_1 = arith.constant 0 : i32
    return %c0_i32, %c0_i32_0 : i32, i32
  }
  func.func @transform_7(%arg0: i32) -> (i32, i32) {
    %c0_i32 = arith.constant 0 : i32
    %c0_i32_0 = arith.constant 0 : i32
    return %arg0, %c0_i32 : i32, i32
  }
}

</mosaic_0001>

<sc_bundles>
// kernel: kernel.12.cloned.1.call-start
scs
__scs_entry_jumppad:
0x0: {  	(pc) =	sbr.rel $0x88, $3  }
0x1: {  	(tag) =	ssettag $0x0;
	lr =	simm.s32 $0x1  }
0x2: {  	[smem:$0x3F9A] =	sst lr;
	_ =	strace $0xD0000000  }
0x3: {  	_ = 	snop  }
0x4: {  	_ = 	snop  }
0x5: {  	_ = 	snop  }
0x6: {  	_ = 	snop  }
0x7: {  	_ = 	snop  }
__scs_overlays_trampoline_lowered:
0x8: {  	[smem:$0x3FA9] =	sst s0  }
0x9: {  	[smem:$0x3FAA] =	sst s1  }
0xa: {  	[smem:$0x3FAB] =	sst s2  }
0xb: {  	[smem:$0x3FAC] =	sst s3  }
0xc: {  	[smem:$0x3FAD] =	sst s4  }
0xd: {  	[smem:$0x3FAE] =	sst s5  }
0xe: {  	[smem:$0x3FAF] =	sst s6  }
0xf: {  	[smem:$0x3FB0] =	sst s7  }
0x10: {  	[smem:$0x3FB1] =	sst s8  }
0x11: {  	[smem:$0x3FB2] =	sst s9;
	s0 =	simm.s32 @!p0 $0x0  }
0x12: {  	s1 =	sld [smem:$0x3F98];
	s0 =	simm.s32 @p0 $0x1  }
0x13: {  	[smem:$0x3FB3] =	sst s0;
	s0 =	simm.s32 @!p1 $0x0  }
0x14: {  	s2 =	sld [smem:$0x3F97];
	s0 =	simm.s32 @p1 $0x1  }
0x15: {  	[smem:$0x3FB4] =	sst s0;
	s0 =	simm.s32 @!p2 $0x0  }
0x16: {  	s3 =	sld [smem:$0x3FDB];
	s0 =	simm.s32 @p2 $0x1  }
0x17: {  	s4 =	simm.s32 $0x1BF5;
	[smem:$0x3FB6] =	sst s0  }
0x18: {  	s0 =	sld [smem:$0x3F99];
	_ =	swait.ge [sflag:s4], $0x0  }
0x19: {  	s7 =	sld [smem:$0x3F9A]  }
0x1a: {  	s8 =	sadd.s32 $0xFFFFE003, lr  }
0x1b: {  	s9 =	sadd.s32 $0xFFFFFEF7, lr;
	s5 =	simm.s32 $0xFFFFFFFF;
	p2 =	slt.u32 s8, $0xFFFFF086  }
0x1c: {  	p1 =	slt.u32 s9, $0xF7A;
	s5 =	simm.s32 @!p2 $0x0  }
0x1d: {  	s5 =	simm.s32 @p1 $0x1;
	p0 =	seq.s32 s7, s2  }
0x1e: {  	s7 =	smul.u32 @!p0 $0xF7A, s2;
	p2 =	seq.s32 @!p0 s5, $0x0  }
0x1f: {  	s9 =	smul.u32 $0xF7A, s1;
	s8 =	simm.s32 @!p0 $0x1BF5;
	p2 =	por !p2, p0  }
0x20: {  	[sflag:s8] =	ssyncset.s32 @!p0 $0xFFFFF086;
	s6 =	sadd.s32 @!p0 s3, s7;
	s7 =	simm.s32 @!p0 $0x108  }
0x21: {  	s3 =	sadd.s32 s3, s9;
	s6 =	sadd.s32 @!p0 $0x88, s6;
	s7 =	simm.s32 @p2 $0x1082  }
0x22: {  	[simem:s7], [sflag:s8] =	dma.local @!p0 [hbm:s6], $0xF7A  }
0x23: {  	s9 =	sor.u32 $0xD0000000, s2;
	s6 =	simm.s32 $0x108;
	_ =	swait.ge @!p0 [sflag:s8], $0x0  }
0x24: {  	s3 =	sadd.s32 $0x88, s3;
	s6 =	simm.s32 @!p1 $0x1082;
	[sflag:s4] =	ssyncset.s32 $0xFFFFF086  }
0x25: {  	[simem:s6], [sflag:s4] =	dma.local [hbm:s3], $0xF7A  }
0x26: {  	[smem:$0x3F9A] =	sst s1;
	(tag) =	ssettag s2;
	_ =	strace s9  }
0x27: {  	s1 =	sld [smem:$0x3FAA]  }
0x28: {  	s2 =	sld [smem:$0x3FAB]  }
0x29: {  	s4 =	sld [smem:$0x3FAD]  }
0x2a: {  	p0 =	seq.s32 s5, $0x0;
	s5 =	sld [smem:$0x3FAE]  }
0x2b: {  	s6 =	sld [smem:$0x3FAF]  }
0x2c: {  	s7 =	sld [smem:$0x3FB0]  }
0x2d: {  	s3 =	simm.s32 $0x108;
	s8 =	sld [smem:$0x3FB1]  }
0x2e: {  	s3 =	simm.s32 @!p0 $0x1082;
	s9 =	sld [smem:$0x3FB2]  }
0x2f: {  	lr =	sadd.s32 s0, s3;
	s0 =	sld [smem:$0x3FA9]  }
0x30: {  	s3 =	sld [smem:$0x3FAC]  }
0x31: {  	[smem:$0x3FB5] =	sst s10  }
0x32: {  	s10 =	sld [smem:$0x3FB3];
	_ =	sdelay $0x3  }
0x33: {  	p0 =	seq.s32 s10, $0x1;
	s10 =	sld [smem:$0x3FB5];
	_ =	sdelay $0x3  }
0x34: {  	[smem:$0x3FB5] =	sst s10  }
0x35: {  	s10 =	sld [smem:$0x3FB4];
	_ =	sdelay $0x3  }
0x36: {  	p1 =	seq.s32 s10, $0x1;
	s10 =	sld [smem:$0x3FB5];
	_ =	sdelay $0x3  }
0x37: {  	[smem:$0x3FB5] =	sst s10  }
0x38: {  	s10 =	sld [smem:$0x3FB6]  }
0x39: {  	_ = 	snop;
	(pc) =	sbr.ind lr, $3  }
0x3a: {  	_ = 	snop  }
0x3b: {  	_ = 	snop  }
0x3c: {  	p2 =	seq.s32 s10, $0x1;
	s10 =	sld [smem:$0x3FB5]  }
0x3d: {  	_ =	shalt  }
0x3e: {  	_ =	shalt  }
0x3f: {  	_ =	shalt  }
0x40: {  	_ =	shalt  }
0x41: {  	_ =	shalt  }
0x42: {  	_ =	shalt  }
0x43: {  	_ =	shalt  }
0x44: {  	_ =	shalt  }
0x45: {  	_ =	shalt  }
0x46: {  	_ =	shalt  }
0x47: {  	_ =	shalt  }
0x48: {  	_ =	shalt  }
0x49: {  	_ =	shalt  }
0x4a: {  	_ =	shalt  }
0x4b: {  	_ =	shalt  }
0x4c: {  	_ =	shalt  }
0x4d: {  	_ =	shalt  }
0x4e: {  	_ =	shalt  }
0x4f: {  	_ =	shalt  }
0x50: {  	_ =	shalt  }
0x51: {  	_ =	shalt  }
0x52: {  	_ =	shalt  }
0x53: {  	_ =	shalt  }
0x54: {  	_ =	shalt  }
0x55: {  	_ =	shalt  }
0x56: {  	_ =	shalt  }
0x57: {  	_ =	shalt  }
0x58: {  	_ =	shalt  }
0x59: {  	_ =	shalt  }
0x5a: {  	_ =	shalt  }
0x5b: {  	_ =	shalt  }
0x5c: {  	_ =	shalt  }
0x5d: {  	_ =	shalt  }
0x5e: {  	_ =	shalt  }
0x5f: {  	_ =	shalt  }
0x60: {  	_ =	shalt  }
0x61: {  	_ =	shalt  }
0x62: {  	_ =	shalt  }
0x63: {  	_ =	shalt  }
0x64: {  	_ =	shalt  }
0x65: {  	_ =	shalt  }
0x66: {  	_ =	shalt  }
0x67: {  	_ =	shalt  }
0x68: {  	_ =	shalt  }
0x69: {  	_ =	shalt  }
0x6a: {  	_ =	shalt  }
0x6b: {  	_ =	shalt  }
0x6c: {  	_ =	shalt  }
0x6d: {  	_ =	shalt  }
0x6e: {  	_ =	shalt  }
0x6f: {  	_ =	shalt  }
0x70: {  	_ =	shalt  }
0x71: {  	_ =	shalt  }
0x72: {  	_ =	shalt  }
0x73: {  	_ =	shalt  }
0x74: {  	_ =	shalt  }
0x75: {  	_ =	shalt  }
0x76: {  	_ =	shalt  }
0x77: {  	_ =	shalt  }
0x78: {  	_ =	shalt  }
0x79: {  	_ =	shalt  }
0x7a: {  	_ =	shalt  }
0x7b: {  	_ =	shalt  }
0x7c: {  	_ =	shalt  }
0x7d: {  	_ =	shalt  }
0x7e: {  	_ =	shalt  }
0x7f: {  	_ =	shalt  }
0x80: {  	_ =	shalt  }
0x81: {  	_ =	shalt  }
0x82: {  	_ =	shalt  }
0x83: {  	_ =	shalt  }
0x84: {  	_ =	shalt  }
0x85: {  	_ =	shalt  }
0x86: {  	_ =	shalt  }
0x87: {  	_ =	shalt  }
.Lfunc_end0:
.L_simem_size_0:
called_computation_lowered:
.L_overlay_start_0:
0x88: {  	s2 =	sld [smem:$0x3FD9]  }
0x89: {  	s3 =	sld [smem:$0x3FFE];
	_ =	sdelay $0x1  }
0x8a: {  	s1 =	srdreg.scid  }
0x8b: {  	s0 =	sand.u32 $0x1, s1  }
0x8c: {  	s17 =	sshll.u32 s0, $0xA;
	s2 =	sadd.s32 s3, s2  }
0x8d: {  	s2 =	sadd.s32 s2, s17  }
0x8e: {  	[smem:$0x3FC1] =	sst s2  }
0x8f: {  	_ = 	snop  }
0x90: {  	s2 =	sld [smem:$0x3FD0];
	(tm) =	ssettm $0x1  }
0x91: {  	s18 =	sld [smem:$0x3FFB];
	_ =	sdelay $0x3  }
0x92: {  	_ =	strace s18  }
0x93: {  	s3 =	sld [smem:$0x3FFC];
	_ =	sdelay $0x3  }
0x94: {  	_ =	strace s3  }
0x95: {  	s3 =	sld [smem:$0x3FFD];
	_ =	sdelay $0x3  }
0x96: {  	_ =	strace s3  }
0x97: {  	_ =	strace $0x8FFFFFFF  }
0x98: {  	s19 =	sld [smem:$0x3FDB];
	_ =	sdelay $0x1  }
0x99: {  	s4 =	simm.s32 $_scs_section_size  }
0x9a: {  	s5 =	simm.s32 $_size__tile_overlayer_lowered;
	s6 =	simm.s32 $_tile_overlayer_lowered  }
0x9b: {  	s22 =	simm.s32 $0x1BFF;
	s21 =	sshll.u32 s6, $0x1;
	s3 =	sadd.s32 s4, s19  }
0x9c: {  	s7 =	simm.s32 $0x0;
	s20 =	sshll.u32 s5, $0x1;
	s5 =	sadd.s32 s21, s3  }
0x9d: {  	[timem:s7], [sflag:s22] =	dma.local [hbm:s5], s20  }
0x9e: {  	_ =	swait.ge [sflag:s22], s20  }
0x9f: {  	s4 =	ssub.s32 $0x0, s20;
	[sflag:s22] =	ssyncset.done $0x0  }
0xa0: {  	[sflag:s22] =	ssyncadd.s32 s4;
	_ =	sdelay $0x1  }
0xa1: {  	s23 =	simm.s32 $0x1B8B  }
0xa2: {  	_ =	swait.ge [sflag:s23], $0x1  }
0xa3: {  	[sflag:s23] =	ssyncset.done $0x0  }
0xa4: {  	s25 =	simm.s32 $0x1B8E;
	s24 =	sld [smem:$0x3FFE];
	[sflag:s23] =	ssyncadd.s32 $0xFFFFFFFF  }
0xa5: {  	s26 =	simm.s32 $execute0_lowered;
	[smem:$0x3FD2] =	sst s25  }
0xa6: {  	s5 =	sshll.u32 s26, $0x1;
	_ =	strace $0x80000046;
	[dreg:$0x1] =	wrdreg $0xFFFFFFFF  }
0xa7: {  	s28 =	simm.s32 $_size_execute0_lowered;
	s3 =	sadd.s32 s3, s5;
	[dreg:$0x0] =	wrdreg $0x0  }
0xa8: {  	s5 =	sshll.u32 s28, $0x1;
	[dreg:$0x2] =	wrdreg s3  }
0xa9: {  	[dreg:$0x3] =	wrdreg s5  }
0xaa: {  	[dreg:$0x4] =	wrdreg $0xC0  }
0xab: {  	_ =	task [dreg:s7], $0x5FFFF  }
0xac: {  	[dreg:$0x1] =	wrdreg $0xFFFFFFFF  }
0xad: {  	[dreg:$0x0] =	wrdreg $0x60  }
0xae: {  	[dreg:$0x2] =	wrdreg s2  }
0xaf: {  	[dreg:$0x3] =	wrdreg s24  }
0xb0: {  	[dreg:$0x4] =	wrdreg $0x2B000  }
0xb1: {  	[dreg:$0x5] =	wrdreg $0x9  }
0xb2: {  	_ =	task.clear_ibuf [dreg:s7], $0x6FFFF;
	_ =	strace $0x90000046  }
0xb3: {  	s29 =	simm.s32 $0x9;
	_ =	strace $0x80000048  }
0xb4: {  	_ =	swait.ge [sflag:s29], $0x1  }
0xb5: {  	[sflag:s29] =	ssyncadd.s32 $0xFFFFFFFF  }
0xb6: {  	_ =	strace $0x90000048  }
0xb7: {  	_ =	sfence  }
0xb8: {  	s30 =	sld [smem:$0x0];
	_ =	sdelay $0x2  }
0xb9: {  	s31 =	sshll.u32 s1, $0xD;
	s1 =	sshrl.u32 s1, $0x2  }
0xba: {  	s3 =	sand.u32 $0x4000, s31;
	s1 =	sadd.s32 s1, s30  }
0xbb: {  	s0 =	sor.u32 s3, s0;
	s1 =	sshll.u32 s1, $0x11  }
0xbc: {  	s0 =	sor.u32 s1, s0  }
0xbd: {  	s0 =	sadd.s32 $0x8F2B, s0  }
0xbe: {  	[sflag:s0] =	ssyncadd.remote.s32 $0x1  }
0xbf: {  	_ =	sfence.sel $0xFFFF  }
0xc0: {  	[dreg:$0x0] =	wrdreg $0xFFFFFFFF;
	(pc) =	sbr.abs _section_cstart, $3  }
0xc1: {  	[dreg:$0x1] =	wrdreg $0xFFFFFFFF  }
0xc2: {  	_ =	task.clear_ibuf [dreg:s7], $0x2FFFF;
	_ =	strace $0x9FFFFFFF  }
0xc3: {  	(tm) =	ssettm $0x7FFFFFFF  }
tec
execute0_lowered:
.L_overlay_start_1:
0x0: {  	(tag) =	ssettag $0x1  }
0x1: {  	s7 =	rddreg [dreg:$0x0]  }
0x2: {  	s5 =	rddreg [dreg:$0x1]  }
0x3: {  	s2 =	rddreg [dreg:$0x2]  }
0x4: {  	s0 =	rddreg [dreg:$0x3]  }
0x5: {  	s1 =	stileid.u32;
	s3 =	simm.s32 $0x0;
	s4 =	srdreg.scid  }
0x6: {  	s13 =	simm.s32 $0x80;
	s14 =	simm.s32 $0x0;
	s6 =	smul.u32 $0x278, s1  }
0x7: {  	[smem:$0x7FF] =	sst s3;
	s8 =	sand.u32 $0x1, s4;
	s4 =	sadd.s32 $0xF400, s5  }
0x8: {  	_ =	strace $0x80000047;
	s9 =	smul.u32 $0x2780, s8;
	s11 =	sshll.u32 s8, $0x4  }
0x9: {  	s8 =	ssub.s32 $0x2, s8;
	s31 =	sshrl.u32 s6, $0x3;
	s11 =	sor.u32 s1, s11  }
0xa: {  	s12 =	sshrl.u32 s8, $0x1;
	s10 =	sadd.s32 s31, s5;
	s9 =	sadd.s32 s6, s9  }
0xb: {  	s11 =	smul.u32 $0x500, s11;
	s12 =	ssub.s32 s8, s12;
	s9 =	sshrl.u32 s9, $0x3  }
0xc: {  	s6 =	sadd.s32 s6, s2;
	s9 =	sadd.s32 s9, s5;
	s5 =	sadd.s32 $0xEE00, s10  }
0xd: {  	s7 =	sadd.s32 s7, s11;
	s10 =	simm.s32 $0x2880;
	s11 =	simm.s32 $0x1  }
0xe: {  	s8 =	sadd.s32 $0xF600, s9;
	s9 =	smax.u32 s12, $0x1;
	s12 =	simm.s32 $0x2800  }
.LBB2_1:
0xf: {  	[tilespmem:s10], [sflag:$0x1] =	stream.linear.gather [hbm4b:s5+s3], $0x278, $0x38;
	[tilespmem:$0x2D78] =	vst v63  }
0x10: {  	_ =	swait.ge [sflag:s11], $0x278  }
0x11: {  	[sflag:s11] =	ssyncset.done $0x0  }
0x12: {  	[sflag:s11] =	ssyncadd.s32 $0xFFFFFD88  }
0x13: {  	[spmem:s6] =	stream.linear.scatter [tilespmem:s10], [sflag:$0x1], $0x278, $0x38;
	[tilespmem:$0x2D78] =	vst v63  }
0x14: {  	_ =	swait.ge [sflag:s11], $0x278  }
0x15: {  	[sflag:s11] =	ssyncset.done $0x0  }
0x16: {  	[sflag:s11] =	ssyncadd.s32 $0xFFFFFD88  }
0x17: {  	[tilespmem:s12], [sflag:$0x1] =	stream.linear.gather [hbm4b:s4+s3], $0x80, $0x38;
	[tilespmem:$0x2D78] =	vst v63  }
0x18: {  	_ =	swait.ge [sflag:s11], $0x80  }
0x19: {  	[sflag:s11] =	ssyncset.done $0x0  }
0x1a: {  	[sflag:s11] =	ssyncadd.s32 $0xFFFFFF80  }
0x1b: {  	[tilespmem:s3], [sflag:$0x1] =	stream.linear.gather [hbm4b:s7+s3], $0x2800, $0x38;
	[tilespmem:$0x2D78] =	vst v63  }
0x1c: {  	_ =	swait.ge [sflag:s11], $0x2800  }
0x1d: {  	[sflag:s11] =	ssyncset.done $0x0  }
0x1e: {  	[sflag:s11] =	ssyncadd.s32 $0xFFFFD800  }
0x1f: {  	s15 =	simm.s32 $0x0;
	[bflag:$0x0] =	sbarrier.arrive $0xFFFF  }
0x20: {  	[spmem:s2] =	stream.indirect.scatter.add.f32 [tilespmem:s12], [sflag:$0x1], $0x1, s15, s13, $0xb8;
	[tilespmem:$0x2D78] =	vst v63  }
0x21: {  	_ =	swait.ge [sflag:s11], $0x80  }
0x22: {  	s15 =	simm.s32 $0x200;
	[sflag:s11] =	ssyncset.done $0x0  }
.LBB2_2:
0x23: {  	s16 =	sshra.s32 s15, $0x2;
	[sflag:s11] =	ssyncadd.s32 $0xFFFFFF80;
	p0 =	sne.s32 s15, $0x9E00  }
0x24: {  	[spmem:s2] =	stream.indirect.scatter.add.f32 [tilespmem:s12], [sflag:$0x1], $0x1, s16, s13, $0xb8;
	[tilespmem:$0x2D78] =	vst v63  }
.Ltmp0:
0x25: {  	_ = 	snop;
	(pc) =	sbr.rel @p0 .LBB2_2-.Ltmp0, $4  }
0x26: {  	_ = 	snop  }
0x27: {  	s15 =	sadd.s32 $0x200, s15  }
0x28: {  	_ =	swait.ge [sflag:s11], $0x80  }
0x29: {  	[sflag:s11] =	ssyncset.done $0x0  }
0x2a: {  	[sflag:s11] =	ssyncadd.s32 $0xFFFFFF80  }
0x2b: {  	[bflag:$0x0] =	sbarrier.arrive $0xFFFF  }
0x2c: {  	[tilespmem:s10], [sflag:$0x1] =	stream.linear.gather [spmem:s6], $0x278, $0x38;
	[tilespmem:$0x2D78] =	vst v63  }
0x2d: {  	s14 =	sadd.s32 $0x1, s14;
	_ =	swait.ge [sflag:s11], $0x278  }
0x2e: {  	p0 =	sne.s32 s14, s9;
	[sflag:s11] =	ssyncset.done $0x0  }
.Ltmp1:
0x2f: {  	[sflag:s11] =	ssyncadd.s32 $0xFFFFFD88;
	(pc) =	sbr.rel @p0 .LBB2_1-.Ltmp1, $4  }
0x30: {  	[hbm4b:s8+s3] =	stream.linear.scatter [tilespmem:s10], [sflag:$0x1], $0x278, $0x38;
	[tilespmem:$0x2D78] =	vst v63  }
0x31: {  	_ =	swait.ge [sflag:s11], $0x278  }
0x32: {  	[sflag:s11] =	ssyncset.done $0x0  }
0x33: {  	[sflag:s11] =	ssyncadd.s32 $0xFFFFFD88  }
0x34: {  	_ =	sfence.sel $0x180000  }
0x35: {  	[bflag:$0x0] =	sbarrier.arrive $0xFFFF  }
0x36: {  	p0 =	sne.s32 s1, $0x0;
	_ =	strace $0x90000047  }
0x37: {  	s0 =	sadd.s32 @!p0 $0x100000, s0;
	[bflag:$0x2] =	sbarrier.arrive $0xFFFF  }
0x38: {  	[sflag:s0] =	ssyncadd.tile.s32 @!p0 $0x1;
	_ =	shalt  }
.Lfunc_end2:
_tile_overlayer_lowered:
.L_overlay_start_2:
0x39: {  	(tag) =	ssettag $0x2  }
0x3a: {  	s0 =	rddreg [dreg:$0x0];
	s2 =	stileid.u32  }
0x3b: {  	s1 =	rddreg [dreg:$0x1];
	p0 =	sne.s32 s2, $0x0  }
0x3c: {  	s3 =	rddreg [dreg:$0x2];
	[bflag:$0x3] =	sbarrier.arrive $0xFFFF;
	s2 =	simm.s32 @!p0 $0x1C01  }
0x3d: {  	[timem:s3], [sflag:s2] =	dma.local @!p0 [hbm:s0], s1  }
0x3e: {  	s0 =	simm.s32 @!p0 $0x1  }
0x3f: {  	_ =	swait.ge @!p0 [sflag:s0], s1  }
0x40: {  	s1 =	ssub.s32 @!p0 $0x0, s1;
	[sflag:s0] =	ssyncset.done @!p0 $0x0  }
0x41: {  	[sflag:s0] =	ssyncadd.s32 @!p0 s1  }
0x42: {  	[bflag:$0x3] =	sbarrier.arrive $0xFFFF  }
0x43: {  	_ =	shalt  }

// kernel: kernel.15.cloned.1.call-start
scs
__scs_entry_jumppad:
0x0: {  	(pc) =	sbr.rel $0x88, $3  }
0x1: {  	(tag) =	ssettag $0x0;
	lr =	simm.s32 $0x1  }
0x2: {  	[smem:$0x3F9A] =	sst lr;
	_ =	strace $0xD0000000  }
0x3: {  	_ = 	snop  }
0x4: {  	_ = 	snop  }
0x5: {  	_ = 	snop  }
0x6: {  	_ = 	snop  }
0x7: {  	_ = 	snop  }
__scs_overlays_trampoline_lowered:
0x8: {  	[smem:$0x3FA9] =	sst s0  }
0x9: {  	[smem:$0x3FAA] =	sst s1  }
0xa: {  	[smem:$0x3FAB] =	sst s2  }
0xb: {  	[smem:$0x3FAC] =	sst s3  }
0xc: {  	[smem:$0x3FAD] =	sst s4  }
0xd: {  	[smem:$0x3FAE] =	sst s5  }
0xe: {  	[smem:$0x3FAF] =	sst s6  }
0xf: {  	[smem:$0x3FB0] =	sst s7  }
0x10: {  	[smem:$0x3FB1] =	sst s8  }
0x11: {  	[smem:$0x3FB2] =	sst s9;
	s0 =	simm.s32 @!p0 $0x0  }
0x12: {  	s1 =	sld [smem:$0x3F98];
	s0 =	simm.s32 @p0 $0x1  }
0x13: {  	[smem:$0x3FB3] =	sst s0;
	s0 =	simm.s32 @!p1 $0x0  }
0x14: {  	s2 =	sld [smem:$0x3F97];
	s0 =	simm.s32 @p1 $0x1  }
0x15: {  	[smem:$0x3FB4] =	sst s0;
	s0 =	simm.s32 @!p2 $0x0  }
0x16: {  	s3 =	sld [smem:$0x3FDB];
	s0 =	simm.s32 @p2 $0x1  }
0x17: {  	s4 =	simm.s32 $0x1BF5;
	[smem:$0x3FB6] =	sst s0  }
0x18: {  	s0 =	sld [smem:$0x3F99];
	_ =	swait.ge [sflag:s4], $0x0  }
0x19: {  	s7 =	sld [smem:$0x3F9A]  }
0x1a: {  	s8 =	sadd.s32 $0xFFFFE003, lr  }
0x1b: {  	s9 =	sadd.s32 $0xFFFFFEF7, lr;
	s5 =	simm.s32 $0xFFFFFFFF;
	p2 =	slt.u32 s8, $0xFFFFF086  }
0x1c: {  	p1 =	slt.u32 s9, $0xF7A;
	s5 =	simm.s32 @!p2 $0x0  }
0x1d: {  	s5 =	simm.s32 @p1 $0x1;
	p0 =	seq.s32 s7, s2  }
0x1e: {  	s7 =	smul.u32 @!p0 $0xF7A, s2;
	p2 =	seq.s32 @!p0 s5, $0x0  }
0x1f: {  	s9 =	smul.u32 $0xF7A, s1;
	s8 =	simm.s32 @!p0 $0x1BF5;
	p2 =	por !p2, p0  }
0x20: {  	[sflag:s8] =	ssyncset.s32 @!p0 $0xFFFFF086;
	s6 =	sadd.s32 @!p0 s3, s7;
	s7 =	simm.s32 @!p0 $0x108  }
0x21: {  	s3 =	sadd.s32 s3, s9;
	s6 =	sadd.s32 @!p0 $0x88, s6;
	s7 =	simm.s32 @p2 $0x1082  }
0x22: {  	[simem:s7], [sflag:s8] =	dma.local @!p0 [hbm:s6], $0xF7A  }
0x23: {  	s9 =	sor.u32 $0xD0000000, s2;
	s6 =	simm.s32 $0x108;
	_ =	swait.ge @!p0 [sflag:s8], $0x0  }
0x24: {  	s3 =	sadd.s32 $0x88, s3;
	s6 =	simm.s32 @!p1 $0x1082;
	[sflag:s4] =	ssyncset.s32 $0xFFFFF086  }
0x25: {  	[simem:s6], [sflag:s4] =	dma.local [hbm:s3], $0xF7A  }
0x26: {  	[smem:$0x3F9A] =	sst s1;
	(tag) =	ssettag s2;
	_ =	strace s9  }
0x27: {  	s1 =	sld [smem:$0x3FAA]  }
0x28: {  	s2 =	sld [smem:$0x3FAB]  }
0x29: {  	s4 =	sld [smem:$0x3FAD]  }
0x2a: {  	p0 =	seq.s32 s5, $0x0;
	s5 =	sld [smem:$0x3FAE]  }
0x2b: {  	s6 =	sld [smem:$0x3FAF]  }
0x2c: {  	s7 =	sld [smem:$0x3FB0]  }
0x2d: {  	s3 =	simm.s32 $0x108;
	s8 =	sld [smem:$0x3FB1]  }
0x2e: {  	s3 =	simm.s32 @!p0 $0x1082;
	s9 =	sld [smem:$0x3FB2]  }
0x2f: {  	lr =	sadd.s32 s0, s3;
	s0 =	sld [smem:$0x3FA9]  }
0x30: {  	s3 =	sld [smem:$0x3FAC]  }
0x31: {  	[smem:$0x3FB5] =	sst s10  }
0x32: {  	s10 =	sld [smem:$0x3FB3];
	_ =	sdelay $0x3  }
0x33: {  	p0 =	seq.s32 s10, $0x1;
	s10 =	sld [smem:$0x3FB5];
	_ =	sdelay $0x3  }
0x34: {  	[smem:$0x3FB5] =	sst s10  }
0x35: {  	s10 =	sld [smem:$0x3FB4];
	_ =	sdelay $0x3  }
0x36: {  	p1 =	seq.s32 s10, $0x1;
	s10 =	sld [smem:$0x3FB5];
	_ =	sdelay $0x3  }
0x37: {  	[smem:$0x3FB5] =	sst s10  }
0x38: {  	s10 =	sld [smem:$0x3FB6]  }
0x39: {  	_ = 	snop;
	(pc) =	sbr.ind lr, $3  }
0x3a: {  	_ = 	snop  }
0x3b: {  	_ = 	snop  }
0x3c: {  	p2 =	seq.s32 s10, $0x1;
	s10 =	sld [smem:$0x3FB5]  }
0x3d: {  	_ =	shalt  }
0x3e: {  	_ =	shalt  }
0x3f: {  	_ =	shalt  }
0x40: {  	_ =	shalt  }
0x41: {  	_ =	shalt  }
0x42: {  	_ =	shalt  }
0x43: {  	_ =	shalt  }
0x44: {  	_ =	shalt  }
0x45: {  	_ =	shalt  }
0x46: {  	_ =	shalt  }
0x47: {  	_ =	shalt  }
0x48: {  	_ =	shalt  }
0x49: {  	_ =	shalt  }
0x4a: {  	_ =	shalt  }
0x4b: {  	_ =	shalt  }
0x4c: {  	_ =	shalt  }
0x4d: {  	_ =	shalt  }
0x4e: {  	_ =	shalt  }
0x4f: {  	_ =	shalt  }
0x50: {  	_ =	shalt  }
0x51: {  	_ =	shalt  }
0x52: {  	_ =	shalt  }
0x53: {  	_ =	shalt  }
0x54: {  	_ =	shalt  }
0x55: {  	_ =	shalt  }
0x56: {  	_ =	shalt  }
0x57: {  	_ =	shalt  }
0x58: {  	_ =	shalt  }
0x59: {  	_ =	shalt  }
0x5a: {  	_ =	shalt  }
0x5b: {  	_ =	shalt  }
0x5c: {  	_ =	shalt  }
0x5d: {  	_ =	shalt  }
0x5e: {  	_ =	shalt  }
0x5f: {  	_ =	shalt  }
0x60: {  	_ =	shalt  }
0x61: {  	_ =	shalt  }
0x62: {  	_ =	shalt  }
0x63: {  	_ =	shalt  }
0x64: {  	_ =	shalt  }
0x65: {  	_ =	shalt  }
0x66: {  	_ =	shalt  }
0x67: {  	_ =	shalt  }
0x68: {  	_ =	shalt  }
0x69: {  	_ =	shalt  }
0x6a: {  	_ =	shalt  }
0x6b: {  	_ =	shalt  }
0x6c: {  	_ =	shalt  }
0x6d: {  	_ =	shalt  }
0x6e: {  	_ =	shalt  }
0x6f: {  	_ =	shalt  }
0x70: {  	_ =	shalt  }
0x71: {  	_ =	shalt  }
0x72: {  	_ =	shalt  }
0x73: {  	_ =	shalt  }
0x74: {  	_ =	shalt  }
0x75: {  	_ =	shalt  }
0x76: {  	_ =	shalt  }
0x77: {  	_ =	shalt  }
0x78: {  	_ =	shalt  }
0x79: {  	_ =	shalt  }
0x7a: {  	_ =	shalt  }
0x7b: {  	_ =	shalt  }
0x7c: {  	_ =	shalt  }
0x7d: {  	_ =	shalt  }
0x7e: {  	_ =	shalt  }
0x7f: {  	_ =	shalt  }
0x80: {  	_ =	shalt  }
0x81: {  	_ =	shalt  }
0x82: {  	_ =	shalt  }
0x83: {  	_ =	shalt  }
0x84: {  	_ =	shalt  }
0x85: {  	_ =	shalt  }
0x86: {  	_ =	shalt  }
0x87: {  	_ =	shalt  }
.Lfunc_end0:
.L_simem_size_0:
called_computation.1_lowered:
.L_overlay_start_0:
0x88: {  	s2 =	sld [smem:$0x3FD9]  }
0x89: {  	s3 =	sld [smem:$0x3FFE];
	_ =	sdelay $0x1  }
0x8a: {  	s1 =	srdreg.scid  }
0x8b: {  	s0 =	sand.u32 $0x1, s1  }
0x8c: {  	s17 =	sshll.u32 s0, $0xA;
	s2 =	sadd.s32 s3, s2  }
0x8d: {  	s2 =	sadd.s32 s2, s17  }
0x8e: {  	[smem:$0x3FC1] =	sst s2  }
0x8f: {  	_ = 	snop  }
0x90: {  	s2 =	sld [smem:$0x3FD0];
	(tm) =	ssettm $0x1  }
0x91: {  	s18 =	sld [smem:$0x3FFB];
	_ =	sdelay $0x3  }
0x92: {  	_ =	strace s18  }
0x93: {  	s3 =	sld [smem:$0x3FFC];
	_ =	sdelay $0x3  }
0x94: {  	_ =	strace s3  }
0x95: {  	s3 =	sld [smem:$0x3FFD];
	_ =	sdelay $0x3  }
0x96: {  	_ =	strace s3  }
0x97: {  	_ =	strace $0x8FFFFFFF  }
0x98: {  	s19 =	sld [smem:$0x3FDB];
	_ =	sdelay $0x1  }
0x99: {  	s4 =	simm.s32 $_scs_section_size  }
0x9a: {  	s5 =	simm.s32 $_size__tile_overlayer_lowered;
	s6 =	simm.s32 $_tile_overlayer_lowered  }
0x9b: {  	s22 =	simm.s32 $0x1BFF;
	s21 =	sshll.u32 s6, $0x1;
	s3 =	sadd.s32 s4, s19  }
0x9c: {  	s7 =	simm.s32 $0x0;
	s20 =	sshll.u32 s5, $0x1;
	s5 =	sadd.s32 s21, s3  }
0x9d: {  	[timem:s7], [sflag:s22] =	dma.local [hbm:s5], s20  }
0x9e: {  	_ =	swait.ge [sflag:s22], s20  }
0x9f: {  	s4 =	ssub.s32 $0x0, s20;
	[sflag:s22] =	ssyncset.done $0x0  }
0xa0: {  	[sflag:s22] =	ssyncadd.s32 s4;
	_ =	sdelay $0x1  }
0xa1: {  	s23 =	simm.s32 $0x1B8B  }
0xa2: {  	_ =	swait.ge [sflag:s23], $0x1  }
0xa3: {  	[sflag:s23] =	ssyncset.done $0x0  }
0xa4: {  	s25 =	simm.s32 $0x1B8E;
	s24 =	sld [smem:$0x3FFE];
	[sflag:s23] =	ssyncadd.s32 $0xFFFFFFFF  }
0xa5: {  	s26 =	simm.s32 $execute0_lowered;
	[smem:$0x3FD2] =	sst s25  }
0xa6: {  	s5 =	sshll.u32 s26, $0x1;
	_ =	strace $0x80000049;
	[dreg:$0x1] =	wrdreg $0xFFFFFFFF  }
0xa7: {  	s28 =	simm.s32 $_size_execute0_lowered;
	s3 =	sadd.s32 s3, s5;
	[dreg:$0x0] =	wrdreg $0x0  }
0xa8: {  	s5 =	sshll.u32 s28, $0x1;
	[dreg:$0x2] =	wrdreg s3  }
0xa9: {  	[dreg:$0x3] =	wrdreg s5  }
0xaa: {  	[dreg:$0x4] =	wrdreg $0xC0  }
0xab: {  	_ =	task [dreg:s7], $0x5FFFF  }
0xac: {  	[dreg:$0x1] =	wrdreg $0xFFFFFFFF  }
0xad: {  	[dreg:$0x0] =	wrdreg $0x60  }
0xae: {  	[dreg:$0x2] =	wrdreg s24  }
0xaf: {  	[dreg:$0x3] =	wrdreg s2  }
0xb0: {  	[dreg:$0x4] =	wrdreg $0xB8000  }
0xb1: {  	[dreg:$0x5] =	wrdreg $0x9  }
0xb2: {  	_ =	task.clear_ibuf [dreg:s7], $0x6FFFF;
	_ =	strace $0x90000049  }
0xb3: {  	s29 =	simm.s32 $0x9;
	_ =	strace $0x8000004B  }
0xb4: {  	_ =	swait.ge [sflag:s29], $0x1  }
0xb5: {  	[sflag:s29] =	ssyncadd.s32 $0xFFFFFFFF  }
0xb6: {  	_ =	strace $0x9000004B  }
0xb7: {  	_ =	sfence  }
0xb8: {  	s30 =	sld [smem:$0x0];
	_ =	sdelay $0x2  }
0xb9: {  	s31 =	sshll.u32 s1, $0xD;
	s1 =	sshrl.u32 s1, $0x2  }
0xba: {  	s3 =	sand.u32 $0x4000, s31;
	s1 =	sadd.s32 s1, s30  }
0xbb: {  	s0 =	sor.u32 s3, s0;
	s1 =	sshll.u32 s1, $0x11  }
0xbc: {  	s0 =	sor.u32 s1, s0  }
0xbd: {  	s0 =	sadd.s32 $0x8F2B, s0  }
0xbe: {  	[sflag:s0] =	ssyncadd.remote.s32 $0x1  }
0xbf: {  	_ =	sfence.sel $0xFFFF  }
0xc0: {  	[dreg:$0x0] =	wrdreg $0xFFFFFFFF;
	(pc) =	sbr.abs _section_cstart, $3  }
0xc1: {  	[dreg:$0x1] =	wrdreg $0xFFFFFFFF  }
0xc2: {  	_ =	task.clear_ibuf [dreg:s7], $0x2FFFF;
	_ =	strace $0x9FFFFFFF  }
0xc3: {  	(tm) =	ssettm $0x7FFFFFFF  }
tec
execute0_lowered:
.L_overlay_start_1:
0x0: {  	(tag) =	ssettag $0x1  }
0x1: {  	s6 =	rddreg [dreg:$0x0]  }
0x2: {  	s7 =	rddreg [dreg:$0x1]  }
0x3: {  	s1 =	rddreg [dreg:$0x2];
	s2 =	simm.s32 $0x0  }
0x4: {  	s3 =	srdreg.scid;
	s0 =	stileid.u32;
	s17 =	simm.s32 $0x80  }
0x5: {  	s18 =	simm.s32 $0x3800;
	s19 =	simm.s32 $0x2;
	s20 =	simm.s32 $0x3780  }
0x6: {  	s21 =	simm.s32 $0x7800;
	s22 =	simm.s32 $0x0;
	[smem:$0x7FF] =	sst s2  }
0x7: {  	s4 =	sadd.s32 $0x36600, s6;
	s11 =	sadd.s32 $0x5DE00, s6;
	s8 =	sand.u32 $0x1, s3  }
0x8: {  	s5 =	sadd.s32 $0x4E00, s6;
	s12 =	smul.u32 $0x4F000, s0;
	s13 =	sadd.s32 $0x85600, s6  }
0x9: {  	s15 =	sadd.s32 $0xACE00, s6;
	s16 =	smul.u32 $0x2780, s0;
	s31 =	sshll.u32 s0, $0x6  }
0xa: {  	_ =	strace $0x8000004A;
	s9 =	sshll.u32 s8, $0x4;
	s10 =	ssub.s32 $0x2, s8  }
0xb: {  	p0 =	seq.s32 s8, $0x0;
	s9 =	sor.u32 s0, s9;
	s14 =	sshrl.u32 s10, $0x1  }
0xc: {  	s28 =	sshrl.u32 s12, $0x2;
	s11 =	smov.u32 @p0 s4;
	s15 =	smov.u32 @p0 s13  }
0xd: {  	s12 =	sor.u32 $0x1C04, s31;
	s9 =	smul.u32 $0x2800, s9;
	s10 =	ssub.s32 s10, s14  }
0xe: {  	s29 =	sadd.s32 s28, s1;
	s11 =	sadd.s32 s11, s16;
	s13 =	sadd.s32 s15, s16  }
0xf: {  	s15 =	simm.s32 $0x4;
	s16 =	simm.s32 $0x800;
	s30 =	sshrl.u32 s9, $0x3  }
0x10: {  	s10 =	smax.u32 s10, $0x1;
	s6 =	sadd.s32 s7, s30;
	s7 =	sadd.s32 s5, s30  }
0x11: {  	s14 =	sshrl.u32 s29, $0x3;
	s9 =	sadd.s32 $0x1000, s9;
	s8 =	sadd.s32 $0x100, s7  }
.LBB2_1:
0x12: {  	[spmem:s14], [sflag:s12] =	dma.local [hbm:s11], $0x2780  }
0x13: {  	_ =	swait.ge [sflag:s15], $0x2780  }
0x14: {  	[sflag:s15] =	ssyncset.done $0x0  }
0x15: {  	s24 =	simm.s32 $0x1000;
	[sflag:s15] =	ssyncadd.s32 $0xFFFFD880  }
0x16: {  	[tilespmem:s24], [sflag:$0x4] =	stream.linear.gather [hbm4b:s6+s2], $0x2800, $0x38;
	[tilespmem:$0x1F400] =	vst v63  }
0x17: {  	_ =	swait.ge [sflag:s15], $0x2800  }
0x18: {  	[sflag:s15] =	ssyncset.done $0x0  }
0x19: {  	[sflag:s15] =	ssyncadd.s32 $0xFFFFD800  }
0x1a: {  	[tilespmem:s2], [sflag:$0x4] =	stream.linear.gather [hbm4b:s7+s2], $0x800, $0x38;
	[tilespmem:$0x1F400] =	vst v63  }
0x1b: {  	s23 =	sand.u32 $0xF, s2;
	_ =	swait.ge [sflag:s15], $0x800  }
0x1c: {  	p0 =	sne.s32 s23, $0xF;
	[sflag:s15] =	ssyncset.done $0x0  }
0x1d: {  	p1 =	por @!p0 $0x0, $0x0;
	[sflag:s15] =	ssyncadd.s32 $0xFFFFF800  }
0x1e: {  	p1 =	por p1, p0;
	[bflag:$0x0] =	sbarrier.arrive $0xFFFF  }
0x1f: {  	[tilespmem:s16], [sflag:$0x3] =	stream.linear.gather [hbm4b:s8+s2], $0x800, $0x38;
	[tilespmem:$0x1F400] =	vst v63  }
0x20: {  	s25 =	sand.u32 $0x1, s2;
	s23 =	simm.s32 @!p0 $0x3;
	s26 =	sand.u32 @!p1 $0x1800, s2  }
0x21: {  	[tilespmem:s18], [sflag:$0x1] =	stream.indirect.gather [hbm4b:s4+s17], $0x80, s2, s17, $0xb8;
	[tilespmem:$0x1F400] =	vst v63  }
0x22: {  	s0 =	sxor.u32 $0x1, s25;
	s26 =	sadd.s32 @!p1 s26, s9;
	_ =	swait.ge @!p0 [sflag:s23], $0x800  }
0x23: {  	s28 =	sand.u32 @!p1 $0x800, s2;
	s26 =	sshrl.u32 @!p1 s26, $0x3;
	[sflag:s23] =	ssyncset.done @!p0 $0x0  }
0x24: {  	s29 =	simm.s32 @!p1 $0x0;
	[sflag:s23] =	ssyncadd.s32 @!p0 $0xFFFFF800;
	s23 =	sadd.s32 @!p1 s5, s26  }
0x25: {  	[tilespmem:s28], [sflag:$0x3] =	stream.linear.gather @!p1 [hbm4b:s23+s29], $0x800, $0x38;
	[tilespmem:$0x1F400] =	vst v63  }
0x26: {  	s3 =	sadd.s32 $0x1, s25;
	s23 =	simm.s32 $0x80;
	s28 =	sshll.u32 s0, $0xE  }
0x27: {  	s26 =	sadd.s32 $0x1, s0;
	s30 =	sand.u32 $0xF80, s23;
	s28 =	sor.u32 $0x3800, s28  }
0x28: {  	[tilespmem:s28], [sflag:s26] =	stream.indirect.gather [hbm4b:s4+s17], $0x80, s30, s17, $0xb8;
	[tilespmem:$0x1F400] =	vst v63  }
0x29: {  	s25 =	sshll.u32 s25, $0xE;
	s28 =	simm.s32 $0x1;
	_ =	swait.ge [sflag:s3], $0x4000  }
0x2a: {  	s25 =	sor.u32 $0x3800, s25;
	s31 =	sand.u32 $0xF, s28;
	[sflag:s3] =	ssyncset.done $0x0  }
0x2b: {  	s26 =	simm.s32 $0x80;
	p0 =	sne.s32 s31, $0xF;
	[sflag:s3] =	ssyncadd.s32 $0xFFFFC000  }
0x2c: {  	[spmem:s1] =	stream.indirect.scatter.add.f32 [tilespmem:s25], [sflag:$0x4], $0x80, s24, s17, $0xb8;
	[tilespmem:$0x1F400] =	vst v63  }
0x2d: {  	s25 =	simm.s32 $0x2;
	s24 =	simm.s32 $0x1080;
	_ =	swait.ge [sflag:s15], $0x4000  }
.LBB2_2:
0x2e: {  	p1 =	sgt.u32 @!p0 s28, $0x3E;
	s23 =	sadd.s32 $0x80, s23  }
0x2f: {  	[sflag:s15] =	ssyncset.done $0x0;
	s29 =	smov.u32 s25;
	s28 =	sand.u32 $0x1, s28  }
0x30: {  	s30 =	simm.s32 @!p0 $0x3;
	p1 =	por p1, p0;
	[sflag:s15] =	ssyncadd.s32 $0xFFFFC000  }
0x31: {  	s25 =	sadd.s32 $0x1, s25;
	s0 =	sadd.s32 $0x1, s28;
	s31 =	sand.u32 @!p1 $0x1800, s26  }
0x32: {  	s26 =	sand.u32 @!p1 $0x800, s26;
	_ =	swait.ge @!p0 [sflag:s30], $0x800;
	s31 =	sadd.s32 @!p1 s31, s9  }
0x33: {  	s3 =	simm.s32 @!p1 $0x0;
	[sflag:s30] =	ssyncset.done @!p0 $0x0;
	s31 =	sshrl.u32 @!p1 s31, $0x3  }
0x34: {  	[sflag:s30] =	ssyncadd.s32 @!p0 $0xFFFFF800;
	s30 =	sadd.s32 @!p1 s5, s31;
	s31 =	sxor.u32 $0x1, s28  }
0x35: {  	[tilespmem:s26], [sflag:$0x3] =	stream.linear.gather @!p1 [hbm4b:s30+s3], $0x800, $0x38;
	[tilespmem:$0x1F400] =	vst v63  }
0x36: {  	s3 =	sshll.u32 s31, $0xE;
	s26 =	sand.u32 $0xF80, s23;
	s30 =	sadd.s32 $0x1, s31  }
0x37: {  	s28 =	sshll.u32 s28, $0xE;
	p1 =	sne.s32 s25, $0x4F;
	s3 =	sor.u32 $0x3800, s3  }
0x38: {  	[tilespmem:s3], [sflag:s30] =	stream.indirect.gather [hbm4b:s4+s17], $0x80, s26, s17, $0xb8;
	[tilespmem:$0x1F400] =	vst v63  }
.Ltmp0:
0x39: {  	_ =	swait.ge [sflag:s0], $0x4000;
	(pc) =	sbr.rel @p1 .LBB2_2-.Ltmp0, $4  }
0x3a: {  	s3 =	sor.u32 $0x3800, s28;
	s26 =	smov.u32 s23;
	[sflag:s0] =	ssyncset.done $0x0  }
0x3b: {  	s30 =	sand.u32 $0xF, s29;
	s28 =	smov.u32 s29;
	[sflag:s0] =	ssyncadd.s32 $0xFFFFC000  }
0x3c: {  	[spmem:s1] =	stream.indirect.scatter.add.f32 [tilespmem:s3], [sflag:$0x4], $0x80, s24, s17, $0xb8;
	[tilespmem:$0x1F400] =	vst v63  }
0x3d: {  	p0 =	sne.s32 s30, $0xF;
	s24 =	sadd.s32 $0x80, s24;
	_ =	swait.ge [sflag:s15], $0x4000  }
0x3e: {  	p1 =	sgt.u32 @!p0 s28, $0x3E  }
0x3f: {  	[sflag:s15] =	ssyncset.done $0x0;
	s0 =	sand.u32 $0x1, s28;
	p1 =	por p1, p0  }
0x40: {  	s3 =	simm.s32 @!p0 $0x3;
	[sflag:s15] =	ssyncadd.s32 $0xFFFFC000;
	s25 =	sand.u32 @!p1 $0x1800, s26  }
0x41: {  	_ =	swait.ge @!p0 [sflag:s3], $0x800;
	s26 =	sand.u32 @!p1 $0x800, s26;
	s25 =	sadd.s32 @!p1 s25, s9  }
0x42: {  	s28 =	simm.s32 @!p1 $0x0;
	[sflag:s3] =	ssyncset.done @!p0 $0x0;
	s25 =	sshrl.u32 @!p1 s25, $0x3  }
0x43: {  	[sflag:s3] =	ssyncadd.s32 @!p0 $0xFFFFF800;
	s3 =	sadd.s32 @!p1 s5, s25;
	s25 =	sxor.u32 $0x1, s0  }
0x44: {  	[tilespmem:s26], [sflag:$0x3] =	stream.linear.gather @!p1 [hbm4b:s3+s28], $0x800, $0x38;
	[tilespmem:$0x1F400] =	vst v63  }
0x45: {  	s29 =	sadd.s32 $0x80, s23;
	s30 =	sadd.s32 $0x1, s0;
	s31 =	sshll.u32 s25, $0xE  }
0x46: {  	s3 =	sand.u32 $0xF80, s29;
	s25 =	sadd.s32 $0x1, s25;
	s26 =	sor.u32 $0x3800, s31  }
0x47: {  	[tilespmem:s26], [sflag:s25] =	stream.indirect.gather [hbm4b:s4+s17], $0x80, s3, s17, $0xb8;
	[tilespmem:$0x1F400] =	vst v63  }
0x48: {  	_ =	swait.ge [sflag:s30], $0x4000  }
0x49: {  	s0 =	sshll.u32 s0, $0xE;
	[sflag:s30] =	ssyncset.done $0x0  }
0x4a: {  	s0 =	sor.u32 $0x3800, s0;
	[sflag:s30] =	ssyncadd.s32 $0xFFFFC000  }
0x4b: {  	[spmem:s1] =	stream.indirect.scatter.add.f32 [tilespmem:s0], [sflag:$0x4], $0x80, s24, s17, $0xb8;
	[tilespmem:$0x1F400] =	vst v63  }
0x4c: {  	_ =	swait.ge [sflag:s15], $0x4000  }
0x4d: {  	[sflag:s15] =	ssyncset.done $0x0  }
0x4e: {  	[sflag:s15] =	ssyncadd.s32 $0xFFFFC000  }
0x4f: {  	_ =	swait.ge [sflag:s19], $0x4000  }
0x50: {  	[sflag:s19] =	ssyncset.done $0x0  }
0x51: {  	[sflag:s19] =	ssyncadd.s32 $0xFFFFC000  }
0x52: {  	[spmem:s1] =	stream.indirect.scatter.add.f32 [tilespmem:s21], [sflag:$0x4], $0x80, s20, s17, $0xb8;
	[tilespmem:$0x1F400] =	vst v63  }
0x53: {  	_ =	swait.ge [sflag:s15], $0x4000  }
0x54: {  	s22 =	sadd.s32 $0x1, s22;
	[sflag:s15] =	ssyncset.done $0x0  }
0x55: {  	p0 =	sne.s32 s22, s10;
	[sflag:s15] =	ssyncadd.s32 $0xFFFFC000  }
.Ltmp1:
0x56: {  	[bflag:$0x0] =	sbarrier.arrive $0xFFFF;
	(pc) =	sbr.rel @p0 .LBB2_1-.Ltmp1, $4  }
0x57: {  	[hbm:s13], [sflag:s12] =	dma.local [spmem:s14], $0x2780  }
0x58: {  	_ =	swait.ge [sflag:s15], $0x2780  }
0x59: {  	[sflag:s15] =	ssyncset.done $0x0  }
0x5a: {  	[sflag:s15] =	ssyncadd.s32 $0xFFFFD880  }
0x5b: {  	_ =	sfence.sel $0x180000  }
0x5c: {  	[bflag:$0x0] =	sbarrier.arrive $0xFFFF  }
0x5d: {  	_ =	strace $0x9000004A  }
0x5e: {  	s0 =	stileid.u32;
	[bflag:$0x2] =	sbarrier.arrive $0xFFFF  }
0x5f: {  	p0 =	sne.s32 s0, $0x0;
	s0 =	rddreg [dreg:$0x3]  }
0x60: {  	s0 =	sadd.s32 @!p0 $0x100000, s0  }
0x61: {  	[sflag:s0] =	ssyncadd.tile.s32 @!p0 $0x1;
	_ =	shalt  }
.Lfunc_end2:
_tile_overlayer_lowered:
.L_overlay_start_2:
0x62: {  	(tag) =	ssettag $0x2  }
0x63: {  	s0 =	rddreg [dreg:$0x0];
	s2 =	stileid.u32  }
0x64: {  	s1 =	rddreg [dreg:$0x1];
	p0 =	sne.s32 s2, $0x0  }
0x65: {  	s3 =	rddreg [dreg:$0x2];
	[bflag:$0x3] =	sbarrier.arrive $0xFFFF;
	s2 =	simm.s32 @!p0 $0x1C04  }
0x66: {  	[timem:s3], [sflag:s2] =	dma.local @!p0 [hbm:s0], s1  }
0x67: {  	s0 =	simm.s32 @!p0 $0x4  }
0x68: {  	_ =	swait.ge @!p0 [sflag:s0], s1  }
0x69: {  	s1 =	ssub.s32 @!p0 $0x0, s1;
	[sflag:s0] =	ssyncset.done @!p0 $0x0  }
0x6a: {  	[sflag:s0] =	ssyncadd.s32 @!p0 s1  }
0x6b: {  	[bflag:$0x3] =	sbarrier.arrive $0xFFFF  }
0x6c: {  	_ =	shalt  }

// kernel: kernel.18.cloned.1.call-start
scs
__scs_entry_jumppad:
0x0: {  	(pc) =	sbr.rel $0x88, $3  }
0x1: {  	(tag) =	ssettag $0x0;
	lr =	simm.s32 $0x1  }
0x2: {  	[smem:$0x3F9A] =	sst lr;
	_ =	strace $0xD0000000  }
0x3: {  	_ = 	snop  }
0x4: {  	_ = 	snop  }
0x5: {  	_ = 	snop  }
0x6: {  	_ = 	snop  }
0x7: {  	_ = 	snop  }
__scs_overlays_trampoline_lowered:
0x8: {  	[smem:$0x3FA9] =	sst s0  }
0x9: {  	[smem:$0x3FAA] =	sst s1  }
0xa: {  	[smem:$0x3FAB] =	sst s2  }
0xb: {  	[smem:$0x3FAC] =	sst s3  }
0xc: {  	[smem:$0x3FAD] =	sst s4  }
0xd: {  	[smem:$0x3FAE] =	sst s5  }
0xe: {  	[smem:$0x3FAF] =	sst s6  }
0xf: {  	[smem:$0x3FB0] =	sst s7  }
0x10: {  	[smem:$0x3FB1] =	sst s8  }
0x11: {  	[smem:$0x3FB2] =	sst s9;
	s0 =	simm.s32 @!p0 $0x0  }
0x12: {  	s1 =	sld [smem:$0x3F98];
	s0 =	simm.s32 @p0 $0x1  }
0x13: {  	[smem:$0x3FB3] =	sst s0;
	s0 =	simm.s32 @!p1 $0x0  }
0x14: {  	s2 =	sld [smem:$0x3F97];
	s0 =	simm.s32 @p1 $0x1  }
0x15: {  	[smem:$0x3FB4] =	sst s0;
	s0 =	simm.s32 @!p2 $0x0  }
0x16: {  	s3 =	sld [smem:$0x3FDB];
	s0 =	simm.s32 @p2 $0x1  }
0x17: {  	s4 =	simm.s32 $0x1BF5;
	[smem:$0x3FB6] =	sst s0  }
0x18: {  	s0 =	sld [smem:$0x3F99];
	_ =	swait.ge [sflag:s4], $0x0  }
0x19: {  	s7 =	sld [smem:$0x3F9A]  }
0x1a: {  	s8 =	sadd.s32 $0xFFFFE003, lr  }
0x1b: {  	s9 =	sadd.s32 $0xFFFFFEF7, lr;
	s5 =	simm.s32 $0xFFFFFFFF;
	p2 =	slt.u32 s8, $0xFFFFF086  }
0x1c: {  	p1 =	slt.u32 s9, $0xF7A;
	s5 =	simm.s32 @!p2 $0x0  }
0x1d: {  	s5 =	simm.s32 @p1 $0x1;
	p0 =	seq.s32 s7, s2  }
0x1e: {  	s7 =	smul.u32 @!p0 $0xF7A, s2;
	p2 =	seq.s32 @!p0 s5, $0x0  }
0x1f: {  	s9 =	smul.u32 $0xF7A, s1;
	s8 =	simm.s32 @!p0 $0x1BF5;
	p2 =	por !p2, p0  }
0x20: {  	[sflag:s8] =	ssyncset.s32 @!p0 $0xFFFFF086;
	s6 =	sadd.s32 @!p0 s3, s7;
	s7 =	simm.s32 @!p0 $0x108  }
0x21: {  	s3 =	sadd.s32 s3, s9;
	s6 =	sadd.s32 @!p0 $0x88, s6;
	s7 =	simm.s32 @p2 $0x1082  }
0x22: {  	[simem:s7], [sflag:s8] =	dma.local @!p0 [hbm:s6], $0xF7A  }
0x23: {  	s9 =	sor.u32 $0xD0000000, s2;
	s6 =	simm.s32 $0x108;
	_ =	swait.ge @!p0 [sflag:s8], $0x0  }
0x24: {  	s3 =	sadd.s32 $0x88, s3;
	s6 =	simm.s32 @!p1 $0x1082;
	[sflag:s4] =	ssyncset.s32 $0xFFFFF086  }
0x25: {  	[simem:s6], [sflag:s4] =	dma.local [hbm:s3], $0xF7A  }
0x26: {  	[smem:$0x3F9A] =	sst s1;
	(tag) =	ssettag s2;
	_ =	strace s9  }
0x27: {  	s1 =	sld [smem:$0x3FAA]  }
0x28: {  	s2 =	sld [smem:$0x3FAB]  }
0x29: {  	s4 =	sld [smem:$0x3FAD]  }
0x2a: {  	p0 =	seq.s32 s5, $0x0;
	s5 =	sld [smem:$0x3FAE]  }
0x2b: {  	s6 =	sld [smem:$0x3FAF]  }
0x2c: {  	s7 =	sld [smem:$0x3FB0]  }
0x2d: {  	s3 =	simm.s32 $0x108;
	s8 =	sld [smem:$0x3FB1]  }
0x2e: {  	s3 =	simm.s32 @!p0 $0x1082;
	s9 =	sld [smem:$0x3FB2]  }
0x2f: {  	lr =	sadd.s32 s0, s3;
	s0 =	sld [smem:$0x3FA9]  }
0x30: {  	s3 =	sld [smem:$0x3FAC]  }
0x31: {  	[smem:$0x3FB5] =	sst s10  }
0x32: {  	s10 =	sld [smem:$0x3FB3];
	_ =	sdelay $0x3  }
0x33: {  	p0 =	seq.s32 s10, $0x1;
	s10 =	sld [smem:$0x3FB5];
	_ =	sdelay $0x3  }
0x34: {  	[smem:$0x3FB5] =	sst s10  }
0x35: {  	s10 =	sld [smem:$0x3FB4];
	_ =	sdelay $0x3  }
0x36: {  	p1 =	seq.s32 s10, $0x1;
	s10 =	sld [smem:$0x3FB5];
	_ =	sdelay $0x3  }
0x37: {  	[smem:$0x3FB5] =	sst s10  }
0x38: {  	s10 =	sld [smem:$0x3FB6]  }
0x39: {  	_ = 	snop;
	(pc) =	sbr.ind lr, $3  }
0x3a: {  	_ = 	snop  }
0x3b: {  	_ = 	snop  }
0x3c: {  	p2 =	seq.s32 s10, $0x1;
	s10 =	sld [smem:$0x3FB5]  }
0x3d: {  	_ =	shalt  }
0x3e: {  	_ =	shalt  }
0x3f: {  	_ =	shalt  }
0x40: {  	_ =	shalt  }
0x41: {  	_ =	shalt  }
0x42: {  	_ =	shalt  }
0x43: {  	_ =	shalt  }
0x44: {  	_ =	shalt  }
0x45: {  	_ =	shalt  }
0x46: {  	_ =	shalt  }
0x47: {  	_ =	shalt  }
0x48: {  	_ =	shalt  }
0x49: {  	_ =	shalt  }
0x4a: {  	_ =	shalt  }
0x4b: {  	_ =	shalt  }
0x4c: {  	_ =	shalt  }
0x4d: {  	_ =	shalt  }
0x4e: {  	_ =	shalt  }
0x4f: {  	_ =	shalt  }
0x50: {  	_ =	shalt  }
0x51: {  	_ =	shalt  }
0x52: {  	_ =	shalt  }
0x53: {  	_ =	shalt  }
0x54: {  	_ =	shalt  }
0x55: {  	_ =	shalt  }
0x56: {  	_ =	shalt  }
0x57: {  	_ =	shalt  }
0x58: {  	_ =	shalt  }
0x59: {  	_ =	shalt  }
0x5a: {  	_ =	shalt  }
0x5b: {  	_ =	shalt  }
0x5c: {  	_ =	shalt  }
0x5d: {  	_ =	shalt  }
0x5e: {  	_ =	shalt  }
0x5f: {  	_ =	shalt  }
0x60: {  	_ =	shalt  }
0x61: {  	_ =	shalt  }
0x62: {  	_ =	shalt  }
0x63: {  	_ =	shalt  }
0x64: {  	_ =	shalt  }
0x65: {  	_ =	shalt  }
0x66: {  	_ =	shalt  }
0x67: {  	_ =	shalt  }
0x68: {  	_ =	shalt  }
0x69: {  	_ =	shalt  }
0x6a: {  	_ =	shalt  }
0x6b: {  	_ =	shalt  }
0x6c: {  	_ =	shalt  }
0x6d: {  	_ =	shalt  }
0x6e: {  	_ =	shalt  }
0x6f: {  	_ =	shalt  }
0x70: {  	_ =	shalt  }
0x71: {  	_ =	shalt  }
0x72: {  	_ =	shalt  }
0x73: {  	_ =	shalt  }
0x74: {  	_ =	shalt  }
0x75: {  	_ =	shalt  }
0x76: {  	_ =	shalt  }
0x77: {  	_ =	shalt  }
0x78: {  	_ =	shalt  }
0x79: {  	_ =	shalt  }
0x7a: {  	_ =	shalt  }
0x7b: {  	_ =	shalt  }
0x7c: {  	_ =	shalt  }
0x7d: {  	_ =	shalt  }
0x7e: {  	_ =	shalt  }
0x7f: {  	_ =	shalt  }
0x80: {  	_ =	shalt  }
0x81: {  	_ =	shalt  }
0x82: {  	_ =	shalt  }
0x83: {  	_ =	shalt  }
0x84: {  	_ =	shalt  }
0x85: {  	_ =	shalt  }
0x86: {  	_ =	shalt  }
0x87: {  	_ =	shalt  }
.Lfunc_end0:
.L_simem_size_0:
called_computation.2_lowered:
.L_overlay_start_0:
0x88: {  	s2 =	sld [smem:$0x3FD9]  }
0x89: {  	s3 =	sld [smem:$0x3FFE];
	_ =	sdelay $0x1  }
0x8a: {  	s1 =	srdreg.scid  }
0x8b: {  	s0 =	sand.u32 $0x1, s1  }
0x8c: {  	s17 =	sshll.u32 s0, $0xA;
	s2 =	sadd.s32 s3, s2  }
0x8d: {  	s2 =	sadd.s32 s2, s17  }
0x8e: {  	[smem:$0x3FC1] =	sst s2  }
0x8f: {  	_ = 	snop  }
0x90: {  	s2 =	sld [smem:$0x3FD0];
	(tm) =	ssettm $0x1  }
0x91: {  	s18 =	sld [smem:$0x3FFB];
	_ =	sdelay $0x3  }
0x92: {  	_ =	strace s18  }
0x93: {  	s3 =	sld [smem:$0x3FFC];
	_ =	sdelay $0x3  }
0x94: {  	_ =	strace s3  }
0x95: {  	s3 =	sld [smem:$0x3FFD];
	_ =	sdelay $0x3  }
0x96: {  	_ =	strace s3  }
0x97: {  	_ =	strace $0x8FFFFFFF  }
0x98: {  	s19 =	sld [smem:$0x3FDB];
	_ =	sdelay $0x1  }
0x99: {  	s4 =	simm.s32 $_scs_section_size  }
0x9a: {  	s5 =	simm.s32 $_size__tile_overlayer_lowered;
	s6 =	simm.s32 $_tile_overlayer_lowered  }
0x9b: {  	s22 =	simm.s32 $0x1BFF;
	s21 =	sshll.u32 s6, $0x1;
	s3 =	sadd.s32 s4, s19  }
0x9c: {  	s7 =	simm.s32 $0x0;
	s20 =	sshll.u32 s5, $0x1;
	s5 =	sadd.s32 s21, s3  }
0x9d: {  	[timem:s7], [sflag:s22] =	dma.local [hbm:s5], s20  }
0x9e: {  	_ =	swait.ge [sflag:s22], s20  }
0x9f: {  	s4 =	ssub.s32 $0x0, s20;
	[sflag:s22] =	ssyncset.done $0x0  }
0xa0: {  	[sflag:s22] =	ssyncadd.s32 s4;
	_ =	sdelay $0x1  }
0xa1: {  	s23 =	simm.s32 $0x1B8B  }
0xa2: {  	_ =	swait.ge [sflag:s23], $0x1  }
0xa3: {  	[sflag:s23] =	ssyncset.done $0x0  }
0xa4: {  	s25 =	simm.s32 $0x1B8E;
	s24 =	sld [smem:$0x3FFE];
	[sflag:s23] =	ssyncadd.s32 $0xFFFFFFFF  }
0xa5: {  	s26 =	simm.s32 $execute0_lowered;
	[smem:$0x3FD2] =	sst s25  }
0xa6: {  	s5 =	sshll.u32 s26, $0x1;
	_ =	strace $0x8000004C;
	[dreg:$0x1] =	wrdreg $0xFFFFFFFF  }
0xa7: {  	s28 =	simm.s32 $_size_execute0_lowered;
	s3 =	sadd.s32 s3, s5;
	[dreg:$0x0] =	wrdreg $0x0  }
0xa8: {  	s5 =	sshll.u32 s28, $0x1;
	[dreg:$0x2] =	wrdreg s3  }
0xa9: {  	[dreg:$0x3] =	wrdreg s5  }
0xaa: {  	[dreg:$0x4] =	wrdreg $0xC0  }
0xab: {  	_ =	task [dreg:s7], $0x5FFFF  }
0xac: {  	[dreg:$0x1] =	wrdreg $0xFFFFFFFF  }
0xad: {  	[dreg:$0x0] =	wrdreg $0x60  }
0xae: {  	[dreg:$0x2] =	wrdreg s24  }
0xaf: {  	[dreg:$0x3] =	wrdreg s2  }
0xb0: {  	[dreg:$0x4] =	wrdreg $0xB8000  }
0xb1: {  	[dreg:$0x5] =	wrdreg $0x9  }
0xb2: {  	_ =	task.clear_ibuf [dreg:s7], $0x6FFFF;
	_ =	strace $0x9000004C  }
0xb3: {  	s29 =	simm.s32 $0x9;
	_ =	strace $0x8000004E  }
0xb4: {  	_ =	swait.ge [sflag:s29], $0x1  }
0xb5: {  	[sflag:s29] =	ssyncadd.s32 $0xFFFFFFFF  }
0xb6: {  	_ =	strace $0x9000004E  }
0xb7: {  	_ =	sfence  }
0xb8: {  	s30 =	sld [smem:$0x0];
	_ =	sdelay $0x2  }
0xb9: {  	s31 =	sshll.u32 s1, $0xD;
	s1 =	sshrl.u32 s1, $0x2  }
0xba: {  	s3 =	sand.u32 $0x4000, s31;
	s1 =	sadd.s32 s1, s30  }
0xbb: {  	s0 =	sor.u32 s3, s0;
	s1 =	sshll.u32 s1, $0x11  }
0xbc: {  	s0 =	sor.u32 s1, s0  }
0xbd: {  	s0 =	sadd.s32 $0x8F2B, s0  }
0xbe: {  	[sflag:s0] =	ssyncadd.remote.s32 $0x1  }
0xbf: {  	_ =	sfence.sel $0xFFFF  }
0xc0: {  	[dreg:$0x0] =	wrdreg $0xFFFFFFFF;
	(pc) =	sbr.abs _section_cstart, $3  }
0xc1: {  	[dreg:$0x1] =	wrdreg $0xFFFFFFFF  }
0xc2: {  	_ =	task.clear_ibuf [dreg:s7], $0x2FFFF;
	_ =	strace $0x9FFFFFFF  }
0xc3: {  	(tm) =	ssettm $0x7FFFFFFF  }
tec
execute0_lowered:
.L_overlay_start_1:
0x0: {  	(tag) =	ssettag $0x1  }
0x1: {  	s6 =	rddreg [dreg:$0x0]  }
0x2: {  	s7 =	rddreg [dreg:$0x1]  }
0x3: {  	s1 =	rddreg [dreg:$0x2];
	s2 =	simm.s32 $0x0  }
0x4: {  	s3 =	srdreg.scid;
	s0 =	stileid.u32;
	s17 =	simm.s32 $0x80  }
0x5: {  	s18 =	simm.s32 $0x3800;
	s19 =	simm.s32 $0x2;
	s20 =	simm.s32 $0x3780  }
0x6: {  	s21 =	simm.s32 $0x7800;
	s22 =	simm.s32 $0x0;
	[smem:$0x7FF] =	sst s2  }
0x7: {  	s4 =	sadd.s32 $0x36600, s6;
	s11 =	sadd.s32 $0x5DE00, s6;
	s8 =	sand.u32 $0x1, s3  }
0x8: {  	s5 =	sadd.s32 $0x4E00, s6;
	s12 =	smul.u32 $0x4F000, s0;
	s13 =	sadd.s32 $0x85600, s6  }
0x9: {  	s15 =	sadd.s32 $0xACE00, s6;
	s16 =	smul.u32 $0x2780, s0;
	s31 =	sshll.u32 s0, $0x6  }
0xa: {  	_ =	strace $0x8000004D;
	s9 =	sshll.u32 s8, $0x4;
	s10 =	ssub.s32 $0x2, s8  }
0xb: {  	p0 =	seq.s32 s8, $0x0;
	s9 =	sor.u32 s0, s9;
	s14 =	sshrl.u32 s10, $0x1  }
0xc: {  	s28 =	sshrl.u32 s12, $0x2;
	s11 =	smov.u32 @p0 s4;
	s15 =	smov.u32 @p0 s13  }
0xd: {  	s12 =	sor.u32 $0x1C04, s31;
	s9 =	smul.u32 $0x2800, s9;
	s10 =	ssub.s32 s10, s14  }
0xe: {  	s29 =	sadd.s32 s28, s1;
	s11 =	sadd.s32 s11, s16;
	s13 =	sadd.s32 s15, s16  }
0xf: {  	s15 =	simm.s32 $0x4;
	s16 =	simm.s32 $0x800;
	s30 =	sshrl.u32 s9, $0x3  }
0x10: {  	s10 =	smax.u32 s10, $0x1;
	s6 =	sadd.s32 s7, s30;
	s7 =	sadd.s32 s5, s30  }
0x11: {  	s14 =	sshrl.u32 s29, $0x3;
	s9 =	sadd.s32 $0x1000, s9;
	s8 =	sadd.s32 $0x100, s7  }
.LBB2_1:
0x12: {  	[spmem:s14], [sflag:s12] =	dma.local [hbm:s11], $0x2780  }
0x13: {  	_ =	swait.ge [sflag:s15], $0x2780  }
0x14: {  	[sflag:s15] =	ssyncset.done $0x0  }
0x15: {  	s24 =	simm.s32 $0x1000;
	[sflag:s15] =	ssyncadd.s32 $0xFFFFD880  }
0x16: {  	[tilespmem:s24], [sflag:$0x4] =	stream.linear.gather [hbm4b:s6+s2], $0x2800, $0x38;
	[tilespmem:$0x1F400] =	vst v63  }
0x17: {  	_ =	swait.ge [sflag:s15], $0x2800  }
0x18: {  	[sflag:s15] =	ssyncset.done $0x0  }
0x19: {  	[sflag:s15] =	ssyncadd.s32 $0xFFFFD800  }
0x1a: {  	[tilespmem:s2], [sflag:$0x4] =	stream.linear.gather [hbm4b:s7+s2], $0x800, $0x38;
	[tilespmem:$0x1F400] =	vst v63  }
0x1b: {  	s23 =	sand.u32 $0xF, s2;
	_ =	swait.ge [sflag:s15], $0x800  }
0x1c: {  	p0 =	sne.s32 s23, $0xF;
	[sflag:s15] =	ssyncset.done $0x0  }
0x1d: {  	p1 =	por @!p0 $0x0, $0x0;
	[sflag:s15] =	ssyncadd.s32 $0xFFFFF800  }
0x1e: {  	p1 =	por p1, p0;
	[bflag:$0x0] =	sbarrier.arrive $0xFFFF  }
0x1f: {  	[tilespmem:s16], [sflag:$0x3] =	stream.linear.gather [hbm4b:s8+s2], $0x800, $0x38;
	[tilespmem:$0x1F400] =	vst v63  }
0x20: {  	s25 =	sand.u32 $0x1, s2;
	s23 =	simm.s32 @!p0 $0x3;
	s26 =	sand.u32 @!p1 $0x1800, s2  }
0x21: {  	[tilespmem:s18], [sflag:$0x1] =	stream.indirect.gather [hbm4b:s4+s17], $0x80, s2, s17, $0xb8;
	[tilespmem:$0x1F400] =	vst v63  }
0x22: {  	s0 =	sxor.u32 $0x1, s25;
	s26 =	sadd.s32 @!p1 s26, s9;
	_ =	swait.ge @!p0 [sflag:s23], $0x800  }
0x23: {  	s28 =	sand.u32 @!p1 $0x800, s2;
	s26 =	sshrl.u32 @!p1 s26, $0x3;
	[sflag:s23] =	ssyncset.done @!p0 $0x0  }
0x24: {  	s29 =	simm.s32 @!p1 $0x0;
	[sflag:s23] =	ssyncadd.s32 @!p0 $0xFFFFF800;
	s23 =	sadd.s32 @!p1 s5, s26  }
0x25: {  	[tilespmem:s28], [sflag:$0x3] =	stream.linear.gather @!p1 [hbm4b:s23+s29], $0x800, $0x38;
	[tilespmem:$0x1F400] =	vst v63  }
0x26: {  	s3 =	sadd.s32 $0x1, s25;
	s23 =	simm.s32 $0x80;
	s28 =	sshll.u32 s0, $0xE  }
0x27: {  	s26 =	sadd.s32 $0x1, s0;
	s30 =	sand.u32 $0xF80, s23;
	s28 =	sor.u32 $0x3800, s28  }
0x28: {  	[tilespmem:s28], [sflag:s26] =	stream.indirect.gather [hbm4b:s4+s17], $0x80, s30, s17, $0xb8;
	[tilespmem:$0x1F400] =	vst v63  }
0x29: {  	s25 =	sshll.u32 s25, $0xE;
	s28 =	simm.s32 $0x1;
	_ =	swait.ge [sflag:s3], $0x4000  }
0x2a: {  	s25 =	sor.u32 $0x3800, s25;
	s31 =	sand.u32 $0xF, s28;
	[sflag:s3] =	ssyncset.done $0x0  }
0x2b: {  	s26 =	simm.s32 $0x80;
	p0 =	sne.s32 s31, $0xF;
	[sflag:s3] =	ssyncadd.s32 $0xFFFFC000  }
0x2c: {  	[spmem:s1] =	stream.indirect.scatter.add.f32 [tilespmem:s25], [sflag:$0x4], $0x80, s24, s17, $0xb8;
	[tilespmem:$0x1F400] =	vst v63  }
0x2d: {  	s25 =	simm.s32 $0x2;
	s24 =	simm.s32 $0x1080;
	_ =	swait.ge [sflag:s15], $0x4000  }
.LBB2_2:
0x2e: {  	p1 =	sgt.u32 @!p0 s28, $0x3E;
	s23 =	sadd.s32 $0x80, s23  }
0x2f: {  	[sflag:s15] =	ssyncset.done $0x0;
	s29 =	smov.u32 s25;
	s28 =	sand.u32 $0x1, s28  }
0x30: {  	s30 =	simm.s32 @!p0 $0x3;
	p1 =	por p1, p0;
	[sflag:s15] =	ssyncadd.s32 $0xFFFFC000  }
0x31: {  	s25 =	sadd.s32 $0x1, s25;
	s0 =	sadd.s32 $0x1, s28;
	s31 =	sand.u32 @!p1 $0x1800, s26  }
0x32: {  	s26 =	sand.u32 @!p1 $0x800, s26;
	_ =	swait.ge @!p0 [sflag:s30], $0x800;
	s31 =	sadd.s32 @!p1 s31, s9  }
0x33: {  	s3 =	simm.s32 @!p1 $0x0;
	[sflag:s30] =	ssyncset.done @!p0 $0x0;
	s31 =	sshrl.u32 @!p1 s31, $0x3  }
0x34: {  	[sflag:s30] =	ssyncadd.s32 @!p0 $0xFFFFF800;
	s30 =	sadd.s32 @!p1 s5, s31;
	s31 =	sxor.u32 $0x1, s28  }
0x35: {  	[tilespmem:s26], [sflag:$0x3] =	stream.linear.gather @!p1 [hbm4b:s30+s3], $0x800, $0x38;
	[tilespmem:$0x1F400] =	vst v63  }
0x36: {  	s3 =	sshll.u32 s31, $0xE;
	s26 =	sand.u32 $0xF80, s23;
	s30 =	sadd.s32 $0x1, s31  }
0x37: {  	s28 =	sshll.u32 s28, $0xE;
	p1 =	sne.s32 s25, $0x4F;
	s3 =	sor.u32 $0x3800, s3  }
0x38: {  	[tilespmem:s3], [sflag:s30] =	stream.indirect.gather [hbm4b:s4+s17], $0x80, s26, s17, $0xb8;
	[tilespmem:$0x1F400] =	vst v63  }
.Ltmp0:
0x39: {  	_ =	swait.ge [sflag:s0], $0x4000;
	(pc) =	sbr.rel @p1 .LBB2_2-.Ltmp0, $4  }
0x3a: {  	s3 =	sor.u32 $0x3800, s28;
	s26 =	smov.u32 s23;
	[sflag:s0] =	ssyncset.done $0x0  }
0x3b: {  	s30 =	sand.u32 $0xF, s29;
	s28 =	smov.u32 s29;
	[sflag:s0] =	ssyncadd.s32 $0xFFFFC000  }
0x3c: {  	[spmem:s1] =	stream.indirect.scatter.add.f32 [tilespmem:s3], [sflag:$0x4], $0x80, s24, s17, $0xb8;
	[tilespmem:$0x1F400] =	vst v63  }
0x3d: {  	p0 =	sne.s32 s30, $0xF;
	s24 =	sadd.s32 $0x80, s24;
	_ =	swait.ge [sflag:s15], $0x4000  }
0x3e: {  	p1 =	sgt.u32 @!p0 s28, $0x3E  }
0x3f: {  	[sflag:s15] =	ssyncset.done $0x0;
	s0 =	sand.u32 $0x1, s28;
	p1 =	por p1, p0  }
0x40: {  	s3 =	simm.s32 @!p0 $0x3;
	[sflag:s15] =	ssyncadd.s32 $0xFFFFC000;
	s25 =	sand.u32 @!p1 $0x1800, s26  }
0x41: {  	_ =	swait.ge @!p0 [sflag:s3], $0x800;
	s26 =	sand.u32 @!p1 $0x800, s26;
	s25 =	sadd.s32 @!p1 s25, s9  }
0x42: {  	s28 =	simm.s32 @!p1 $0x0;
	[sflag:s3] =	ssyncset.done @!p0 $0x0;
	s25 =	sshrl.u32 @!p1 s25, $0x3  }
0x43: {  	[sflag:s3] =	ssyncadd.s32 @!p0 $0xFFFFF800;
	s3 =	sadd.s32 @!p1 s5, s25;
	s25 =	sxor.u32 $0x1, s0  }
0x44: {  	[tilespmem:s26], [sflag:$0x3] =	stream.linear.gather @!p1 [hbm4b:s3+s28], $0x800, $0x38;
	[tilespmem:$0x1F400] =	vst v63  }
0x45: {  	s29 =	sadd.s32 $0x80, s23;
	s30 =	sadd.s32 $0x1, s0;
	s31 =	sshll.u32 s25, $0xE  }
0x46: {  	s3 =	sand.u32 $0xF80, s29;
	s25 =	sadd.s32 $0x1, s25;
	s26 =	sor.u32 $0x3800, s31  }
0x47: {  	[tilespmem:s26], [sflag:s25] =	stream.indirect.gather [hbm4b:s4+s17], $0x80, s3, s17, $0xb8;
	[tilespmem:$0x1F400] =	vst v63  }
0x48: {  	_ =	swait.ge [sflag:s30], $0x4000  }
0x49: {  	s0 =	sshll.u32 s0, $0xE;
	[sflag:s30] =	ssyncset.done $0x0  }
0x4a: {  	s0 =	sor.u32 $0x3800, s0;
	[sflag:s30] =	ssyncadd.s32 $0xFFFFC000  }
0x4b: {  	[spmem:s1] =	stream.indirect.scatter.add.f32 [tilespmem:s0], [sflag:$0x4], $0x80, s24, s17, $0xb8;
	[tilespmem:$0x1F400] =	vst v63  }
0x4c: {  	_ =	swait.ge [sflag:s15], $0x4000  }
0x4d: {  	[sflag:s15] =	ssyncset.done $0x0  }
0x4e: {  	[sflag:s15] =	ssyncadd.s32 $0xFFFFC000  }
0x4f: {  	_ =	swait.ge [sflag:s19], $0x4000  }
0x50: {  	[sflag:s19] =	ssyncset.done $0x0  }
0x51: {  	[sflag:s19] =	ssyncadd.s32 $0xFFFFC000  }
0x52: {  	[spmem:s1] =	stream.indirect.scatter.add.f32 [tilespmem:s21], [sflag:$0x4], $0x80, s20, s17, $0xb8;
	[tilespmem:$0x1F400] =	vst v63  }
0x53: {  	_ =	swait.ge [sflag:s15], $0x4000  }
0x54: {  	s22 =	sadd.s32 $0x1, s22;
	[sflag:s15] =	ssyncset.done $0x0  }
0x55: {  	p0 =	sne.s32 s22, s10;
	[sflag:s15] =	ssyncadd.s32 $0xFFFFC000  }
.Ltmp1:
0x56: {  	[bflag:$0x0] =	sbarrier.arrive $0xFFFF;
	(pc) =	sbr.rel @p0 .LBB2_1-.Ltmp1, $4  }
0x57: {  	[hbm:s13], [sflag:s12] =	dma.local [spmem:s14], $0x2780  }
0x58: {  	_ =	swait.ge [sflag:s15], $0x2780  }
0x59: {  	[sflag:s15] =	ssyncset.done $0x0  }
0x5a: {  	[sflag:s15] =	ssyncadd.s32 $0xFFFFD880  }
0x5b: {  	_ =	sfence.sel $0x180000  }
0x5c: {  	[bflag:$0x0] =	sbarrier.arrive $0xFFFF  }
0x5d: {  	_ =	strace $0x9000004D  }
0x5e: {  	s0 =	stileid.u32;
	[bflag:$0x2] =	sbarrier.arrive $0xFFFF  }
0x5f: {  	p0 =	sne.s32 s0, $0x0;
	s0 =	rddreg [dreg:$0x3]  }
0x60: {  	s0 =	sadd.s32 @!p0 $0x100000, s0  }
0x61: {  	[sflag:s0] =	ssyncadd.tile.s32 @!p0 $0x1;
	_ =	shalt  }
.Lfunc_end2:
_tile_overlayer_lowered:
.L_overlay_start_2:
0x62: {  	(tag) =	ssettag $0x2  }
0x63: {  	s0 =	rddreg [dreg:$0x0];
	s2 =	stileid.u32  }
0x64: {  	s1 =	rddreg [dreg:$0x1];
	p0 =	sne.s32 s2, $0x0  }
0x65: {  	s3 =	rddreg [dreg:$0x2];
	[bflag:$0x3] =	sbarrier.arrive $0xFFFF;
	s2 =	simm.s32 @!p0 $0x1C04  }
0x66: {  	[timem:s3], [sflag:s2] =	dma.local @!p0 [hbm:s0], s1  }
0x67: {  	s0 =	simm.s32 @!p0 $0x4  }
0x68: {  	_ =	swait.ge @!p0 [sflag:s0], s1  }
0x69: {  	s1 =	ssub.s32 @!p0 $0x0, s1;
	[sflag:s0] =	ssyncset.done @!p0 $0x0  }
0x6a: {  	[sflag:s0] =	ssyncadd.s32 @!p0 s1  }
0x6b: {  	[bflag:$0x3] =	sbarrier.arrive $0xFFFF  }
0x6c: {  	_ =	shalt  }

// kernel: kernel.21.cloned.1.call-start
scs
__scs_entry_jumppad:
0x0: {  	(pc) =	sbr.rel $0x88, $3  }
0x1: {  	(tag) =	ssettag $0x0;
	lr =	simm.s32 $0x1  }
0x2: {  	[smem:$0x3F9A] =	sst lr;
	_ =	strace $0xD0000000  }
0x3: {  	_ = 	snop  }
0x4: {  	_ = 	snop  }
0x5: {  	_ = 	snop  }
0x6: {  	_ = 	snop  }
0x7: {  	_ = 	snop  }
__scs_overlays_trampoline_lowered:
0x8: {  	[smem:$0x3FA9] =	sst s0  }
0x9: {  	[smem:$0x3FAA] =	sst s1  }
0xa: {  	[smem:$0x3FAB] =	sst s2  }
0xb: {  	[smem:$0x3FAC] =	sst s3  }
0xc: {  	[smem:$0x3FAD] =	sst s4  }
0xd: {  	[smem:$0x3FAE] =	sst s5  }
0xe: {  	[smem:$0x3FAF] =	sst s6  }
0xf: {  	[smem:$0x3FB0] =	sst s7  }
0x10: {  	[smem:$0x3FB1] =	sst s8  }
0x11: {  	[smem:$0x3FB2] =	sst s9;
	s0 =	simm.s32 @!p0 $0x0  }
0x12: {  	s1 =	sld [smem:$0x3F98];
	s0 =	simm.s32 @p0 $0x1  }
0x13: {  	[smem:$0x3FB3] =	sst s0;
	s0 =	simm.s32 @!p1 $0x0  }
0x14: {  	s2 =	sld [smem:$0x3F97];
	s0 =	simm.s32 @p1 $0x1  }
0x15: {  	[smem:$0x3FB4] =	sst s0;
	s0 =	simm.s32 @!p2 $0x0  }
0x16: {  	s3 =	sld [smem:$0x3FDB];
	s0 =	simm.s32 @p2 $0x1  }
0x17: {  	s4 =	simm.s32 $0x1BF5;
	[smem:$0x3FB6] =	sst s0  }
0x18: {  	s0 =	sld [smem:$0x3F99];
	_ =	swait.ge [sflag:s4], $0x0  }
0x19: {  	s7 =	sld [smem:$0x3F9A]  }
0x1a: {  	s8 =	sadd.s32 $0xFFFFE003, lr  }
0x1b: {  	s9 =	sadd.s32 $0xFFFFFEF7, lr;
	s5 =	simm.s32 $0xFFFFFFFF;
	p2 =	slt.u32 s8, $0xFFFFF086  }
0x1c: {  	p1 =	slt.u32 s9, $0xF7A;
	s5 =	simm.s32 @!p2 $0x0  }
0x1d: {  	s5 =	simm.s32 @p1 $0x1;
	p0 =	seq.s32 s7, s2  }
0x1e: {  	s7 =	smul.u32 @!p0 $0xF7A, s2;
	p2 =	seq.s32 @!p0 s5, $0x0  }
0x1f: {  	s9 =	smul.u32 $0xF7A, s1;
	s8 =	simm.s32 @!p0 $0x1BF5;
	p2 =	por !p2, p0  }
0x20: {  	[sflag:s8] =	ssyncset.s32 @!p0 $0xFFFFF086;
	s6 =	sadd.s32 @!p0 s3, s7;
	s7 =	simm.s32 @!p0 $0x108  }
0x21: {  	s3 =	sadd.s32 s3, s9;
	s6 =	sadd.s32 @!p0 $0x88, s6;
	s7 =	simm.s32 @p2 $0x1082  }
0x22: {  	[simem:s7], [sflag:s8] =	dma.local @!p0 [hbm:s6], $0xF7A  }
0x23: {  	s9 =	sor.u32 $0xD0000000, s2;
	s6 =	simm.s32 $0x108;
	_ =	swait.ge @!p0 [sflag:s8], $0x0  }
0x24: {  	s3 =	sadd.s32 $0x88, s3;
	s6 =	simm.s32 @!p1 $0x1082;
	[sflag:s4] =	ssyncset.s32 $0xFFFFF086  }
0x25: {  	[simem:s6], [sflag:s4] =	dma.local [hbm:s3], $0xF7A  }
0x26: {  	[smem:$0x3F9A] =	sst s1;
	(tag) =	ssettag s2;
	_ =	strace s9  }
0x27: {  	s1 =	sld [smem:$0x3FAA]  }
0x28: {  	s2 =	sld [smem:$0x3FAB]  }
0x29: {  	s4 =	sld [smem:$0x3FAD]  }
0x2a: {  	p0 =	seq.s32 s5, $0x0;
	s5 =	sld [smem:$0x3FAE]  }
0x2b: {  	s6 =	sld [smem:$0x3FAF]  }
0x2c: {  	s7 =	sld [smem:$0x3FB0]  }
0x2d: {  	s3 =	simm.s32 $0x108;
	s8 =	sld [smem:$0x3FB1]  }
0x2e: {  	s3 =	simm.s32 @!p0 $0x1082;
	s9 =	sld [smem:$0x3FB2]  }
0x2f: {  	lr =	sadd.s32 s0, s3;
	s0 =	sld [smem:$0x3FA9]  }
0x30: {  	s3 =	sld [smem:$0x3FAC]  }
0x31: {  	[smem:$0x3FB5] =	sst s10  }
0x32: {  	s10 =	sld [smem:$0x3FB3];
	_ =	sdelay $0x3  }
0x33: {  	p0 =	seq.s32 s10, $0x1;
	s10 =	sld [smem:$0x3FB5];
	_ =	sdelay $0x3  }
0x34: {  	[smem:$0x3FB5] =	sst s10  }
0x35: {  	s10 =	sld [smem:$0x3FB4];
	_ =	sdelay $0x3  }
0x36: {  	p1 =	seq.s32 s10, $0x1;
	s10 =	sld [smem:$0x3FB5];
	_ =	sdelay $0x3  }
0x37: {  	[smem:$0x3FB5] =	sst s10  }
0x38: {  	s10 =	sld [smem:$0x3FB6]  }
0x39: {  	_ = 	snop;
	(pc) =	sbr.ind lr, $3  }
0x3a: {  	_ = 	snop  }
0x3b: {  	_ = 	snop  }
0x3c: {  	p2 =	seq.s32 s10, $0x1;
	s10 =	sld [smem:$0x3FB5]  }
0x3d: {  	_ =	shalt  }
0x3e: {  	_ =	shalt  }
0x3f: {  	_ =	shalt  }
0x40: {  	_ =	shalt  }
0x41: {  	_ =	shalt  }
0x42: {  	_ =	shalt  }
0x43: {  	_ =	shalt  }
0x44: {  	_ =	shalt  }
0x45: {  	_ =	shalt  }
0x46: {  	_ =	shalt  }
0x47: {  	_ =	shalt  }
0x48: {  	_ =	shalt  }
0x49: {  	_ =	shalt  }
0x4a: {  	_ =	shalt  }
0x4b: {  	_ =	shalt  }
0x4c: {  	_ =	shalt  }
0x4d: {  	_ =	shalt  }
0x4e: {  	_ =	shalt  }
0x4f: {  	_ =	shalt  }
0x50: {  	_ =	shalt  }
0x51: {  	_ =	shalt  }
0x52: {  	_ =	shalt  }
0x53: {  	_ =	shalt  }
0x54: {  	_ =	shalt  }
0x55: {  	_ =	shalt  }
0x56: {  	_ =	shalt  }
0x57: {  	_ =	shalt  }
0x58: {  	_ =	shalt  }
0x59: {  	_ =	shalt  }
0x5a: {  	_ =	shalt  }
0x5b: {  	_ =	shalt  }
0x5c: {  	_ =	shalt  }
0x5d: {  	_ =	shalt  }
0x5e: {  	_ =	shalt  }
0x5f: {  	_ =	shalt  }
0x60: {  	_ =	shalt  }
0x61: {  	_ =	shalt  }
0x62: {  	_ =	shalt  }
0x63: {  	_ =	shalt  }
0x64: {  	_ =	shalt  }
0x65: {  	_ =	shalt  }
0x66: {  	_ =	shalt  }
0x67: {  	_ =	shalt  }
0x68: {  	_ =	shalt  }
0x69: {  	_ =	shalt  }
0x6a: {  	_ =	shalt  }
0x6b: {  	_ =	shalt  }
0x6c: {  	_ =	shalt  }
0x6d: {  	_ =	shalt  }
0x6e: {  	_ =	shalt  }
0x6f: {  	_ =	shalt  }
0x70: {  	_ =	shalt  }
0x71: {  	_ =	shalt  }
0x72: {  	_ =	shalt  }
0x73: {  	_ =	shalt  }
0x74: {  	_ =	shalt  }
0x75: {  	_ =	shalt  }
0x76: {  	_ =	shalt  }
0x77: {  	_ =	shalt  }
0x78: {  	_ =	shalt  }
0x79: {  	_ =	shalt  }
0x7a: {  	_ =	shalt  }
0x7b: {  	_ =	shalt  }
0x7c: {  	_ =	shalt  }
0x7d: {  	_ =	shalt  }
0x7e: {  	_ =	shalt  }
0x7f: {  	_ =	shalt  }
0x80: {  	_ =	shalt  }
0x81: {  	_ =	shalt  }
0x82: {  	_ =	shalt  }
0x83: {  	_ =	shalt  }
0x84: {  	_ =	shalt  }
0x85: {  	_ =	shalt  }
0x86: {  	_ =	shalt  }
0x87: {  	_ =	shalt  }
.Lfunc_end0:
.L_simem_size_0:
called_computation.3_lowered:
.L_overlay_start_0:
0x88: {  	s2 =	sld [smem:$0x3FD9]  }
0x89: {  	s3 =	sld [smem:$0x3FFE];
	_ =	sdelay $0x1  }
0x8a: {  	s1 =	srdreg.scid  }
0x8b: {  	s0 =	sand.u32 $0x1, s1  }
0x8c: {  	s17 =	sshll.u32 s0, $0xA;
	s2 =	sadd.s32 s3, s2  }
0x8d: {  	s2 =	sadd.s32 s2, s17  }
0x8e: {  	[smem:$0x3FC1] =	sst s2  }
0x8f: {  	_ = 	snop  }
0x90: {  	s2 =	sld [smem:$0x3FD0];
	(tm) =	ssettm $0x1  }
0x91: {  	s18 =	sld [smem:$0x3FFB];
	_ =	sdelay $0x3  }
0x92: {  	_ =	strace s18  }
0x93: {  	s3 =	sld [smem:$0x3FFC];
	_ =	sdelay $0x3  }
0x94: {  	_ =	strace s3  }
0x95: {  	s3 =	sld [smem:$0x3FFD];
	_ =	sdelay $0x3  }
0x96: {  	_ =	strace s3  }
0x97: {  	_ =	strace $0x8FFFFFFF  }
0x98: {  	s19 =	sld [smem:$0x3FDB];
	_ =	sdelay $0x1  }
0x99: {  	s4 =	simm.s32 $_scs_section_size  }
0x9a: {  	s5 =	simm.s32 $_size__tile_overlayer_lowered;
	s6 =	simm.s32 $_tile_overlayer_lowered  }
0x9b: {  	s22 =	simm.s32 $0x1BFF;
	s21 =	sshll.u32 s6, $0x1;
	s3 =	sadd.s32 s4, s19  }
0x9c: {  	s7 =	simm.s32 $0x0;
	s20 =	sshll.u32 s5, $0x1;
	s5 =	sadd.s32 s21, s3  }
0x9d: {  	[timem:s7], [sflag:s22] =	dma.local [hbm:s5], s20  }
0x9e: {  	_ =	swait.ge [sflag:s22], s20  }
0x9f: {  	s4 =	ssub.s32 $0x0, s20;
	[sflag:s22] =	ssyncset.done $0x0  }
0xa0: {  	[sflag:s22] =	ssyncadd.s32 s4;
	_ =	sdelay $0x1  }
0xa1: {  	s23 =	simm.s32 $0x1B8B  }
0xa2: {  	_ =	swait.ge [sflag:s23], $0x1  }
0xa3: {  	[sflag:s23] =	ssyncset.done $0x0  }
0xa4: {  	s25 =	simm.s32 $0x1B8E;
	s24 =	sld [smem:$0x3FFE];
	[sflag:s23] =	ssyncadd.s32 $0xFFFFFFFF  }
0xa5: {  	s26 =	simm.s32 $execute0_lowered;
	[smem:$0x3FD2] =	sst s25  }
0xa6: {  	s5 =	sshll.u32 s26, $0x1;
	_ =	strace $0x8000004F;
	[dreg:$0x1] =	wrdreg $0xFFFFFFFF  }
0xa7: {  	s28 =	simm.s32 $_size_execute0_lowered;
	s3 =	sadd.s32 s3, s5;
	[dreg:$0x0] =	wrdreg $0x0  }
0xa8: {  	s5 =	sshll.u32 s28, $0x1;
	[dreg:$0x2] =	wrdreg s3  }
0xa9: {  	[dreg:$0x3] =	wrdreg s5  }
0xaa: {  	[dreg:$0x4] =	wrdreg $0xC0  }
0xab: {  	_ =	task [dreg:s7], $0x5FFFF  }
0xac: {  	[dreg:$0x1] =	wrdreg $0xFFFFFFFF  }
0xad: {  	[dreg:$0x0] =	wrdreg $0x60  }
0xae: {  	[dreg:$0x2] =	wrdreg s24  }
0xaf: {  	[dreg:$0x3] =	wrdreg s2  }
0xb0: {  	[dreg:$0x4] =	wrdreg $0xB8000  }
0xb1: {  	[dreg:$0x5] =	wrdreg $0x9  }
0xb2: {  	_ =	task.clear_ibuf [dreg:s7], $0x6FFFF;
	_ =	strace $0x9000004F  }
0xb3: {  	s29 =	simm.s32 $0x9;
	_ =	strace $0x80000051  }
0xb4: {  	_ =	swait.ge [sflag:s29], $0x1  }
0xb5: {  	[sflag:s29] =	ssyncadd.s32 $0xFFFFFFFF  }
0xb6: {  	_ =	strace $0x90000051  }
0xb7: {  	_ =	sfence  }
0xb8: {  	s30 =	sld [smem:$0x0];
	_ =	sdelay $0x2  }
0xb9: {  	s31 =	sshll.u32 s1, $0xD;
	s1 =	sshrl.u32 s1, $0x2  }
0xba: {  	s3 =	sand.u32 $0x4000, s31;
	s1 =	sadd.s32 s1, s30  }
0xbb: {  	s0 =	sor.u32 s3, s0;
	s1 =	sshll.u32 s1, $0x11  }
0xbc: {  	s0 =	sor.u32 s1, s0  }
0xbd: {  	s0 =	sadd.s32 $0x8F2B, s0  }
0xbe: {  	[sflag:s0] =	ssyncadd.remote.s32 $0x1  }
0xbf: {  	_ =	sfence.sel $0xFFFF  }
0xc0: {  	[dreg:$0x0] =	wrdreg $0xFFFFFFFF;
	(pc) =	sbr.abs _section_cstart, $3  }
0xc1: {  	[dreg:$0x1] =	wrdreg $0xFFFFFFFF  }
0xc2: {  	_ =	task.clear_ibuf [dreg:s7], $0x2FFFF;
	_ =	strace $0x9FFFFFFF  }
0xc3: {  	(tm) =	ssettm $0x7FFFFFFF  }
tec
execute0_lowered:
.L_overlay_start_1:
0x0: {  	(tag) =	ssettag $0x1  }
0x1: {  	s6 =	rddreg [dreg:$0x0]  }
0x2: {  	s7 =	rddreg [dreg:$0x1]  }
0x3: {  	s1 =	rddreg [dreg:$0x2];
	s2 =	simm.s32 $0x0  }
0x4: {  	s3 =	srdreg.scid;
	s0 =	stileid.u32;
	s17 =	simm.s32 $0x80  }
0x5: {  	s18 =	simm.s32 $0x3800;
	s19 =	simm.s32 $0x2;
	s20 =	simm.s32 $0x3780  }
0x6: {  	s21 =	simm.s32 $0x7800;
	s22 =	simm.s32 $0x0;
	[smem:$0x7FF] =	sst s2  }
0x7: {  	s4 =	sadd.s32 $0x36600, s6;
	s11 =	sadd.s32 $0x5DE00, s6;
	s8 =	sand.u32 $0x1, s3  }
0x8: {  	s5 =	sadd.s32 $0x4E00, s6;
	s12 =	smul.u32 $0x4F000, s0;
	s13 =	sadd.s32 $0x85600, s6  }
0x9: {  	s15 =	sadd.s32 $0xACE00, s6;
	s16 =	smul.u32 $0x2780, s0;
	s31 =	sshll.u32 s0, $0x6  }
0xa: {  	_ =	strace $0x80000050;
	s9 =	sshll.u32 s8, $0x4;
	s10 =	ssub.s32 $0x2, s8  }
0xb: {  	p0 =	seq.s32 s8, $0x0;
	s9 =	sor.u32 s0, s9;
	s14 =	sshrl.u32 s10, $0x1  }
0xc: {  	s28 =	sshrl.u32 s12, $0x2;
	s11 =	smov.u32 @p0 s4;
	s15 =	smov.u32 @p0 s13  }
0xd: {  	s12 =	sor.u32 $0x1C04, s31;
	s9 =	smul.u32 $0x2800, s9;
	s10 =	ssub.s32 s10, s14  }
0xe: {  	s29 =	sadd.s32 s28, s1;
	s11 =	sadd.s32 s11, s16;
	s13 =	sadd.s32 s15, s16  }
0xf: {  	s15 =	simm.s32 $0x4;
	s16 =	simm.s32 $0x800;
	s30 =	sshrl.u32 s9, $0x3  }
0x10: {  	s10 =	smax.u32 s10, $0x1;
	s6 =	sadd.s32 s7, s30;
	s7 =	sadd.s32 s5, s30  }
0x11: {  	s14 =	sshrl.u32 s29, $0x3;
	s9 =	sadd.s32 $0x1000, s9;
	s8 =	sadd.s32 $0x100, s7  }
.LBB2_1:
0x12: {  	[spmem:s14], [sflag:s12] =	dma.local [hbm:s11], $0x2780  }
0x13: {  	_ =	swait.ge [sflag:s15], $0x2780  }
0x14: {  	[sflag:s15] =	ssyncset.done $0x0  }
0x15: {  	s24 =	simm.s32 $0x1000;
	[sflag:s15] =	ssyncadd.s32 $0xFFFFD880  }
0x16: {  	[tilespmem:s24], [sflag:$0x4] =	stream.linear.gather [hbm4b:s6+s2], $0x2800, $0x38;
	[tilespmem:$0x1F400] =	vst v63  }
0x17: {  	_ =	swait.ge [sflag:s15], $0x2800  }
0x18: {  	[sflag:s15] =	ssyncset.done $0x0  }
0x19: {  	[sflag:s15] =	ssyncadd.s32 $0xFFFFD800  }
0x1a: {  	[tilespmem:s2], [sflag:$0x4] =	stream.linear.gather [hbm4b:s7+s2], $0x800, $0x38;
	[tilespmem:$0x1F400] =	vst v63  }
0x1b: {  	s23 =	sand.u32 $0xF, s2;
	_ =	swait.ge [sflag:s15], $0x800  }
0x1c: {  	p0 =	sne.s32 s23, $0xF;
	[sflag:s15] =	ssyncset.done $0x0  }
0x1d: {  	p1 =	por @!p0 $0x0, $0x0;
	[sflag:s15] =	ssyncadd.s32 $0xFFFFF800  }
0x1e: {  	p1 =	por p1, p0;
	[bflag:$0x0] =	sbarrier.arrive $0xFFFF  }
0x1f: {  	[tilespmem:s16], [sflag:$0x3] =	stream.linear.gather [hbm4b:s8+s2], $0x800, $0x38;
	[tilespmem:$0x1F400] =	vst v63  }
0x20: {  	s25 =	sand.u32 $0x1, s2;
	s23 =	simm.s32 @!p0 $0x3;
	s26 =	sand.u32 @!p1 $0x1800, s2  }
0x21: {  	[tilespmem:s18], [sflag:$0x1] =	stream.indirect.gather [hbm4b:s4+s17], $0x80, s2, s17, $0xb8;
	[tilespmem:$0x1F400] =	vst v63  }
0x22: {  	s0 =	sxor.u32 $0x1, s25;
	s26 =	sadd.s32 @!p1 s26, s9;
	_ =	swait.ge @!p0 [sflag:s23], $0x800  }
0x23: {  	s28 =	sand.u32 @!p1 $0x800, s2;
	s26 =	sshrl.u32 @!p1 s26, $0x3;
	[sflag:s23] =	ssyncset.done @!p0 $0x0  }
0x24: {  	s29 =	simm.s32 @!p1 $0x0;
	[sflag:s23] =	ssyncadd.s32 @!p0 $0xFFFFF800;
	s23 =	sadd.s32 @!p1 s5, s26  }
0x25: {  	[tilespmem:s28], [sflag:$0x3] =	stream.linear.gather @!p1 [hbm4b:s23+s29], $0x800, $0x38;
	[tilespmem:$0x1F400] =	vst v63  }
0x26: {  	s3 =	sadd.s32 $0x1, s25;
	s23 =	simm.s32 $0x80;
	s28 =	sshll.u32 s0, $0xE  }
0x27: {  	s26 =	sadd.s32 $0x1, s0;
	s30 =	sand.u32 $0xF80, s23;
	s28 =	sor.u32 $0x3800, s28  }
0x28: {  	[tilespmem:s28], [sflag:s26] =	stream.indirect.gather [hbm4b:s4+s17], $0x80, s30, s17, $0xb8;
	[tilespmem:$0x1F400] =	vst v63  }
0x29: {  	s25 =	sshll.u32 s25, $0xE;
	s28 =	simm.s32 $0x1;
	_ =	swait.ge [sflag:s3], $0x4000  }
0x2a: {  	s25 =	sor.u32 $0x3800, s25;
	s31 =	sand.u32 $0xF, s28;
	[sflag:s3] =	ssyncset.done $0x0  }
0x2b: {  	s26 =	simm.s32 $0x80;
	p0 =	sne.s32 s31, $0xF;
	[sflag:s3] =	ssyncadd.s32 $0xFFFFC000  }
0x2c: {  	[spmem:s1] =	stream.indirect.scatter.add.f32 [tilespmem:s25], [sflag:$0x4], $0x80, s24, s17, $0xb8;
	[tilespmem:$0x1F400] =	vst v63  }
0x2d: {  	s25 =	simm.s32 $0x2;
	s24 =	simm.s32 $0x1080;
	_ =	swait.ge [sflag:s15], $0x4000  }
.LBB2_2:
0x2e: {  	p1 =	sgt.u32 @!p0 s28, $0x3E;
	s23 =	sadd.s32 $0x80, s23  }
0x2f: {  	[sflag:s15] =	ssyncset.done $0x0;
	s29 =	smov.u32 s25;
	s28 =	sand.u32 $0x1, s28  }
0x30: {  	s30 =	simm.s32 @!p0 $0x3;
	p1 =	por p1, p0;
	[sflag:s15] =	ssyncadd.s32 $0xFFFFC000  }
0x31: {  	s25 =	sadd.s32 $0x1, s25;
	s0 =	sadd.s32 $0x1, s28;
	s31 =	sand.u32 @!p1 $0x1800, s26  }
0x32: {  	s26 =	sand.u32 @!p1 $0x800, s26;
	_ =	swait.ge @!p0 [sflag:s30], $0x800;
	s31 =	sadd.s32 @!p1 s31, s9  }
0x33: {  	s3 =	simm.s32 @!p1 $0x0;
	[sflag:s30] =	ssyncset.done @!p0 $0x0;
	s31 =	sshrl.u32 @!p1 s31, $0x3  }
0x34: {  	[sflag:s30] =	ssyncadd.s32 @!p0 $0xFFFFF800;
	s30 =	sadd.s32 @!p1 s5, s31;
	s31 =	sxor.u32 $0x1, s28  }
0x35: {  	[tilespmem:s26], [sflag:$0x3] =	stream.linear.gather @!p1 [hbm4b:s30+s3], $0x800, $0x38;
	[tilespmem:$0x1F400] =	vst v63  }
0x36: {  	s3 =	sshll.u32 s31, $0xE;
	s26 =	sand.u32 $0xF80, s23;
	s30 =	sadd.s32 $0x1, s31  }
0x37: {  	s28 =	sshll.u32 s28, $0xE;
	p1 =	sne.s32 s25, $0x4F;
	s3 =	sor.u32 $0x3800, s3  }
0x38: {  	[tilespmem:s3], [sflag:s30] =	stream.indirect.gather [hbm4b:s4+s17], $0x80, s26, s17, $0xb8;
	[tilespmem:$0x1F400] =	vst v63  }
.Ltmp0:
0x39: {  	_ =	swait.ge [sflag:s0], $0x4000;
	(pc) =	sbr.rel @p1 .LBB2_2-.Ltmp0, $4  }
0x3a: {  	s3 =	sor.u32 $0x3800, s28;
	s26 =	smov.u32 s23;
	[sflag:s0] =	ssyncset.done $0x0  }
0x3b: {  	s30 =	sand.u32 $0xF, s29;
	s28 =	smov.u32 s29;
	[sflag:s0] =	ssyncadd.s32 $0xFFFFC000  }
0x3c: {  	[spmem:s1] =	stream.indirect.scatter.add.f32 [tilespmem:s3], [sflag:$0x4], $0x80, s24, s17, $0xb8;
	[tilespmem:$0x1F400] =	vst v63  }
0x3d: {  	p0 =	sne.s32 s30, $0xF;
	s24 =	sadd.s32 $0x80, s24;
	_ =	swait.ge [sflag:s15], $0x4000  }
0x3e: {  	p1 =	sgt.u32 @!p0 s28, $0x3E  }
0x3f: {  	[sflag:s15] =	ssyncset.done $0x0;
	s0 =	sand.u32 $0x1, s28;
	p1 =	por p1, p0  }
0x40: {  	s3 =	simm.s32 @!p0 $0x3;
	[sflag:s15] =	ssyncadd.s32 $0xFFFFC000;
	s25 =	sand.u32 @!p1 $0x1800, s26  }
0x41: {  	_ =	swait.ge @!p0 [sflag:s3], $0x800;
	s26 =	sand.u32 @!p1 $0x800, s26;
	s25 =	sadd.s32 @!p1 s25, s9  }
0x42: {  	s28 =	simm.s32 @!p1 $0x0;
	[sflag:s3] =	ssyncset.done @!p0 $0x0;
	s25 =	sshrl.u32 @!p1 s25, $0x3  }
0x43: {  	[sflag:s3] =	ssyncadd.s32 @!p0 $0xFFFFF800;
	s3 =	sadd.s32 @!p1 s5, s25;
	s25 =	sxor.u32 $0x1, s0  }
0x44: {  	[tilespmem:s26], [sflag:$0x3] =	stream.linear.gather @!p1 [hbm4b:s3+s28], $0x800, $0x38;
	[tilespmem:$0x1F400] =	vst v63  }
0x45: {  	s29 =	sadd.s32 $0x80, s23;
	s30 =	sadd.s32 $0x1, s0;
	s31 =	sshll.u32 s25, $0xE  }
0x46: {  	s3 =	sand.u32 $0xF80, s29;
	s25 =	sadd.s32 $0x1, s25;
	s26 =	sor.u32 $0x3800, s31  }
0x47: {  	[tilespmem:s26], [sflag:s25] =	stream.indirect.gather [hbm4b:s4+s17], $0x80, s3, s17, $0xb8;
	[tilespmem:$0x1F400] =	vst v63  }
0x48: {  	_ =	swait.ge [sflag:s30], $0x4000  }
0x49: {  	s0 =	sshll.u32 s0, $0xE;
	[sflag:s30] =	ssyncset.done $0x0  }
0x4a: {  	s0 =	sor.u32 $0x3800, s0;
	[sflag:s30] =	ssyncadd.s32 $0xFFFFC000  }
0x4b: {  	[spmem:s1] =	stream.indirect.scatter.add.f32 [tilespmem:s0], [sflag:$0x4], $0x80, s24, s17, $0xb8;
	[tilespmem:$0x1F400] =	vst v63  }
0x4c: {  	_ =	swait.ge [sflag:s15], $0x4000  }
0x4d: {  	[sflag:s15] =	ssyncset.done $0x0  }
0x4e: {  	[sflag:s15] =	ssyncadd.s32 $0xFFFFC000  }
0x4f: {  	_ =	swait.ge [sflag:s19], $0x4000  }
0x50: {  	[sflag:s19] =	ssyncset.done $0x0  }
0x51: {  	[sflag:s19] =	ssyncadd.s32 $0xFFFFC000  }
0x52: {  	[spmem:s1] =	stream.indirect.scatter.add.f32 [tilespmem:s21], [sflag:$0x4], $0x80, s20, s17, $0xb8;
	[tilespmem:$0x1F400] =	vst v63  }
0x53: {  	_ =	swait.ge [sflag:s15], $0x4000  }
0x54: {  	s22 =	sadd.s32 $0x1, s22;
	[sflag:s15] =	ssyncset.done $0x0  }
0x55: {  	p0 =	sne.s32 s22, s10;
	[sflag:s15] =	ssyncadd.s32 $0xFFFFC000  }
.Ltmp1:
0x56: {  	[bflag:$0x0] =	sbarrier.arrive $0xFFFF;
	(pc) =	sbr.rel @p0 .LBB2_1-.Ltmp1, $4  }
0x57: {  	[hbm:s13], [sflag:s12] =	dma.local [spmem:s14], $0x2780  }
0x58: {  	_ =	swait.ge [sflag:s15], $0x2780  }
0x59: {  	[sflag:s15] =	ssyncset.done $0x0  }
0x5a: {  	[sflag:s15] =	ssyncadd.s32 $0xFFFFD880  }
0x5b: {  	_ =	sfence.sel $0x180000  }
0x5c: {  	[bflag:$0x0] =	sbarrier.arrive $0xFFFF  }
0x5d: {  	_ =	strace $0x90000050  }
0x5e: {  	s0 =	stileid.u32;
	[bflag:$0x2] =	sbarrier.arrive $0xFFFF  }
0x5f: {  	p0 =	sne.s32 s0, $0x0;
	s0 =	rddreg [dreg:$0x3]  }
0x60: {  	s0 =	sadd.s32 @!p0 $0x100000, s0  }
0x61: {  	[sflag:s0] =	ssyncadd.tile.s32 @!p0 $0x1;
	_ =	shalt  }
.Lfunc_end2:
_tile_overlayer_lowered:
.L_overlay_start_2:
0x62: {  	(tag) =	ssettag $0x2  }
0x63: {  	s0 =	rddreg [dreg:$0x0];
	s2 =	stileid.u32  }
0x64: {  	s1 =	rddreg [dreg:$0x1];
	p0 =	sne.s32 s2, $0x0  }
0x65: {  	s3 =	rddreg [dreg:$0x2];
	[bflag:$0x3] =	sbarrier.arrive $0xFFFF;
	s2 =	simm.s32 @!p0 $0x1C04  }
0x66: {  	[timem:s3], [sflag:s2] =	dma.local @!p0 [hbm:s0], s1  }
0x67: {  	s0 =	simm.s32 @!p0 $0x4  }
0x68: {  	_ =	swait.ge @!p0 [sflag:s0], s1  }
0x69: {  	s1 =	ssub.s32 @!p0 $0x0, s1;
	[sflag:s0] =	ssyncset.done @!p0 $0x0  }
0x6a: {  	[sflag:s0] =	ssyncadd.s32 @!p0 s1  }
0x6b: {  	[bflag:$0x3] =	sbarrier.arrive $0xFFFF  }
0x6c: {  	_ =	shalt  }

// kernel: kernel.24.cloned.1.call-start
scs
__scs_entry_jumppad:
0x0: {  	(pc) =	sbr.rel $0x88, $3  }
0x1: {  	(tag) =	ssettag $0x0;
	lr =	simm.s32 $0x1  }
0x2: {  	[smem:$0x3F9A] =	sst lr;
	_ =	strace $0xD0000000  }
0x3: {  	_ = 	snop  }
0x4: {  	_ = 	snop  }
0x5: {  	_ = 	snop  }
0x6: {  	_ = 	snop  }
0x7: {  	_ = 	snop  }
__scs_overlays_trampoline_lowered:
0x8: {  	[smem:$0x3FA9] =	sst s0  }
0x9: {  	[smem:$0x3FAA] =	sst s1  }
0xa: {  	[smem:$0x3FAB] =	sst s2  }
0xb: {  	[smem:$0x3FAC] =	sst s3  }
0xc: {  	[smem:$0x3FAD] =	sst s4  }
0xd: {  	[smem:$0x3FAE] =	sst s5  }
0xe: {  	[smem:$0x3FAF] =	sst s6  }
0xf: {  	[smem:$0x3FB0] =	sst s7  }
0x10: {  	[smem:$0x3FB1] =	sst s8  }
0x11: {  	[smem:$0x3FB2] =	sst s9;
	s0 =	simm.s32 @!p0 $0x0  }
0x12: {  	s1 =	sld [smem:$0x3F98];
	s0 =	simm.s32 @p0 $0x1  }
0x13: {  	[smem:$0x3FB3] =	sst s0;
	s0 =	simm.s32 @!p1 $0x0  }
0x14: {  	s2 =	sld [smem:$0x3F97];
	s0 =	simm.s32 @p1 $0x1  }
0x15: {  	[smem:$0x3FB4] =	sst s0;
	s0 =	simm.s32 @!p2 $0x0  }
0x16: {  	s3 =	sld [smem:$0x3FDB];
	s0 =	simm.s32 @p2 $0x1  }
0x17: {  	s4 =	simm.s32 $0x1BF5;
	[smem:$0x3FB6] =	sst s0  }
0x18: {  	s0 =	sld [smem:$0x3F99];
	_ =	swait.ge [sflag:s4], $0x0  }
0x19: {  	s7 =	sld [smem:$0x3F9A]  }
0x1a: {  	s8 =	sadd.s32 $0xFFFFE003, lr  }
0x1b: {  	s9 =	sadd.s32 $0xFFFFFEF7, lr;
	s5 =	simm.s32 $0xFFFFFFFF;
	p2 =	slt.u32 s8, $0xFFFFF086  }
0x1c: {  	p1 =	slt.u32 s9, $0xF7A;
	s5 =	simm.s32 @!p2 $0x0  }
0x1d: {  	s5 =	simm.s32 @p1 $0x1;
	p0 =	seq.s32 s7, s2  }
0x1e: {  	s7 =	smul.u32 @!p0 $0xF7A, s2;
	p2 =	seq.s32 @!p0 s5, $0x0  }
0x1f: {  	s9 =	smul.u32 $0xF7A, s1;
	s8 =	simm.s32 @!p0 $0x1BF5;
	p2 =	por !p2, p0  }
0x20: {  	[sflag:s8] =	ssyncset.s32 @!p0 $0xFFFFF086;
	s6 =	sadd.s32 @!p0 s3, s7;
	s7 =	simm.s32 @!p0 $0x108  }
0x21: {  	s3 =	sadd.s32 s3, s9;
	s6 =	sadd.s32 @!p0 $0x88, s6;
	s7 =	simm.s32 @p2 $0x1082  }
0x22: {  	[simem:s7], [sflag:s8] =	dma.local @!p0 [hbm:s6], $0xF7A  }
0x23: {  	s9 =	sor.u32 $0xD0000000, s2;
	s6 =	simm.s32 $0x108;
	_ =	swait.ge @!p0 [sflag:s8], $0x0  }
0x24: {  	s3 =	sadd.s32 $0x88, s3;
	s6 =	simm.s32 @!p1 $0x1082;
	[sflag:s4] =	ssyncset.s32 $0xFFFFF086  }
0x25: {  	[simem:s6], [sflag:s4] =	dma.local [hbm:s3], $0xF7A  }
0x26: {  	[smem:$0x3F9A] =	sst s1;
	(tag) =	ssettag s2;
	_ =	strace s9  }
0x27: {  	s1 =	sld [smem:$0x3FAA]  }
0x28: {  	s2 =	sld [smem:$0x3FAB]  }
0x29: {  	s4 =	sld [smem:$0x3FAD]  }
0x2a: {  	p0 =	seq.s32 s5, $0x0;
	s5 =	sld [smem:$0x3FAE]  }
0x2b: {  	s6 =	sld [smem:$0x3FAF]  }
0x2c: {  	s7 =	sld [smem:$0x3FB0]  }
0x2d: {  	s3 =	simm.s32 $0x108;
	s8 =	sld [smem:$0x3FB1]  }
0x2e: {  	s3 =	simm.s32 @!p0 $0x1082;
	s9 =	sld [smem:$0x3FB2]  }
0x2f: {  	lr =	sadd.s32 s0, s3;
	s0 =	sld [smem:$0x3FA9]  }
0x30: {  	s3 =	sld [smem:$0x3FAC]  }
0x31: {  	[smem:$0x3FB5] =	sst s10  }
0x32: {  	s10 =	sld [smem:$0x3FB3];
	_ =	sdelay $0x3  }
0x33: {  	p0 =	seq.s32 s10, $0x1;
	s10 =	sld [smem:$0x3FB5];
	_ =	sdelay $0x3  }
0x34: {  	[smem:$0x3FB5] =	sst s10  }
0x35: {  	s10 =	sld [smem:$0x3FB4];
	_ =	sdelay $0x3  }
0x36: {  	p1 =	seq.s32 s10, $0x1;
	s10 =	sld [smem:$0x3FB5];
	_ =	sdelay $0x3  }
0x37: {  	[smem:$0x3FB5] =	sst s10  }
0x38: {  	s10 =	sld [smem:$0x3FB6]  }
0x39: {  	_ = 	snop;
	(pc) =	sbr.ind lr, $3  }
0x3a: {  	_ = 	snop  }
0x3b: {  	_ = 	snop  }
0x3c: {  	p2 =	seq.s32 s10, $0x1;
	s10 =	sld [smem:$0x3FB5]  }
0x3d: {  	_ =	shalt  }
0x3e: {  	_ =	shalt  }
0x3f: {  	_ =	shalt  }
0x40: {  	_ =	shalt  }
0x41: {  	_ =	shalt  }
0x42: {  	_ =	shalt  }
0x43: {  	_ =	shalt  }
0x44: {  	_ =	shalt  }
0x45: {  	_ =	shalt  }
0x46: {  	_ =	shalt  }
0x47: {  	_ =	shalt  }
0x48: {  	_ =	shalt  }
0x49: {  	_ =	shalt  }
0x4a: {  	_ =	shalt  }
0x4b: {  	_ =	shalt  }
0x4c: {  	_ =	shalt  }
0x4d: {  	_ =	shalt  }
0x4e: {  	_ =	shalt  }
0x4f: {  	_ =	shalt  }
0x50: {  	_ =	shalt  }
0x51: {  	_ =	shalt  }
0x52: {  	_ =	shalt  }
0x53: {  	_ =	shalt  }
0x54: {  	_ =	shalt  }
0x55: {  	_ =	shalt  }
0x56: {  	_ =	shalt  }
0x57: {  	_ =	shalt  }
0x58: {  	_ =	shalt  }
0x59: {  	_ =	shalt  }
0x5a: {  	_ =	shalt  }
0x5b: {  	_ =	shalt  }
0x5c: {  	_ =	shalt  }
0x5d: {  	_ =	shalt  }
0x5e: {  	_ =	shalt  }
0x5f: {  	_ =	shalt  }
0x60: {  	_ =	shalt  }
0x61: {  	_ =	shalt  }
0x62: {  	_ =	shalt  }
0x63: {  	_ =	shalt  }
0x64: {  	_ =	shalt  }
0x65: {  	_ =	shalt  }
0x66: {  	_ =	shalt  }
0x67: {  	_ =	shalt  }
0x68: {  	_ =	shalt  }
0x69: {  	_ =	shalt  }
0x6a: {  	_ =	shalt  }
0x6b: {  	_ =	shalt  }
0x6c: {  	_ =	shalt  }
0x6d: {  	_ =	shalt  }
0x6e: {  	_ =	shalt  }
0x6f: {  	_ =	shalt  }
0x70: {  	_ =	shalt  }
0x71: {  	_ =	shalt  }
0x72: {  	_ =	shalt  }
0x73: {  	_ =	shalt  }
0x74: {  	_ =	shalt  }
0x75: {  	_ =	shalt  }
0x76: {  	_ =	shalt  }
0x77: {  	_ =	shalt  }
0x78: {  	_ =	shalt  }
0x79: {  	_ =	shalt  }
0x7a: {  	_ =	shalt  }
0x7b: {  	_ =	shalt  }
0x7c: {  	_ =	shalt  }
0x7d: {  	_ =	shalt  }
0x7e: {  	_ =	shalt  }
0x7f: {  	_ =	shalt  }
0x80: {  	_ =	shalt  }
0x81: {  	_ =	shalt  }
0x82: {  	_ =	shalt  }
0x83: {  	_ =	shalt  }
0x84: {  	_ =	shalt  }
0x85: {  	_ =	shalt  }
0x86: {  	_ =	shalt  }
0x87: {  	_ =	shalt  }
.Lfunc_end0:
.L_simem_size_0:
called_computation.4_lowered:
.L_overlay_start_0:
0x88: {  	s2 =	sld [smem:$0x3FD9]  }
0x89: {  	s3 =	sld [smem:$0x3FFE];
	_ =	sdelay $0x1  }
0x8a: {  	s1 =	srdreg.scid  }
0x8b: {  	s0 =	sand.u32 $0x1, s1  }
0x8c: {  	s17 =	sshll.u32 s0, $0xA;
	s2 =	sadd.s32 s3, s2  }
0x8d: {  	s2 =	sadd.s32 s2, s17  }
0x8e: {  	[smem:$0x3FC1] =	sst s2  }
0x8f: {  	_ = 	snop  }
0x90: {  	s2 =	sld [smem:$0x3FD0];
	(tm) =	ssettm $0x1  }
0x91: {  	s18 =	sld [smem:$0x3FFB];
	_ =	sdelay $0x3  }
0x92: {  	_ =	strace s18  }
0x93: {  	s3 =	sld [smem:$0x3FFC];
	_ =	sdelay $0x3  }
0x94: {  	_ =	strace s3  }
0x95: {  	s3 =	sld [smem:$0x3FFD];
	_ =	sdelay $0x3  }
0x96: {  	_ =	strace s3  }
0x97: {  	_ =	strace $0x8FFFFFFF  }
0x98: {  	s19 =	sld [smem:$0x3FDB];
	_ =	sdelay $0x1  }
0x99: {  	s4 =	simm.s32 $_scs_section_size  }
0x9a: {  	s5 =	simm.s32 $_size__tile_overlayer_lowered;
	s6 =	simm.s32 $_tile_overlayer_lowered  }
0x9b: {  	s22 =	simm.s32 $0x1BFF;
	s21 =	sshll.u32 s6, $0x1;
	s3 =	sadd.s32 s4, s19  }
0x9c: {  	s7 =	simm.s32 $0x0;
	s20 =	sshll.u32 s5, $0x1;
	s5 =	sadd.s32 s21, s3  }
0x9d: {  	[timem:s7], [sflag:s22] =	dma.local [hbm:s5], s20  }
0x9e: {  	_ =	swait.ge [sflag:s22], s20  }
0x9f: {  	s4 =	ssub.s32 $0x0, s20;
	[sflag:s22] =	ssyncset.done $0x0  }
0xa0: {  	[sflag:s22] =	ssyncadd.s32 s4;
	_ =	sdelay $0x1  }
0xa1: {  	s23 =	simm.s32 $0x1B8B  }
0xa2: {  	_ =	swait.ge [sflag:s23], $0x1  }
0xa3: {  	[sflag:s23] =	ssyncset.done $0x0  }
0xa4: {  	s25 =	simm.s32 $0x1B8E;
	s24 =	sld [smem:$0x3FFE];
	[sflag:s23] =	ssyncadd.s32 $0xFFFFFFFF  }
0xa5: {  	s26 =	simm.s32 $execute0_lowered;
	[smem:$0x3FD2] =	sst s25  }
0xa6: {  	s5 =	sshll.u32 s26, $0x1;
	_ =	strace $0x80000052;
	[dreg:$0x1] =	wrdreg $0xFFFFFFFF  }
0xa7: {  	s28 =	simm.s32 $_size_execute0_lowered;
	s3 =	sadd.s32 s3, s5;
	[dreg:$0x0] =	wrdreg $0x0  }
0xa8: {  	s5 =	sshll.u32 s28, $0x1;
	[dreg:$0x2] =	wrdreg s3  }
0xa9: {  	[dreg:$0x3] =	wrdreg s5  }
0xaa: {  	[dreg:$0x4] =	wrdreg $0xC0  }
0xab: {  	_ =	task [dreg:s7], $0x5FFFF  }
0xac: {  	[dreg:$0x1] =	wrdreg $0xFFFFFFFF  }
0xad: {  	[dreg:$0x0] =	wrdreg $0x60  }
0xae: {  	[dreg:$0x2] =	wrdreg s24  }
0xaf: {  	[dreg:$0x3] =	wrdreg s2  }
0xb0: {  	[dreg:$0x4] =	wrdreg $0xB8000  }
0xb1: {  	[dreg:$0x5] =	wrdreg $0x9  }
0xb2: {  	_ =	task.clear_ibuf [dreg:s7], $0x6FFFF;
	_ =	strace $0x90000052  }
0xb3: {  	s29 =	simm.s32 $0x9;
	_ =	strace $0x80000054  }
0xb4: {  	_ =	swait.ge [sflag:s29], $0x1  }
0xb5: {  	[sflag:s29] =	ssyncadd.s32 $0xFFFFFFFF  }
0xb6: {  	_ =	strace $0x90000054  }
0xb7: {  	_ =	sfence  }
0xb8: {  	s30 =	sld [smem:$0x0];
	_ =	sdelay $0x2  }
0xb9: {  	s31 =	sshll.u32 s1, $0xD;
	s1 =	sshrl.u32 s1, $0x2  }
0xba: {  	s3 =	sand.u32 $0x4000, s31;
	s1 =	sadd.s32 s1, s30  }
0xbb: {  	s0 =	sor.u32 s3, s0;
	s1 =	sshll.u32 s1, $0x11  }
0xbc: {  	s0 =	sor.u32 s1, s0  }
0xbd: {  	s0 =	sadd.s32 $0x8F2B, s0  }
0xbe: {  	[sflag:s0] =	ssyncadd.remote.s32 $0x1  }
0xbf: {  	_ =	sfence.sel $0xFFFF  }
0xc0: {  	[dreg:$0x0] =	wrdreg $0xFFFFFFFF;
	(pc) =	sbr.abs _section_cstart, $3  }
0xc1: {  	[dreg:$0x1] =	wrdreg $0xFFFFFFFF  }
0xc2: {  	_ =	task.clear_ibuf [dreg:s7], $0x2FFFF;
	_ =	strace $0x9FFFFFFF  }
0xc3: {  	(tm) =	ssettm $0x7FFFFFFF  }
tec
execute0_lowered:
.L_overlay_start_1:
0x0: {  	(tag) =	ssettag $0x1  }
0x1: {  	s6 =	rddreg [dreg:$0x0]  }
0x2: {  	s7 =	rddreg [dreg:$0x1]  }
0x3: {  	s1 =	rddreg [dreg:$0x2];
	s2 =	simm.s32 $0x0  }
0x4: {  	s3 =	srdreg.scid;
	s0 =	stileid.u32;
	s17 =	simm.s32 $0x80  }
0x5: {  	s18 =	simm.s32 $0x3800;
	s19 =	simm.s32 $0x2;
	s20 =	simm.s32 $0x3780  }
0x6: {  	s21 =	simm.s32 $0x7800;
	s22 =	simm.s32 $0x0;
	[smem:$0x7FF] =	sst s2  }
0x7: {  	s4 =	sadd.s32 $0x36600, s6;
	s11 =	sadd.s32 $0x5DE00, s6;
	s8 =	sand.u32 $0x1, s3  }
0x8: {  	s5 =	sadd.s32 $0x4E00, s6;
	s12 =	smul.u32 $0x4F000, s0;
	s13 =	sadd.s32 $0x85600, s6  }
0x9: {  	s15 =	sadd.s32 $0xACE00, s6;
	s16 =	smul.u32 $0x2780, s0;
	s31 =	sshll.u32 s0, $0x6  }
0xa: {  	_ =	strace $0x80000053;
	s9 =	sshll.u32 s8, $0x4;
	s10 =	ssub.s32 $0x2, s8  }
0xb: {  	p0 =	seq.s32 s8, $0x0;
	s9 =	sor.u32 s0, s9;
	s14 =	sshrl.u32 s10, $0x1  }
0xc: {  	s28 =	sshrl.u32 s12, $0x2;
	s11 =	smov.u32 @p0 s4;
	s15 =	smov.u32 @p0 s13  }
0xd: {  	s12 =	sor.u32 $0x1C04, s31;
	s9 =	smul.u32 $0x2800, s9;
	s10 =	ssub.s32 s10, s14  }
0xe: {  	s29 =	sadd.s32 s28, s1;
	s11 =	sadd.s32 s11, s16;
	s13 =	sadd.s32 s15, s16  }
0xf: {  	s15 =	simm.s32 $0x4;
	s16 =	simm.s32 $0x800;
	s30 =	sshrl.u32 s9, $0x3  }
0x10: {  	s10 =	smax.u32 s10, $0x1;
	s6 =	sadd.s32 s7, s30;
	s7 =	sadd.s32 s5, s30  }
0x11: {  	s14 =	sshrl.u32 s29, $0x3;
	s9 =	sadd.s32 $0x1000, s9;
	s8 =	sadd.s32 $0x100, s7  }
.LBB2_1:
0x12: {  	[spmem:s14], [sflag:s12] =	dma.local [hbm:s11], $0x2780  }
0x13: {  	_ =	swait.ge [sflag:s15], $0x2780  }
0x14: {  	[sflag:s15] =	ssyncset.done $0x0  }
0x15: {  	s24 =	simm.s32 $0x1000;
	[sflag:s15] =	ssyncadd.s32 $0xFFFFD880  }
0x16: {  	[tilespmem:s24], [sflag:$0x4] =	stream.linear.gather [hbm4b:s6+s2], $0x2800, $0x38;
	[tilespmem:$0x1F400] =	vst v63  }
0x17: {  	_ =	swait.ge [sflag:s15], $0x2800  }
0x18: {  	[sflag:s15] =	ssyncset.done $0x0  }
0x19: {  	[sflag:s15] =	ssyncadd.s32 $0xFFFFD800  }
0x1a: {  	[tilespmem:s2], [sflag:$0x4] =	stream.linear.gather [hbm4b:s7+s2], $0x800, $0x38;
	[tilespmem:$0x1F400] =	vst v63  }
0x1b: {  	s23 =	sand.u32 $0xF, s2;
	_ =	swait.ge [sflag:s15], $0x800  }
0x1c: {  	p0 =	sne.s32 s23, $0xF;
	[sflag:s15] =	ssyncset.done $0x0  }
0x1d: {  	p1 =	por @!p0 $0x0, $0x0;
	[sflag:s15] =	ssyncadd.s32 $0xFFFFF800  }
0x1e: {  	p1 =	por p1, p0;
	[bflag:$0x0] =	sbarrier.arrive $0xFFFF  }
0x1f: {  	[tilespmem:s16], [sflag:$0x3] =	stream.linear.gather [hbm4b:s8+s2], $0x800, $0x38;
	[tilespmem:$0x1F400] =	vst v63  }
0x20: {  	s25 =	sand.u32 $0x1, s2;
	s23 =	simm.s32 @!p0 $0x3;
	s26 =	sand.u32 @!p1 $0x1800, s2  }
0x21: {  	[tilespmem:s18], [sflag:$0x1] =	stream.indirect.gather [hbm4b:s4+s17], $0x80, s2, s17, $0xb8;
	[tilespmem:$0x1F400] =	vst v63  }
0x22: {  	s0 =	sxor.u32 $0x1, s25;
	s26 =	sadd.s32 @!p1 s26, s9;
	_ =	swait.ge @!p0 [sflag:s23], $0x800  }
0x23: {  	s28 =	sand.u32 @!p1 $0x800, s2;
	s26 =	sshrl.u32 @!p1 s26, $0x3;
	[sflag:s23] =	ssyncset.done @!p0 $0x0  }
0x24: {  	s29 =	simm.s32 @!p1 $0x0;
	[sflag:s23] =	ssyncadd.s32 @!p0 $0xFFFFF800;
	s23 =	sadd.s32 @!p1 s5, s26  }
0x25: {  	[tilespmem:s28], [sflag:$0x3] =	stream.linear.gather @!p1 [hbm4b:s23+s29], $0x800, $0x38;
	[tilespmem:$0x1F400] =	vst v63  }
0x26: {  	s3 =	sadd.s32 $0x1, s25;
	s23 =	simm.s32 $0x80;
	s28 =	sshll.u32 s0, $0xE  }
0x27: {  	s26 =	sadd.s32 $0x1, s0;
	s30 =	sand.u32 $0xF80, s23;
	s28 =	sor.u32 $0x3800, s28  }
0x28: {  	[tilespmem:s28], [sflag:s26] =	stream.indirect.gather [hbm4b:s4+s17], $0x80, s30, s17, $0xb8;
	[tilespmem:$0x1F400] =	vst v63  }
0x29: {  	s25 =	sshll.u32 s25, $0xE;
	s28 =	simm.s32 $0x1;
	_ =	swait.ge [sflag:s3], $0x4000  }
0x2a: {  	s25 =	sor.u32 $0x3800, s25;
	s31 =	sand.u32 $0xF, s28;
	[sflag:s3] =	ssyncset.done $0x0  }
0x2b: {  	s26 =	simm.s32 $0x80;
	p0 =	sne.s32 s31, $0xF;
	[sflag:s3] =	ssyncadd.s32 $0xFFFFC000  }
0x2c: {  	[spmem:s1] =	stream.indirect.scatter.add.f32 [tilespmem:s25], [sflag:$0x4], $0x80, s24, s17, $0xb8;
	[tilespmem:$0x1F400] =	vst v63  }
0x2d: {  	s25 =	simm.s32 $0x2;
	s24 =	simm.s32 $0x1080;
	_ =	swait.ge [sflag:s15], $0x4000  }
.LBB2_2:
0x2e: {  	p1 =	sgt.u32 @!p0 s28, $0x3E;
	s23 =	sadd.s32 $0x80, s23  }
0x2f: {  	[sflag:s15] =	ssyncset.done $0x0;
	s29 =	smov.u32 s25;
	s28 =	sand.u32 $0x1, s28  }
0x30: {  	s30 =	simm.s32 @!p0 $0x3;
	p1 =	por p1, p0;
	[sflag:s15] =	ssyncadd.s32 $0xFFFFC000  }
0x31: {  	s25 =	sadd.s32 $0x1, s25;
	s0 =	sadd.s32 $0x1, s28;
	s31 =	sand.u32 @!p1 $0x1800, s26  }
0x32: {  	s26 =	sand.u32 @!p1 $0x800, s26;
	_ =	swait.ge @!p0 [sflag:s30], $0x800;
	s31 =	sadd.s32 @!p1 s31, s9  }
0x33: {  	s3 =	simm.s32 @!p1 $0x0;
	[sflag:s30] =	ssyncset.done @!p0 $0x0;
	s31 =	sshrl.u32 @!p1 s31, $0x3  }
0x34: {  	[sflag:s30] =	ssyncadd.s32 @!p0 $0xFFFFF800;
	s30 =	sadd.s32 @!p1 s5, s31;
	s31 =	sxor.u32 $0x1, s28  }
0x35: {  	[tilespmem:s26], [sflag:$0x3] =	stream.linear.gather @!p1 [hbm4b:s30+s3], $0x800, $0x38;
	[tilespmem:$0x1F400] =	vst v63  }
0x36: {  	s3 =	sshll.u32 s31, $0xE;
	s26 =	sand.u32 $0xF80, s23;
	s30 =	sadd.s32 $0x1, s31  }
0x37: {  	s28 =	sshll.u32 s28, $0xE;
	p1 =	sne.s32 s25, $0x4F;
	s3 =	sor.u32 $0x3800, s3  }
0x38: {  	[tilespmem:s3], [sflag:s30] =	stream.indirect.gather [hbm4b:s4+s17], $0x80, s26, s17, $0xb8;
	[tilespmem:$0x1F400] =	vst v63  }
.Ltmp0:
0x39: {  	_ =	swait.ge [sflag:s0], $0x4000;
	(pc) =	sbr.rel @p1 .LBB2_2-.Ltmp0, $4  }
0x3a: {  	s3 =	sor.u32 $0x3800, s28;
	s26 =	smov.u32 s23;
	[sflag:s0] =	ssyncset.done $0x0  }
0x3b: {  	s30 =	sand.u32 $0xF, s29;
	s28 =	smov.u32 s29;
	[sflag:s0] =	ssyncadd.s32 $0xFFFFC000  }
0x3c: {  	[spmem:s1] =	stream.indirect.scatter.add.f32 [tilespmem:s3], [sflag:$0x4], $0x80, s24, s17, $0xb8;
	[tilespmem:$0x1F400] =	vst v63  }
0x3d: {  	p0 =	sne.s32 s30, $0xF;
	s24 =	sadd.s32 $0x80, s24;
	_ =	swait.ge [sflag:s15], $0x4000  }
0x3e: {  	p1 =	sgt.u32 @!p0 s28, $0x3E  }
0x3f: {  	[sflag:s15] =	ssyncset.done $0x0;
	s0 =	sand.u32 $0x1, s28;
	p1 =	por p1, p0  }
0x40: {  	s3 =	simm.s32 @!p0 $0x3;
	[sflag:s15] =	ssyncadd.s32 $0xFFFFC000;
	s25 =	sand.u32 @!p1 $0x1800, s26  }
0x41: {  	_ =	swait.ge @!p0 [sflag:s3], $0x800;
	s26 =	sand.u32 @!p1 $0x800, s26;
	s25 =	sadd.s32 @!p1 s25, s9  }
0x42: {  	s28 =	simm.s32 @!p1 $0x0;
	[sflag:s3] =	ssyncset.done @!p0 $0x0;
	s25 =	sshrl.u32 @!p1 s25, $0x3  }
0x43: {  	[sflag:s3] =	ssyncadd.s32 @!p0 $0xFFFFF800;
	s3 =	sadd.s32 @!p1 s5, s25;
	s25 =	sxor.u32 $0x1, s0  }
0x44: {  	[tilespmem:s26], [sflag:$0x3] =	stream.linear.gather @!p1 [hbm4b:s3+s28], $0x800, $0x38;
	[tilespmem:$0x1F400] =	vst v63  }
0x45: {  	s29 =	sadd.s32 $0x80, s23;
	s30 =	sadd.s32 $0x1, s0;
	s31 =	sshll.u32 s25, $0xE  }
0x46: {  	s3 =	sand.u32 $0xF80, s29;
	s25 =	sadd.s32 $0x1, s25;
	s26 =	sor.u32 $0x3800, s31  }
0x47: {  	[tilespmem:s26], [sflag:s25] =	stream.indirect.gather [hbm4b:s4+s17], $0x80, s3, s17, $0xb8;
	[tilespmem:$0x1F400] =	vst v63  }
0x48: {  	_ =	swait.ge [sflag:s30], $0x4000  }
0x49: {  	s0 =	sshll.u32 s0, $0xE;
	[sflag:s30] =	ssyncset.done $0x0  }
0x4a: {  	s0 =	sor.u32 $0x3800, s0;
	[sflag:s30] =	ssyncadd.s32 $0xFFFFC000  }
0x4b: {  	[spmem:s1] =	stream.indirect.scatter.add.f32 [tilespmem:s0], [sflag:$0x4], $0x80, s24, s17, $0xb8;
	[tilespmem:$0x1F400] =	vst v63  }
0x4c: {  	_ =	swait.ge [sflag:s15], $0x4000  }
0x4d: {  	[sflag:s15] =	ssyncset.done $0x0  }
0x4e: {  	[sflag:s15] =	ssyncadd.s32 $0xFFFFC000  }
0x4f: {  	_ =	swait.ge [sflag:s19], $0x4000  }
0x50: {  	[sflag:s19] =	ssyncset.done $0x0  }
0x51: {  	[sflag:s19] =	ssyncadd.s32 $0xFFFFC000  }
0x52: {  	[spmem:s1] =	stream.indirect.scatter.add.f32 [tilespmem:s21], [sflag:$0x4], $0x80, s20, s17, $0xb8;
	[tilespmem:$0x1F400] =	vst v63  }
0x53: {  	_ =	swait.ge [sflag:s15], $0x4000  }
0x54: {  	s22 =	sadd.s32 $0x1, s22;
	[sflag:s15] =	ssyncset.done $0x0  }
0x55: {  	p0 =	sne.s32 s22, s10;
	[sflag:s15] =	ssyncadd.s32 $0xFFFFC000  }
.Ltmp1:
0x56: {  	[bflag:$0x0] =	sbarrier.arrive $0xFFFF;
	(pc) =	sbr.rel @p0 .LBB2_1-.Ltmp1, $4  }
0x57: {  	[hbm:s13], [sflag:s12] =	dma.local [spmem:s14], $0x2780  }
0x58: {  	_ =	swait.ge [sflag:s15], $0x2780  }
0x59: {  	[sflag:s15] =	ssyncset.done $0x0  }
0x5a: {  	[sflag:s15] =	ssyncadd.s32 $0xFFFFD880  }
0x5b: {  	_ =	sfence.sel $0x180000  }
0x5c: {  	[bflag:$0x0] =	sbarrier.arrive $0xFFFF  }
0x5d: {  	_ =	strace $0x90000053  }
0x5e: {  	s0 =	stileid.u32;
	[bflag:$0x2] =	sbarrier.arrive $0xFFFF  }
0x5f: {  	p0 =	sne.s32 s0, $0x0;
	s0 =	rddreg [dreg:$0x3]  }
0x60: {  	s0 =	sadd.s32 @!p0 $0x100000, s0  }
0x61: {  	[sflag:s0] =	ssyncadd.tile.s32 @!p0 $0x1;
	_ =	shalt  }
.Lfunc_end2:
_tile_overlayer_lowered:
.L_overlay_start_2:
0x62: {  	(tag) =	ssettag $0x2  }
0x63: {  	s0 =	rddreg [dreg:$0x0];
	s2 =	stileid.u32  }
0x64: {  	s1 =	rddreg [dreg:$0x1];
	p0 =	sne.s32 s2, $0x0  }
0x65: {  	s3 =	rddreg [dreg:$0x2];
	[bflag:$0x3] =	sbarrier.arrive $0xFFFF;
	s2 =	simm.s32 @!p0 $0x1C04  }
0x66: {  	[timem:s3], [sflag:s2] =	dma.local @!p0 [hbm:s0], s1  }
0x67: {  	s0 =	simm.s32 @!p0 $0x4  }
0x68: {  	_ =	swait.ge @!p0 [sflag:s0], s1  }
0x69: {  	s1 =	ssub.s32 @!p0 $0x0, s1;
	[sflag:s0] =	ssyncset.done @!p0 $0x0  }
0x6a: {  	[sflag:s0] =	ssyncadd.s32 @!p0 s1  }
0x6b: {  	[bflag:$0x3] =	sbarrier.arrive $0xFFFF  }
0x6c: {  	_ =	shalt  }

</sc_bundles>
